<compile_context>
chip_gen: v7x
topology: tpu7x:2x2x1
jax: 0.10.2.dev20260603
libtpu: 0.0.44.dev20260713+nightly
codegen_flags: <defaults>
</compile_context>

<pallas_src>
import functools

import jax
import jax.numpy as jnp
from jax import lax
from jax.experimental import pallas as pl
from jax.experimental.pallas import tpu as pltpu
from jax.experimental.pallas import tpu_sc as plsc

_NBUF = 2


@functools.lru_cache(maxsize=None)
def _build(B, S, D, CHUNK):
    N = B * S
    NW = 32
    per_w = N // NW
    assert per_w % CHUNK == 0
    assert per_w % S == 0
    assert S % 8 == 0 and CHUNK % 8 == 0
    n_chunks = per_w // CHUNK

    mesh = plsc.VectorSubcoreMesh(core_axis_name="c", subcore_axis_name="s")

    @functools.partial(
        pl.kernel,
        out_type=jax.ShapeDtypeStruct((N, D), jnp.float32),
        mesh=mesh,
        compiler_params=pltpu.CompilerParams(use_tc_tiling_on_sc=False),
        scratch_types=[
            pltpu.VMEM((per_w,), jnp.int32),
            pltpu.VMEM_SHARED((S + CHUNK, D), jnp.float32),
            [pltpu.VMEM((CHUNK, D), jnp.float32) for _ in range(_NBUF)],
            [pltpu.SemaphoreType.DMA for _ in range(_NBUF)],
            [pltpu.SemaphoreType.DMA for _ in range(_NBUF)],
        ],
    )
    def emb(x_hbm, w_hbm, pos_hbm, out_hbm, idx_v, pos_sh, bufs, gsems, ssems):
        wid = lax.axis_index("s") * 2 + lax.axis_index("c")
        row_base = wid * per_w

        pltpu.sync_copy(x_hbm.at[pl.ds(row_base, per_w)], idx_v)

        @pl.when(lax.axis_index("s") == 0)
        def _():
            pltpu.sync_copy(pos_hbm.at[pl.ds(0, S)], pos_sh.at[pl.ds(0, S)])
            pltpu.sync_copy(
                pos_hbm.at[pl.ds(0, CHUNK)], pos_sh.at[pl.ds(S, CHUNK)]
            )

        plsc.subcore_barrier()

        def prefill_and_gather(c):
            b = c % _NBUF
            pltpu.sync_copy(pos_sh.at[pl.ds((c * CHUNK) % S, CHUNK)], bufs[b])
            return pltpu.async_copy(
                w_hbm.at[idx_v.at[pl.ds(c * CHUNK, CHUNK)]],
                bufs[b],
                gsems[b],
                add=True,
            )

        def start_store(c):
            b = c % _NBUF
            return pltpu.async_copy(
                bufs[b], out_hbm.at[pl.ds(row_base + c * CHUNK, CHUNK)], ssems[b]
            )

        gd = [None] * _NBUF
        sd = [None] * _NBUF
        gd[0] = prefill_and_gather(0)
        for c in range(n_chunks):
            b = c % _NBUF
            nb = (c + 1) % _NBUF
            if c + 1 < n_chunks:
                if sd[nb] is not None:
                    sd[nb].wait()
                gd[nb] = prefill_and_gather(c + 1)
            gd[b].wait()
            sd[b] = start_store(c)
        for d in sd:
            if d is not None:
                d.wait()

    return emb


def kernel(x, W, positional_W):
    B, S = x.shape
    V, D = W.shape
    CHUNK = 128
    xf = x.reshape(-1).astype(jnp.int32)
    emb = _build(B, S, D, CHUNK)
    out = emb(xf, W, positional_W)
    return out.reshape(B, S, D)

# --- scband reference (transcript-rebuilt; emitter-appended) ---
"""Pipeline reference for scband-embedding-49220325212719 (READ-ONLY COPY).

The authoritative reference and input builder live on the scoring server;
editing this copy changes nothing except your own understanding.
"""

import jax, jax.numpy as jnp
import numpy as np

VOCAB_SIZE = 1000000
EMBED_DIM = 64
MAX_SEQ_LEN = 512
BATCH = 1024
SEQ_LEN = 200


def setup_inputs(seed: int = 0) -> dict:
    key = jax.random.key(seed)
    k1, k2, k3 = jax.random.split(key, 3)
    x = jax.random.randint(k1, (BATCH, SEQ_LEN), 0, VOCAB_SIZE, dtype=jnp.int64 if jax.config.jax_enable_x64 else jnp.int32)
    W = jax.random.normal(k2, (VOCAB_SIZE, EMBED_DIM), dtype=jnp.float32) * 0.02
    positional_W = jax.random.normal(k3, (MAX_SEQ_LEN, EMBED_DIM), dtype=jnp.float32) * 0.02
    return {"x": x, "W": W, "positional_W": positional_W}


def reference(x, W, positional_W):
    # token embedding gather: W.data[x.long()]
    token_embeds = jnp.take(W, x, axis=0)  # [B, S, D]
    batch_size, seq_len = x.shape
    # positions is None -> arange(seq_len) expanded over batch
    positions = jnp.broadcast_to(jnp.arange(seq_len)[None, :], (batch_size, seq_len))
    # positional_trainable=True path: positional_W.data[positions]
    pos_embeds = jnp.take(positional_W, positions, axis=0)  # [B, S, D]
    token_embeds = token_embeds + pos_embeds
    return token_embeds

if __name__ == "__main__":
    import jax
    _d = setup_inputs()
    print(jax.jit(kernel)(*tuple(_d.values())))

</pallas_src>

<mosaic_0001>
#map = affine_map<(d0, d1) -> (0)>
#map1 = affine_map<(d0, d1) -> (0, 0)>
module attributes {stable_mosaic.version = 14 : i64} {
  func.func @emb(%arg0: i32, %arg1: i32, %arg2: memref<204800xi32, #tpu.memory_space<hbm>>, %arg3: memref<1000000x64xf32, #tpu.memory_space<hbm>>, %arg4: memref<512x64xf32, #tpu.memory_space<hbm>>, %arg5: memref<204800x64xf32, #tpu.memory_space<hbm>>, %arg6: memref<6400xi32, #tpu.memory_space<vmem>>, %arg7: memref<328x64xf32, #tpu.memory_space<vmem_shared>>, %arg8: memref<128x64xf32, #tpu.memory_space<vmem>>, %arg9: memref<128x64xf32, #tpu.memory_space<vmem>>, %arg10: memref<!tpu.dma_semaphore, #tpu.memory_space<semaphore_mem>>, %arg11: memref<!tpu.dma_semaphore, #tpu.memory_space<semaphore_mem>>, %arg12: memref<!tpu.dma_semaphore, #tpu.memory_space<semaphore_mem>>, %arg13: memref<!tpu.dma_semaphore, #tpu.memory_space<semaphore_mem>>) attributes {dimension_semantics = [#tpu.dimension_semantics<core_parallel>, #tpu.dimension_semantics<subcore_parallel>], iteration_bounds = array<i64: 2, 16>, scalar_prefetch = 0 : i64, scratch_operands = 8 : i64, tpu.core_type = #tpu.core_type<sc_vector_subcore>, window_params = [{transform_indices = #map}, {transform_indices = #map1}, {transform_indices = #map1}, {transform_indices = #map1}]} {
    %mul3A = arith.constant 2 : i32
    %mul3A_0 = arith.muli %arg1, %mul3A : i32
    %add3A = arith.addi %mul3A_0, %arg0 : i32
    %mul3A_1 = arith.constant 6400 : i32
    %mul3A_2 = arith.muli %add3A, %mul3A_1 : i32
    "tpu.region"() ({
      %run_scoped3A = tpu.sem_alloc : memref<!tpu.dma_semaphore, #tpu.memory_space<semaphore_mem>>
      %dma_start3A_1003 = tpu.memref_slice %arg2[%mul3A_2] : memref<204800xi32, #tpu.memory_space<hbm>> -> memref<6400xi32, #tpu.memory_space<hbm>>
      %dma_start3A_1004 = tpu.memref_slice %arg2[%mul3A_2] : memref<204800xi32, #tpu.memory_space<hbm>> -> memref<6400xi32, #tpu.memory_space<hbm>>
      tpu.enqueue_dma source(%dma_start3A_1004 : memref<6400xi32, #tpu.memory_space<hbm>>) target(%arg6 : memref<6400xi32, #tpu.memory_space<vmem>>) target_semaphore(%run_scoped3A : memref<!tpu.dma_semaphore, #tpu.memory_space<semaphore_mem>>)
      %dma_wait3A_1005 = tpu.memref_slice %arg2[%mul3A_2] : memref<204800xi32, #tpu.memory_space<hbm>> -> memref<6400xi32, #tpu.memory_space<hbm>>
      %dma_wait3A_1006 = tpu.memref_slice %arg2[%mul3A_2] : memref<204800xi32, #tpu.memory_space<hbm>> -> memref<6400xi32, #tpu.memory_space<hbm>>
      tpu.wait_dma2 semaphore(%run_scoped3A : memref<!tpu.dma_semaphore, #tpu.memory_space<semaphore_mem>>) src(%dma_wait3A_1006 : memref<6400xi32, #tpu.memory_space<hbm>>) dst(%arg6 : memref<6400xi32, #tpu.memory_space<vmem>>)
      tpu.yield
    }) : () -> ()
    %eq3A = arith.constant 0 : i32
    %eq3A_3 = arith.cmpi eq, %arg1, %eq3A : i32
    %convert_element_type3A = arith.extui %eq3A_3 : i1 to i32
    %cond3A = arith.constant 0 : i32
    %cond3A_4 = arith.cmpi ne, %convert_element_type3A, %cond3A : i32
    scf.if %cond3A_4 {
      "tpu.region"() ({
        %run_scoped3A = tpu.sem_alloc : memref<!tpu.dma_semaphore, #tpu.memory_space<semaphore_mem>>
        %dma_start3A_1003 = arith.constant 0 : i32
        %dma_start3A_1004 = arith.constant 0 : i32
        %dma_start3A_1005 = tpu.memref_slice %arg7[%dma_start3A_1003, %dma_start3A_1004] : memref<328x64xf32, #tpu.memory_space<vmem_shared>> -> memref<200x64xf32, #tpu.memory_space<vmem_shared>>
        %dma_start3A_1006 = arith.constant 0 : i32
        %dma_start3A_1007 = arith.constant 0 : i32
        %dma_start3A_1008 = tpu.memref_slice %arg4[%dma_start3A_1006, %dma_start3A_1007] : memref<512x64xf32, #tpu.memory_space<hbm>> -> memref<200x64xf32, #tpu.memory_space<hbm>>
        tpu.enqueue_dma source(%dma_start3A_1008 : memref<200x64xf32, #tpu.memory_space<hbm>>) target(%dma_start3A_1005 : memref<200x64xf32, #tpu.memory_space<vmem_shared>>) target_semaphore(%run_scoped3A : memref<!tpu.dma_semaphore, #tpu.memory_space<semaphore_mem>>)
        %dma_wait3A_1009 = arith.constant 0 : i32
        %dma_wait3A_1010 = arith.constant 0 : i32
        %dma_wait3A_1011 = tpu.memref_slice %arg7[%dma_wait3A_1009, %dma_wait3A_1010] : memref<328x64xf32, #tpu.memory_space<vmem_shared>> -> memref<200x64xf32, #tpu.memory_space<vmem_shared>>
        %dma_wait3A_1012 = arith.constant 0 : i32
        %dma_wait3A_1013 = arith.constant 0 : i32
        %dma_wait3A_1014 = tpu.memref_slice %arg4[%dma_wait3A_1012, %dma_wait3A_1013] : memref<512x64xf32, #tpu.memory_space<hbm>> -> memref<200x64xf32, #tpu.memory_space<hbm>>
        tpu.wait_dma2 semaphore(%run_scoped3A : memref<!tpu.dma_semaphore, #tpu.memory_space<semaphore_mem>>) src(%dma_wait3A_1014 : memref<200x64xf32, #tpu.memory_space<hbm>>) dst(%dma_wait3A_1011 : memref<200x64xf32, #tpu.memory_space<vmem_shared>>)
        tpu.yield
      }) : () -> ()
      "tpu.region"() ({
        %run_scoped3A = tpu.sem_alloc : memref<!tpu.dma_semaphore, #tpu.memory_space<semaphore_mem>>
        %dma_start3A_1003 = arith.constant 200 : i32
        %dma_start3A_1004 = arith.constant 0 : i32
        %dma_start3A_1005 = tpu.memref_slice %arg7[%dma_start3A_1003, %dma_start3A_1004] : memref<328x64xf32, #tpu.memory_space<vmem_shared>> -> memref<128x64xf32, #tpu.memory_space<vmem_shared>>
        %dma_start3A_1006 = arith.constant 0 : i32
        %dma_start3A_1007 = arith.constant 0 : i32
        %dma_start3A_1008 = tpu.memref_slice %arg4[%dma_start3A_1006, %dma_start3A_1007] : memref<512x64xf32, #tpu.memory_space<hbm>> -> memref<128x64xf32, #tpu.memory_space<hbm>>
        tpu.enqueue_dma source(%dma_start3A_1008 : memref<128x64xf32, #tpu.memory_space<hbm>>) target(%dma_start3A_1005 : memref<128x64xf32, #tpu.memory_space<vmem_shared>>) target_semaphore(%run_scoped3A : memref<!tpu.dma_semaphore, #tpu.memory_space<semaphore_mem>>)
        %dma_wait3A_1009 = arith.constant 200 : i32
        %dma_wait3A_1010 = arith.constant 0 : i32
        %dma_wait3A_1011 = tpu.memref_slice %arg7[%dma_wait3A_1009, %dma_wait3A_1010] : memref<328x64xf32, #tpu.memory_space<vmem_shared>> -> memref<128x64xf32, #tpu.memory_space<vmem_shared>>
        %dma_wait3A_1012 = arith.constant 0 : i32
        %dma_wait3A_1013 = arith.constant 0 : i32
        %dma_wait3A_1014 = tpu.memref_slice %arg4[%dma_wait3A_1012, %dma_wait3A_1013] : memref<512x64xf32, #tpu.memory_space<hbm>> -> memref<128x64xf32, #tpu.memory_space<hbm>>
        tpu.wait_dma2 semaphore(%run_scoped3A : memref<!tpu.dma_semaphore, #tpu.memory_space<semaphore_mem>>) src(%dma_wait3A_1014 : memref<128x64xf32, #tpu.memory_space<hbm>>) dst(%dma_wait3A_1011 : memref<128x64xf32, #tpu.memory_space<vmem_shared>>)
        tpu.yield
      }) : () -> ()
    } else {
    }
    %barrier3A = arith.constant 0 : index
    tpu.barrier barrier_id(%barrier3A)
    "tpu.region"() ({
      %run_scoped3A = tpu.sem_alloc : memref<!tpu.dma_semaphore, #tpu.memory_space<semaphore_mem>>
      %dma_start3A_1003 = arith.constant 0 : i32
      %dma_start3A_1004 = arith.constant 0 : i32
      %dma_start3A_1005 = tpu.memref_slice %arg7[%dma_start3A_1003, %dma_start3A_1004] : memref<328x64xf32, #tpu.memory_space<vmem_shared>> -> memref<128x64xf32, #tpu.memory_space<vmem_shared>>
      %dma_start3A_1006 = arith.constant 0 : i32
      %dma_start3A_1007 = arith.constant 0 : i32
      %dma_start3A_1008 = tpu.memref_slice %arg7[%dma_start3A_1006, %dma_start3A_1007] : memref<328x64xf32, #tpu.memory_space<vmem_shared>> -> memref<128x64xf32, #tpu.memory_space<vmem_shared>>
      tpu.enqueue_dma source(%dma_start3A_1008 : memref<128x64xf32, #tpu.memory_space<vmem_shared>>) target(%arg8 : memref<128x64xf32, #tpu.memory_space<vmem>>) target_semaphore(%run_scoped3A : memref<!tpu.dma_semaphore, #tpu.memory_space<semaphore_mem>>)
      %dma_wait3A_1009 = arith.constant 0 : i32
      %dma_wait3A_1010 = arith.constant 0 : i32
      %dma_wait3A_1011 = tpu.memref_slice %arg7[%dma_wait3A_1009, %dma_wait3A_1010] : memref<328x64xf32, #tpu.memory_space<vmem_shared>> -> memref<128x64xf32, #tpu.memory_space<vmem_shared>>
      %dma_wait3A_1012 = arith.constant 0 : i32
      %dma_wait3A_1013 = arith.constant 0 : i32
      %dma_wait3A_1014 = tpu.memref_slice %arg7[%dma_wait3A_1012, %dma_wait3A_1013] : memref<328x64xf32, #tpu.memory_space<vmem_shared>> -> memref<128x64xf32, #tpu.memory_space<vmem_shared>>
      tpu.wait_dma2 semaphore(%run_scoped3A : memref<!tpu.dma_semaphore, #tpu.memory_space<semaphore_mem>>) src(%dma_wait3A_1014 : memref<128x64xf32, #tpu.memory_space<vmem_shared>>) dst(%arg8 : memref<128x64xf32, #tpu.memory_space<vmem>>)
      tpu.yield
    }) : () -> ()
    %dma_start3A = arith.constant 0 : i32
    %dma_start3A_5 = tpu.memref_slice %arg6[%dma_start3A] : memref<6400xi32, #tpu.memory_space<vmem>> -> memref<128xi32, #tpu.memory_space<vmem>>
    %dma_start3A_6 = arith.constant 0 : i32
    %dma_start3A_7 = arith.constant 0 : i32
    %dma_start3A_8 = tpu.memref_slice %arg3[%dma_start3A_6, %dma_start3A_7] : memref<1000000x64xf32, #tpu.memory_space<hbm>> -> memref<1000000x64xf32, #tpu.memory_space<hbm>>
    tpu.enqueue_indirect_dma source(%dma_start3A_8 : memref<1000000x64xf32, #tpu.memory_space<hbm>>) target(%arg8 : memref<128x64xf32, #tpu.memory_space<vmem>>) offsets(%dma_start3A_5 : memref<128xi32, #tpu.memory_space<vmem>>) semaphore(%arg10 : memref<!tpu.dma_semaphore, #tpu.memory_space<semaphore_mem>>) {add = true}
    "tpu.region"() ({
      %run_scoped3A = tpu.sem_alloc : memref<!tpu.dma_semaphore, #tpu.memory_space<semaphore_mem>>
      %dma_start3A_1003 = arith.constant 128 : i32
      %dma_start3A_1004 = arith.constant 0 : i32
      %dma_start3A_1005 = tpu.memref_slice %arg7[%dma_start3A_1003, %dma_start3A_1004] : memref<328x64xf32, #tpu.memory_space<vmem_shared>> -> memref<128x64xf32, #tpu.memory_space<vmem_shared>>
      %dma_start3A_1006 = arith.constant 128 : i32
      %dma_start3A_1007 = arith.constant 0 : i32
      %dma_start3A_1008 = tpu.memref_slice %arg7[%dma_start3A_1006, %dma_start3A_1007] : memref<328x64xf32, #tpu.memory_space<vmem_shared>> -> memref<128x64xf32, #tpu.memory_space<vmem_shared>>
      tpu.enqueue_dma source(%dma_start3A_1008 : memref<128x64xf32, #tpu.memory_space<vmem_shared>>) target(%arg9 : memref<128x64xf32, #tpu.memory_space<vmem>>) target_semaphore(%run_scoped3A : memref<!tpu.dma_semaphore, #tpu.memory_space<semaphore_mem>>)
      %dma_wait3A_1009 = arith.constant 128 : i32
      %dma_wait3A_1010 = arith.constant 0 : i32
      %dma_wait3A_1011 = tpu.memref_slice %arg7[%dma_wait3A_1009, %dma_wait3A_1010] : memref<328x64xf32, #tpu.memory_space<vmem_shared>> -> memref<128x64xf32, #tpu.memory_space<vmem_shared>>
      %dma_wait3A_1012 = arith.constant 128 : i32
      %dma_wait3A_1013 = arith.constant 0 : i32
      %dma_wait3A_1014 = tpu.memref_slice %arg7[%dma_wait3A_1012, %dma_wait3A_1013] : memref<328x64xf32, #tpu.memory_space<vmem_shared>> -> memref<128x64xf32, #tpu.memory_space<vmem_shared>>
      tpu.wait_dma2 semaphore(%run_scoped3A : memref<!tpu.dma_semaphore, #tpu.memory_space<semaphore_mem>>) src(%dma_wait3A_1014 : memref<128x64xf32, #tpu.memory_space<vmem_shared>>) dst(%arg9 : memref<128x64xf32, #tpu.memory_space<vmem>>)
      tpu.yield
    }) : () -> ()
    %dma_start3A_9 = arith.constant 128 : i32
    %dma_start3A_10 = tpu.memref_slice %arg6[%dma_start3A_9] : memref<6400xi32, #tpu.memory_space<vmem>> -> memref<128xi32, #tpu.memory_space<vmem>>
    %dma_start3A_11 = arith.constant 0 : i32
    %dma_start3A_12 = arith.constant 0 : i32
    %dma_start3A_13 = tpu.memref_slice %arg3[%dma_start3A_11, %dma_start3A_12] : memref<1000000x64xf32, #tpu.memory_space<hbm>> -> memref<1000000x64xf32, #tpu.memory_space<hbm>>
    tpu.enqueue_indirect_dma source(%dma_start3A_13 : memref<1000000x64xf32, #tpu.memory_space<hbm>>) target(%arg9 : memref<128x64xf32, #tpu.memory_space<vmem>>) offsets(%dma_start3A_10 : memref<128xi32, #tpu.memory_space<vmem>>) semaphore(%arg11 : memref<!tpu.dma_semaphore, #tpu.memory_space<semaphore_mem>>) {add = true}
    %dma_wait3A = arith.constant 0 : i32
    %dma_wait3A_14 = tpu.memref_slice %arg6[%dma_wait3A] : memref<6400xi32, #tpu.memory_space<vmem>> -> memref<128xi32, #tpu.memory_space<vmem>>
    %dma_wait3A_15 = arith.constant 0 : i32
    %dma_wait3A_16 = arith.constant 0 : i32
    %dma_wait3A_17 = tpu.memref_slice %arg3[%dma_wait3A_15, %dma_wait3A_16] : memref<1000000x64xf32, #tpu.memory_space<hbm>> -> memref<1000000x64xf32, #tpu.memory_space<hbm>>
    tpu.wait_indirect_dma semaphore(%arg10 : memref<!tpu.dma_semaphore, #tpu.memory_space<semaphore_mem>>) src(%dma_wait3A_17 : memref<1000000x64xf32, #tpu.memory_space<hbm>>) dst(%arg8 : memref<128x64xf32, #tpu.memory_space<vmem>>)
    %add3A_18 = arith.constant 0 : i32
    %add3A_19 = arith.addi %mul3A_2, %add3A_18 : i32
    %dma_start3A_20 = arith.constant 0 : i32
    %dma_start3A_21 = tpu.memref_slice %arg5[%add3A_19, %dma_start3A_20] : memref<204800x64xf32, #tpu.memory_space<hbm>> -> memref<128x64xf32, #tpu.memory_space<hbm>>
    %dma_start3A_22 = arith.constant 0 : i32
    %dma_start3A_23 = tpu.memref_slice %arg5[%add3A_19, %dma_start3A_22] : memref<204800x64xf32, #tpu.memory_space<hbm>> -> memref<128x64xf32, #tpu.memory_space<hbm>>
    tpu.enqueue_dma source(%arg8 : memref<128x64xf32, #tpu.memory_space<vmem>>) target(%dma_start3A_23 : memref<128x64xf32, #tpu.memory_space<hbm>>) target_semaphore(%arg12 : memref<!tpu.dma_semaphore, #tpu.memory_space<semaphore_mem>>)
    %dma_wait3A_24 = arith.constant 0 : i32
    %dma_wait3A_25 = tpu.memref_slice %arg5[%add3A_19, %dma_wait3A_24] : memref<204800x64xf32, #tpu.memory_space<hbm>> -> memref<128x64xf32, #tpu.memory_space<hbm>>
    %dma_wait3A_26 = arith.constant 0 : i32
    %dma_wait3A_27 = tpu.memref_slice %arg5[%add3A_19, %dma_wait3A_26] : memref<204800x64xf32, #tpu.memory_space<hbm>> -> memref<128x64xf32, #tpu.memory_space<hbm>>
    tpu.wait_dma2 semaphore(%arg12 : memref<!tpu.dma_semaphore, #tpu.memory_space<semaphore_mem>>) src(%arg8 : memref<128x64xf32, #tpu.memory_space<vmem>>) dst(%dma_wait3A_27 : memref<128x64xf32, #tpu.memory_space<hbm>>)
    "tpu.region"() ({
      %run_scoped3A = tpu.sem_alloc : memref<!tpu.dma_semaphore, #tpu.memory_space<semaphore_mem>>
      %dma_start3A_1003 = arith.constant 56 : i32
      %dma_start3A_1004 = arith.constant 0 : i32
      %dma_start3A_1005 = tpu.memref_slice %arg7[%dma_start3A_1003, %dma_start3A_1004] : memref<328x64xf32, #tpu.memory_space<vmem_shared>> -> memref<128x64xf32, #tpu.memory_space<vmem_shared>>
      %dma_start3A_1006 = arith.constant 56 : i32
      %dma_start3A_1007 = arith.constant 0 : i32
      %dma_start3A_1008 = tpu.memref_slice %arg7[%dma_start3A_1006, %dma_start3A_1007] : memref<328x64xf32, #tpu.memory_space<vmem_shared>> -> memref<128x64xf32, #tpu.memory_space<vmem_shared>>
      tpu.enqueue_dma source(%dma_start3A_1008 : memref<128x64xf32, #tpu.memory_space<vmem_shared>>) target(%arg8 : memref<128x64xf32, #tpu.memory_space<vmem>>) target_semaphore(%run_scoped3A : memref<!tpu.dma_semaphore, #tpu.memory_space<semaphore_mem>>)
      %dma_wait3A_1009 = arith.constant 56 : i32
      %dma_wait3A_1010 = arith.constant 0 : i32
      %dma_wait3A_1011 = tpu.memref_slice %arg7[%dma_wait3A_1009, %dma_wait3A_1010] : memref<328x64xf32, #tpu.memory_space<vmem_shared>> -> memref<128x64xf32, #tpu.memory_space<vmem_shared>>
      %dma_wait3A_1012 = arith.constant 56 : i32
      %dma_wait3A_1013 = arith.constant 0 : i32
      %dma_wait3A_1014 = tpu.memref_slice %arg7[%dma_wait3A_1012, %dma_wait3A_1013] : memref<328x64xf32, #tpu.memory_space<vmem_shared>> -> memref<128x64xf32, #tpu.memory_space<vmem_shared>>
      tpu.wait_dma2 semaphore(%run_scoped3A : memref<!tpu.dma_semaphore, #tpu.memory_space<semaphore_mem>>) src(%dma_wait3A_1014 : memref<128x64xf32, #tpu.memory_space<vmem_shared>>) dst(%arg8 : memref<128x64xf32, #tpu.memory_space<vmem>>)
      tpu.yield
    }) : () -> ()
    %dma_start3A_28 = arith.constant 256 : i32
    %dma_start3A_29 = tpu.memref_slice %arg6[%dma_start3A_28] : memref<6400xi32, #tpu.memory_space<vmem>> -> memref<128xi32, #tpu.memory_space<vmem>>
    %dma_start3A_30 = arith.constant 0 : i32
    %dma_start3A_31 = arith.constant 0 : i32
    %dma_start3A_32 = tpu.memref_slice %arg3[%dma_start3A_30, %dma_start3A_31] : memref<1000000x64xf32, #tpu.memory_space<hbm>> -> memref<1000000x64xf32, #tpu.memory_space<hbm>>
    tpu.enqueue_indirect_dma source(%dma_start3A_32 : memref<1000000x64xf32, #tpu.memory_space<hbm>>) target(%arg8 : memref<128x64xf32, #tpu.memory_space<vmem>>) offsets(%dma_start3A_29 : memref<128xi32, #tpu.memory_space<vmem>>) semaphore(%arg10 : memref<!tpu.dma_semaphore, #tpu.memory_space<semaphore_mem>>) {add = true}
    %dma_wait3A_33 = arith.constant 128 : i32
    %dma_wait3A_34 = tpu.memref_slice %arg6[%dma_wait3A_33] : memref<6400xi32, #tpu.memory_space<vmem>> -> memref<128xi32, #tpu.memory_space<vmem>>
    %dma_wait3A_35 = arith.constant 0 : i32
    %dma_wait3A_36 = arith.constant 0 : i32
    %dma_wait3A_37 = tpu.memref_slice %arg3[%dma_wait3A_35, %dma_wait3A_36] : memref<1000000x64xf32, #tpu.memory_space<hbm>> -> memref<1000000x64xf32, #tpu.memory_space<hbm>>
    tpu.wait_indirect_dma semaphore(%arg11 : memref<!tpu.dma_semaphore, #tpu.memory_space<semaphore_mem>>) src(%dma_wait3A_37 : memref<1000000x64xf32, #tpu.memory_space<hbm>>) dst(%arg9 : memref<128x64xf32, #tpu.memory_space<vmem>>)
    %add3A_38 = arith.constant 128 : i32
    %add3A_39 = arith.addi %mul3A_2, %add3A_38 : i32
    %dma_start3A_40 = arith.constant 0 : i32
    %dma_start3A_41 = tpu.memref_slice %arg5[%add3A_39, %dma_start3A_40] : memref<204800x64xf32, #tpu.memory_space<hbm>> -> memref<128x64xf32, #tpu.memory_space<hbm>>
    %dma_start3A_42 = arith.constant 0 : i32
    %dma_start3A_43 = tpu.memref_slice %arg5[%add3A_39, %dma_start3A_42] : memref<204800x64xf32, #tpu.memory_space<hbm>> -> memref<128x64xf32, #tpu.memory_space<hbm>>
    tpu.enqueue_dma source(%arg9 : memref<128x64xf32, #tpu.memory_space<vmem>>) target(%dma_start3A_43 : memref<128x64xf32, #tpu.memory_space<hbm>>) target_semaphore(%arg13 : memref<!tpu.dma_semaphore, #tpu.memory_space<semaphore_mem>>)
    %dma_wait3A_44 = arith.constant 0 : i32
    %dma_wait3A_45 = tpu.memref_slice %arg5[%add3A_39, %dma_wait3A_44] : memref<204800x64xf32, #tpu.memory_space<hbm>> -> memref<128x64xf32, #tpu.memory_space<hbm>>
    %dma_wait3A_46 = arith.constant 0 : i32
    %dma_wait3A_47 = tpu.memref_slice %arg5[%add3A_39, %dma_wait3A_46] : memref<204800x64xf32, #tpu.memory_space<hbm>> -> memref<128x64xf32, #tpu.memory_space<hbm>>
    tpu.wait_dma2 semaphore(%arg13 : memref<!tpu.dma_semaphore, #tpu.memory_space<semaphore_mem>>) src(%arg9 : memref<128x64xf32, #tpu.memory_space<vmem>>) dst(%dma_wait3A_47 : memref<128x64xf32, #tpu.memory_space<hbm>>)
    "tpu.region"() ({
      %run_scoped3A = tpu.sem_alloc : memref<!tpu.dma_semaphore, #tpu.memory_space<semaphore_mem>>
      %dma_start3A_1003 = arith.constant 184 : i32
      %dma_start3A_1004 = arith.constant 0 : i32
      %dma_start3A_1005 = tpu.memref_slice %arg7[%dma_start3A_1003, %dma_start3A_1004] : memref<328x64xf32, #tpu.memory_space<vmem_shared>> -> memref<128x64xf32, #tpu.memory_space<vmem_shared>>
      %dma_start3A_1006 = arith.constant 184 : i32
      %dma_start3A_1007 = arith.constant 0 : i32
      %dma_start3A_1008 = tpu.memref_slice %arg7[%dma_start3A_1006, %dma_start3A_1007] : memref<328x64xf32, #tpu.memory_space<vmem_shared>> -> memref<128x64xf32, #tpu.memory_space<vmem_shared>>
      tpu.enqueue_dma source(%dma_start3A_1008 : memref<128x64xf32, #tpu.memory_space<vmem_shared>>) target(%arg9 : memref<128x64xf32, #tpu.memory_space<vmem>>) target_semaphore(%run_scoped3A : memref<!tpu.dma_semaphore, #tpu.memory_space<semaphore_mem>>)
      %dma_wait3A_1009 = arith.constant 184 : i32
      %dma_wait3A_1010 = arith.constant 0 : i32
      %dma_wait3A_1011 = tpu.memref_slice %arg7[%dma_wait3A_1009, %dma_wait3A_1010] : memref<328x64xf32, #tpu.memory_space<vmem_shared>> -> memref<128x64xf32, #tpu.memory_space<vmem_shared>>
      %dma_wait3A_1012 = arith.constant 184 : i32
      %dma_wait3A_1013 = arith.constant 0 : i32
      %dma_wait3A_1014 = tpu.memref_slice %arg7[%dma_wait3A_1012, %dma_wait3A_1013] : memref<328x64xf32, #tpu.memory_space<vmem_shared>> -> memref<128x64xf32, #tpu.memory_space<vmem_shared>>
      tpu.wait_dma2 semaphore(%run_scoped3A : memref<!tpu.dma_semaphore, #tpu.memory_space<semaphore_mem>>) src(%dma_wait3A_1014 : memref<128x64xf32, #tpu.memory_space<vmem_shared>>) dst(%arg9 : memref<128x64xf32, #tpu.memory_space<vmem>>)
      tpu.yield
    }) : () -> ()
    %dma_start3A_48 = arith.constant 384 : i32
    %dma_start3A_49 = tpu.memref_slice %arg6[%dma_start3A_48] : memref<6400xi32, #tpu.memory_space<vmem>> -> memref<128xi32, #tpu.memory_space<vmem>>
    %dma_start3A_50 = arith.constant 0 : i32
    %dma_start3A_51 = arith.constant 0 : i32
    %dma_start3A_52 = tpu.memref_slice %arg3[%dma_start3A_50, %dma_start3A_51] : memref<1000000x64xf32, #tpu.memory_space<hbm>> -> memref<1000000x64xf32, #tpu.memory_space<hbm>>
    tpu.enqueue_indirect_dma source(%dma_start3A_52 : memref<1000000x64xf32, #tpu.memory_space<hbm>>) target(%arg9 : memref<128x64xf32, #tpu.memory_space<vmem>>) offsets(%dma_start3A_49 : memref<128xi32, #tpu.memory_space<vmem>>) semaphore(%arg11 : memref<!tpu.dma_semaphore, #tpu.memory_space<semaphore_mem>>) {add = true}
    %dma_wait3A_53 = arith.constant 256 : i32
    %dma_wait3A_54 = tpu.memref_slice %arg6[%dma_wait3A_53] : memref<6400xi32, #tpu.memory_space<vmem>> -> memref<128xi32, #tpu.memory_space<vmem>>
    %dma_wait3A_55 = arith.constant 0 : i32
    %dma_wait3A_56 = arith.constant 0 : i32
    %dma_wait3A_57 = tpu.memref_slice %arg3[%dma_wait3A_55, %dma_wait3A_56] : memref<1000000x64xf32, #tpu.memory_space<hbm>> -> memref<1000000x64xf32, #tpu.memory_space<hbm>>
    tpu.wait_indirect_dma semaphore(%arg10 : memref<!tpu.dma_semaphore, #tpu.memory_space<semaphore_mem>>) src(%dma_wait3A_57 : memref<1000000x64xf32, #tpu.memory_space<hbm>>) dst(%arg8 : memref<128x64xf32, #tpu.memory_space<vmem>>)
    %add3A_58 = arith.constant 256 : i32
    %add3A_59 = arith.addi %mul3A_2, %add3A_58 : i32
    %dma_start3A_60 = arith.constant 0 : i32
    %dma_start3A_61 = tpu.memref_slice %arg5[%add3A_59, %dma_start3A_60] : memref<204800x64xf32, #tpu.memory_space<hbm>> -> memref<128x64xf32, #tpu.memory_space<hbm>>
    %dma_start3A_62 = arith.constant 0 : i32
    %dma_start3A_63 = tpu.memref_slice %arg5[%add3A_59, %dma_start3A_62] : memref<204800x64xf32, #tpu.memory_space<hbm>> -> memref<128x64xf32, #tpu.memory_space<hbm>>
    tpu.enqueue_dma source(%arg8 : memref<128x64xf32, #tpu.memory_space<vmem>>) target(%dma_start3A_63 : memref<128x64xf32, #tpu.memory_space<hbm>>) target_semaphore(%arg12 : memref<!tpu.dma_semaphore, #tpu.memory_space<semaphore_mem>>)
    %dma_wait3A_64 = arith.constant 0 : i32
    %dma_wait3A_65 = tpu.memref_slice %arg5[%add3A_59, %dma_wait3A_64] : memref<204800x64xf32, #tpu.memory_space<hbm>> -> memref<128x64xf32, #tpu.memory_space<hbm>>
    %dma_wait3A_66 = arith.constant 0 : i32
    %dma_wait3A_67 = tpu.memref_slice %arg5[%add3A_59, %dma_wait3A_66] : memref<204800x64xf32, #tpu.memory_space<hbm>> -> memref<128x64xf32, #tpu.memory_space<hbm>>
    tpu.wait_dma2 semaphore(%arg12 : memref<!tpu.dma_semaphore, #tpu.memory_space<semaphore_mem>>) src(%arg8 : memref<128x64xf32, #tpu.memory_space<vmem>>) dst(%dma_wait3A_67 : memref<128x64xf32, #tpu.memory_space<hbm>>)
    "tpu.region"() ({
      %run_scoped3A = tpu.sem_alloc : memref<!tpu.dma_semaphore, #tpu.memory_space<semaphore_mem>>
      %dma_start3A_1003 = arith.constant 112 : i32
      %dma_start3A_1004 = arith.constant 0 : i32
      %dma_start3A_1005 = tpu.memref_slice %arg7[%dma_start3A_1003, %dma_start3A_1004] : memref<328x64xf32, #tpu.memory_space<vmem_shared>> -> memref<128x64xf32, #tpu.memory_space<vmem_shared>>
      %dma_start3A_1006 = arith.constant 112 : i32
      %dma_start3A_1007 = arith.constant 0 : i32
      %dma_start3A_1008 = tpu.memref_slice %arg7[%dma_start3A_1006, %dma_start3A_1007] : memref<328x64xf32, #tpu.memory_space<vmem_shared>> -> memref<128x64xf32, #tpu.memory_space<vmem_shared>>
      tpu.enqueue_dma source(%dma_start3A_1008 : memref<128x64xf32, #tpu.memory_space<vmem_shared>>) target(%arg8 : memref<128x64xf32, #tpu.memory_space<vmem>>) target_semaphore(%run_scoped3A : memref<!tpu.dma_semaphore, #tpu.memory_space<semaphore_mem>>)
      %dma_wait3A_1009 = arith.constant 112 : i32
      %dma_wait3A_1010 = arith.constant 0 : i32
      %dma_wait3A_1011 = tpu.memref_slice %arg7[%dma_wait3A_1009, %dma_wait3A_1010] : memref<328x64xf32, #tpu.memory_space<vmem_shared>> -> memref<128x64xf32, #tpu.memory_space<vmem_shared>>
      %dma_wait3A_1012 = arith.constant 112 : i32
      %dma_wait3A_1013 = arith.constant 0 : i32
      %dma_wait3A_1014 = tpu.memref_slice %arg7[%dma_wait3A_1012, %dma_wait3A_1013] : memref<328x64xf32, #tpu.memory_space<vmem_shared>> -> memref<128x64xf32, #tpu.memory_space<vmem_shared>>
      tpu.wait_dma2 semaphore(%run_scoped3A : memref<!tpu.dma_semaphore, #tpu.memory_space<semaphore_mem>>) src(%dma_wait3A_1014 : memref<128x64xf32, #tpu.memory_space<vmem_shared>>) dst(%arg8 : memref<128x64xf32, #tpu.memory_space<vmem>>)
      tpu.yield
    }) : () -> ()
    %dma_start3A_68 = arith.constant 512 : i32
    %dma_start3A_69 = tpu.memref_slice %arg6[%dma_start3A_68] : memref<6400xi32, #tpu.memory_space<vmem>> -> memref<128xi32, #tpu.memory_space<vmem>>
    %dma_start3A_70 = arith.constant 0 : i32
    %dma_start3A_71 = arith.constant 0 : i32
    %dma_start3A_72 = tpu.memref_slice %arg3[%dma_start3A_70, %dma_start3A_71] : memref<1000000x64xf32, #tpu.memory_space<hbm>> -> memref<1000000x64xf32, #tpu.memory_space<hbm>>
    tpu.enqueue_indirect_dma source(%dma_start3A_72 : memref<1000000x64xf32, #tpu.memory_space<hbm>>) target(%arg8 : memref<128x64xf32, #tpu.memory_space<vmem>>) offsets(%dma_start3A_69 : memref<128xi32, #tpu.memory_space<vmem>>) semaphore(%arg10 : memref<!tpu.dma_semaphore, #tpu.memory_space<semaphore_mem>>) {add = true}
    %dma_wait3A_73 = arith.constant 384 : i32
    %dma_wait3A_74 = tpu.memref_slice %arg6[%dma_wait3A_73] : memref<6400xi32, #tpu.memory_space<vmem>> -> memref<128xi32, #tpu.memory_space<vmem>>
    %dma_wait3A_75 = arith.constant 0 : i32
    %dma_wait3A_76 = arith.constant 0 : i32
    %dma_wait3A_77 = tpu.memref_slice %arg3[%dma_wait3A_75, %dma_wait3A_76] : memref<1000000x64xf32, #tpu.memory_space<hbm>> -> memref<1000000x64xf32, #tpu.memory_space<hbm>>
    tpu.wait_indirect_dma semaphore(%arg11 : memref<!tpu.dma_semaphore, #tpu.memory_space<semaphore_mem>>) src(%dma_wait3A_77 : memref<1000000x64xf32, #tpu.memory_space<hbm>>) dst(%arg9 : memref<128x64xf32, #tpu.memory_space<vmem>>)
    %add3A_78 = arith.constant 384 : i32
    %add3A_79 = arith.addi %mul3A_2, %add3A_78 : i32
    %dma_start3A_80 = arith.constant 0 : i32
    %dma_start3A_81 = tpu.memref_slice %arg5[%add3A_79, %dma_start3A_80] : memref<204800x64xf32, #tpu.memory_space<hbm>> -> memref<128x64xf32, #tpu.memory_space<hbm>>
    %dma_start3A_82 = arith.constant 0 : i32
    %dma_start3A_83 = tpu.memref_slice %arg5[%add3A_79, %dma_start3A_82] : memref<204800x64xf32, #tpu.memory_space<hbm>> -> memref<128x64xf32, #tpu.memory_space<hbm>>
    tpu.enqueue_dma source(%arg9 : memref<128x64xf32, #tpu.memory_space<vmem>>) target(%dma_start3A_83 : memref<128x64xf32, #tpu.memory_space<hbm>>) target_semaphore(%arg13 : memref<!tpu.dma_semaphore, #tpu.memory_space<semaphore_mem>>)
    %dma_wait3A_84 = arith.constant 0 : i32
    %dma_wait3A_85 = tpu.memref_slice %arg5[%add3A_79, %dma_wait3A_84] : memref<204800x64xf32, #tpu.memory_space<hbm>> -> memref<128x64xf32, #tpu.memory_space<hbm>>
    %dma_wait3A_86 = arith.constant 0 : i32
    %dma_wait3A_87 = tpu.memref_slice %arg5[%add3A_79, %dma_wait3A_86] : memref<204800x64xf32, #tpu.memory_space<hbm>> -> memref<128x64xf32, #tpu.memory_space<hbm>>
    tpu.wait_dma2 semaphore(%arg13 : memref<!tpu.dma_semaphore, #tpu.memory_space<semaphore_mem>>) src(%arg9 : memref<128x64xf32, #tpu.memory_space<vmem>>) dst(%dma_wait3A_87 : memref<128x64xf32, #tpu.memory_space<hbm>>)
    "tpu.region"() ({
      %run_scoped3A = tpu.sem_alloc : memref<!tpu.dma_semaphore, #tpu.memory_space<semaphore_mem>>
      %dma_start3A_1003 = arith.constant 40 : i32
      %dma_start3A_1004 = arith.constant 0 : i32
      %dma_start3A_1005 = tpu.memref_slice %arg7[%dma_start3A_1003, %dma_start3A_1004] : memref<328x64xf32, #tpu.memory_space<vmem_shared>> -> memref<128x64xf32, #tpu.memory_space<vmem_shared>>
      %dma_start3A_1006 = arith.constant 40 : i32
      %dma_start3A_1007 = arith.constant 0 : i32
      %dma_start3A_1008 = tpu.memref_slice %arg7[%dma_start3A_1006, %dma_start3A_1007] : memref<328x64xf32, #tpu.memory_space<vmem_shared>> -> memref<128x64xf32, #tpu.memory_space<vmem_shared>>
      tpu.enqueue_dma source(%dma_start3A_1008 : memref<128x64xf32, #tpu.memory_space<vmem_shared>>) target(%arg9 : memref<128x64xf32, #tpu.memory_space<vmem>>) target_semaphore(%run_scoped3A : memref<!tpu.dma_semaphore, #tpu.memory_space<semaphore_mem>>)
      %dma_wait3A_1009 = arith.constant 40 : i32
      %dma_wait3A_1010 = arith.constant 0 : i32
      %dma_wait3A_1011 = tpu.memref_slice %arg7[%dma_wait3A_1009, %dma_wait3A_1010] : memref<328x64xf32, #tpu.memory_space<vmem_shared>> -> memref<128x64xf32, #tpu.memory_space<vmem_shared>>
      %dma_wait3A_1012 = arith.constant 40 : i32
      %dma_wait3A_1013 = arith.constant 0 : i32
      %dma_wait3A_1014 = tpu.memref_slice %arg7[%dma_wait3A_1012, %dma_wait3A_1013] : memref<328x64xf32, #tpu.memory_space<vmem_shared>> -> memref<128x64xf32, #tpu.memory_space<vmem_shared>>
      tpu.wait_dma2 semaphore(%run_scoped3A : memref<!tpu.dma_semaphore, #tpu.memory_space<semaphore_mem>>) src(%dma_wait3A_1014 : memref<128x64xf32, #tpu.memory_space<vmem_shared>>) dst(%arg9 : memref<128x64xf32, #tpu.memory_space<vmem>>)
      tpu.yield
    }) : () -> ()
    %dma_start3A_88 = arith.constant 640 : i32
    %dma_start3A_89 = tpu.memref_slice %arg6[%dma_start3A_88] : memref<6400xi32, #tpu.memory_space<vmem>> -> memref<128xi32, #tpu.memory_space<vmem>>
    %dma_start3A_90 = arith.constant 0 : i32
    %dma_start3A_91 = arith.constant 0 : i32
    %dma_start3A_92 = tpu.memref_slice %arg3[%dma_start3A_90, %dma_start3A_91] : memref<1000000x64xf32, #tpu.memory_space<hbm>> -> memref<1000000x64xf32, #tpu.memory_space<hbm>>
    tpu.enqueue_indirect_dma source(%dma_start3A_92 : memref<1000000x64xf32, #tpu.memory_space<hbm>>) target(%arg9 : memref<128x64xf32, #tpu.memory_space<vmem>>) offsets(%dma_start3A_89 : memref<128xi32, #tpu.memory_space<vmem>>) semaphore(%arg11 : memref<!tpu.dma_semaphore, #tpu.memory_space<semaphore_mem>>) {add = true}
    %dma_wait3A_93 = arith.constant 512 : i32
    %dma_wait3A_94 = tpu.memref_slice %arg6[%dma_wait3A_93] : memref<6400xi32, #tpu.memory_space<vmem>> -> memref<128xi32, #tpu.memory_space<vmem>>
    %dma_wait3A_95 = arith.constant 0 : i32
    %dma_wait3A_96 = arith.constant 0 : i32
    %dma_wait3A_97 = tpu.memref_slice %arg3[%dma_wait3A_95, %dma_wait3A_96] : memref<1000000x64xf32, #tpu.memory_space<hbm>> -> memref<1000000x64xf32, #tpu.memory_space<hbm>>
    tpu.wait_indirect_dma semaphore(%arg10 : memref<!tpu.dma_semaphore, #tpu.memory_space<semaphore_mem>>) src(%dma_wait3A_97 : memref<1000000x64xf32, #tpu.memory_space<hbm>>) dst(%arg8 : memref<128x64xf32, #tpu.memory_space<vmem>>)
    %add3A_98 = arith.constant 512 : i32
    %add3A_99 = arith.addi %mul3A_2, %add3A_98 : i32
    %dma_start3A_100 = arith.constant 0 : i32
    %dma_start3A_101 = tpu.memref_slice %arg5[%add3A_99, %dma_start3A_100] : memref<204800x64xf32, #tpu.memory_space<hbm>> -> memref<128x64xf32, #tpu.memory_space<hbm>>
    %dma_start3A_102 = arith.constant 0 : i32
    %dma_start3A_103 = tpu.memref_slice %arg5[%add3A_99, %dma_start3A_102] : memref<204800x64xf32, #tpu.memory_space<hbm>> -> memref<128x64xf32, #tpu.memory_space<hbm>>
    tpu.enqueue_dma source(%arg8 : memref<128x64xf32, #tpu.memory_space<vmem>>) target(%dma_start3A_103 : memref<128x64xf32, #tpu.memory_space<hbm>>) target_semaphore(%arg12 : memref<!tpu.dma_semaphore, #tpu.memory_space<semaphore_mem>>)
    %dma_wait3A_104 = arith.constant 0 : i32
    %dma_wait3A_105 = tpu.memref_slice %arg5[%add3A_99, %dma_wait3A_104] : memref<204800x64xf32, #tpu.memory_space<hbm>> -> memref<128x64xf32, #tpu.memory_space<hbm>>
    %dma_wait3A_106 = arith.constant 0 : i32
    %dma_wait3A_107 = tpu.memref_slice %arg5[%add3A_99, %dma_wait3A_106] : memref<204800x64xf32, #tpu.memory_space<hbm>> -> memref<128x64xf32, #tpu.memory_space<hbm>>
    tpu.wait_dma2 semaphore(%arg12 : memref<!tpu.dma_semaphore, #tpu.memory_space<semaphore_mem>>) src(%arg8 : memref<128x64xf32, #tpu.memory_space<vmem>>) dst(%dma_wait3A_107 : memref<128x64xf32, #tpu.memory_space<hbm>>)
    "tpu.region"() ({
      %run_scoped3A = tpu.sem_alloc : memref<!tpu.dma_semaphore, #tpu.memory_space<semaphore_mem>>
      %dma_start3A_1003 = arith.constant 168 : i32
      %dma_start3A_1004 = arith.constant 0 : i32
      %dma_start3A_1005 = tpu.memref_slice %arg7[%dma_start3A_1003, %dma_start3A_1004] : memref<328x64xf32, #tpu.memory_space<vmem_shared>> -> memref<128x64xf32, #tpu.memory_space<vmem_shared>>
      %dma_start3A_1006 = arith.constant 168 : i32
      %dma_start3A_1007 = arith.constant 0 : i32
      %dma_start3A_1008 = tpu.memref_slice %arg7[%dma_start3A_1006, %dma_start3A_1007] : memref<328x64xf32, #tpu.memory_space<vmem_shared>> -> memref<128x64xf32, #tpu.memory_space<vmem_shared>>
      tpu.enqueue_dma source(%dma_start3A_1008 : memref<128x64xf32, #tpu.memory_space<vmem_shared>>) target(%arg8 : memref<128x64xf32, #tpu.memory_space<vmem>>) target_semaphore(%run_scoped3A : memref<!tpu.dma_semaphore, #tpu.memory_space<semaphore_mem>>)
      %dma_wait3A_1009 = arith.constant 168 : i32
      %dma_wait3A_1010 = arith.constant 0 : i32
      %dma_wait3A_1011 = tpu.memref_slice %arg7[%dma_wait3A_1009, %dma_wait3A_1010] : memref<328x64xf32, #tpu.memory_space<vmem_shared>> -> memref<128x64xf32, #tpu.memory_space<vmem_shared>>
      %dma_wait3A_1012 = arith.constant 168 : i32
      %dma_wait3A_1013 = arith.constant 0 : i32
      %dma_wait3A_1014 = tpu.memref_slice %arg7[%dma_wait3A_1012, %dma_wait3A_1013] : memref<328x64xf32, #tpu.memory_space<vmem_shared>> -> memref<128x64xf32, #tpu.memory_space<vmem_shared>>
      tpu.wait_dma2 semaphore(%run_scoped3A : memref<!tpu.dma_semaphore, #tpu.memory_space<semaphore_mem>>) src(%dma_wait3A_1014 : memref<128x64xf32, #tpu.memory_space<vmem_shared>>) dst(%arg8 : memref<128x64xf32, #tpu.memory_space<vmem>>)
      tpu.yield
    }) : () -> ()
    %dma_start3A_108 = arith.constant 768 : i32
    %dma_start3A_109 = tpu.memref_slice %arg6[%dma_start3A_108] : memref<6400xi32, #tpu.memory_space<vmem>> -> memref<128xi32, #tpu.memory_space<vmem>>
    %dma_start3A_110 = arith.constant 0 : i32
    %dma_start3A_111 = arith.constant 0 : i32
    %dma_start3A_112 = tpu.memref_slice %arg3[%dma_start3A_110, %dma_start3A_111] : memref<1000000x64xf32, #tpu.memory_space<hbm>> -> memref<1000000x64xf32, #tpu.memory_space<hbm>>
    tpu.enqueue_indirect_dma source(%dma_start3A_112 : memref<1000000x64xf32, #tpu.memory_space<hbm>>) target(%arg8 : memref<128x64xf32, #tpu.memory_space<vmem>>) offsets(%dma_start3A_109 : memref<128xi32, #tpu.memory_space<vmem>>) semaphore(%arg10 : memref<!tpu.dma_semaphore, #tpu.memory_space<semaphore_mem>>) {add = true}
    %dma_wait3A_113 = arith.constant 640 : i32
    %dma_wait3A_114 = tpu.memref_slice %arg6[%dma_wait3A_113] : memref<6400xi32, #tpu.memory_space<vmem>> -> memref<128xi32, #tpu.memory_space<vmem>>
    %dma_wait3A_115 = arith.constant 0 : i32
    %dma_wait3A_116 = arith.constant 0 : i32
    %dma_wait3A_117 = tpu.memref_slice %arg3[%dma_wait3A_115, %dma_wait3A_116] : memref<1000000x64xf32, #tpu.memory_space<hbm>> -> memref<1000000x64xf32, #tpu.memory_space<hbm>>
    tpu.wait_indirect_dma semaphore(%arg11 : memref<!tpu.dma_semaphore, #tpu.memory_space<semaphore_mem>>) src(%dma_wait3A_117 : memref<1000000x64xf32, #tpu.memory_space<hbm>>) dst(%arg9 : memref<128x64xf32, #tpu.memory_space<vmem>>)
    %add3A_118 = arith.constant 640 : i32
    %add3A_119 = arith.addi %mul3A_2, %add3A_118 : i32
    %dma_start3A_120 = arith.constant 0 : i32
    %dma_start3A_121 = tpu.memref_slice %arg5[%add3A_119, %dma_start3A_120] : memref<204800x64xf32, #tpu.memory_space<hbm>> -> memref<128x64xf32, #tpu.memory_space<hbm>>
    %dma_start3A_122 = arith.constant 0 : i32
    %dma_start3A_123 = tpu.memref_slice %arg5[%add3A_119, %dma_start3A_122] : memref<204800x64xf32, #tpu.memory_space<hbm>> -> memref<128x64xf32, #tpu.memory_space<hbm>>
    tpu.enqueue_dma source(%arg9 : memref<128x64xf32, #tpu.memory_space<vmem>>) target(%dma_start3A_123 : memref<128x64xf32, #tpu.memory_space<hbm>>) target_semaphore(%arg13 : memref<!tpu.dma_semaphore, #tpu.memory_space<semaphore_mem>>)
    %dma_wait3A_124 = arith.constant 0 : i32
    %dma_wait3A_125 = tpu.memref_slice %arg5[%add3A_119, %dma_wait3A_124] : memref<204800x64xf32, #tpu.memory_space<hbm>> -> memref<128x64xf32, #tpu.memory_space<hbm>>
    %dma_wait3A_126 = arith.constant 0 : i32
    %dma_wait3A_127 = tpu.memref_slice %arg5[%add3A_119, %dma_wait3A_126] : memref<204800x64xf32, #tpu.memory_space<hbm>> -> memref<128x64xf32, #tpu.memory_space<hbm>>
    tpu.wait_dma2 semaphore(%arg13 : memref<!tpu.dma_semaphore, #tpu.memory_space<semaphore_mem>>) src(%arg9 : memref<128x64xf32, #tpu.memory_space<vmem>>) dst(%dma_wait3A_127 : memref<128x64xf32, #tpu.memory_space<hbm>>)
    "tpu.region"() ({
      %run_scoped3A = tpu.sem_alloc : memref<!tpu.dma_semaphore, #tpu.memory_space<semaphore_mem>>
      %dma_start3A_1003 = arith.constant 96 : i32
      %dma_start3A_1004 = arith.constant 0 : i32
      %dma_start3A_1005 = tpu.memref_slice %arg7[%dma_start3A_1003, %dma_start3A_1004] : memref<328x64xf32, #tpu.memory_space<vmem_shared>> -> memref<128x64xf32, #tpu.memory_space<vmem_shared>>
      %dma_start3A_1006 = arith.constant 96 : i32
      %dma_start3A_1007 = arith.constant 0 : i32
      %dma_start3A_1008 = tpu.memref_slice %arg7[%dma_start3A_1006, %dma_start3A_1007] : memref<328x64xf32, #tpu.memory_space<vmem_shared>> -> memref<128x64xf32, #tpu.memory_space<vmem_shared>>
      tpu.enqueue_dma source(%dma_start3A_1008 : memref<128x64xf32, #tpu.memory_space<vmem_shared>>) target(%arg9 : memref<128x64xf32, #tpu.memory_space<vmem>>) target_semaphore(%run_scoped3A : memref<!tpu.dma_semaphore, #tpu.memory_space<semaphore_mem>>)
      %dma_wait3A_1009 = arith.constant 96 : i32
      %dma_wait3A_1010 = arith.constant 0 : i32
      %dma_wait3A_1011 = tpu.memref_slice %arg7[%dma_wait3A_1009, %dma_wait3A_1010] : memref<328x64xf32, #tpu.memory_space<vmem_shared>> -> memref<128x64xf32, #tpu.memory_space<vmem_shared>>
      %dma_wait3A_1012 = arith.constant 96 : i32
      %dma_wait3A_1013 = arith.constant 0 : i32
      %dma_wait3A_1014 = tpu.memref_slice %arg7[%dma_wait3A_1012, %dma_wait3A_1013] : memref<328x64xf32, #tpu.memory_space<vmem_shared>> -> memref<128x64xf32, #tpu.memory_space<vmem_shared>>
      tpu.wait_dma2 semaphore(%run_scoped3A : memref<!tpu.dma_semaphore, #tpu.memory_space<semaphore_mem>>) src(%dma_wait3A_1014 : memref<128x64xf32, #tpu.memory_space<vmem_shared>>) dst(%arg9 : memref<128x64xf32, #tpu.memory_space<vmem>>)
      tpu.yield
    }) : () -> ()
    %dma_start3A_128 = arith.constant 896 : i32
    %dma_start3A_129 = tpu.memref_slice %arg6[%dma_start3A_128] : memref<6400xi32, #tpu.memory_space<vmem>> -> memref<128xi32, #tpu.memory_space<vmem>>
    %dma_start3A_130 = arith.constant 0 : i32
    %dma_start3A_131 = arith.constant 0 : i32
    %dma_start3A_132 = tpu.memref_slice %arg3[%dma_start3A_130, %dma_start3A_131] : memref<1000000x64xf32, #tpu.memory_space<hbm>> -> memref<1000000x64xf32, #tpu.memory_space<hbm>>
    tpu.enqueue_indirect_dma source(%dma_start3A_132 : memref<1000000x64xf32, #tpu.memory_space<hbm>>) target(%arg9 : memref<128x64xf32, #tpu.memory_space<vmem>>) offsets(%dma_start3A_129 : memref<128xi32, #tpu.memory_space<vmem>>) semaphore(%arg11 : memref<!tpu.dma_semaphore, #tpu.memory_space<semaphore_mem>>) {add = true}
    %dma_wait3A_133 = arith.constant 768 : i32
    %dma_wait3A_134 = tpu.memref_slice %arg6[%dma_wait3A_133] : memref<6400xi32, #tpu.memory_space<vmem>> -> memref<128xi32, #tpu.memory_space<vmem>>
    %dma_wait3A_135 = arith.constant 0 : i32
    %dma_wait3A_136 = arith.constant 0 : i32
    %dma_wait3A_137 = tpu.memref_slice %arg3[%dma_wait3A_135, %dma_wait3A_136] : memref<1000000x64xf32, #tpu.memory_space<hbm>> -> memref<1000000x64xf32, #tpu.memory_space<hbm>>
    tpu.wait_indirect_dma semaphore(%arg10 : memref<!tpu.dma_semaphore, #tpu.memory_space<semaphore_mem>>) src(%dma_wait3A_137 : memref<1000000x64xf32, #tpu.memory_space<hbm>>) dst(%arg8 : memref<128x64xf32, #tpu.memory_space<vmem>>)
    %add3A_138 = arith.constant 768 : i32
    %add3A_139 = arith.addi %mul3A_2, %add3A_138 : i32
    %dma_start3A_140 = arith.constant 0 : i32
    %dma_start3A_141 = tpu.memref_slice %arg5[%add3A_139, %dma_start3A_140] : memref<204800x64xf32, #tpu.memory_space<hbm>> -> memref<128x64xf32, #tpu.memory_space<hbm>>
    %dma_start3A_142 = arith.constant 0 : i32
    %dma_start3A_143 = tpu.memref_slice %arg5[%add3A_139, %dma_start3A_142] : memref<204800x64xf32, #tpu.memory_space<hbm>> -> memref<128x64xf32, #tpu.memory_space<hbm>>
    tpu.enqueue_dma source(%arg8 : memref<128x64xf32, #tpu.memory_space<vmem>>) target(%dma_start3A_143 : memref<128x64xf32, #tpu.memory_space<hbm>>) target_semaphore(%arg12 : memref<!tpu.dma_semaphore, #tpu.memory_space<semaphore_mem>>)
    %dma_wait3A_144 = arith.constant 0 : i32
    %dma_wait3A_145 = tpu.memref_slice %arg5[%add3A_139, %dma_wait3A_144] : memref<204800x64xf32, #tpu.memory_space<hbm>> -> memref<128x64xf32, #tpu.memory_space<hbm>>
    %dma_wait3A_146 = arith.constant 0 : i32
    %dma_wait3A_147 = tpu.memref_slice %arg5[%add3A_139, %dma_wait3A_146] : memref<204800x64xf32, #tpu.memory_space<hbm>> -> memref<128x64xf32, #tpu.memory_space<hbm>>
    tpu.wait_dma2 semaphore(%arg12 : memref<!tpu.dma_semaphore, #tpu.memory_space<semaphore_mem>>) src(%arg8 : memref<128x64xf32, #tpu.memory_space<vmem>>) dst(%dma_wait3A_147 : memref<128x64xf32, #tpu.memory_space<hbm>>)
    "tpu.region"() ({
      %run_scoped3A = tpu.sem_alloc : memref<!tpu.dma_semaphore, #tpu.memory_space<semaphore_mem>>
      %dma_start3A_1003 = arith.constant 24 : i32
      %dma_start3A_1004 = arith.constant 0 : i32
      %dma_start3A_1005 = tpu.memref_slice %arg7[%dma_start3A_1003, %dma_start3A_1004] : memref<328x64xf32, #tpu.memory_space<vmem_shared>> -> memref<128x64xf32, #tpu.memory_space<vmem_shared>>
      %dma_start3A_1006 = arith.constant 24 : i32
      %dma_start3A_1007 = arith.constant 0 : i32
      %dma_start3A_1008 = tpu.memref_slice %arg7[%dma_start3A_1006, %dma_start3A_1007] : memref<328x64xf32, #tpu.memory_space<vmem_shared>> -> memref<128x64xf32, #tpu.memory_space<vmem_shared>>
      tpu.enqueue_dma source(%dma_start3A_1008 : memref<128x64xf32, #tpu.memory_space<vmem_shared>>) target(%arg8 : memref<128x64xf32, #tpu.memory_space<vmem>>) target_semaphore(%run_scoped3A : memref<!tpu.dma_semaphore, #tpu.memory_space<semaphore_mem>>)
      %dma_wait3A_1009 = arith.constant 24 : i32
      %dma_wait3A_1010 = arith.constant 0 : i32
      %dma_wait3A_1011 = tpu.memref_slice %arg7[%dma_wait3A_1009, %dma_wait3A_1010] : memref<328x64xf32, #tpu.memory_space<vmem_shared>> -> memref<128x64xf32, #tpu.memory_space<vmem_shared>>
      %dma_wait3A_1012 = arith.constant 24 : i32
      %dma_wait3A_1013 = arith.constant 0 : i32
      %dma_wait3A_1014 = tpu.memref_slice %arg7[%dma_wait3A_1012, %dma_wait3A_1013] : memref<328x64xf32, #tpu.memory_space<vmem_shared>> -> memref<128x64xf32, #tpu.memory_space<vmem_shared>>
      tpu.wait_dma2 semaphore(%run_scoped3A : memref<!tpu.dma_semaphore, #tpu.memory_space<semaphore_mem>>) src(%dma_wait3A_1014 : memref<128x64xf32, #tpu.memory_space<vmem_shared>>) dst(%arg8 : memref<128x64xf32, #tpu.memory_space<vmem>>)
      tpu.yield
    }) : () -> ()
    %dma_start3A_148 = arith.constant 1024 : i32
    %dma_start3A_149 = tpu.memref_slice %arg6[%dma_start3A_148] : memref<6400xi32, #tpu.memory_space<vmem>> -> memref<128xi32, #tpu.memory_space<vmem>>
    %dma_start3A_150 = arith.constant 0 : i32
    %dma_start3A_151 = arith.constant 0 : i32
    %dma_start3A_152 = tpu.memref_slice %arg3[%dma_start3A_150, %dma_start3A_151] : memref<1000000x64xf32, #tpu.memory_space<hbm>> -> memref<1000000x64xf32, #tpu.memory_space<hbm>>
    tpu.enqueue_indirect_dma source(%dma_start3A_152 : memref<1000000x64xf32, #tpu.memory_space<hbm>>) target(%arg8 : memref<128x64xf32, #tpu.memory_space<vmem>>) offsets(%dma_start3A_149 : memref<128xi32, #tpu.memory_space<vmem>>) semaphore(%arg10 : memref<!tpu.dma_semaphore, #tpu.memory_space<semaphore_mem>>) {add = true}
    %dma_wait3A_153 = arith.constant 896 : i32
    %dma_wait3A_154 = tpu.memref_slice %arg6[%dma_wait3A_153] : memref<6400xi32, #tpu.memory_space<vmem>> -> memref<128xi32, #tpu.memory_space<vmem>>
    %dma_wait3A_155 = arith.constant 0 : i32
    %dma_wait3A_156 = arith.constant 0 : i32
    %dma_wait3A_157 = tpu.memref_slice %arg3[%dma_wait3A_155, %dma_wait3A_156] : memref<1000000x64xf32, #tpu.memory_space<hbm>> -> memref<1000000x64xf32, #tpu.memory_space<hbm>>
    tpu.wait_indirect_dma semaphore(%arg11 : memref<!tpu.dma_semaphore, #tpu.memory_space<semaphore_mem>>) src(%dma_wait3A_157 : memref<1000000x64xf32, #tpu.memory_space<hbm>>) dst(%arg9 : memref<128x64xf32, #tpu.memory_space<vmem>>)
    %add3A_158 = arith.constant 896 : i32
    %add3A_159 = arith.addi %mul3A_2, %add3A_158 : i32
    %dma_start3A_160 = arith.constant 0 : i32
    %dma_start3A_161 = tpu.memref_slice %arg5[%add3A_159, %dma_start3A_160] : memref<204800x64xf32, #tpu.memory_space<hbm>> -> memref<128x64xf32, #tpu.memory_space<hbm>>
    %dma_start3A_162 = arith.constant 0 : i32
    %dma_start3A_163 = tpu.memref_slice %arg5[%add3A_159, %dma_start3A_162] : memref<204800x64xf32, #tpu.memory_space<hbm>> -> memref<128x64xf32, #tpu.memory_space<hbm>>
    tpu.enqueue_dma source(%arg9 : memref<128x64xf32, #tpu.memory_space<vmem>>) target(%dma_start3A_163 : memref<128x64xf32, #tpu.memory_space<hbm>>) target_semaphore(%arg13 : memref<!tpu.dma_semaphore, #tpu.memory_space<semaphore_mem>>)
    %dma_wait3A_164 = arith.constant 0 : i32
    %dma_wait3A_165 = tpu.memref_slice %arg5[%add3A_159, %dma_wait3A_164] : memref<204800x64xf32, #tpu.memory_space<hbm>> -> memref<128x64xf32, #tpu.memory_space<hbm>>
    %dma_wait3A_166 = arith.constant 0 : i32
    %dma_wait3A_167 = tpu.memref_slice %arg5[%add3A_159, %dma_wait3A_166] : memref<204800x64xf32, #tpu.memory_space<hbm>> -> memref<128x64xf32, #tpu.memory_space<hbm>>
    tpu.wait_dma2 semaphore(%arg13 : memref<!tpu.dma_semaphore, #tpu.memory_space<semaphore_mem>>) src(%arg9 : memref<128x64xf32, #tpu.memory_space<vmem>>) dst(%dma_wait3A_167 : memref<128x64xf32, #tpu.memory_space<hbm>>)
    "tpu.region"() ({
      %run_scoped3A = tpu.sem_alloc : memref<!tpu.dma_semaphore, #tpu.memory_space<semaphore_mem>>
      %dma_start3A_1003 = arith.constant 152 : i32
      %dma_start3A_1004 = arith.constant 0 : i32
      %dma_start3A_1005 = tpu.memref_slice %arg7[%dma_start3A_1003, %dma_start3A_1004] : memref<328x64xf32, #tpu.memory_space<vmem_shared>> -> memref<128x64xf32, #tpu.memory_space<vmem_shared>>
      %dma_start3A_1006 = arith.constant 152 : i32
      %dma_start3A_1007 = arith.constant 0 : i32
      %dma_start3A_1008 = tpu.memref_slice %arg7[%dma_start3A_1006, %dma_start3A_1007] : memref<328x64xf32, #tpu.memory_space<vmem_shared>> -> memref<128x64xf32, #tpu.memory_space<vmem_shared>>
      tpu.enqueue_dma source(%dma_start3A_1008 : memref<128x64xf32, #tpu.memory_space<vmem_shared>>) target(%arg9 : memref<128x64xf32, #tpu.memory_space<vmem>>) target_semaphore(%run_scoped3A : memref<!tpu.dma_semaphore, #tpu.memory_space<semaphore_mem>>)
      %dma_wait3A_1009 = arith.constant 152 : i32
      %dma_wait3A_1010 = arith.constant 0 : i32
      %dma_wait3A_1011 = tpu.memref_slice %arg7[%dma_wait3A_1009, %dma_wait3A_1010] : memref<328x64xf32, #tpu.memory_space<vmem_shared>> -> memref<128x64xf32, #tpu.memory_space<vmem_shared>>
      %dma_wait3A_1012 = arith.constant 152 : i32
      %dma_wait3A_1013 = arith.constant 0 : i32
      %dma_wait3A_1014 = tpu.memref_slice %arg7[%dma_wait3A_1012, %dma_wait3A_1013] : memref<328x64xf32, #tpu.memory_space<vmem_shared>> -> memref<128x64xf32, #tpu.memory_space<vmem_shared>>
      tpu.wait_dma2 semaphore(%run_scoped3A : memref<!tpu.dma_semaphore, #tpu.memory_space<semaphore_mem>>) src(%dma_wait3A_1014 : memref<128x64xf32, #tpu.memory_space<vmem_shared>>) dst(%arg9 : memref<128x64xf32, #tpu.memory_space<vmem>>)
      tpu.yield
    }) : () -> ()
    %dma_start3A_168 = arith.constant 1152 : i32
    %dma_start3A_169 = tpu.memref_slice %arg6[%dma_start3A_168] : memref<6400xi32, #tpu.memory_space<vmem>> -> memref<128xi32, #tpu.memory_space<vmem>>
    %dma_start3A_170 = arith.constant 0 : i32
    %dma_start3A_171 = arith.constant 0 : i32
    %dma_start3A_172 = tpu.memref_slice %arg3[%dma_start3A_170, %dma_start3A_171] : memref<1000000x64xf32, #tpu.memory_space<hbm>> -> memref<1000000x64xf32, #tpu.memory_space<hbm>>
    tpu.enqueue_indirect_dma source(%dma_start3A_172 : memref<1000000x64xf32, #tpu.memory_space<hbm>>) target(%arg9 : memref<128x64xf32, #tpu.memory_space<vmem>>) offsets(%dma_start3A_169 : memref<128xi32, #tpu.memory_space<vmem>>) semaphore(%arg11 : memref<!tpu.dma_semaphore, #tpu.memory_space<semaphore_mem>>) {add = true}
    %dma_wait3A_173 = arith.constant 1024 : i32
    %dma_wait3A_174 = tpu.memref_slice %arg6[%dma_wait3A_173] : memref<6400xi32, #tpu.memory_space<vmem>> -> memref<128xi32, #tpu.memory_space<vmem>>
    %dma_wait3A_175 = arith.constant 0 : i32
    %dma_wait3A_176 = arith.constant 0 : i32
    %dma_wait3A_177 = tpu.memref_slice %arg3[%dma_wait3A_175, %dma_wait3A_176] : memref<1000000x64xf32, #tpu.memory_space<hbm>> -> memref<1000000x64xf32, #tpu.memory_space<hbm>>
    tpu.wait_indirect_dma semaphore(%arg10 : memref<!tpu.dma_semaphore, #tpu.memory_space<semaphore_mem>>) src(%dma_wait3A_177 : memref<1000000x64xf32, #tpu.memory_space<hbm>>) dst(%arg8 : memref<128x64xf32, #tpu.memory_space<vmem>>)
    %add3A_178 = arith.constant 1024 : i32
    %add3A_179 = arith.addi %mul3A_2, %add3A_178 : i32
    %dma_start3A_180 = arith.constant 0 : i32
    %dma_start3A_181 = tpu.memref_slice %arg5[%add3A_179, %dma_start3A_180] : memref<204800x64xf32, #tpu.memory_space<hbm>> -> memref<128x64xf32, #tpu.memory_space<hbm>>
    %dma_start3A_182 = arith.constant 0 : i32
    %dma_start3A_183 = tpu.memref_slice %arg5[%add3A_179, %dma_start3A_182] : memref<204800x64xf32, #tpu.memory_space<hbm>> -> memref<128x64xf32, #tpu.memory_space<hbm>>
    tpu.enqueue_dma source(%arg8 : memref<128x64xf32, #tpu.memory_space<vmem>>) target(%dma_start3A_183 : memref<128x64xf32, #tpu.memory_space<hbm>>) target_semaphore(%arg12 : memref<!tpu.dma_semaphore, #tpu.memory_space<semaphore_mem>>)
    %dma_wait3A_184 = arith.constant 0 : i32
    %dma_wait3A_185 = tpu.memref_slice %arg5[%add3A_179, %dma_wait3A_184] : memref<204800x64xf32, #tpu.memory_space<hbm>> -> memref<128x64xf32, #tpu.memory_space<hbm>>
    %dma_wait3A_186 = arith.constant 0 : i32
    %dma_wait3A_187 = tpu.memref_slice %arg5[%add3A_179, %dma_wait3A_186] : memref<204800x64xf32, #tpu.memory_space<hbm>> -> memref<128x64xf32, #tpu.memory_space<hbm>>
    tpu.wait_dma2 semaphore(%arg12 : memref<!tpu.dma_semaphore, #tpu.memory_space<semaphore_mem>>) src(%arg8 : memref<128x64xf32, #tpu.memory_space<vmem>>) dst(%dma_wait3A_187 : memref<128x64xf32, #tpu.memory_space<hbm>>)
    "tpu.region"() ({
      %run_scoped3A = tpu.sem_alloc : memref<!tpu.dma_semaphore, #tpu.memory_space<semaphore_mem>>
      %dma_start3A_1003 = arith.constant 80 : i32
      %dma_start3A_1004 = arith.constant 0 : i32
      %dma_start3A_1005 = tpu.memref_slice %arg7[%dma_start3A_1003, %dma_start3A_1004] : memref<328x64xf32, #tpu.memory_space<vmem_shared>> -> memref<128x64xf32, #tpu.memory_space<vmem_shared>>
      %dma_start3A_1006 = arith.constant 80 : i32
      %dma_start3A_1007 = arith.constant 0 : i32
      %dma_start3A_1008 = tpu.memref_slice %arg7[%dma_start3A_1006, %dma_start3A_1007] : memref<328x64xf32, #tpu.memory_space<vmem_shared>> -> memref<128x64xf32, #tpu.memory_space<vmem_shared>>
      tpu.enqueue_dma source(%dma_start3A_1008 : memref<128x64xf32, #tpu.memory_space<vmem_shared>>) target(%arg8 : memref<128x64xf32, #tpu.memory_space<vmem>>) target_semaphore(%run_scoped3A : memref<!tpu.dma_semaphore, #tpu.memory_space<semaphore_mem>>)
      %dma_wait3A_1009 = arith.constant 80 : i32
      %dma_wait3A_1010 = arith.constant 0 : i32
      %dma_wait3A_1011 = tpu.memref_slice %arg7[%dma_wait3A_1009, %dma_wait3A_1010] : memref<328x64xf32, #tpu.memory_space<vmem_shared>> -> memref<128x64xf32, #tpu.memory_space<vmem_shared>>
      %dma_wait3A_1012 = arith.constant 80 : i32
      %dma_wait3A_1013 = arith.constant 0 : i32
      %dma_wait3A_1014 = tpu.memref_slice %arg7[%dma_wait3A_1012, %dma_wait3A_1013] : memref<328x64xf32, #tpu.memory_space<vmem_shared>> -> memref<128x64xf32, #tpu.memory_space<vmem_shared>>
      tpu.wait_dma2 semaphore(%run_scoped3A : memref<!tpu.dma_semaphore, #tpu.memory_space<semaphore_mem>>) src(%dma_wait3A_1014 : memref<128x64xf32, #tpu.memory_space<vmem_shared>>) dst(%arg8 : memref<128x64xf32, #tpu.memory_space<vmem>>)
      tpu.yield
    }) : () -> ()
    %dma_start3A_188 = arith.constant 1280 : i32
    %dma_start3A_189 = tpu.memref_slice %arg6[%dma_start3A_188] : memref<6400xi32, #tpu.memory_space<vmem>> -> memref<128xi32, #tpu.memory_space<vmem>>
    %dma_start3A_190 = arith.constant 0 : i32
    %dma_start3A_191 = arith.constant 0 : i32
    %dma_start3A_192 = tpu.memref_slice %arg3[%dma_start3A_190, %dma_start3A_191] : memref<1000000x64xf32, #tpu.memory_space<hbm>> -> memref<1000000x64xf32, #tpu.memory_space<hbm>>
    tpu.enqueue_indirect_dma source(%dma_start3A_192 : memref<1000000x64xf32, #tpu.memory_space<hbm>>) target(%arg8 : memref<128x64xf32, #tpu.memory_space<vmem>>) offsets(%dma_start3A_189 : memref<128xi32, #tpu.memory_space<vmem>>) semaphore(%arg10 : memref<!tpu.dma_semaphore, #tpu.memory_space<semaphore_mem>>) {add = true}
    %dma_wait3A_193 = arith.constant 1152 : i32
    %dma_wait3A_194 = tpu.memref_slice %arg6[%dma_wait3A_193] : memref<6400xi32, #tpu.memory_space<vmem>> -> memref<128xi32, #tpu.memory_space<vmem>>
    %dma_wait3A_195 = arith.constant 0 : i32
    %dma_wait3A_196 = arith.constant 0 : i32
    %dma_wait3A_197 = tpu.memref_slice %arg3[%dma_wait3A_195, %dma_wait3A_196] : memref<1000000x64xf32, #tpu.memory_space<hbm>> -> memref<1000000x64xf32, #tpu.memory_space<hbm>>
    tpu.wait_indirect_dma semaphore(%arg11 : memref<!tpu.dma_semaphore, #tpu.memory_space<semaphore_mem>>) src(%dma_wait3A_197 : memref<1000000x64xf32, #tpu.memory_space<hbm>>) dst(%arg9 : memref<128x64xf32, #tpu.memory_space<vmem>>)
    %add3A_198 = arith.constant 1152 : i32
    %add3A_199 = arith.addi %mul3A_2, %add3A_198 : i32
    %dma_start3A_200 = arith.constant 0 : i32
    %dma_start3A_201 = tpu.memref_slice %arg5[%add3A_199, %dma_start3A_200] : memref<204800x64xf32, #tpu.memory_space<hbm>> -> memref<128x64xf32, #tpu.memory_space<hbm>>
    %dma_start3A_202 = arith.constant 0 : i32
    %dma_start3A_203 = tpu.memref_slice %arg5[%add3A_199, %dma_start3A_202] : memref<204800x64xf32, #tpu.memory_space<hbm>> -> memref<128x64xf32, #tpu.memory_space<hbm>>
    tpu.enqueue_dma source(%arg9 : memref<128x64xf32, #tpu.memory_space<vmem>>) target(%dma_start3A_203 : memref<128x64xf32, #tpu.memory_space<hbm>>) target_semaphore(%arg13 : memref<!tpu.dma_semaphore, #tpu.memory_space<semaphore_mem>>)
    %dma_wait3A_204 = arith.constant 0 : i32
    %dma_wait3A_205 = tpu.memref_slice %arg5[%add3A_199, %dma_wait3A_204] : memref<204800x64xf32, #tpu.memory_space<hbm>> -> memref<128x64xf32, #tpu.memory_space<hbm>>
    %dma_wait3A_206 = arith.constant 0 : i32
    %dma_wait3A_207 = tpu.memref_slice %arg5[%add3A_199, %dma_wait3A_206] : memref<204800x64xf32, #tpu.memory_space<hbm>> -> memref<128x64xf32, #tpu.memory_space<hbm>>
    tpu.wait_dma2 semaphore(%arg13 : memref<!tpu.dma_semaphore, #tpu.memory_space<semaphore_mem>>) src(%arg9 : memref<128x64xf32, #tpu.memory_space<vmem>>) dst(%dma_wait3A_207 : memref<128x64xf32, #tpu.memory_space<hbm>>)
    "tpu.region"() ({
      %run_scoped3A = tpu.sem_alloc : memref<!tpu.dma_semaphore, #tpu.memory_space<semaphore_mem>>
      %dma_start3A_1003 = arith.constant 8 : i32
      %dma_start3A_1004 = arith.constant 0 : i32
      %dma_start3A_1005 = tpu.memref_slice %arg7[%dma_start3A_1003, %dma_start3A_1004] : memref<328x64xf32, #tpu.memory_space<vmem_shared>> -> memref<128x64xf32, #tpu.memory_space<vmem_shared>>
      %dma_start3A_1006 = arith.constant 8 : i32
      %dma_start3A_1007 = arith.constant 0 : i32
      %dma_start3A_1008 = tpu.memref_slice %arg7[%dma_start3A_1006, %dma_start3A_1007] : memref<328x64xf32, #tpu.memory_space<vmem_shared>> -> memref<128x64xf32, #tpu.memory_space<vmem_shared>>
      tpu.enqueue_dma source(%dma_start3A_1008 : memref<128x64xf32, #tpu.memory_space<vmem_shared>>) target(%arg9 : memref<128x64xf32, #tpu.memory_space<vmem>>) target_semaphore(%run_scoped3A : memref<!tpu.dma_semaphore, #tpu.memory_space<semaphore_mem>>)
      %dma_wait3A_1009 = arith.constant 8 : i32
      %dma_wait3A_1010 = arith.constant 0 : i32
      %dma_wait3A_1011 = tpu.memref_slice %arg7[%dma_wait3A_1009, %dma_wait3A_1010] : memref<328x64xf32, #tpu.memory_space<vmem_shared>> -> memref<128x64xf32, #tpu.memory_space<vmem_shared>>
      %dma_wait3A_1012 = arith.constant 8 : i32
      %dma_wait3A_1013 = arith.constant 0 : i32
      %dma_wait3A_1014 = tpu.memref_slice %arg7[%dma_wait3A_1012, %dma_wait3A_1013] : memref<328x64xf32, #tpu.memory_space<vmem_shared>> -> memref<128x64xf32, #tpu.memory_space<vmem_shared>>
      tpu.wait_dma2 semaphore(%run_scoped3A : memref<!tpu.dma_semaphore, #tpu.memory_space<semaphore_mem>>) src(%dma_wait3A_1014 : memref<128x64xf32, #tpu.memory_space<vmem_shared>>) dst(%arg9 : memref<128x64xf32, #tpu.memory_space<vmem>>)
      tpu.yield
    }) : () -> ()
    %dma_start3A_208 = arith.constant 1408 : i32
    %dma_start3A_209 = tpu.memref_slice %arg6[%dma_start3A_208] : memref<6400xi32, #tpu.memory_space<vmem>> -> memref<128xi32, #tpu.memory_space<vmem>>
    %dma_start3A_210 = arith.constant 0 : i32
    %dma_start3A_211 = arith.constant 0 : i32
    %dma_start3A_212 = tpu.memref_slice %arg3[%dma_start3A_210, %dma_start3A_211] : memref<1000000x64xf32, #tpu.memory_space<hbm>> -> memref<1000000x64xf32, #tpu.memory_space<hbm>>
    tpu.enqueue_indirect_dma source(%dma_start3A_212 : memref<1000000x64xf32, #tpu.memory_space<hbm>>) target(%arg9 : memref<128x64xf32, #tpu.memory_space<vmem>>) offsets(%dma_start3A_209 : memref<128xi32, #tpu.memory_space<vmem>>) semaphore(%arg11 : memref<!tpu.dma_semaphore, #tpu.memory_space<semaphore_mem>>) {add = true}
    %dma_wait3A_213 = arith.constant 1280 : i32
    %dma_wait3A_214 = tpu.memref_slice %arg6[%dma_wait3A_213] : memref<6400xi32, #tpu.memory_space<vmem>> -> memref<128xi32, #tpu.memory_space<vmem>>
    %dma_wait3A_215 = arith.constant 0 : i32
    %dma_wait3A_216 = arith.constant 0 : i32
    %dma_wait3A_217 = tpu.memref_slice %arg3[%dma_wait3A_215, %dma_wait3A_216] : memref<1000000x64xf32, #tpu.memory_space<hbm>> -> memref<1000000x64xf32, #tpu.memory_space<hbm>>
    tpu.wait_indirect_dma semaphore(%arg10 : memref<!tpu.dma_semaphore, #tpu.memory_space<semaphore_mem>>) src(%dma_wait3A_217 : memref<1000000x64xf32, #tpu.memory_space<hbm>>) dst(%arg8 : memref<128x64xf32, #tpu.memory_space<vmem>>)
    %add3A_218 = arith.constant 1280 : i32
    %add3A_219 = arith.addi %mul3A_2, %add3A_218 : i32
    %dma_start3A_220 = arith.constant 0 : i32
    %dma_start3A_221 = tpu.memref_slice %arg5[%add3A_219, %dma_start3A_220] : memref<204800x64xf32, #tpu.memory_space<hbm>> -> memref<128x64xf32, #tpu.memory_space<hbm>>
    %dma_start3A_222 = arith.constant 0 : i32
    %dma_start3A_223 = tpu.memref_slice %arg5[%add3A_219, %dma_start3A_222] : memref<204800x64xf32, #tpu.memory_space<hbm>> -> memref<128x64xf32, #tpu.memory_space<hbm>>
    tpu.enqueue_dma source(%arg8 : memref<128x64xf32, #tpu.memory_space<vmem>>) target(%dma_start3A_223 : memref<128x64xf32, #tpu.memory_space<hbm>>) target_semaphore(%arg12 : memref<!tpu.dma_semaphore, #tpu.memory_space<semaphore_mem>>)
    %dma_wait3A_224 = arith.constant 0 : i32
    %dma_wait3A_225 = tpu.memref_slice %arg5[%add3A_219, %dma_wait3A_224] : memref<204800x64xf32, #tpu.memory_space<hbm>> -> memref<128x64xf32, #tpu.memory_space<hbm>>
    %dma_wait3A_226 = arith.constant 0 : i32
    %dma_wait3A_227 = tpu.memref_slice %arg5[%add3A_219, %dma_wait3A_226] : memref<204800x64xf32, #tpu.memory_space<hbm>> -> memref<128x64xf32, #tpu.memory_space<hbm>>
    tpu.wait_dma2 semaphore(%arg12 : memref<!tpu.dma_semaphore, #tpu.memory_space<semaphore_mem>>) src(%arg8 : memref<128x64xf32, #tpu.memory_space<vmem>>) dst(%dma_wait3A_227 : memref<128x64xf32, #tpu.memory_space<hbm>>)
    "tpu.region"() ({
      %run_scoped3A = tpu.sem_alloc : memref<!tpu.dma_semaphore, #tpu.memory_space<semaphore_mem>>
      %dma_start3A_1003 = arith.constant 136 : i32
      %dma_start3A_1004 = arith.constant 0 : i32
      %dma_start3A_1005 = tpu.memref_slice %arg7[%dma_start3A_1003, %dma_start3A_1004] : memref<328x64xf32, #tpu.memory_space<vmem_shared>> -> memref<128x64xf32, #tpu.memory_space<vmem_shared>>
      %dma_start3A_1006 = arith.constant 136 : i32
      %dma_start3A_1007 = arith.constant 0 : i32
      %dma_start3A_1008 = tpu.memref_slice %arg7[%dma_start3A_1006, %dma_start3A_1007] : memref<328x64xf32, #tpu.memory_space<vmem_shared>> -> memref<128x64xf32, #tpu.memory_space<vmem_shared>>
      tpu.enqueue_dma source(%dma_start3A_1008 : memref<128x64xf32, #tpu.memory_space<vmem_shared>>) target(%arg8 : memref<128x64xf32, #tpu.memory_space<vmem>>) target_semaphore(%run_scoped3A : memref<!tpu.dma_semaphore, #tpu.memory_space<semaphore_mem>>)
      %dma_wait3A_1009 = arith.constant 136 : i32
      %dma_wait3A_1010 = arith.constant 0 : i32
      %dma_wait3A_1011 = tpu.memref_slice %arg7[%dma_wait3A_1009, %dma_wait3A_1010] : memref<328x64xf32, #tpu.memory_space<vmem_shared>> -> memref<128x64xf32, #tpu.memory_space<vmem_shared>>
      %dma_wait3A_1012 = arith.constant 136 : i32
      %dma_wait3A_1013 = arith.constant 0 : i32
      %dma_wait3A_1014 = tpu.memref_slice %arg7[%dma_wait3A_1012, %dma_wait3A_1013] : memref<328x64xf32, #tpu.memory_space<vmem_shared>> -> memref<128x64xf32, #tpu.memory_space<vmem_shared>>
      tpu.wait_dma2 semaphore(%run_scoped3A : memref<!tpu.dma_semaphore, #tpu.memory_space<semaphore_mem>>) src(%dma_wait3A_1014 : memref<128x64xf32, #tpu.memory_space<vmem_shared>>) dst(%arg8 : memref<128x64xf32, #tpu.memory_space<vmem>>)
      tpu.yield
    }) : () -> ()
    %dma_start3A_228 = arith.constant 1536 : i32
    %dma_start3A_229 = tpu.memref_slice %arg6[%dma_start3A_228] : memref<6400xi32, #tpu.memory_space<vmem>> -> memref<128xi32, #tpu.memory_space<vmem>>
    %dma_start3A_230 = arith.constant 0 : i32
    %dma_start3A_231 = arith.constant 0 : i32
    %dma_start3A_232 = tpu.memref_slice %arg3[%dma_start3A_230, %dma_start3A_231] : memref<1000000x64xf32, #tpu.memory_space<hbm>> -> memref<1000000x64xf32, #tpu.memory_space<hbm>>
    tpu.enqueue_indirect_dma source(%dma_start3A_232 : memref<1000000x64xf32, #tpu.memory_space<hbm>>) target(%arg8 : memref<128x64xf32, #tpu.memory_space<vmem>>) offsets(%dma_start3A_229 : memref<128xi32, #tpu.memory_space<vmem>>) semaphore(%arg10 : memref<!tpu.dma_semaphore, #tpu.memory_space<semaphore_mem>>) {add = true}
    %dma_wait3A_233 = arith.constant 1408 : i32
    %dma_wait3A_234 = tpu.memref_slice %arg6[%dma_wait3A_233] : memref<6400xi32, #tpu.memory_space<vmem>> -> memref<128xi32, #tpu.memory_space<vmem>>
    %dma_wait3A_235 = arith.constant 0 : i32
    %dma_wait3A_236 = arith.constant 0 : i32
    %dma_wait3A_237 = tpu.memref_slice %arg3[%dma_wait3A_235, %dma_wait3A_236] : memref<1000000x64xf32, #tpu.memory_space<hbm>> -> memref<1000000x64xf32, #tpu.memory_space<hbm>>
    tpu.wait_indirect_dma semaphore(%arg11 : memref<!tpu.dma_semaphore, #tpu.memory_space<semaphore_mem>>) src(%dma_wait3A_237 : memref<1000000x64xf32, #tpu.memory_space<hbm>>) dst(%arg9 : memref<128x64xf32, #tpu.memory_space<vmem>>)
    %add3A_238 = arith.constant 1408 : i32
    %add3A_239 = arith.addi %mul3A_2, %add3A_238 : i32
    %dma_start3A_240 = arith.constant 0 : i32
    %dma_start3A_241 = tpu.memref_slice %arg5[%add3A_239, %dma_start3A_240] : memref<204800x64xf32, #tpu.memory_space<hbm>> -> memref<128x64xf32, #tpu.memory_space<hbm>>
    %dma_start3A_242 = arith.constant 0 : i32
    %dma_start3A_243 = tpu.memref_slice %arg5[%add3A_239, %dma_start3A_242] : memref<204800x64xf32, #tpu.memory_space<hbm>> -> memref<128x64xf32, #tpu.memory_space<hbm>>
    tpu.enqueue_dma source(%arg9 : memref<128x64xf32, #tpu.memory_space<vmem>>) target(%dma_start3A_243 : memref<128x64xf32, #tpu.memory_space<hbm>>) target_semaphore(%arg13 : memref<!tpu.dma_semaphore, #tpu.memory_space<semaphore_mem>>)
    %dma_wait3A_244 = arith.constant 0 : i32
    %dma_wait3A_245 = tpu.memref_slice %arg5[%add3A_239, %dma_wait3A_244] : memref<204800x64xf32, #tpu.memory_space<hbm>> -> memref<128x64xf32, #tpu.memory_space<hbm>>
    %dma_wait3A_246 = arith.constant 0 : i32
    %dma_wait3A_247 = tpu.memref_slice %arg5[%add3A_239, %dma_wait3A_246] : memref<204800x64xf32, #tpu.memory_space<hbm>> -> memref<128x64xf32, #tpu.memory_space<hbm>>
    tpu.wait_dma2 semaphore(%arg13 : memref<!tpu.dma_semaphore, #tpu.memory_space<semaphore_mem>>) src(%arg9 : memref<128x64xf32, #tpu.memory_space<vmem>>) dst(%dma_wait3A_247 : memref<128x64xf32, #tpu.memory_space<hbm>>)
    "tpu.region"() ({
      %run_scoped3A = tpu.sem_alloc : memref<!tpu.dma_semaphore, #tpu.memory_space<semaphore_mem>>
      %dma_start3A_1003 = arith.constant 64 : i32
      %dma_start3A_1004 = arith.constant 0 : i32
      %dma_start3A_1005 = tpu.memref_slice %arg7[%dma_start3A_1003, %dma_start3A_1004] : memref<328x64xf32, #tpu.memory_space<vmem_shared>> -> memref<128x64xf32, #tpu.memory_space<vmem_shared>>
      %dma_start3A_1006 = arith.constant 64 : i32
      %dma_start3A_1007 = arith.constant 0 : i32
      %dma_start3A_1008 = tpu.memref_slice %arg7[%dma_start3A_1006, %dma_start3A_1007] : memref<328x64xf32, #tpu.memory_space<vmem_shared>> -> memref<128x64xf32, #tpu.memory_space<vmem_shared>>
      tpu.enqueue_dma source(%dma_start3A_1008 : memref<128x64xf32, #tpu.memory_space<vmem_shared>>) target(%arg9 : memref<128x64xf32, #tpu.memory_space<vmem>>) target_semaphore(%run_scoped3A : memref<!tpu.dma_semaphore, #tpu.memory_space<semaphore_mem>>)
      %dma_wait3A_1009 = arith.constant 64 : i32
      %dma_wait3A_1010 = arith.constant 0 : i32
      %dma_wait3A_1011 = tpu.memref_slice %arg7[%dma_wait3A_1009, %dma_wait3A_1010] : memref<328x64xf32, #tpu.memory_space<vmem_shared>> -> memref<128x64xf32, #tpu.memory_space<vmem_shared>>
      %dma_wait3A_1012 = arith.constant 64 : i32
      %dma_wait3A_1013 = arith.constant 0 : i32
      %dma_wait3A_1014 = tpu.memref_slice %arg7[%dma_wait3A_1012, %dma_wait3A_1013] : memref<328x64xf32, #tpu.memory_space<vmem_shared>> -> memref<128x64xf32, #tpu.memory_space<vmem_shared>>
      tpu.wait_dma2 semaphore(%run_scoped3A : memref<!tpu.dma_semaphore, #tpu.memory_space<semaphore_mem>>) src(%dma_wait3A_1014 : memref<128x64xf32, #tpu.memory_space<vmem_shared>>) dst(%arg9 : memref<128x64xf32, #tpu.memory_space<vmem>>)
      tpu.yield
    }) : () -> ()
    %dma_start3A_248 = arith.constant 1664 : i32
    %dma_start3A_249 = tpu.memref_slice %arg6[%dma_start3A_248] : memref<6400xi32, #tpu.memory_space<vmem>> -> memref<128xi32, #tpu.memory_space<vmem>>
    %dma_start3A_250 = arith.constant 0 : i32
    %dma_start3A_251 = arith.constant 0 : i32
    %dma_start3A_252 = tpu.memref_slice %arg3[%dma_start3A_250, %dma_start3A_251] : memref<1000000x64xf32, #tpu.memory_space<hbm>> -> memref<1000000x64xf32, #tpu.memory_space<hbm>>
    tpu.enqueue_indirect_dma source(%dma_start3A_252 : memref<1000000x64xf32, #tpu.memory_space<hbm>>) target(%arg9 : memref<128x64xf32, #tpu.memory_space<vmem>>) offsets(%dma_start3A_249 : memref<128xi32, #tpu.memory_space<vmem>>) semaphore(%arg11 : memref<!tpu.dma_semaphore, #tpu.memory_space<semaphore_mem>>) {add = true}
    %dma_wait3A_253 = arith.constant 1536 : i32
    %dma_wait3A_254 = tpu.memref_slice %arg6[%dma_wait3A_253] : memref<6400xi32, #tpu.memory_space<vmem>> -> memref<128xi32, #tpu.memory_space<vmem>>
    %dma_wait3A_255 = arith.constant 0 : i32
    %dma_wait3A_256 = arith.constant 0 : i32
    %dma_wait3A_257 = tpu.memref_slice %arg3[%dma_wait3A_255, %dma_wait3A_256] : memref<1000000x64xf32, #tpu.memory_space<hbm>> -> memref<1000000x64xf32, #tpu.memory_space<hbm>>
    tpu.wait_indirect_dma semaphore(%arg10 : memref<!tpu.dma_semaphore, #tpu.memory_space<semaphore_mem>>) src(%dma_wait3A_257 : memref<1000000x64xf32, #tpu.memory_space<hbm>>) dst(%arg8 : memref<128x64xf32, #tpu.memory_space<vmem>>)
    %add3A_258 = arith.constant 1536 : i32
    %add3A_259 = arith.addi %mul3A_2, %add3A_258 : i32
    %dma_start3A_260 = arith.constant 0 : i32
    %dma_start3A_261 = tpu.memref_slice %arg5[%add3A_259, %dma_start3A_260] : memref<204800x64xf32, #tpu.memory_space<hbm>> -> memref<128x64xf32, #tpu.memory_space<hbm>>
    %dma_start3A_262 = arith.constant 0 : i32
    %dma_start3A_263 = tpu.memref_slice %arg5[%add3A_259, %dma_start3A_262] : memref<204800x64xf32, #tpu.memory_space<hbm>> -> memref<128x64xf32, #tpu.memory_space<hbm>>
    tpu.enqueue_dma source(%arg8 : memref<128x64xf32, #tpu.memory_space<vmem>>) target(%dma_start3A_263 : memref<128x64xf32, #tpu.memory_space<hbm>>) target_semaphore(%arg12 : memref<!tpu.dma_semaphore, #tpu.memory_space<semaphore_mem>>)
    %dma_wait3A_264 = arith.constant 0 : i32
    %dma_wait3A_265 = tpu.memref_slice %arg5[%add3A_259, %dma_wait3A_264] : memref<204800x64xf32, #tpu.memory_space<hbm>> -> memref<128x64xf32, #tpu.memory_space<hbm>>
    %dma_wait3A_266 = arith.constant 0 : i32
    %dma_wait3A_267 = tpu.memref_slice %arg5[%add3A_259, %dma_wait3A_266] : memref<204800x64xf32, #tpu.memory_space<hbm>> -> memref<128x64xf32, #tpu.memory_space<hbm>>
    tpu.wait_dma2 semaphore(%arg12 : memref<!tpu.dma_semaphore, #tpu.memory_space<semaphore_mem>>) src(%arg8 : memref<128x64xf32, #tpu.memory_space<vmem>>) dst(%dma_wait3A_267 : memref<128x64xf32, #tpu.memory_space<hbm>>)
    "tpu.region"() ({
      %run_scoped3A = tpu.sem_alloc : memref<!tpu.dma_semaphore, #tpu.memory_space<semaphore_mem>>
      %dma_start3A_1003 = arith.constant 192 : i32
      %dma_start3A_1004 = arith.constant 0 : i32
      %dma_start3A_1005 = tpu.memref_slice %arg7[%dma_start3A_1003, %dma_start3A_1004] : memref<328x64xf32, #tpu.memory_space<vmem_shared>> -> memref<128x64xf32, #tpu.memory_space<vmem_shared>>
      %dma_start3A_1006 = arith.constant 192 : i32
      %dma_start3A_1007 = arith.constant 0 : i32
      %dma_start3A_1008 = tpu.memref_slice %arg7[%dma_start3A_1006, %dma_start3A_1007] : memref<328x64xf32, #tpu.memory_space<vmem_shared>> -> memref<128x64xf32, #tpu.memory_space<vmem_shared>>
      tpu.enqueue_dma source(%dma_start3A_1008 : memref<128x64xf32, #tpu.memory_space<vmem_shared>>) target(%arg8 : memref<128x64xf32, #tpu.memory_space<vmem>>) target_semaphore(%run_scoped3A : memref<!tpu.dma_semaphore, #tpu.memory_space<semaphore_mem>>)
      %dma_wait3A_1009 = arith.constant 192 : i32
      %dma_wait3A_1010 = arith.constant 0 : i32
      %dma_wait3A_1011 = tpu.memref_slice %arg7[%dma_wait3A_1009, %dma_wait3A_1010] : memref<328x64xf32, #tpu.memory_space<vmem_shared>> -> memref<128x64xf32, #tpu.memory_space<vmem_shared>>
      %dma_wait3A_1012 = arith.constant 192 : i32
      %dma_wait3A_1013 = arith.constant 0 : i32
      %dma_wait3A_1014 = tpu.memref_slice %arg7[%dma_wait3A_1012, %dma_wait3A_1013] : memref<328x64xf32, #tpu.memory_space<vmem_shared>> -> memref<128x64xf32, #tpu.memory_space<vmem_shared>>
      tpu.wait_dma2 semaphore(%run_scoped3A : memref<!tpu.dma_semaphore, #tpu.memory_space<semaphore_mem>>) src(%dma_wait3A_1014 : memref<128x64xf32, #tpu.memory_space<vmem_shared>>) dst(%arg8 : memref<128x64xf32, #tpu.memory_space<vmem>>)
      tpu.yield
    }) : () -> ()
    %dma_start3A_268 = arith.constant 1792 : i32
    %dma_start3A_269 = tpu.memref_slice %arg6[%dma_start3A_268] : memref<6400xi32, #tpu.memory_space<vmem>> -> memref<128xi32, #tpu.memory_space<vmem>>
    %dma_start3A_270 = arith.constant 0 : i32
    %dma_start3A_271 = arith.constant 0 : i32
    %dma_start3A_272 = tpu.memref_slice %arg3[%dma_start3A_270, %dma_start3A_271] : memref<1000000x64xf32, #tpu.memory_space<hbm>> -> memref<1000000x64xf32, #tpu.memory_space<hbm>>
    tpu.enqueue_indirect_dma source(%dma_start3A_272 : memref<1000000x64xf32, #tpu.memory_space<hbm>>) target(%arg8 : memref<128x64xf32, #tpu.memory_space<vmem>>) offsets(%dma_start3A_269 : memref<128xi32, #tpu.memory_space<vmem>>) semaphore(%arg10 : memref<!tpu.dma_semaphore, #tpu.memory_space<semaphore_mem>>) {add = true}
    %dma_wait3A_273 = arith.constant 1664 : i32
    %dma_wait3A_274 = tpu.memref_slice %arg6[%dma_wait3A_273] : memref<6400xi32, #tpu.memory_space<vmem>> -> memref<128xi32, #tpu.memory_space<vmem>>
    %dma_wait3A_275 = arith.constant 0 : i32
    %dma_wait3A_276 = arith.constant 0 : i32
    %dma_wait3A_277 = tpu.memref_slice %arg3[%dma_wait3A_275, %dma_wait3A_276] : memref<1000000x64xf32, #tpu.memory_space<hbm>> -> memref<1000000x64xf32, #tpu.memory_space<hbm>>
    tpu.wait_indirect_dma semaphore(%arg11 : memref<!tpu.dma_semaphore, #tpu.memory_space<semaphore_mem>>) src(%dma_wait3A_277 : memref<1000000x64xf32, #tpu.memory_space<hbm>>) dst(%arg9 : memref<128x64xf32, #tpu.memory_space<vmem>>)
    %add3A_278 = arith.constant 1664 : i32
    %add3A_279 = arith.addi %mul3A_2, %add3A_278 : i32
    %dma_start3A_280 = arith.constant 0 : i32
    %dma_start3A_281 = tpu.memref_slice %arg5[%add3A_279, %dma_start3A_280] : memref<204800x64xf32, #tpu.memory_space<hbm>> -> memref<128x64xf32, #tpu.memory_space<hbm>>
    %dma_start3A_282 = arith.constant 0 : i32
    %dma_start3A_283 = tpu.memref_slice %arg5[%add3A_279, %dma_start3A_282] : memref<204800x64xf32, #tpu.memory_space<hbm>> -> memref<128x64xf32, #tpu.memory_space<hbm>>
    tpu.enqueue_dma source(%arg9 : memref<128x64xf32, #tpu.memory_space<vmem>>) target(%dma_start3A_283 : memref<128x64xf32, #tpu.memory_space<hbm>>) target_semaphore(%arg13 : memref<!tpu.dma_semaphore, #tpu.memory_space<semaphore_mem>>)
    %dma_wait3A_284 = arith.constant 0 : i32
    %dma_wait3A_285 = tpu.memref_slice %arg5[%add3A_279, %dma_wait3A_284] : memref<204800x64xf32, #tpu.memory_space<hbm>> -> memref<128x64xf32, #tpu.memory_space<hbm>>
    %dma_wait3A_286 = arith.constant 0 : i32
    %dma_wait3A_287 = tpu.memref_slice %arg5[%add3A_279, %dma_wait3A_286] : memref<204800x64xf32, #tpu.memory_space<hbm>> -> memref<128x64xf32, #tpu.memory_space<hbm>>
    tpu.wait_dma2 semaphore(%arg13 : memref<!tpu.dma_semaphore, #tpu.memory_space<semaphore_mem>>) src(%arg9 : memref<128x64xf32, #tpu.memory_space<vmem>>) dst(%dma_wait3A_287 : memref<128x64xf32, #tpu.memory_space<hbm>>)
    "tpu.region"() ({
      %run_scoped3A = tpu.sem_alloc : memref<!tpu.dma_semaphore, #tpu.memory_space<semaphore_mem>>
      %dma_start3A_1003 = arith.constant 120 : i32
      %dma_start3A_1004 = arith.constant 0 : i32
      %dma_start3A_1005 = tpu.memref_slice %arg7[%dma_start3A_1003, %dma_start3A_1004] : memref<328x64xf32, #tpu.memory_space<vmem_shared>> -> memref<128x64xf32, #tpu.memory_space<vmem_shared>>
      %dma_start3A_1006 = arith.constant 120 : i32
      %dma_start3A_1007 = arith.constant 0 : i32
      %dma_start3A_1008 = tpu.memref_slice %arg7[%dma_start3A_1006, %dma_start3A_1007] : memref<328x64xf32, #tpu.memory_space<vmem_shared>> -> memref<128x64xf32, #tpu.memory_space<vmem_shared>>
      tpu.enqueue_dma source(%dma_start3A_1008 : memref<128x64xf32, #tpu.memory_space<vmem_shared>>) target(%arg9 : memref<128x64xf32, #tpu.memory_space<vmem>>) target_semaphore(%run_scoped3A : memref<!tpu.dma_semaphore, #tpu.memory_space<semaphore_mem>>)
      %dma_wait3A_1009 = arith.constant 120 : i32
      %dma_wait3A_1010 = arith.constant 0 : i32
      %dma_wait3A_1011 = tpu.memref_slice %arg7[%dma_wait3A_1009, %dma_wait3A_1010] : memref<328x64xf32, #tpu.memory_space<vmem_shared>> -> memref<128x64xf32, #tpu.memory_space<vmem_shared>>
      %dma_wait3A_1012 = arith.constant 120 : i32
      %dma_wait3A_1013 = arith.constant 0 : i32
      %dma_wait3A_1014 = tpu.memref_slice %arg7[%dma_wait3A_1012, %dma_wait3A_1013] : memref<328x64xf32, #tpu.memory_space<vmem_shared>> -> memref<128x64xf32, #tpu.memory_space<vmem_shared>>
      tpu.wait_dma2 semaphore(%run_scoped3A : memref<!tpu.dma_semaphore, #tpu.memory_space<semaphore_mem>>) src(%dma_wait3A_1014 : memref<128x64xf32, #tpu.memory_space<vmem_shared>>) dst(%arg9 : memref<128x64xf32, #tpu.memory_space<vmem>>)
      tpu.yield
    }) : () -> ()
    %dma_start3A_288 = arith.constant 1920 : i32
    %dma_start3A_289 = tpu.memref_slice %arg6[%dma_start3A_288] : memref<6400xi32, #tpu.memory_space<vmem>> -> memref<128xi32, #tpu.memory_space<vmem>>
    %dma_start3A_290 = arith.constant 0 : i32
    %dma_start3A_291 = arith.constant 0 : i32
    %dma_start3A_292 = tpu.memref_slice %arg3[%dma_start3A_290, %dma_start3A_291] : memref<1000000x64xf32, #tpu.memory_space<hbm>> -> memref<1000000x64xf32, #tpu.memory_space<hbm>>
    tpu.enqueue_indirect_dma source(%dma_start3A_292 : memref<1000000x64xf32, #tpu.memory_space<hbm>>) target(%arg9 : memref<128x64xf32, #tpu.memory_space<vmem>>) offsets(%dma_start3A_289 : memref<128xi32, #tpu.memory_space<vmem>>) semaphore(%arg11 : memref<!tpu.dma_semaphore, #tpu.memory_space<semaphore_mem>>) {add = true}
    %dma_wait3A_293 = arith.constant 1792 : i32
    %dma_wait3A_294 = tpu.memref_slice %arg6[%dma_wait3A_293] : memref<6400xi32, #tpu.memory_space<vmem>> -> memref<128xi32, #tpu.memory_space<vmem>>
    %dma_wait3A_295 = arith.constant 0 : i32
    %dma_wait3A_296 = arith.constant 0 : i32
    %dma_wait3A_297 = tpu.memref_slice %arg3[%dma_wait3A_295, %dma_wait3A_296] : memref<1000000x64xf32, #tpu.memory_space<hbm>> -> memref<1000000x64xf32, #tpu.memory_space<hbm>>
    tpu.wait_indirect_dma semaphore(%arg10 : memref<!tpu.dma_semaphore, #tpu.memory_space<semaphore_mem>>) src(%dma_wait3A_297 : memref<1000000x64xf32, #tpu.memory_space<hbm>>) dst(%arg8 : memref<128x64xf32, #tpu.memory_space<vmem>>)
    %add3A_298 = arith.constant 1792 : i32
    %add3A_299 = arith.addi %mul3A_2, %add3A_298 : i32
    %dma_start3A_300 = arith.constant 0 : i32
    %dma_start3A_301 = tpu.memref_slice %arg5[%add3A_299, %dma_start3A_300] : memref<204800x64xf32, #tpu.memory_space<hbm>> -> memref<128x64xf32, #tpu.memory_space<hbm>>
    %dma_start3A_302 = arith.constant 0 : i32
    %dma_start3A_303 = tpu.memref_slice %arg5[%add3A_299, %dma_start3A_302] : memref<204800x64xf32, #tpu.memory_space<hbm>> -> memref<128x64xf32, #tpu.memory_space<hbm>>
    tpu.enqueue_dma source(%arg8 : memref<128x64xf32, #tpu.memory_space<vmem>>) target(%dma_start3A_303 : memref<128x64xf32, #tpu.memory_space<hbm>>) target_semaphore(%arg12 : memref<!tpu.dma_semaphore, #tpu.memory_space<semaphore_mem>>)
    %dma_wait3A_304 = arith.constant 0 : i32
    %dma_wait3A_305 = tpu.memref_slice %arg5[%add3A_299, %dma_wait3A_304] : memref<204800x64xf32, #tpu.memory_space<hbm>> -> memref<128x64xf32, #tpu.memory_space<hbm>>
    %dma_wait3A_306 = arith.constant 0 : i32
    %dma_wait3A_307 = tpu.memref_slice %arg5[%add3A_299, %dma_wait3A_306] : memref<204800x64xf32, #tpu.memory_space<hbm>> -> memref<128x64xf32, #tpu.memory_space<hbm>>
    tpu.wait_dma2 semaphore(%arg12 : memref<!tpu.dma_semaphore, #tpu.memory_space<semaphore_mem>>) src(%arg8 : memref<128x64xf32, #tpu.memory_space<vmem>>) dst(%dma_wait3A_307 : memref<128x64xf32, #tpu.memory_space<hbm>>)
    "tpu.region"() ({
      %run_scoped3A = tpu.sem_alloc : memref<!tpu.dma_semaphore, #tpu.memory_space<semaphore_mem>>
      %dma_start3A_1003 = arith.constant 48 : i32
      %dma_start3A_1004 = arith.constant 0 : i32
      %dma_start3A_1005 = tpu.memref_slice %arg7[%dma_start3A_1003, %dma_start3A_1004] : memref<328x64xf32, #tpu.memory_space<vmem_shared>> -> memref<128x64xf32, #tpu.memory_space<vmem_shared>>
      %dma_start3A_1006 = arith.constant 48 : i32
      %dma_start3A_1007 = arith.constant 0 : i32
      %dma_start3A_1008 = tpu.memref_slice %arg7[%dma_start3A_1006, %dma_start3A_1007] : memref<328x64xf32, #tpu.memory_space<vmem_shared>> -> memref<128x64xf32, #tpu.memory_space<vmem_shared>>
      tpu.enqueue_dma source(%dma_start3A_1008 : memref<128x64xf32, #tpu.memory_space<vmem_shared>>) target(%arg8 : memref<128x64xf32, #tpu.memory_space<vmem>>) target_semaphore(%run_scoped3A : memref<!tpu.dma_semaphore, #tpu.memory_space<semaphore_mem>>)
      %dma_wait3A_1009 = arith.constant 48 : i32
      %dma_wait3A_1010 = arith.constant 0 : i32
      %dma_wait3A_1011 = tpu.memref_slice %arg7[%dma_wait3A_1009, %dma_wait3A_1010] : memref<328x64xf32, #tpu.memory_space<vmem_shared>> -> memref<128x64xf32, #tpu.memory_space<vmem_shared>>
      %dma_wait3A_1012 = arith.constant 48 : i32
      %dma_wait3A_1013 = arith.constant 0 : i32
      %dma_wait3A_1014 = tpu.memref_slice %arg7[%dma_wait3A_1012, %dma_wait3A_1013] : memref<328x64xf32, #tpu.memory_space<vmem_shared>> -> memref<128x64xf32, #tpu.memory_space<vmem_shared>>
      tpu.wait_dma2 semaphore(%run_scoped3A : memref<!tpu.dma_semaphore, #tpu.memory_space<semaphore_mem>>) src(%dma_wait3A_1014 : memref<128x64xf32, #tpu.memory_space<vmem_shared>>) dst(%arg8 : memref<128x64xf32, #tpu.memory_space<vmem>>)
      tpu.yield
    }) : () -> ()
    %dma_start3A_308 = arith.constant 2048 : i32
    %dma_start3A_309 = tpu.memref_slice %arg6[%dma_start3A_308] : memref<6400xi32, #tpu.memory_space<vmem>> -> memref<128xi32, #tpu.memory_space<vmem>>
    %dma_start3A_310 = arith.constant 0 : i32
    %dma_start3A_311 = arith.constant 0 : i32
    %dma_start3A_312 = tpu.memref_slice %arg3[%dma_start3A_310, %dma_start3A_311] : memref<1000000x64xf32, #tpu.memory_space<hbm>> -> memref<1000000x64xf32, #tpu.memory_space<hbm>>
    tpu.enqueue_indirect_dma source(%dma_start3A_312 : memref<1000000x64xf32, #tpu.memory_space<hbm>>) target(%arg8 : memref<128x64xf32, #tpu.memory_space<vmem>>) offsets(%dma_start3A_309 : memref<128xi32, #tpu.memory_space<vmem>>) semaphore(%arg10 : memref<!tpu.dma_semaphore, #tpu.memory_space<semaphore_mem>>) {add = true}
    %dma_wait3A_313 = arith.constant 1920 : i32
    %dma_wait3A_314 = tpu.memref_slice %arg6[%dma_wait3A_313] : memref<6400xi32, #tpu.memory_space<vmem>> -> memref<128xi32, #tpu.memory_space<vmem>>
    %dma_wait3A_315 = arith.constant 0 : i32
    %dma_wait3A_316 = arith.constant 0 : i32
    %dma_wait3A_317 = tpu.memref_slice %arg3[%dma_wait3A_315, %dma_wait3A_316] : memref<1000000x64xf32, #tpu.memory_space<hbm>> -> memref<1000000x64xf32, #tpu.memory_space<hbm>>
    tpu.wait_indirect_dma semaphore(%arg11 : memref<!tpu.dma_semaphore, #tpu.memory_space<semaphore_mem>>) src(%dma_wait3A_317 : memref<1000000x64xf32, #tpu.memory_space<hbm>>) dst(%arg9 : memref<128x64xf32, #tpu.memory_space<vmem>>)
    %add3A_318 = arith.constant 1920 : i32
    %add3A_319 = arith.addi %mul3A_2, %add3A_318 : i32
    %dma_start3A_320 = arith.constant 0 : i32
    %dma_start3A_321 = tpu.memref_slice %arg5[%add3A_319, %dma_start3A_320] : memref<204800x64xf32, #tpu.memory_space<hbm>> -> memref<128x64xf32, #tpu.memory_space<hbm>>
    %dma_start3A_322 = arith.constant 0 : i32
    %dma_start3A_323 = tpu.memref_slice %arg5[%add3A_319, %dma_start3A_322] : memref<204800x64xf32, #tpu.memory_space<hbm>> -> memref<128x64xf32, #tpu.memory_space<hbm>>
    tpu.enqueue_dma source(%arg9 : memref<128x64xf32, #tpu.memory_space<vmem>>) target(%dma_start3A_323 : memref<128x64xf32, #tpu.memory_space<hbm>>) target_semaphore(%arg13 : memref<!tpu.dma_semaphore, #tpu.memory_space<semaphore_mem>>)
    %dma_wait3A_324 = arith.constant 0 : i32
    %dma_wait3A_325 = tpu.memref_slice %arg5[%add3A_319, %dma_wait3A_324] : memref<204800x64xf32, #tpu.memory_space<hbm>> -> memref<128x64xf32, #tpu.memory_space<hbm>>
    %dma_wait3A_326 = arith.constant 0 : i32
    %dma_wait3A_327 = tpu.memref_slice %arg5[%add3A_319, %dma_wait3A_326] : memref<204800x64xf32, #tpu.memory_space<hbm>> -> memref<128x64xf32, #tpu.memory_space<hbm>>
    tpu.wait_dma2 semaphore(%arg13 : memref<!tpu.dma_semaphore, #tpu.memory_space<semaphore_mem>>) src(%arg9 : memref<128x64xf32, #tpu.memory_space<vmem>>) dst(%dma_wait3A_327 : memref<128x64xf32, #tpu.memory_space<hbm>>)
    "tpu.region"() ({
      %run_scoped3A = tpu.sem_alloc : memref<!tpu.dma_semaphore, #tpu.memory_space<semaphore_mem>>
      %dma_start3A_1003 = arith.constant 176 : i32
      %dma_start3A_1004 = arith.constant 0 : i32
      %dma_start3A_1005 = tpu.memref_slice %arg7[%dma_start3A_1003, %dma_start3A_1004] : memref<328x64xf32, #tpu.memory_space<vmem_shared>> -> memref<128x64xf32, #tpu.memory_space<vmem_shared>>
      %dma_start3A_1006 = arith.constant 176 : i32
      %dma_start3A_1007 = arith.constant 0 : i32
      %dma_start3A_1008 = tpu.memref_slice %arg7[%dma_start3A_1006, %dma_start3A_1007] : memref<328x64xf32, #tpu.memory_space<vmem_shared>> -> memref<128x64xf32, #tpu.memory_space<vmem_shared>>
      tpu.enqueue_dma source(%dma_start3A_1008 : memref<128x64xf32, #tpu.memory_space<vmem_shared>>) target(%arg9 : memref<128x64xf32, #tpu.memory_space<vmem>>) target_semaphore(%run_scoped3A : memref<!tpu.dma_semaphore, #tpu.memory_space<semaphore_mem>>)
      %dma_wait3A_1009 = arith.constant 176 : i32
      %dma_wait3A_1010 = arith.constant 0 : i32
      %dma_wait3A_1011 = tpu.memref_slice %arg7[%dma_wait3A_1009, %dma_wait3A_1010] : memref<328x64xf32, #tpu.memory_space<vmem_shared>> -> memref<128x64xf32, #tpu.memory_space<vmem_shared>>
      %dma_wait3A_1012 = arith.constant 176 : i32
      %dma_wait3A_1013 = arith.constant 0 : i32
      %dma_wait3A_1014 = tpu.memref_slice %arg7[%dma_wait3A_1012, %dma_wait3A_1013] : memref<328x64xf32, #tpu.memory_space<vmem_shared>> -> memref<128x64xf32, #tpu.memory_space<vmem_shared>>
      tpu.wait_dma2 semaphore(%run_scoped3A : memref<!tpu.dma_semaphore, #tpu.memory_space<semaphore_mem>>) src(%dma_wait3A_1014 : memref<128x64xf32, #tpu.memory_space<vmem_shared>>) dst(%arg9 : memref<128x64xf32, #tpu.memory_space<vmem>>)
      tpu.yield
    }) : () -> ()
    %dma_start3A_328 = arith.constant 2176 : i32
    %dma_start3A_329 = tpu.memref_slice %arg6[%dma_start3A_328] : memref<6400xi32, #tpu.memory_space<vmem>> -> memref<128xi32, #tpu.memory_space<vmem>>
    %dma_start3A_330 = arith.constant 0 : i32
    %dma_start3A_331 = arith.constant 0 : i32
    %dma_start3A_332 = tpu.memref_slice %arg3[%dma_start3A_330, %dma_start3A_331] : memref<1000000x64xf32, #tpu.memory_space<hbm>> -> memref<1000000x64xf32, #tpu.memory_space<hbm>>
    tpu.enqueue_indirect_dma source(%dma_start3A_332 : memref<1000000x64xf32, #tpu.memory_space<hbm>>) target(%arg9 : memref<128x64xf32, #tpu.memory_space<vmem>>) offsets(%dma_start3A_329 : memref<128xi32, #tpu.memory_space<vmem>>) semaphore(%arg11 : memref<!tpu.dma_semaphore, #tpu.memory_space<semaphore_mem>>) {add = true}
    %dma_wait3A_333 = arith.constant 2048 : i32
    %dma_wait3A_334 = tpu.memref_slice %arg6[%dma_wait3A_333] : memref<6400xi32, #tpu.memory_space<vmem>> -> memref<128xi32, #tpu.memory_space<vmem>>
    %dma_wait3A_335 = arith.constant 0 : i32
    %dma_wait3A_336 = arith.constant 0 : i32
    %dma_wait3A_337 = tpu.memref_slice %arg3[%dma_wait3A_335, %dma_wait3A_336] : memref<1000000x64xf32, #tpu.memory_space<hbm>> -> memref<1000000x64xf32, #tpu.memory_space<hbm>>
    tpu.wait_indirect_dma semaphore(%arg10 : memref<!tpu.dma_semaphore, #tpu.memory_space<semaphore_mem>>) src(%dma_wait3A_337 : memref<1000000x64xf32, #tpu.memory_space<hbm>>) dst(%arg8 : memref<128x64xf32, #tpu.memory_space<vmem>>)
    %add3A_338 = arith.constant 2048 : i32
    %add3A_339 = arith.addi %mul3A_2, %add3A_338 : i32
    %dma_start3A_340 = arith.constant 0 : i32
    %dma_start3A_341 = tpu.memref_slice %arg5[%add3A_339, %dma_start3A_340] : memref<204800x64xf32, #tpu.memory_space<hbm>> -> memref<128x64xf32, #tpu.memory_space<hbm>>
    %dma_start3A_342 = arith.constant 0 : i32
    %dma_start3A_343 = tpu.memref_slice %arg5[%add3A_339, %dma_start3A_342] : memref<204800x64xf32, #tpu.memory_space<hbm>> -> memref<128x64xf32, #tpu.memory_space<hbm>>
    tpu.enqueue_dma source(%arg8 : memref<128x64xf32, #tpu.memory_space<vmem>>) target(%dma_start3A_343 : memref<128x64xf32, #tpu.memory_space<hbm>>) target_semaphore(%arg12 : memref<!tpu.dma_semaphore, #tpu.memory_space<semaphore_mem>>)
    %dma_wait3A_344 = arith.constant 0 : i32
    %dma_wait3A_345 = tpu.memref_slice %arg5[%add3A_339, %dma_wait3A_344] : memref<204800x64xf32, #tpu.memory_space<hbm>> -> memref<128x64xf32, #tpu.memory_space<hbm>>
    %dma_wait3A_346 = arith.constant 0 : i32
    %dma_wait3A_347 = tpu.memref_slice %arg5[%add3A_339, %dma_wait3A_346] : memref<204800x64xf32, #tpu.memory_space<hbm>> -> memref<128x64xf32, #tpu.memory_space<hbm>>
    tpu.wait_dma2 semaphore(%arg12 : memref<!tpu.dma_semaphore, #tpu.memory_space<semaphore_mem>>) src(%arg8 : memref<128x64xf32, #tpu.memory_space<vmem>>) dst(%dma_wait3A_347 : memref<128x64xf32, #tpu.memory_space<hbm>>)
    "tpu.region"() ({
      %run_scoped3A = tpu.sem_alloc : memref<!tpu.dma_semaphore, #tpu.memory_space<semaphore_mem>>
      %dma_start3A_1003 = arith.constant 104 : i32
      %dma_start3A_1004 = arith.constant 0 : i32
      %dma_start3A_1005 = tpu.memref_slice %arg7[%dma_start3A_1003, %dma_start3A_1004] : memref<328x64xf32, #tpu.memory_space<vmem_shared>> -> memref<128x64xf32, #tpu.memory_space<vmem_shared>>
      %dma_start3A_1006 = arith.constant 104 : i32
      %dma_start3A_1007 = arith.constant 0 : i32
      %dma_start3A_1008 = tpu.memref_slice %arg7[%dma_start3A_1006, %dma_start3A_1007] : memref<328x64xf32, #tpu.memory_space<vmem_shared>> -> memref<128x64xf32, #tpu.memory_space<vmem_shared>>
      tpu.enqueue_dma source(%dma_start3A_1008 : memref<128x64xf32, #tpu.memory_space<vmem_shared>>) target(%arg8 : memref<128x64xf32, #tpu.memory_space<vmem>>) target_semaphore(%run_scoped3A : memref<!tpu.dma_semaphore, #tpu.memory_space<semaphore_mem>>)
      %dma_wait3A_1009 = arith.constant 104 : i32
      %dma_wait3A_1010 = arith.constant 0 : i32
      %dma_wait3A_1011 = tpu.memref_slice %arg7[%dma_wait3A_1009, %dma_wait3A_1010] : memref<328x64xf32, #tpu.memory_space<vmem_shared>> -> memref<128x64xf32, #tpu.memory_space<vmem_shared>>
      %dma_wait3A_1012 = arith.constant 104 : i32
      %dma_wait3A_1013 = arith.constant 0 : i32
      %dma_wait3A_1014 = tpu.memref_slice %arg7[%dma_wait3A_1012, %dma_wait3A_1013] : memref<328x64xf32, #tpu.memory_space<vmem_shared>> -> memref<128x64xf32, #tpu.memory_space<vmem_shared>>
      tpu.wait_dma2 semaphore(%run_scoped3A : memref<!tpu.dma_semaphore, #tpu.memory_space<semaphore_mem>>) src(%dma_wait3A_1014 : memref<128x64xf32, #tpu.memory_space<vmem_shared>>) dst(%arg8 : memref<128x64xf32, #tpu.memory_space<vmem>>)
      tpu.yield
    }) : () -> ()
    %dma_start3A_348 = arith.constant 2304 : i32
    %dma_start3A_349 = tpu.memref_slice %arg6[%dma_start3A_348] : memref<6400xi32, #tpu.memory_space<vmem>> -> memref<128xi32, #tpu.memory_space<vmem>>
    %dma_start3A_350 = arith.constant 0 : i32
    %dma_start3A_351 = arith.constant 0 : i32
    %dma_start3A_352 = tpu.memref_slice %arg3[%dma_start3A_350, %dma_start3A_351] : memref<1000000x64xf32, #tpu.memory_space<hbm>> -> memref<1000000x64xf32, #tpu.memory_space<hbm>>
    tpu.enqueue_indirect_dma source(%dma_start3A_352 : memref<1000000x64xf32, #tpu.memory_space<hbm>>) target(%arg8 : memref<128x64xf32, #tpu.memory_space<vmem>>) offsets(%dma_start3A_349 : memref<128xi32, #tpu.memory_space<vmem>>) semaphore(%arg10 : memref<!tpu.dma_semaphore, #tpu.memory_space<semaphore_mem>>) {add = true}
    %dma_wait3A_353 = arith.constant 2176 : i32
    %dma_wait3A_354 = tpu.memref_slice %arg6[%dma_wait3A_353] : memref<6400xi32, #tpu.memory_space<vmem>> -> memref<128xi32, #tpu.memory_space<vmem>>
    %dma_wait3A_355 = arith.constant 0 : i32
    %dma_wait3A_356 = arith.constant 0 : i32
    %dma_wait3A_357 = tpu.memref_slice %arg3[%dma_wait3A_355, %dma_wait3A_356] : memref<1000000x64xf32, #tpu.memory_space<hbm>> -> memref<1000000x64xf32, #tpu.memory_space<hbm>>
    tpu.wait_indirect_dma semaphore(%arg11 : memref<!tpu.dma_semaphore, #tpu.memory_space<semaphore_mem>>) src(%dma_wait3A_357 : memref<1000000x64xf32, #tpu.memory_space<hbm>>) dst(%arg9 : memref<128x64xf32, #tpu.memory_space<vmem>>)
    %add3A_358 = arith.constant 2176 : i32
    %add3A_359 = arith.addi %mul3A_2, %add3A_358 : i32
    %dma_start3A_360 = arith.constant 0 : i32
    %dma_start3A_361 = tpu.memref_slice %arg5[%add3A_359, %dma_start3A_360] : memref<204800x64xf32, #tpu.memory_space<hbm>> -> memref<128x64xf32, #tpu.memory_space<hbm>>
    %dma_start3A_362 = arith.constant 0 : i32
    %dma_start3A_363 = tpu.memref_slice %arg5[%add3A_359, %dma_start3A_362] : memref<204800x64xf32, #tpu.memory_space<hbm>> -> memref<128x64xf32, #tpu.memory_space<hbm>>
    tpu.enqueue_dma source(%arg9 : memref<128x64xf32, #tpu.memory_space<vmem>>) target(%dma_start3A_363 : memref<128x64xf32, #tpu.memory_space<hbm>>) target_semaphore(%arg13 : memref<!tpu.dma_semaphore, #tpu.memory_space<semaphore_mem>>)
    %dma_wait3A_364 = arith.constant 0 : i32
    %dma_wait3A_365 = tpu.memref_slice %arg5[%add3A_359, %dma_wait3A_364] : memref<204800x64xf32, #tpu.memory_space<hbm>> -> memref<128x64xf32, #tpu.memory_space<hbm>>
    %dma_wait3A_366 = arith.constant 0 : i32
    %dma_wait3A_367 = tpu.memref_slice %arg5[%add3A_359, %dma_wait3A_366] : memref<204800x64xf32, #tpu.memory_space<hbm>> -> memref<128x64xf32, #tpu.memory_space<hbm>>
    tpu.wait_dma2 semaphore(%arg13 : memref<!tpu.dma_semaphore, #tpu.memory_space<semaphore_mem>>) src(%arg9 : memref<128x64xf32, #tpu.memory_space<vmem>>) dst(%dma_wait3A_367 : memref<128x64xf32, #tpu.memory_space<hbm>>)
    "tpu.region"() ({
      %run_scoped3A = tpu.sem_alloc : memref<!tpu.dma_semaphore, #tpu.memory_space<semaphore_mem>>
      %dma_start3A_1003 = arith.constant 32 : i32
      %dma_start3A_1004 = arith.constant 0 : i32
      %dma_start3A_1005 = tpu.memref_slice %arg7[%dma_start3A_1003, %dma_start3A_1004] : memref<328x64xf32, #tpu.memory_space<vmem_shared>> -> memref<128x64xf32, #tpu.memory_space<vmem_shared>>
      %dma_start3A_1006 = arith.constant 32 : i32
      %dma_start3A_1007 = arith.constant 0 : i32
      %dma_start3A_1008 = tpu.memref_slice %arg7[%dma_start3A_1006, %dma_start3A_1007] : memref<328x64xf32, #tpu.memory_space<vmem_shared>> -> memref<128x64xf32, #tpu.memory_space<vmem_shared>>
      tpu.enqueue_dma source(%dma_start3A_1008 : memref<128x64xf32, #tpu.memory_space<vmem_shared>>) target(%arg9 : memref<128x64xf32, #tpu.memory_space<vmem>>) target_semaphore(%run_scoped3A : memref<!tpu.dma_semaphore, #tpu.memory_space<semaphore_mem>>)
      %dma_wait3A_1009 = arith.constant 32 : i32
      %dma_wait3A_1010 = arith.constant 0 : i32
      %dma_wait3A_1011 = tpu.memref_slice %arg7[%dma_wait3A_1009, %dma_wait3A_1010] : memref<328x64xf32, #tpu.memory_space<vmem_shared>> -> memref<128x64xf32, #tpu.memory_space<vmem_shared>>
      %dma_wait3A_1012 = arith.constant 32 : i32
      %dma_wait3A_1013 = arith.constant 0 : i32
      %dma_wait3A_1014 = tpu.memref_slice %arg7[%dma_wait3A_1012, %dma_wait3A_1013] : memref<328x64xf32, #tpu.memory_space<vmem_shared>> -> memref<128x64xf32, #tpu.memory_space<vmem_shared>>
      tpu.wait_dma2 semaphore(%run_scoped3A : memref<!tpu.dma_semaphore, #tpu.memory_space<semaphore_mem>>) src(%dma_wait3A_1014 : memref<128x64xf32, #tpu.memory_space<vmem_shared>>) dst(%arg9 : memref<128x64xf32, #tpu.memory_space<vmem>>)
      tpu.yield
    }) : () -> ()
    %dma_start3A_368 = arith.constant 2432 : i32
    %dma_start3A_369 = tpu.memref_slice %arg6[%dma_start3A_368] : memref<6400xi32, #tpu.memory_space<vmem>> -> memref<128xi32, #tpu.memory_space<vmem>>
    %dma_start3A_370 = arith.constant 0 : i32
    %dma_start3A_371 = arith.constant 0 : i32
    %dma_start3A_372 = tpu.memref_slice %arg3[%dma_start3A_370, %dma_start3A_371] : memref<1000000x64xf32, #tpu.memory_space<hbm>> -> memref<1000000x64xf32, #tpu.memory_space<hbm>>
    tpu.enqueue_indirect_dma source(%dma_start3A_372 : memref<1000000x64xf32, #tpu.memory_space<hbm>>) target(%arg9 : memref<128x64xf32, #tpu.memory_space<vmem>>) offsets(%dma_start3A_369 : memref<128xi32, #tpu.memory_space<vmem>>) semaphore(%arg11 : memref<!tpu.dma_semaphore, #tpu.memory_space<semaphore_mem>>) {add = true}
    %dma_wait3A_373 = arith.constant 2304 : i32
    %dma_wait3A_374 = tpu.memref_slice %arg6[%dma_wait3A_373] : memref<6400xi32, #tpu.memory_space<vmem>> -> memref<128xi32, #tpu.memory_space<vmem>>
    %dma_wait3A_375 = arith.constant 0 : i32
    %dma_wait3A_376 = arith.constant 0 : i32
    %dma_wait3A_377 = tpu.memref_slice %arg3[%dma_wait3A_375, %dma_wait3A_376] : memref<1000000x64xf32, #tpu.memory_space<hbm>> -> memref<1000000x64xf32, #tpu.memory_space<hbm>>
    tpu.wait_indirect_dma semaphore(%arg10 : memref<!tpu.dma_semaphore, #tpu.memory_space<semaphore_mem>>) src(%dma_wait3A_377 : memref<1000000x64xf32, #tpu.memory_space<hbm>>) dst(%arg8 : memref<128x64xf32, #tpu.memory_space<vmem>>)
    %add3A_378 = arith.constant 2304 : i32
    %add3A_379 = arith.addi %mul3A_2, %add3A_378 : i32
    %dma_start3A_380 = arith.constant 0 : i32
    %dma_start3A_381 = tpu.memref_slice %arg5[%add3A_379, %dma_start3A_380] : memref<204800x64xf32, #tpu.memory_space<hbm>> -> memref<128x64xf32, #tpu.memory_space<hbm>>
    %dma_start3A_382 = arith.constant 0 : i32
    %dma_start3A_383 = tpu.memref_slice %arg5[%add3A_379, %dma_start3A_382] : memref<204800x64xf32, #tpu.memory_space<hbm>> -> memref<128x64xf32, #tpu.memory_space<hbm>>
    tpu.enqueue_dma source(%arg8 : memref<128x64xf32, #tpu.memory_space<vmem>>) target(%dma_start3A_383 : memref<128x64xf32, #tpu.memory_space<hbm>>) target_semaphore(%arg12 : memref<!tpu.dma_semaphore, #tpu.memory_space<semaphore_mem>>)
    %dma_wait3A_384 = arith.constant 0 : i32
    %dma_wait3A_385 = tpu.memref_slice %arg5[%add3A_379, %dma_wait3A_384] : memref<204800x64xf32, #tpu.memory_space<hbm>> -> memref<128x64xf32, #tpu.memory_space<hbm>>
    %dma_wait3A_386 = arith.constant 0 : i32
    %dma_wait3A_387 = tpu.memref_slice %arg5[%add3A_379, %dma_wait3A_386] : memref<204800x64xf32, #tpu.memory_space<hbm>> -> memref<128x64xf32, #tpu.memory_space<hbm>>
    tpu.wait_dma2 semaphore(%arg12 : memref<!tpu.dma_semaphore, #tpu.memory_space<semaphore_mem>>) src(%arg8 : memref<128x64xf32, #tpu.memory_space<vmem>>) dst(%dma_wait3A_387 : memref<128x64xf32, #tpu.memory_space<hbm>>)
    "tpu.region"() ({
      %run_scoped3A = tpu.sem_alloc : memref<!tpu.dma_semaphore, #tpu.memory_space<semaphore_mem>>
      %dma_start3A_1003 = arith.constant 160 : i32
      %dma_start3A_1004 = arith.constant 0 : i32
      %dma_start3A_1005 = tpu.memref_slice %arg7[%dma_start3A_1003, %dma_start3A_1004] : memref<328x64xf32, #tpu.memory_space<vmem_shared>> -> memref<128x64xf32, #tpu.memory_space<vmem_shared>>
      %dma_start3A_1006 = arith.constant 160 : i32
      %dma_start3A_1007 = arith.constant 0 : i32
      %dma_start3A_1008 = tpu.memref_slice %arg7[%dma_start3A_1006, %dma_start3A_1007] : memref<328x64xf32, #tpu.memory_space<vmem_shared>> -> memref<128x64xf32, #tpu.memory_space<vmem_shared>>
      tpu.enqueue_dma source(%dma_start3A_1008 : memref<128x64xf32, #tpu.memory_space<vmem_shared>>) target(%arg8 : memref<128x64xf32, #tpu.memory_space<vmem>>) target_semaphore(%run_scoped3A : memref<!tpu.dma_semaphore, #tpu.memory_space<semaphore_mem>>)
      %dma_wait3A_1009 = arith.constant 160 : i32
      %dma_wait3A_1010 = arith.constant 0 : i32
      %dma_wait3A_1011 = tpu.memref_slice %arg7[%dma_wait3A_1009, %dma_wait3A_1010] : memref<328x64xf32, #tpu.memory_space<vmem_shared>> -> memref<128x64xf32, #tpu.memory_space<vmem_shared>>
      %dma_wait3A_1012 = arith.constant 160 : i32
      %dma_wait3A_1013 = arith.constant 0 : i32
      %dma_wait3A_1014 = tpu.memref_slice %arg7[%dma_wait3A_1012, %dma_wait3A_1013] : memref<328x64xf32, #tpu.memory_space<vmem_shared>> -> memref<128x64xf32, #tpu.memory_space<vmem_shared>>
      tpu.wait_dma2 semaphore(%run_scoped3A : memref<!tpu.dma_semaphore, #tpu.memory_space<semaphore_mem>>) src(%dma_wait3A_1014 : memref<128x64xf32, #tpu.memory_space<vmem_shared>>) dst(%arg8 : memref<128x64xf32, #tpu.memory_space<vmem>>)
      tpu.yield
    }) : () -> ()
    %dma_start3A_388 = arith.constant 2560 : i32
    %dma_start3A_389 = tpu.memref_slice %arg6[%dma_start3A_388] : memref<6400xi32, #tpu.memory_space<vmem>> -> memref<128xi32, #tpu.memory_space<vmem>>
    %dma_start3A_390 = arith.constant 0 : i32
    %dma_start3A_391 = arith.constant 0 : i32
    %dma_start3A_392 = tpu.memref_slice %arg3[%dma_start3A_390, %dma_start3A_391] : memref<1000000x64xf32, #tpu.memory_space<hbm>> -> memref<1000000x64xf32, #tpu.memory_space<hbm>>
    tpu.enqueue_indirect_dma source(%dma_start3A_392 : memref<1000000x64xf32, #tpu.memory_space<hbm>>) target(%arg8 : memref<128x64xf32, #tpu.memory_space<vmem>>) offsets(%dma_start3A_389 : memref<128xi32, #tpu.memory_space<vmem>>) semaphore(%arg10 : memref<!tpu.dma_semaphore, #tpu.memory_space<semaphore_mem>>) {add = true}
    %dma_wait3A_393 = arith.constant 2432 : i32
    %dma_wait3A_394 = tpu.memref_slice %arg6[%dma_wait3A_393] : memref<6400xi32, #tpu.memory_space<vmem>> -> memref<128xi32, #tpu.memory_space<vmem>>
    %dma_wait3A_395 = arith.constant 0 : i32
    %dma_wait3A_396 = arith.constant 0 : i32
    %dma_wait3A_397 = tpu.memref_slice %arg3[%dma_wait3A_395, %dma_wait3A_396] : memref<1000000x64xf32, #tpu.memory_space<hbm>> -> memref<1000000x64xf32, #tpu.memory_space<hbm>>
    tpu.wait_indirect_dma semaphore(%arg11 : memref<!tpu.dma_semaphore, #tpu.memory_space<semaphore_mem>>) src(%dma_wait3A_397 : memref<1000000x64xf32, #tpu.memory_space<hbm>>) dst(%arg9 : memref<128x64xf32, #tpu.memory_space<vmem>>)
    %add3A_398 = arith.constant 2432 : i32
    %add3A_399 = arith.addi %mul3A_2, %add3A_398 : i32
    %dma_start3A_400 = arith.constant 0 : i32
    %dma_start3A_401 = tpu.memref_slice %arg5[%add3A_399, %dma_start3A_400] : memref<204800x64xf32, #tpu.memory_space<hbm>> -> memref<128x64xf32, #tpu.memory_space<hbm>>
    %dma_start3A_402 = arith.constant 0 : i32
    %dma_start3A_403 = tpu.memref_slice %arg5[%add3A_399, %dma_start3A_402] : memref<204800x64xf32, #tpu.memory_space<hbm>> -> memref<128x64xf32, #tpu.memory_space<hbm>>
    tpu.enqueue_dma source(%arg9 : memref<128x64xf32, #tpu.memory_space<vmem>>) target(%dma_start3A_403 : memref<128x64xf32, #tpu.memory_space<hbm>>) target_semaphore(%arg13 : memref<!tpu.dma_semaphore, #tpu.memory_space<semaphore_mem>>)
    %dma_wait3A_404 = arith.constant 0 : i32
    %dma_wait3A_405 = tpu.memref_slice %arg5[%add3A_399, %dma_wait3A_404] : memref<204800x64xf32, #tpu.memory_space<hbm>> -> memref<128x64xf32, #tpu.memory_space<hbm>>
    %dma_wait3A_406 = arith.constant 0 : i32
    %dma_wait3A_407 = tpu.memref_slice %arg5[%add3A_399, %dma_wait3A_406] : memref<204800x64xf32, #tpu.memory_space<hbm>> -> memref<128x64xf32, #tpu.memory_space<hbm>>
    tpu.wait_dma2 semaphore(%arg13 : memref<!tpu.dma_semaphore, #tpu.memory_space<semaphore_mem>>) src(%arg9 : memref<128x64xf32, #tpu.memory_space<vmem>>) dst(%dma_wait3A_407 : memref<128x64xf32, #tpu.memory_space<hbm>>)
    "tpu.region"() ({
      %run_scoped3A = tpu.sem_alloc : memref<!tpu.dma_semaphore, #tpu.memory_space<semaphore_mem>>
      %dma_start3A_1003 = arith.constant 88 : i32
      %dma_start3A_1004 = arith.constant 0 : i32
      %dma_start3A_1005 = tpu.memref_slice %arg7[%dma_start3A_1003, %dma_start3A_1004] : memref<328x64xf32, #tpu.memory_space<vmem_shared>> -> memref<128x64xf32, #tpu.memory_space<vmem_shared>>
      %dma_start3A_1006 = arith.constant 88 : i32
      %dma_start3A_1007 = arith.constant 0 : i32
      %dma_start3A_1008 = tpu.memref_slice %arg7[%dma_start3A_1006, %dma_start3A_1007] : memref<328x64xf32, #tpu.memory_space<vmem_shared>> -> memref<128x64xf32, #tpu.memory_space<vmem_shared>>
      tpu.enqueue_dma source(%dma_start3A_1008 : memref<128x64xf32, #tpu.memory_space<vmem_shared>>) target(%arg9 : memref<128x64xf32, #tpu.memory_space<vmem>>) target_semaphore(%run_scoped3A : memref<!tpu.dma_semaphore, #tpu.memory_space<semaphore_mem>>)
      %dma_wait3A_1009 = arith.constant 88 : i32
      %dma_wait3A_1010 = arith.constant 0 : i32
      %dma_wait3A_1011 = tpu.memref_slice %arg7[%dma_wait3A_1009, %dma_wait3A_1010] : memref<328x64xf32, #tpu.memory_space<vmem_shared>> -> memref<128x64xf32, #tpu.memory_space<vmem_shared>>
      %dma_wait3A_1012 = arith.constant 88 : i32
      %dma_wait3A_1013 = arith.constant 0 : i32
      %dma_wait3A_1014 = tpu.memref_slice %arg7[%dma_wait3A_1012, %dma_wait3A_1013] : memref<328x64xf32, #tpu.memory_space<vmem_shared>> -> memref<128x64xf32, #tpu.memory_space<vmem_shared>>
      tpu.wait_dma2 semaphore(%run_scoped3A : memref<!tpu.dma_semaphore, #tpu.memory_space<semaphore_mem>>) src(%dma_wait3A_1014 : memref<128x64xf32, #tpu.memory_space<vmem_shared>>) dst(%arg9 : memref<128x64xf32, #tpu.memory_space<vmem>>)
      tpu.yield
    }) : () -> ()
    %dma_start3A_408 = arith.constant 2688 : i32
    %dma_start3A_409 = tpu.memref_slice %arg6[%dma_start3A_408] : memref<6400xi32, #tpu.memory_space<vmem>> -> memref<128xi32, #tpu.memory_space<vmem>>
    %dma_start3A_410 = arith.constant 0 : i32
    %dma_start3A_411 = arith.constant 0 : i32
    %dma_start3A_412 = tpu.memref_slice %arg3[%dma_start3A_410, %dma_start3A_411] : memref<1000000x64xf32, #tpu.memory_space<hbm>> -> memref<1000000x64xf32, #tpu.memory_space<hbm>>
    tpu.enqueue_indirect_dma source(%dma_start3A_412 : memref<1000000x64xf32, #tpu.memory_space<hbm>>) target(%arg9 : memref<128x64xf32, #tpu.memory_space<vmem>>) offsets(%dma_start3A_409 : memref<128xi32, #tpu.memory_space<vmem>>) semaphore(%arg11 : memref<!tpu.dma_semaphore, #tpu.memory_space<semaphore_mem>>) {add = true}
    %dma_wait3A_413 = arith.constant 2560 : i32
    %dma_wait3A_414 = tpu.memref_slice %arg6[%dma_wait3A_413] : memref<6400xi32, #tpu.memory_space<vmem>> -> memref<128xi32, #tpu.memory_space<vmem>>
    %dma_wait3A_415 = arith.constant 0 : i32
    %dma_wait3A_416 = arith.constant 0 : i32
    %dma_wait3A_417 = tpu.memref_slice %arg3[%dma_wait3A_415, %dma_wait3A_416] : memref<1000000x64xf32, #tpu.memory_space<hbm>> -> memref<1000000x64xf32, #tpu.memory_space<hbm>>
    tpu.wait_indirect_dma semaphore(%arg10 : memref<!tpu.dma_semaphore, #tpu.memory_space<semaphore_mem>>) src(%dma_wait3A_417 : memref<1000000x64xf32, #tpu.memory_space<hbm>>) dst(%arg8 : memref<128x64xf32, #tpu.memory_space<vmem>>)
    %add3A_418 = arith.constant 2560 : i32
    %add3A_419 = arith.addi %mul3A_2, %add3A_418 : i32
    %dma_start3A_420 = arith.constant 0 : i32
    %dma_start3A_421 = tpu.memref_slice %arg5[%add3A_419, %dma_start3A_420] : memref<204800x64xf32, #tpu.memory_space<hbm>> -> memref<128x64xf32, #tpu.memory_space<hbm>>
    %dma_start3A_422 = arith.constant 0 : i32
    %dma_start3A_423 = tpu.memref_slice %arg5[%add3A_419, %dma_start3A_422] : memref<204800x64xf32, #tpu.memory_space<hbm>> -> memref<128x64xf32, #tpu.memory_space<hbm>>
    tpu.enqueue_dma source(%arg8 : memref<128x64xf32, #tpu.memory_space<vmem>>) target(%dma_start3A_423 : memref<128x64xf32, #tpu.memory_space<hbm>>) target_semaphore(%arg12 : memref<!tpu.dma_semaphore, #tpu.memory_space<semaphore_mem>>)
    %dma_wait3A_424 = arith.constant 0 : i32
    %dma_wait3A_425 = tpu.memref_slice %arg5[%add3A_419, %dma_wait3A_424] : memref<204800x64xf32, #tpu.memory_space<hbm>> -> memref<128x64xf32, #tpu.memory_space<hbm>>
    %dma_wait3A_426 = arith.constant 0 : i32
    %dma_wait3A_427 = tpu.memref_slice %arg5[%add3A_419, %dma_wait3A_426] : memref<204800x64xf32, #tpu.memory_space<hbm>> -> memref<128x64xf32, #tpu.memory_space<hbm>>
    tpu.wait_dma2 semaphore(%arg12 : memref<!tpu.dma_semaphore, #tpu.memory_space<semaphore_mem>>) src(%arg8 : memref<128x64xf32, #tpu.memory_space<vmem>>) dst(%dma_wait3A_427 : memref<128x64xf32, #tpu.memory_space<hbm>>)
    "tpu.region"() ({
      %run_scoped3A = tpu.sem_alloc : memref<!tpu.dma_semaphore, #tpu.memory_space<semaphore_mem>>
      %dma_start3A_1003 = arith.constant 16 : i32
      %dma_start3A_1004 = arith.constant 0 : i32
      %dma_start3A_1005 = tpu.memref_slice %arg7[%dma_start3A_1003, %dma_start3A_1004] : memref<328x64xf32, #tpu.memory_space<vmem_shared>> -> memref<128x64xf32, #tpu.memory_space<vmem_shared>>
      %dma_start3A_1006 = arith.constant 16 : i32
      %dma_start3A_1007 = arith.constant 0 : i32
      %dma_start3A_1008 = tpu.memref_slice %arg7[%dma_start3A_1006, %dma_start3A_1007] : memref<328x64xf32, #tpu.memory_space<vmem_shared>> -> memref<128x64xf32, #tpu.memory_space<vmem_shared>>
      tpu.enqueue_dma source(%dma_start3A_1008 : memref<128x64xf32, #tpu.memory_space<vmem_shared>>) target(%arg8 : memref<128x64xf32, #tpu.memory_space<vmem>>) target_semaphore(%run_scoped3A : memref<!tpu.dma_semaphore, #tpu.memory_space<semaphore_mem>>)
      %dma_wait3A_1009 = arith.constant 16 : i32
      %dma_wait3A_1010 = arith.constant 0 : i32
      %dma_wait3A_1011 = tpu.memref_slice %arg7[%dma_wait3A_1009, %dma_wait3A_1010] : memref<328x64xf32, #tpu.memory_space<vmem_shared>> -> memref<128x64xf32, #tpu.memory_space<vmem_shared>>
      %dma_wait3A_1012 = arith.constant 16 : i32
      %dma_wait3A_1013 = arith.constant 0 : i32
      %dma_wait3A_1014 = tpu.memref_slice %arg7[%dma_wait3A_1012, %dma_wait3A_1013] : memref<328x64xf32, #tpu.memory_space<vmem_shared>> -> memref<128x64xf32, #tpu.memory_space<vmem_shared>>
      tpu.wait_dma2 semaphore(%run_scoped3A : memref<!tpu.dma_semaphore, #tpu.memory_space<semaphore_mem>>) src(%dma_wait3A_1014 : memref<128x64xf32, #tpu.memory_space<vmem_shared>>) dst(%arg8 : memref<128x64xf32, #tpu.memory_space<vmem>>)
      tpu.yield
    }) : () -> ()
    %dma_start3A_428 = arith.constant 2816 : i32
    %dma_start3A_429 = tpu.memref_slice %arg6[%dma_start3A_428] : memref<6400xi32, #tpu.memory_space<vmem>> -> memref<128xi32, #tpu.memory_space<vmem>>
    %dma_start3A_430 = arith.constant 0 : i32
    %dma_start3A_431 = arith.constant 0 : i32
    %dma_start3A_432 = tpu.memref_slice %arg3[%dma_start3A_430, %dma_start3A_431] : memref<1000000x64xf32, #tpu.memory_space<hbm>> -> memref<1000000x64xf32, #tpu.memory_space<hbm>>
    tpu.enqueue_indirect_dma source(%dma_start3A_432 : memref<1000000x64xf32, #tpu.memory_space<hbm>>) target(%arg8 : memref<128x64xf32, #tpu.memory_space<vmem>>) offsets(%dma_start3A_429 : memref<128xi32, #tpu.memory_space<vmem>>) semaphore(%arg10 : memref<!tpu.dma_semaphore, #tpu.memory_space<semaphore_mem>>) {add = true}
    %dma_wait3A_433 = arith.constant 2688 : i32
    %dma_wait3A_434 = tpu.memref_slice %arg6[%dma_wait3A_433] : memref<6400xi32, #tpu.memory_space<vmem>> -> memref<128xi32, #tpu.memory_space<vmem>>
    %dma_wait3A_435 = arith.constant 0 : i32
    %dma_wait3A_436 = arith.constant 0 : i32
    %dma_wait3A_437 = tpu.memref_slice %arg3[%dma_wait3A_435, %dma_wait3A_436] : memref<1000000x64xf32, #tpu.memory_space<hbm>> -> memref<1000000x64xf32, #tpu.memory_space<hbm>>
    tpu.wait_indirect_dma semaphore(%arg11 : memref<!tpu.dma_semaphore, #tpu.memory_space<semaphore_mem>>) src(%dma_wait3A_437 : memref<1000000x64xf32, #tpu.memory_space<hbm>>) dst(%arg9 : memref<128x64xf32, #tpu.memory_space<vmem>>)
    %add3A_438 = arith.constant 2688 : i32
    %add3A_439 = arith.addi %mul3A_2, %add3A_438 : i32
    %dma_start3A_440 = arith.constant 0 : i32
    %dma_start3A_441 = tpu.memref_slice %arg5[%add3A_439, %dma_start3A_440] : memref<204800x64xf32, #tpu.memory_space<hbm>> -> memref<128x64xf32, #tpu.memory_space<hbm>>
    %dma_start3A_442 = arith.constant 0 : i32
    %dma_start3A_443 = tpu.memref_slice %arg5[%add3A_439, %dma_start3A_442] : memref<204800x64xf32, #tpu.memory_space<hbm>> -> memref<128x64xf32, #tpu.memory_space<hbm>>
    tpu.enqueue_dma source(%arg9 : memref<128x64xf32, #tpu.memory_space<vmem>>) target(%dma_start3A_443 : memref<128x64xf32, #tpu.memory_space<hbm>>) target_semaphore(%arg13 : memref<!tpu.dma_semaphore, #tpu.memory_space<semaphore_mem>>)
    %dma_wait3A_444 = arith.constant 0 : i32
    %dma_wait3A_445 = tpu.memref_slice %arg5[%add3A_439, %dma_wait3A_444] : memref<204800x64xf32, #tpu.memory_space<hbm>> -> memref<128x64xf32, #tpu.memory_space<hbm>>
    %dma_wait3A_446 = arith.constant 0 : i32
    %dma_wait3A_447 = tpu.memref_slice %arg5[%add3A_439, %dma_wait3A_446] : memref<204800x64xf32, #tpu.memory_space<hbm>> -> memref<128x64xf32, #tpu.memory_space<hbm>>
    tpu.wait_dma2 semaphore(%arg13 : memref<!tpu.dma_semaphore, #tpu.memory_space<semaphore_mem>>) src(%arg9 : memref<128x64xf32, #tpu.memory_space<vmem>>) dst(%dma_wait3A_447 : memref<128x64xf32, #tpu.memory_space<hbm>>)
    "tpu.region"() ({
      %run_scoped3A = tpu.sem_alloc : memref<!tpu.dma_semaphore, #tpu.memory_space<semaphore_mem>>
      %dma_start3A_1003 = arith.constant 144 : i32
      %dma_start3A_1004 = arith.constant 0 : i32
      %dma_start3A_1005 = tpu.memref_slice %arg7[%dma_start3A_1003, %dma_start3A_1004] : memref<328x64xf32, #tpu.memory_space<vmem_shared>> -> memref<128x64xf32, #tpu.memory_space<vmem_shared>>
      %dma_start3A_1006 = arith.constant 144 : i32
      %dma_start3A_1007 = arith.constant 0 : i32
      %dma_start3A_1008 = tpu.memref_slice %arg7[%dma_start3A_1006, %dma_start3A_1007] : memref<328x64xf32, #tpu.memory_space<vmem_shared>> -> memref<128x64xf32, #tpu.memory_space<vmem_shared>>
      tpu.enqueue_dma source(%dma_start3A_1008 : memref<128x64xf32, #tpu.memory_space<vmem_shared>>) target(%arg9 : memref<128x64xf32, #tpu.memory_space<vmem>>) target_semaphore(%run_scoped3A : memref<!tpu.dma_semaphore, #tpu.memory_space<semaphore_mem>>)
      %dma_wait3A_1009 = arith.constant 144 : i32
      %dma_wait3A_1010 = arith.constant 0 : i32
      %dma_wait3A_1011 = tpu.memref_slice %arg7[%dma_wait3A_1009, %dma_wait3A_1010] : memref<328x64xf32, #tpu.memory_space<vmem_shared>> -> memref<128x64xf32, #tpu.memory_space<vmem_shared>>
      %dma_wait3A_1012 = arith.constant 144 : i32
      %dma_wait3A_1013 = arith.constant 0 : i32
      %dma_wait3A_1014 = tpu.memref_slice %arg7[%dma_wait3A_1012, %dma_wait3A_1013] : memref<328x64xf32, #tpu.memory_space<vmem_shared>> -> memref<128x64xf32, #tpu.memory_space<vmem_shared>>
      tpu.wait_dma2 semaphore(%run_scoped3A : memref<!tpu.dma_semaphore, #tpu.memory_space<semaphore_mem>>) src(%dma_wait3A_1014 : memref<128x64xf32, #tpu.memory_space<vmem_shared>>) dst(%arg9 : memref<128x64xf32, #tpu.memory_space<vmem>>)
      tpu.yield
    }) : () -> ()
    %dma_start3A_448 = arith.constant 2944 : i32
    %dma_start3A_449 = tpu.memref_slice %arg6[%dma_start3A_448] : memref<6400xi32, #tpu.memory_space<vmem>> -> memref<128xi32, #tpu.memory_space<vmem>>
    %dma_start3A_450 = arith.constant 0 : i32
    %dma_start3A_451 = arith.constant 0 : i32
    %dma_start3A_452 = tpu.memref_slice %arg3[%dma_start3A_450, %dma_start3A_451] : memref<1000000x64xf32, #tpu.memory_space<hbm>> -> memref<1000000x64xf32, #tpu.memory_space<hbm>>
    tpu.enqueue_indirect_dma source(%dma_start3A_452 : memref<1000000x64xf32, #tpu.memory_space<hbm>>) target(%arg9 : memref<128x64xf32, #tpu.memory_space<vmem>>) offsets(%dma_start3A_449 : memref<128xi32, #tpu.memory_space<vmem>>) semaphore(%arg11 : memref<!tpu.dma_semaphore, #tpu.memory_space<semaphore_mem>>) {add = true}
    %dma_wait3A_453 = arith.constant 2816 : i32
    %dma_wait3A_454 = tpu.memref_slice %arg6[%dma_wait3A_453] : memref<6400xi32, #tpu.memory_space<vmem>> -> memref<128xi32, #tpu.memory_space<vmem>>
    %dma_wait3A_455 = arith.constant 0 : i32
    %dma_wait3A_456 = arith.constant 0 : i32
    %dma_wait3A_457 = tpu.memref_slice %arg3[%dma_wait3A_455, %dma_wait3A_456] : memref<1000000x64xf32, #tpu.memory_space<hbm>> -> memref<1000000x64xf32, #tpu.memory_space<hbm>>
    tpu.wait_indirect_dma semaphore(%arg10 : memref<!tpu.dma_semaphore, #tpu.memory_space<semaphore_mem>>) src(%dma_wait3A_457 : memref<1000000x64xf32, #tpu.memory_space<hbm>>) dst(%arg8 : memref<128x64xf32, #tpu.memory_space<vmem>>)
    %add3A_458 = arith.constant 2816 : i32
    %add3A_459 = arith.addi %mul3A_2, %add3A_458 : i32
    %dma_start3A_460 = arith.constant 0 : i32
    %dma_start3A_461 = tpu.memref_slice %arg5[%add3A_459, %dma_start3A_460] : memref<204800x64xf32, #tpu.memory_space<hbm>> -> memref<128x64xf32, #tpu.memory_space<hbm>>
    %dma_start3A_462 = arith.constant 0 : i32
    %dma_start3A_463 = tpu.memref_slice %arg5[%add3A_459, %dma_start3A_462] : memref<204800x64xf32, #tpu.memory_space<hbm>> -> memref<128x64xf32, #tpu.memory_space<hbm>>
    tpu.enqueue_dma source(%arg8 : memref<128x64xf32, #tpu.memory_space<vmem>>) target(%dma_start3A_463 : memref<128x64xf32, #tpu.memory_space<hbm>>) target_semaphore(%arg12 : memref<!tpu.dma_semaphore, #tpu.memory_space<semaphore_mem>>)
    %dma_wait3A_464 = arith.constant 0 : i32
    %dma_wait3A_465 = tpu.memref_slice %arg5[%add3A_459, %dma_wait3A_464] : memref<204800x64xf32, #tpu.memory_space<hbm>> -> memref<128x64xf32, #tpu.memory_space<hbm>>
    %dma_wait3A_466 = arith.constant 0 : i32
    %dma_wait3A_467 = tpu.memref_slice %arg5[%add3A_459, %dma_wait3A_466] : memref<204800x64xf32, #tpu.memory_space<hbm>> -> memref<128x64xf32, #tpu.memory_space<hbm>>
    tpu.wait_dma2 semaphore(%arg12 : memref<!tpu.dma_semaphore, #tpu.memory_space<semaphore_mem>>) src(%arg8 : memref<128x64xf32, #tpu.memory_space<vmem>>) dst(%dma_wait3A_467 : memref<128x64xf32, #tpu.memory_space<hbm>>)
    "tpu.region"() ({
      %run_scoped3A = tpu.sem_alloc : memref<!tpu.dma_semaphore, #tpu.memory_space<semaphore_mem>>
      %dma_start3A_1003 = arith.constant 72 : i32
      %dma_start3A_1004 = arith.constant 0 : i32
      %dma_start3A_1005 = tpu.memref_slice %arg7[%dma_start3A_1003, %dma_start3A_1004] : memref<328x64xf32, #tpu.memory_space<vmem_shared>> -> memref<128x64xf32, #tpu.memory_space<vmem_shared>>
      %dma_start3A_1006 = arith.constant 72 : i32
      %dma_start3A_1007 = arith.constant 0 : i32
      %dma_start3A_1008 = tpu.memref_slice %arg7[%dma_start3A_1006, %dma_start3A_1007] : memref<328x64xf32, #tpu.memory_space<vmem_shared>> -> memref<128x64xf32, #tpu.memory_space<vmem_shared>>
      tpu.enqueue_dma source(%dma_start3A_1008 : memref<128x64xf32, #tpu.memory_space<vmem_shared>>) target(%arg8 : memref<128x64xf32, #tpu.memory_space<vmem>>) target_semaphore(%run_scoped3A : memref<!tpu.dma_semaphore, #tpu.memory_space<semaphore_mem>>)
      %dma_wait3A_1009 = arith.constant 72 : i32
      %dma_wait3A_1010 = arith.constant 0 : i32
      %dma_wait3A_1011 = tpu.memref_slice %arg7[%dma_wait3A_1009, %dma_wait3A_1010] : memref<328x64xf32, #tpu.memory_space<vmem_shared>> -> memref<128x64xf32, #tpu.memory_space<vmem_shared>>
      %dma_wait3A_1012 = arith.constant 72 : i32
      %dma_wait3A_1013 = arith.constant 0 : i32
      %dma_wait3A_1014 = tpu.memref_slice %arg7[%dma_wait3A_1012, %dma_wait3A_1013] : memref<328x64xf32, #tpu.memory_space<vmem_shared>> -> memref<128x64xf32, #tpu.memory_space<vmem_shared>>
      tpu.wait_dma2 semaphore(%run_scoped3A : memref<!tpu.dma_semaphore, #tpu.memory_space<semaphore_mem>>) src(%dma_wait3A_1014 : memref<128x64xf32, #tpu.memory_space<vmem_shared>>) dst(%arg8 : memref<128x64xf32, #tpu.memory_space<vmem>>)
      tpu.yield
    }) : () -> ()
    %dma_start3A_468 = arith.constant 3072 : i32
    %dma_start3A_469 = tpu.memref_slice %arg6[%dma_start3A_468] : memref<6400xi32, #tpu.memory_space<vmem>> -> memref<128xi32, #tpu.memory_space<vmem>>
    %dma_start3A_470 = arith.constant 0 : i32
    %dma_start3A_471 = arith.constant 0 : i32
    %dma_start3A_472 = tpu.memref_slice %arg3[%dma_start3A_470, %dma_start3A_471] : memref<1000000x64xf32, #tpu.memory_space<hbm>> -> memref<1000000x64xf32, #tpu.memory_space<hbm>>
    tpu.enqueue_indirect_dma source(%dma_start3A_472 : memref<1000000x64xf32, #tpu.memory_space<hbm>>) target(%arg8 : memref<128x64xf32, #tpu.memory_space<vmem>>) offsets(%dma_start3A_469 : memref<128xi32, #tpu.memory_space<vmem>>) semaphore(%arg10 : memref<!tpu.dma_semaphore, #tpu.memory_space<semaphore_mem>>) {add = true}
    %dma_wait3A_473 = arith.constant 2944 : i32
    %dma_wait3A_474 = tpu.memref_slice %arg6[%dma_wait3A_473] : memref<6400xi32, #tpu.memory_space<vmem>> -> memref<128xi32, #tpu.memory_space<vmem>>
    %dma_wait3A_475 = arith.constant 0 : i32
    %dma_wait3A_476 = arith.constant 0 : i32
    %dma_wait3A_477 = tpu.memref_slice %arg3[%dma_wait3A_475, %dma_wait3A_476] : memref<1000000x64xf32, #tpu.memory_space<hbm>> -> memref<1000000x64xf32, #tpu.memory_space<hbm>>
    tpu.wait_indirect_dma semaphore(%arg11 : memref<!tpu.dma_semaphore, #tpu.memory_space<semaphore_mem>>) src(%dma_wait3A_477 : memref<1000000x64xf32, #tpu.memory_space<hbm>>) dst(%arg9 : memref<128x64xf32, #tpu.memory_space<vmem>>)
    %add3A_478 = arith.constant 2944 : i32
    %add3A_479 = arith.addi %mul3A_2, %add3A_478 : i32
    %dma_start3A_480 = arith.constant 0 : i32
    %dma_start3A_481 = tpu.memref_slice %arg5[%add3A_479, %dma_start3A_480] : memref<204800x64xf32, #tpu.memory_space<hbm>> -> memref<128x64xf32, #tpu.memory_space<hbm>>
    %dma_start3A_482 = arith.constant 0 : i32
    %dma_start3A_483 = tpu.memref_slice %arg5[%add3A_479, %dma_start3A_482] : memref<204800x64xf32, #tpu.memory_space<hbm>> -> memref<128x64xf32, #tpu.memory_space<hbm>>
    tpu.enqueue_dma source(%arg9 : memref<128x64xf32, #tpu.memory_space<vmem>>) target(%dma_start3A_483 : memref<128x64xf32, #tpu.memory_space<hbm>>) target_semaphore(%arg13 : memref<!tpu.dma_semaphore, #tpu.memory_space<semaphore_mem>>)
    %dma_wait3A_484 = arith.constant 0 : i32
    %dma_wait3A_485 = tpu.memref_slice %arg5[%add3A_479, %dma_wait3A_484] : memref<204800x64xf32, #tpu.memory_space<hbm>> -> memref<128x64xf32, #tpu.memory_space<hbm>>
    %dma_wait3A_486 = arith.constant 0 : i32
    %dma_wait3A_487 = tpu.memref_slice %arg5[%add3A_479, %dma_wait3A_486] : memref<204800x64xf32, #tpu.memory_space<hbm>> -> memref<128x64xf32, #tpu.memory_space<hbm>>
    tpu.wait_dma2 semaphore(%arg13 : memref<!tpu.dma_semaphore, #tpu.memory_space<semaphore_mem>>) src(%arg9 : memref<128x64xf32, #tpu.memory_space<vmem>>) dst(%dma_wait3A_487 : memref<128x64xf32, #tpu.memory_space<hbm>>)
    "tpu.region"() ({
      %run_scoped3A = tpu.sem_alloc : memref<!tpu.dma_semaphore, #tpu.memory_space<semaphore_mem>>
      %dma_start3A_1003 = arith.constant 0 : i32
      %dma_start3A_1004 = arith.constant 0 : i32
      %dma_start3A_1005 = tpu.memref_slice %arg7[%dma_start3A_1003, %dma_start3A_1004] : memref<328x64xf32, #tpu.memory_space<vmem_shared>> -> memref<128x64xf32, #tpu.memory_space<vmem_shared>>
      %dma_start3A_1006 = arith.constant 0 : i32
      %dma_start3A_1007 = arith.constant 0 : i32
      %dma_start3A_1008 = tpu.memref_slice %arg7[%dma_start3A_1006, %dma_start3A_1007] : memref<328x64xf32, #tpu.memory_space<vmem_shared>> -> memref<128x64xf32, #tpu.memory_space<vmem_shared>>
      tpu.enqueue_dma source(%dma_start3A_1008 : memref<128x64xf32, #tpu.memory_space<vmem_shared>>) target(%arg9 : memref<128x64xf32, #tpu.memory_space<vmem>>) target_semaphore(%run_scoped3A : memref<!tpu.dma_semaphore, #tpu.memory_space<semaphore_mem>>)
      %dma_wait3A_1009 = arith.constant 0 : i32
      %dma_wait3A_1010 = arith.constant 0 : i32
      %dma_wait3A_1011 = tpu.memref_slice %arg7[%dma_wait3A_1009, %dma_wait3A_1010] : memref<328x64xf32, #tpu.memory_space<vmem_shared>> -> memref<128x64xf32, #tpu.memory_space<vmem_shared>>
      %dma_wait3A_1012 = arith.constant 0 : i32
      %dma_wait3A_1013 = arith.constant 0 : i32
      %dma_wait3A_1014 = tpu.memref_slice %arg7[%dma_wait3A_1012, %dma_wait3A_1013] : memref<328x64xf32, #tpu.memory_space<vmem_shared>> -> memref<128x64xf32, #tpu.memory_space<vmem_shared>>
      tpu.wait_dma2 semaphore(%run_scoped3A : memref<!tpu.dma_semaphore, #tpu.memory_space<semaphore_mem>>) src(%dma_wait3A_1014 : memref<128x64xf32, #tpu.memory_space<vmem_shared>>) dst(%arg9 : memref<128x64xf32, #tpu.memory_space<vmem>>)
      tpu.yield
    }) : () -> ()
    %dma_start3A_488 = arith.constant 3200 : i32
    %dma_start3A_489 = tpu.memref_slice %arg6[%dma_start3A_488] : memref<6400xi32, #tpu.memory_space<vmem>> -> memref<128xi32, #tpu.memory_space<vmem>>
    %dma_start3A_490 = arith.constant 0 : i32
    %dma_start3A_491 = arith.constant 0 : i32
    %dma_start3A_492 = tpu.memref_slice %arg3[%dma_start3A_490, %dma_start3A_491] : memref<1000000x64xf32, #tpu.memory_space<hbm>> -> memref<1000000x64xf32, #tpu.memory_space<hbm>>
    tpu.enqueue_indirect_dma source(%dma_start3A_492 : memref<1000000x64xf32, #tpu.memory_space<hbm>>) target(%arg9 : memref<128x64xf32, #tpu.memory_space<vmem>>) offsets(%dma_start3A_489 : memref<128xi32, #tpu.memory_space<vmem>>) semaphore(%arg11 : memref<!tpu.dma_semaphore, #tpu.memory_space<semaphore_mem>>) {add = true}
    %dma_wait3A_493 = arith.constant 3072 : i32
    %dma_wait3A_494 = tpu.memref_slice %arg6[%dma_wait3A_493] : memref<6400xi32, #tpu.memory_space<vmem>> -> memref<128xi32, #tpu.memory_space<vmem>>
    %dma_wait3A_495 = arith.constant 0 : i32
    %dma_wait3A_496 = arith.constant 0 : i32
    %dma_wait3A_497 = tpu.memref_slice %arg3[%dma_wait3A_495, %dma_wait3A_496] : memref<1000000x64xf32, #tpu.memory_space<hbm>> -> memref<1000000x64xf32, #tpu.memory_space<hbm>>
    tpu.wait_indirect_dma semaphore(%arg10 : memref<!tpu.dma_semaphore, #tpu.memory_space<semaphore_mem>>) src(%dma_wait3A_497 : memref<1000000x64xf32, #tpu.memory_space<hbm>>) dst(%arg8 : memref<128x64xf32, #tpu.memory_space<vmem>>)
    %add3A_498 = arith.constant 3072 : i32
    %add3A_499 = arith.addi %mul3A_2, %add3A_498 : i32
    %dma_start3A_500 = arith.constant 0 : i32
    %dma_start3A_501 = tpu.memref_slice %arg5[%add3A_499, %dma_start3A_500] : memref<204800x64xf32, #tpu.memory_space<hbm>> -> memref<128x64xf32, #tpu.memory_space<hbm>>
    %dma_start3A_502 = arith.constant 0 : i32
    %dma_start3A_503 = tpu.memref_slice %arg5[%add3A_499, %dma_start3A_502] : memref<204800x64xf32, #tpu.memory_space<hbm>> -> memref<128x64xf32, #tpu.memory_space<hbm>>
    tpu.enqueue_dma source(%arg8 : memref<128x64xf32, #tpu.memory_space<vmem>>) target(%dma_start3A_503 : memref<128x64xf32, #tpu.memory_space<hbm>>) target_semaphore(%arg12 : memref<!tpu.dma_semaphore, #tpu.memory_space<semaphore_mem>>)
    %dma_wait3A_504 = arith.constant 0 : i32
    %dma_wait3A_505 = tpu.memref_slice %arg5[%add3A_499, %dma_wait3A_504] : memref<204800x64xf32, #tpu.memory_space<hbm>> -> memref<128x64xf32, #tpu.memory_space<hbm>>
    %dma_wait3A_506 = arith.constant 0 : i32
    %dma_wait3A_507 = tpu.memref_slice %arg5[%add3A_499, %dma_wait3A_506] : memref<204800x64xf32, #tpu.memory_space<hbm>> -> memref<128x64xf32, #tpu.memory_space<hbm>>
    tpu.wait_dma2 semaphore(%arg12 : memref<!tpu.dma_semaphore, #tpu.memory_space<semaphore_mem>>) src(%arg8 : memref<128x64xf32, #tpu.memory_space<vmem>>) dst(%dma_wait3A_507 : memref<128x64xf32, #tpu.memory_space<hbm>>)
    "tpu.region"() ({
      %run_scoped3A = tpu.sem_alloc : memref<!tpu.dma_semaphore, #tpu.memory_space<semaphore_mem>>
      %dma_start3A_1003 = arith.constant 128 : i32
      %dma_start3A_1004 = arith.constant 0 : i32
      %dma_start3A_1005 = tpu.memref_slice %arg7[%dma_start3A_1003, %dma_start3A_1004] : memref<328x64xf32, #tpu.memory_space<vmem_shared>> -> memref<128x64xf32, #tpu.memory_space<vmem_shared>>
      %dma_start3A_1006 = arith.constant 128 : i32
      %dma_start3A_1007 = arith.constant 0 : i32
      %dma_start3A_1008 = tpu.memref_slice %arg7[%dma_start3A_1006, %dma_start3A_1007] : memref<328x64xf32, #tpu.memory_space<vmem_shared>> -> memref<128x64xf32, #tpu.memory_space<vmem_shared>>
      tpu.enqueue_dma source(%dma_start3A_1008 : memref<128x64xf32, #tpu.memory_space<vmem_shared>>) target(%arg8 : memref<128x64xf32, #tpu.memory_space<vmem>>) target_semaphore(%run_scoped3A : memref<!tpu.dma_semaphore, #tpu.memory_space<semaphore_mem>>)
      %dma_wait3A_1009 = arith.constant 128 : i32
      %dma_wait3A_1010 = arith.constant 0 : i32
      %dma_wait3A_1011 = tpu.memref_slice %arg7[%dma_wait3A_1009, %dma_wait3A_1010] : memref<328x64xf32, #tpu.memory_space<vmem_shared>> -> memref<128x64xf32, #tpu.memory_space<vmem_shared>>
      %dma_wait3A_1012 = arith.constant 128 : i32
      %dma_wait3A_1013 = arith.constant 0 : i32
      %dma_wait3A_1014 = tpu.memref_slice %arg7[%dma_wait3A_1012, %dma_wait3A_1013] : memref<328x64xf32, #tpu.memory_space<vmem_shared>> -> memref<128x64xf32, #tpu.memory_space<vmem_shared>>
      tpu.wait_dma2 semaphore(%run_scoped3A : memref<!tpu.dma_semaphore, #tpu.memory_space<semaphore_mem>>) src(%dma_wait3A_1014 : memref<128x64xf32, #tpu.memory_space<vmem_shared>>) dst(%arg8 : memref<128x64xf32, #tpu.memory_space<vmem>>)
      tpu.yield
    }) : () -> ()
    %dma_start3A_508 = arith.constant 3328 : i32
    %dma_start3A_509 = tpu.memref_slice %arg6[%dma_start3A_508] : memref<6400xi32, #tpu.memory_space<vmem>> -> memref<128xi32, #tpu.memory_space<vmem>>
    %dma_start3A_510 = arith.constant 0 : i32
    %dma_start3A_511 = arith.constant 0 : i32
    %dma_start3A_512 = tpu.memref_slice %arg3[%dma_start3A_510, %dma_start3A_511] : memref<1000000x64xf32, #tpu.memory_space<hbm>> -> memref<1000000x64xf32, #tpu.memory_space<hbm>>
    tpu.enqueue_indirect_dma source(%dma_start3A_512 : memref<1000000x64xf32, #tpu.memory_space<hbm>>) target(%arg8 : memref<128x64xf32, #tpu.memory_space<vmem>>) offsets(%dma_start3A_509 : memref<128xi32, #tpu.memory_space<vmem>>) semaphore(%arg10 : memref<!tpu.dma_semaphore, #tpu.memory_space<semaphore_mem>>) {add = true}
    %dma_wait3A_513 = arith.constant 3200 : i32
    %dma_wait3A_514 = tpu.memref_slice %arg6[%dma_wait3A_513] : memref<6400xi32, #tpu.memory_space<vmem>> -> memref<128xi32, #tpu.memory_space<vmem>>
    %dma_wait3A_515 = arith.constant 0 : i32
    %dma_wait3A_516 = arith.constant 0 : i32
    %dma_wait3A_517 = tpu.memref_slice %arg3[%dma_wait3A_515, %dma_wait3A_516] : memref<1000000x64xf32, #tpu.memory_space<hbm>> -> memref<1000000x64xf32, #tpu.memory_space<hbm>>
    tpu.wait_indirect_dma semaphore(%arg11 : memref<!tpu.dma_semaphore, #tpu.memory_space<semaphore_mem>>) src(%dma_wait3A_517 : memref<1000000x64xf32, #tpu.memory_space<hbm>>) dst(%arg9 : memref<128x64xf32, #tpu.memory_space<vmem>>)
    %add3A_518 = arith.constant 3200 : i32
    %add3A_519 = arith.addi %mul3A_2, %add3A_518 : i32
    %dma_start3A_520 = arith.constant 0 : i32
    %dma_start3A_521 = tpu.memref_slice %arg5[%add3A_519, %dma_start3A_520] : memref<204800x64xf32, #tpu.memory_space<hbm>> -> memref<128x64xf32, #tpu.memory_space<hbm>>
    %dma_start3A_522 = arith.constant 0 : i32
    %dma_start3A_523 = tpu.memref_slice %arg5[%add3A_519, %dma_start3A_522] : memref<204800x64xf32, #tpu.memory_space<hbm>> -> memref<128x64xf32, #tpu.memory_space<hbm>>
    tpu.enqueue_dma source(%arg9 : memref<128x64xf32, #tpu.memory_space<vmem>>) target(%dma_start3A_523 : memref<128x64xf32, #tpu.memory_space<hbm>>) target_semaphore(%arg13 : memref<!tpu.dma_semaphore, #tpu.memory_space<semaphore_mem>>)
    %dma_wait3A_524 = arith.constant 0 : i32
    %dma_wait3A_525 = tpu.memref_slice %arg5[%add3A_519, %dma_wait3A_524] : memref<204800x64xf32, #tpu.memory_space<hbm>> -> memref<128x64xf32, #tpu.memory_space<hbm>>
    %dma_wait3A_526 = arith.constant 0 : i32
    %dma_wait3A_527 = tpu.memref_slice %arg5[%add3A_519, %dma_wait3A_526] : memref<204800x64xf32, #tpu.memory_space<hbm>> -> memref<128x64xf32, #tpu.memory_space<hbm>>
    tpu.wait_dma2 semaphore(%arg13 : memref<!tpu.dma_semaphore, #tpu.memory_space<semaphore_mem>>) src(%arg9 : memref<128x64xf32, #tpu.memory_space<vmem>>) dst(%dma_wait3A_527 : memref<128x64xf32, #tpu.memory_space<hbm>>)
    "tpu.region"() ({
      %run_scoped3A = tpu.sem_alloc : memref<!tpu.dma_semaphore, #tpu.memory_space<semaphore_mem>>
      %dma_start3A_1003 = arith.constant 56 : i32
      %dma_start3A_1004 = arith.constant 0 : i32
      %dma_start3A_1005 = tpu.memref_slice %arg7[%dma_start3A_1003, %dma_start3A_1004] : memref<328x64xf32, #tpu.memory_space<vmem_shared>> -> memref<128x64xf32, #tpu.memory_space<vmem_shared>>
      %dma_start3A_1006 = arith.constant 56 : i32
      %dma_start3A_1007 = arith.constant 0 : i32
      %dma_start3A_1008 = tpu.memref_slice %arg7[%dma_start3A_1006, %dma_start3A_1007] : memref<328x64xf32, #tpu.memory_space<vmem_shared>> -> memref<128x64xf32, #tpu.memory_space<vmem_shared>>
      tpu.enqueue_dma source(%dma_start3A_1008 : memref<128x64xf32, #tpu.memory_space<vmem_shared>>) target(%arg9 : memref<128x64xf32, #tpu.memory_space<vmem>>) target_semaphore(%run_scoped3A : memref<!tpu.dma_semaphore, #tpu.memory_space<semaphore_mem>>)
      %dma_wait3A_1009 = arith.constant 56 : i32
      %dma_wait3A_1010 = arith.constant 0 : i32
      %dma_wait3A_1011 = tpu.memref_slice %arg7[%dma_wait3A_1009, %dma_wait3A_1010] : memref<328x64xf32, #tpu.memory_space<vmem_shared>> -> memref<128x64xf32, #tpu.memory_space<vmem_shared>>
      %dma_wait3A_1012 = arith.constant 56 : i32
      %dma_wait3A_1013 = arith.constant 0 : i32
      %dma_wait3A_1014 = tpu.memref_slice %arg7[%dma_wait3A_1012, %dma_wait3A_1013] : memref<328x64xf32, #tpu.memory_space<vmem_shared>> -> memref<128x64xf32, #tpu.memory_space<vmem_shared>>
      tpu.wait_dma2 semaphore(%run_scoped3A : memref<!tpu.dma_semaphore, #tpu.memory_space<semaphore_mem>>) src(%dma_wait3A_1014 : memref<128x64xf32, #tpu.memory_space<vmem_shared>>) dst(%arg9 : memref<128x64xf32, #tpu.memory_space<vmem>>)
      tpu.yield
    }) : () -> ()
    %dma_start3A_528 = arith.constant 3456 : i32
    %dma_start3A_529 = tpu.memref_slice %arg6[%dma_start3A_528] : memref<6400xi32, #tpu.memory_space<vmem>> -> memref<128xi32, #tpu.memory_space<vmem>>
    %dma_start3A_530 = arith.constant 0 : i32
    %dma_start3A_531 = arith.constant 0 : i32
    %dma_start3A_532 = tpu.memref_slice %arg3[%dma_start3A_530, %dma_start3A_531] : memref<1000000x64xf32, #tpu.memory_space<hbm>> -> memref<1000000x64xf32, #tpu.memory_space<hbm>>
    tpu.enqueue_indirect_dma source(%dma_start3A_532 : memref<1000000x64xf32, #tpu.memory_space<hbm>>) target(%arg9 : memref<128x64xf32, #tpu.memory_space<vmem>>) offsets(%dma_start3A_529 : memref<128xi32, #tpu.memory_space<vmem>>) semaphore(%arg11 : memref<!tpu.dma_semaphore, #tpu.memory_space<semaphore_mem>>) {add = true}
    %dma_wait3A_533 = arith.constant 3328 : i32
    %dma_wait3A_534 = tpu.memref_slice %arg6[%dma_wait3A_533] : memref<6400xi32, #tpu.memory_space<vmem>> -> memref<128xi32, #tpu.memory_space<vmem>>
    %dma_wait3A_535 = arith.constant 0 : i32
    %dma_wait3A_536 = arith.constant 0 : i32
    %dma_wait3A_537 = tpu.memref_slice %arg3[%dma_wait3A_535, %dma_wait3A_536] : memref<1000000x64xf32, #tpu.memory_space<hbm>> -> memref<1000000x64xf32, #tpu.memory_space<hbm>>
    tpu.wait_indirect_dma semaphore(%arg10 : memref<!tpu.dma_semaphore, #tpu.memory_space<semaphore_mem>>) src(%dma_wait3A_537 : memref<1000000x64xf32, #tpu.memory_space<hbm>>) dst(%arg8 : memref<128x64xf32, #tpu.memory_space<vmem>>)
    %add3A_538 = arith.constant 3328 : i32
    %add3A_539 = arith.addi %mul3A_2, %add3A_538 : i32
    %dma_start3A_540 = arith.constant 0 : i32
    %dma_start3A_541 = tpu.memref_slice %arg5[%add3A_539, %dma_start3A_540] : memref<204800x64xf32, #tpu.memory_space<hbm>> -> memref<128x64xf32, #tpu.memory_space<hbm>>
    %dma_start3A_542 = arith.constant 0 : i32
    %dma_start3A_543 = tpu.memref_slice %arg5[%add3A_539, %dma_start3A_542] : memref<204800x64xf32, #tpu.memory_space<hbm>> -> memref<128x64xf32, #tpu.memory_space<hbm>>
    tpu.enqueue_dma source(%arg8 : memref<128x64xf32, #tpu.memory_space<vmem>>) target(%dma_start3A_543 : memref<128x64xf32, #tpu.memory_space<hbm>>) target_semaphore(%arg12 : memref<!tpu.dma_semaphore, #tpu.memory_space<semaphore_mem>>)
    %dma_wait3A_544 = arith.constant 0 : i32
    %dma_wait3A_545 = tpu.memref_slice %arg5[%add3A_539, %dma_wait3A_544] : memref<204800x64xf32, #tpu.memory_space<hbm>> -> memref<128x64xf32, #tpu.memory_space<hbm>>
    %dma_wait3A_546 = arith.constant 0 : i32
    %dma_wait3A_547 = tpu.memref_slice %arg5[%add3A_539, %dma_wait3A_546] : memref<204800x64xf32, #tpu.memory_space<hbm>> -> memref<128x64xf32, #tpu.memory_space<hbm>>
    tpu.wait_dma2 semaphore(%arg12 : memref<!tpu.dma_semaphore, #tpu.memory_space<semaphore_mem>>) src(%arg8 : memref<128x64xf32, #tpu.memory_space<vmem>>) dst(%dma_wait3A_547 : memref<128x64xf32, #tpu.memory_space<hbm>>)
    "tpu.region"() ({
      %run_scoped3A = tpu.sem_alloc : memref<!tpu.dma_semaphore, #tpu.memory_space<semaphore_mem>>
      %dma_start3A_1003 = arith.constant 184 : i32
      %dma_start3A_1004 = arith.constant 0 : i32
      %dma_start3A_1005 = tpu.memref_slice %arg7[%dma_start3A_1003, %dma_start3A_1004] : memref<328x64xf32, #tpu.memory_space<vmem_shared>> -> memref<128x64xf32, #tpu.memory_space<vmem_shared>>
      %dma_start3A_1006 = arith.constant 184 : i32
      %dma_start3A_1007 = arith.constant 0 : i32
      %dma_start3A_1008 = tpu.memref_slice %arg7[%dma_start3A_1006, %dma_start3A_1007] : memref<328x64xf32, #tpu.memory_space<vmem_shared>> -> memref<128x64xf32, #tpu.memory_space<vmem_shared>>
      tpu.enqueue_dma source(%dma_start3A_1008 : memref<128x64xf32, #tpu.memory_space<vmem_shared>>) target(%arg8 : memref<128x64xf32, #tpu.memory_space<vmem>>) target_semaphore(%run_scoped3A : memref<!tpu.dma_semaphore, #tpu.memory_space<semaphore_mem>>)
      %dma_wait3A_1009 = arith.constant 184 : i32
      %dma_wait3A_1010 = arith.constant 0 : i32
      %dma_wait3A_1011 = tpu.memref_slice %arg7[%dma_wait3A_1009, %dma_wait3A_1010] : memref<328x64xf32, #tpu.memory_space<vmem_shared>> -> memref<128x64xf32, #tpu.memory_space<vmem_shared>>
      %dma_wait3A_1012 = arith.constant 184 : i32
      %dma_wait3A_1013 = arith.constant 0 : i32
      %dma_wait3A_1014 = tpu.memref_slice %arg7[%dma_wait3A_1012, %dma_wait3A_1013] : memref<328x64xf32, #tpu.memory_space<vmem_shared>> -> memref<128x64xf32, #tpu.memory_space<vmem_shared>>
      tpu.wait_dma2 semaphore(%run_scoped3A : memref<!tpu.dma_semaphore, #tpu.memory_space<semaphore_mem>>) src(%dma_wait3A_1014 : memref<128x64xf32, #tpu.memory_space<vmem_shared>>) dst(%arg8 : memref<128x64xf32, #tpu.memory_space<vmem>>)
      tpu.yield
    }) : () -> ()
    %dma_start3A_548 = arith.constant 3584 : i32
    %dma_start3A_549 = tpu.memref_slice %arg6[%dma_start3A_548] : memref<6400xi32, #tpu.memory_space<vmem>> -> memref<128xi32, #tpu.memory_space<vmem>>
    %dma_start3A_550 = arith.constant 0 : i32
    %dma_start3A_551 = arith.constant 0 : i32
    %dma_start3A_552 = tpu.memref_slice %arg3[%dma_start3A_550, %dma_start3A_551] : memref<1000000x64xf32, #tpu.memory_space<hbm>> -> memref<1000000x64xf32, #tpu.memory_space<hbm>>
    tpu.enqueue_indirect_dma source(%dma_start3A_552 : memref<1000000x64xf32, #tpu.memory_space<hbm>>) target(%arg8 : memref<128x64xf32, #tpu.memory_space<vmem>>) offsets(%dma_start3A_549 : memref<128xi32, #tpu.memory_space<vmem>>) semaphore(%arg10 : memref<!tpu.dma_semaphore, #tpu.memory_space<semaphore_mem>>) {add = true}
    %dma_wait3A_553 = arith.constant 3456 : i32
    %dma_wait3A_554 = tpu.memref_slice %arg6[%dma_wait3A_553] : memref<6400xi32, #tpu.memory_space<vmem>> -> memref<128xi32, #tpu.memory_space<vmem>>
    %dma_wait3A_555 = arith.constant 0 : i32
    %dma_wait3A_556 = arith.constant 0 : i32
    %dma_wait3A_557 = tpu.memref_slice %arg3[%dma_wait3A_555, %dma_wait3A_556] : memref<1000000x64xf32, #tpu.memory_space<hbm>> -> memref<1000000x64xf32, #tpu.memory_space<hbm>>
    tpu.wait_indirect_dma semaphore(%arg11 : memref<!tpu.dma_semaphore, #tpu.memory_space<semaphore_mem>>) src(%dma_wait3A_557 : memref<1000000x64xf32, #tpu.memory_space<hbm>>) dst(%arg9 : memref<128x64xf32, #tpu.memory_space<vmem>>)
    %add3A_558 = arith.constant 3456 : i32
    %add3A_559 = arith.addi %mul3A_2, %add3A_558 : i32
    %dma_start3A_560 = arith.constant 0 : i32
    %dma_start3A_561 = tpu.memref_slice %arg5[%add3A_559, %dma_start3A_560] : memref<204800x64xf32, #tpu.memory_space<hbm>> -> memref<128x64xf32, #tpu.memory_space<hbm>>
    %dma_start3A_562 = arith.constant 0 : i32
    %dma_start3A_563 = tpu.memref_slice %arg5[%add3A_559, %dma_start3A_562] : memref<204800x64xf32, #tpu.memory_space<hbm>> -> memref<128x64xf32, #tpu.memory_space<hbm>>
    tpu.enqueue_dma source(%arg9 : memref<128x64xf32, #tpu.memory_space<vmem>>) target(%dma_start3A_563 : memref<128x64xf32, #tpu.memory_space<hbm>>) target_semaphore(%arg13 : memref<!tpu.dma_semaphore, #tpu.memory_space<semaphore_mem>>)
    %dma_wait3A_564 = arith.constant 0 : i32
    %dma_wait3A_565 = tpu.memref_slice %arg5[%add3A_559, %dma_wait3A_564] : memref<204800x64xf32, #tpu.memory_space<hbm>> -> memref<128x64xf32, #tpu.memory_space<hbm>>
    %dma_wait3A_566 = arith.constant 0 : i32
    %dma_wait3A_567 = tpu.memref_slice %arg5[%add3A_559, %dma_wait3A_566] : memref<204800x64xf32, #tpu.memory_space<hbm>> -> memref<128x64xf32, #tpu.memory_space<hbm>>
    tpu.wait_dma2 semaphore(%arg13 : memref<!tpu.dma_semaphore, #tpu.memory_space<semaphore_mem>>) src(%arg9 : memref<128x64xf32, #tpu.memory_space<vmem>>) dst(%dma_wait3A_567 : memref<128x64xf32, #tpu.memory_space<hbm>>)
    "tpu.region"() ({
      %run_scoped3A = tpu.sem_alloc : memref<!tpu.dma_semaphore, #tpu.memory_space<semaphore_mem>>
      %dma_start3A_1003 = arith.constant 112 : i32
      %dma_start3A_1004 = arith.constant 0 : i32
      %dma_start3A_1005 = tpu.memref_slice %arg7[%dma_start3A_1003, %dma_start3A_1004] : memref<328x64xf32, #tpu.memory_space<vmem_shared>> -> memref<128x64xf32, #tpu.memory_space<vmem_shared>>
      %dma_start3A_1006 = arith.constant 112 : i32
      %dma_start3A_1007 = arith.constant 0 : i32
      %dma_start3A_1008 = tpu.memref_slice %arg7[%dma_start3A_1006, %dma_start3A_1007] : memref<328x64xf32, #tpu.memory_space<vmem_shared>> -> memref<128x64xf32, #tpu.memory_space<vmem_shared>>
      tpu.enqueue_dma source(%dma_start3A_1008 : memref<128x64xf32, #tpu.memory_space<vmem_shared>>) target(%arg9 : memref<128x64xf32, #tpu.memory_space<vmem>>) target_semaphore(%run_scoped3A : memref<!tpu.dma_semaphore, #tpu.memory_space<semaphore_mem>>)
      %dma_wait3A_1009 = arith.constant 112 : i32
      %dma_wait3A_1010 = arith.constant 0 : i32
      %dma_wait3A_1011 = tpu.memref_slice %arg7[%dma_wait3A_1009, %dma_wait3A_1010] : memref<328x64xf32, #tpu.memory_space<vmem_shared>> -> memref<128x64xf32, #tpu.memory_space<vmem_shared>>
      %dma_wait3A_1012 = arith.constant 112 : i32
      %dma_wait3A_1013 = arith.constant 0 : i32
      %dma_wait3A_1014 = tpu.memref_slice %arg7[%dma_wait3A_1012, %dma_wait3A_1013] : memref<328x64xf32, #tpu.memory_space<vmem_shared>> -> memref<128x64xf32, #tpu.memory_space<vmem_shared>>
      tpu.wait_dma2 semaphore(%run_scoped3A : memref<!tpu.dma_semaphore, #tpu.memory_space<semaphore_mem>>) src(%dma_wait3A_1014 : memref<128x64xf32, #tpu.memory_space<vmem_shared>>) dst(%arg9 : memref<128x64xf32, #tpu.memory_space<vmem>>)
      tpu.yield
    }) : () -> ()
    %dma_start3A_568 = arith.constant 3712 : i32
    %dma_start3A_569 = tpu.memref_slice %arg6[%dma_start3A_568] : memref<6400xi32, #tpu.memory_space<vmem>> -> memref<128xi32, #tpu.memory_space<vmem>>
    %dma_start3A_570 = arith.constant 0 : i32
    %dma_start3A_571 = arith.constant 0 : i32
    %dma_start3A_572 = tpu.memref_slice %arg3[%dma_start3A_570, %dma_start3A_571] : memref<1000000x64xf32, #tpu.memory_space<hbm>> -> memref<1000000x64xf32, #tpu.memory_space<hbm>>
    tpu.enqueue_indirect_dma source(%dma_start3A_572 : memref<1000000x64xf32, #tpu.memory_space<hbm>>) target(%arg9 : memref<128x64xf32, #tpu.memory_space<vmem>>) offsets(%dma_start3A_569 : memref<128xi32, #tpu.memory_space<vmem>>) semaphore(%arg11 : memref<!tpu.dma_semaphore, #tpu.memory_space<semaphore_mem>>) {add = true}
    %dma_wait3A_573 = arith.constant 3584 : i32
    %dma_wait3A_574 = tpu.memref_slice %arg6[%dma_wait3A_573] : memref<6400xi32, #tpu.memory_space<vmem>> -> memref<128xi32, #tpu.memory_space<vmem>>
    %dma_wait3A_575 = arith.constant 0 : i32
    %dma_wait3A_576 = arith.constant 0 : i32
    %dma_wait3A_577 = tpu.memref_slice %arg3[%dma_wait3A_575, %dma_wait3A_576] : memref<1000000x64xf32, #tpu.memory_space<hbm>> -> memref<1000000x64xf32, #tpu.memory_space<hbm>>
    tpu.wait_indirect_dma semaphore(%arg10 : memref<!tpu.dma_semaphore, #tpu.memory_space<semaphore_mem>>) src(%dma_wait3A_577 : memref<1000000x64xf32, #tpu.memory_space<hbm>>) dst(%arg8 : memref<128x64xf32, #tpu.memory_space<vmem>>)
    %add3A_578 = arith.constant 3584 : i32
    %add3A_579 = arith.addi %mul3A_2, %add3A_578 : i32
    %dma_start3A_580 = arith.constant 0 : i32
    %dma_start3A_581 = tpu.memref_slice %arg5[%add3A_579, %dma_start3A_580] : memref<204800x64xf32, #tpu.memory_space<hbm>> -> memref<128x64xf32, #tpu.memory_space<hbm>>
    %dma_start3A_582 = arith.constant 0 : i32
    %dma_start3A_583 = tpu.memref_slice %arg5[%add3A_579, %dma_start3A_582] : memref<204800x64xf32, #tpu.memory_space<hbm>> -> memref<128x64xf32, #tpu.memory_space<hbm>>
    tpu.enqueue_dma source(%arg8 : memref<128x64xf32, #tpu.memory_space<vmem>>) target(%dma_start3A_583 : memref<128x64xf32, #tpu.memory_space<hbm>>) target_semaphore(%arg12 : memref<!tpu.dma_semaphore, #tpu.memory_space<semaphore_mem>>)
    %dma_wait3A_584 = arith.constant 0 : i32
    %dma_wait3A_585 = tpu.memref_slice %arg5[%add3A_579, %dma_wait3A_584] : memref<204800x64xf32, #tpu.memory_space<hbm>> -> memref<128x64xf32, #tpu.memory_space<hbm>>
    %dma_wait3A_586 = arith.constant 0 : i32
    %dma_wait3A_587 = tpu.memref_slice %arg5[%add3A_579, %dma_wait3A_586] : memref<204800x64xf32, #tpu.memory_space<hbm>> -> memref<128x64xf32, #tpu.memory_space<hbm>>
    tpu.wait_dma2 semaphore(%arg12 : memref<!tpu.dma_semaphore, #tpu.memory_space<semaphore_mem>>) src(%arg8 : memref<128x64xf32, #tpu.memory_space<vmem>>) dst(%dma_wait3A_587 : memref<128x64xf32, #tpu.memory_space<hbm>>)
    "tpu.region"() ({
      %run_scoped3A = tpu.sem_alloc : memref<!tpu.dma_semaphore, #tpu.memory_space<semaphore_mem>>
      %dma_start3A_1003 = arith.constant 40 : i32
      %dma_start3A_1004 = arith.constant 0 : i32
      %dma_start3A_1005 = tpu.memref_slice %arg7[%dma_start3A_1003, %dma_start3A_1004] : memref<328x64xf32, #tpu.memory_space<vmem_shared>> -> memref<128x64xf32, #tpu.memory_space<vmem_shared>>
      %dma_start3A_1006 = arith.constant 40 : i32
      %dma_start3A_1007 = arith.constant 0 : i32
      %dma_start3A_1008 = tpu.memref_slice %arg7[%dma_start3A_1006, %dma_start3A_1007] : memref<328x64xf32, #tpu.memory_space<vmem_shared>> -> memref<128x64xf32, #tpu.memory_space<vmem_shared>>
      tpu.enqueue_dma source(%dma_start3A_1008 : memref<128x64xf32, #tpu.memory_space<vmem_shared>>) target(%arg8 : memref<128x64xf32, #tpu.memory_space<vmem>>) target_semaphore(%run_scoped3A : memref<!tpu.dma_semaphore, #tpu.memory_space<semaphore_mem>>)
      %dma_wait3A_1009 = arith.constant 40 : i32
      %dma_wait3A_1010 = arith.constant 0 : i32
      %dma_wait3A_1011 = tpu.memref_slice %arg7[%dma_wait3A_1009, %dma_wait3A_1010] : memref<328x64xf32, #tpu.memory_space<vmem_shared>> -> memref<128x64xf32, #tpu.memory_space<vmem_shared>>
      %dma_wait3A_1012 = arith.constant 40 : i32
      %dma_wait3A_1013 = arith.constant 0 : i32
      %dma_wait3A_1014 = tpu.memref_slice %arg7[%dma_wait3A_1012, %dma_wait3A_1013] : memref<328x64xf32, #tpu.memory_space<vmem_shared>> -> memref<128x64xf32, #tpu.memory_space<vmem_shared>>
      tpu.wait_dma2 semaphore(%run_scoped3A : memref<!tpu.dma_semaphore, #tpu.memory_space<semaphore_mem>>) src(%dma_wait3A_1014 : memref<128x64xf32, #tpu.memory_space<vmem_shared>>) dst(%arg8 : memref<128x64xf32, #tpu.memory_space<vmem>>)
      tpu.yield
    }) : () -> ()
    %dma_start3A_588 = arith.constant 3840 : i32
    %dma_start3A_589 = tpu.memref_slice %arg6[%dma_start3A_588] : memref<6400xi32, #tpu.memory_space<vmem>> -> memref<128xi32, #tpu.memory_space<vmem>>
    %dma_start3A_590 = arith.constant 0 : i32
    %dma_start3A_591 = arith.constant 0 : i32
    %dma_start3A_592 = tpu.memref_slice %arg3[%dma_start3A_590, %dma_start3A_591] : memref<1000000x64xf32, #tpu.memory_space<hbm>> -> memref<1000000x64xf32, #tpu.memory_space<hbm>>
    tpu.enqueue_indirect_dma source(%dma_start3A_592 : memref<1000000x64xf32, #tpu.memory_space<hbm>>) target(%arg8 : memref<128x64xf32, #tpu.memory_space<vmem>>) offsets(%dma_start3A_589 : memref<128xi32, #tpu.memory_space<vmem>>) semaphore(%arg10 : memref<!tpu.dma_semaphore, #tpu.memory_space<semaphore_mem>>) {add = true}
    %dma_wait3A_593 = arith.constant 3712 : i32
    %dma_wait3A_594 = tpu.memref_slice %arg6[%dma_wait3A_593] : memref<6400xi32, #tpu.memory_space<vmem>> -> memref<128xi32, #tpu.memory_space<vmem>>
    %dma_wait3A_595 = arith.constant 0 : i32
    %dma_wait3A_596 = arith.constant 0 : i32
    %dma_wait3A_597 = tpu.memref_slice %arg3[%dma_wait3A_595, %dma_wait3A_596] : memref<1000000x64xf32, #tpu.memory_space<hbm>> -> memref<1000000x64xf32, #tpu.memory_space<hbm>>
    tpu.wait_indirect_dma semaphore(%arg11 : memref<!tpu.dma_semaphore, #tpu.memory_space<semaphore_mem>>) src(%dma_wait3A_597 : memref<1000000x64xf32, #tpu.memory_space<hbm>>) dst(%arg9 : memref<128x64xf32, #tpu.memory_space<vmem>>)
    %add3A_598 = arith.constant 3712 : i32
    %add3A_599 = arith.addi %mul3A_2, %add3A_598 : i32
    %dma_start3A_600 = arith.constant 0 : i32
    %dma_start3A_601 = tpu.memref_slice %arg5[%add3A_599, %dma_start3A_600] : memref<204800x64xf32, #tpu.memory_space<hbm>> -> memref<128x64xf32, #tpu.memory_space<hbm>>
    %dma_start3A_602 = arith.constant 0 : i32
    %dma_start3A_603 = tpu.memref_slice %arg5[%add3A_599, %dma_start3A_602] : memref<204800x64xf32, #tpu.memory_space<hbm>> -> memref<128x64xf32, #tpu.memory_space<hbm>>
    tpu.enqueue_dma source(%arg9 : memref<128x64xf32, #tpu.memory_space<vmem>>) target(%dma_start3A_603 : memref<128x64xf32, #tpu.memory_space<hbm>>) target_semaphore(%arg13 : memref<!tpu.dma_semaphore, #tpu.memory_space<semaphore_mem>>)
    %dma_wait3A_604 = arith.constant 0 : i32
    %dma_wait3A_605 = tpu.memref_slice %arg5[%add3A_599, %dma_wait3A_604] : memref<204800x64xf32, #tpu.memory_space<hbm>> -> memref<128x64xf32, #tpu.memory_space<hbm>>
    %dma_wait3A_606 = arith.constant 0 : i32
    %dma_wait3A_607 = tpu.memref_slice %arg5[%add3A_599, %dma_wait3A_606] : memref<204800x64xf32, #tpu.memory_space<hbm>> -> memref<128x64xf32, #tpu.memory_space<hbm>>
    tpu.wait_dma2 semaphore(%arg13 : memref<!tpu.dma_semaphore, #tpu.memory_space<semaphore_mem>>) src(%arg9 : memref<128x64xf32, #tpu.memory_space<vmem>>) dst(%dma_wait3A_607 : memref<128x64xf32, #tpu.memory_space<hbm>>)
    "tpu.region"() ({
      %run_scoped3A = tpu.sem_alloc : memref<!tpu.dma_semaphore, #tpu.memory_space<semaphore_mem>>
      %dma_start3A_1003 = arith.constant 168 : i32
      %dma_start3A_1004 = arith.constant 0 : i32
      %dma_start3A_1005 = tpu.memref_slice %arg7[%dma_start3A_1003, %dma_start3A_1004] : memref<328x64xf32, #tpu.memory_space<vmem_shared>> -> memref<128x64xf32, #tpu.memory_space<vmem_shared>>
      %dma_start3A_1006 = arith.constant 168 : i32
      %dma_start3A_1007 = arith.constant 0 : i32
      %dma_start3A_1008 = tpu.memref_slice %arg7[%dma_start3A_1006, %dma_start3A_1007] : memref<328x64xf32, #tpu.memory_space<vmem_shared>> -> memref<128x64xf32, #tpu.memory_space<vmem_shared>>
      tpu.enqueue_dma source(%dma_start3A_1008 : memref<128x64xf32, #tpu.memory_space<vmem_shared>>) target(%arg9 : memref<128x64xf32, #tpu.memory_space<vmem>>) target_semaphore(%run_scoped3A : memref<!tpu.dma_semaphore, #tpu.memory_space<semaphore_mem>>)
      %dma_wait3A_1009 = arith.constant 168 : i32
      %dma_wait3A_1010 = arith.constant 0 : i32
      %dma_wait3A_1011 = tpu.memref_slice %arg7[%dma_wait3A_1009, %dma_wait3A_1010] : memref<328x64xf32, #tpu.memory_space<vmem_shared>> -> memref<128x64xf32, #tpu.memory_space<vmem_shared>>
      %dma_wait3A_1012 = arith.constant 168 : i32
      %dma_wait3A_1013 = arith.constant 0 : i32
      %dma_wait3A_1014 = tpu.memref_slice %arg7[%dma_wait3A_1012, %dma_wait3A_1013] : memref<328x64xf32, #tpu.memory_space<vmem_shared>> -> memref<128x64xf32, #tpu.memory_space<vmem_shared>>
      tpu.wait_dma2 semaphore(%run_scoped3A : memref<!tpu.dma_semaphore, #tpu.memory_space<semaphore_mem>>) src(%dma_wait3A_1014 : memref<128x64xf32, #tpu.memory_space<vmem_shared>>) dst(%arg9 : memref<128x64xf32, #tpu.memory_space<vmem>>)
      tpu.yield
    }) : () -> ()
    %dma_start3A_608 = arith.constant 3968 : i32
    %dma_start3A_609 = tpu.memref_slice %arg6[%dma_start3A_608] : memref<6400xi32, #tpu.memory_space<vmem>> -> memref<128xi32, #tpu.memory_space<vmem>>
    %dma_start3A_610 = arith.constant 0 : i32
    %dma_start3A_611 = arith.constant 0 : i32
    %dma_start3A_612 = tpu.memref_slice %arg3[%dma_start3A_610, %dma_start3A_611] : memref<1000000x64xf32, #tpu.memory_space<hbm>> -> memref<1000000x64xf32, #tpu.memory_space<hbm>>
    tpu.enqueue_indirect_dma source(%dma_start3A_612 : memref<1000000x64xf32, #tpu.memory_space<hbm>>) target(%arg9 : memref<128x64xf32, #tpu.memory_space<vmem>>) offsets(%dma_start3A_609 : memref<128xi32, #tpu.memory_space<vmem>>) semaphore(%arg11 : memref<!tpu.dma_semaphore, #tpu.memory_space<semaphore_mem>>) {add = true}
    %dma_wait3A_613 = arith.constant 3840 : i32
    %dma_wait3A_614 = tpu.memref_slice %arg6[%dma_wait3A_613] : memref<6400xi32, #tpu.memory_space<vmem>> -> memref<128xi32, #tpu.memory_space<vmem>>
    %dma_wait3A_615 = arith.constant 0 : i32
    %dma_wait3A_616 = arith.constant 0 : i32
    %dma_wait3A_617 = tpu.memref_slice %arg3[%dma_wait3A_615, %dma_wait3A_616] : memref<1000000x64xf32, #tpu.memory_space<hbm>> -> memref<1000000x64xf32, #tpu.memory_space<hbm>>
    tpu.wait_indirect_dma semaphore(%arg10 : memref<!tpu.dma_semaphore, #tpu.memory_space<semaphore_mem>>) src(%dma_wait3A_617 : memref<1000000x64xf32, #tpu.memory_space<hbm>>) dst(%arg8 : memref<128x64xf32, #tpu.memory_space<vmem>>)
    %add3A_618 = arith.constant 3840 : i32
    %add3A_619 = arith.addi %mul3A_2, %add3A_618 : i32
    %dma_start3A_620 = arith.constant 0 : i32
    %dma_start3A_621 = tpu.memref_slice %arg5[%add3A_619, %dma_start3A_620] : memref<204800x64xf32, #tpu.memory_space<hbm>> -> memref<128x64xf32, #tpu.memory_space<hbm>>
    %dma_start3A_622 = arith.constant 0 : i32
    %dma_start3A_623 = tpu.memref_slice %arg5[%add3A_619, %dma_start3A_622] : memref<204800x64xf32, #tpu.memory_space<hbm>> -> memref<128x64xf32, #tpu.memory_space<hbm>>
    tpu.enqueue_dma source(%arg8 : memref<128x64xf32, #tpu.memory_space<vmem>>) target(%dma_start3A_623 : memref<128x64xf32, #tpu.memory_space<hbm>>) target_semaphore(%arg12 : memref<!tpu.dma_semaphore, #tpu.memory_space<semaphore_mem>>)
    %dma_wait3A_624 = arith.constant 0 : i32
    %dma_wait3A_625 = tpu.memref_slice %arg5[%add3A_619, %dma_wait3A_624] : memref<204800x64xf32, #tpu.memory_space<hbm>> -> memref<128x64xf32, #tpu.memory_space<hbm>>
    %dma_wait3A_626 = arith.constant 0 : i32
    %dma_wait3A_627 = tpu.memref_slice %arg5[%add3A_619, %dma_wait3A_626] : memref<204800x64xf32, #tpu.memory_space<hbm>> -> memref<128x64xf32, #tpu.memory_space<hbm>>
    tpu.wait_dma2 semaphore(%arg12 : memref<!tpu.dma_semaphore, #tpu.memory_space<semaphore_mem>>) src(%arg8 : memref<128x64xf32, #tpu.memory_space<vmem>>) dst(%dma_wait3A_627 : memref<128x64xf32, #tpu.memory_space<hbm>>)
    "tpu.region"() ({
      %run_scoped3A = tpu.sem_alloc : memref<!tpu.dma_semaphore, #tpu.memory_space<semaphore_mem>>
      %dma_start3A_1003 = arith.constant 96 : i32
      %dma_start3A_1004 = arith.constant 0 : i32
      %dma_start3A_1005 = tpu.memref_slice %arg7[%dma_start3A_1003, %dma_start3A_1004] : memref<328x64xf32, #tpu.memory_space<vmem_shared>> -> memref<128x64xf32, #tpu.memory_space<vmem_shared>>
      %dma_start3A_1006 = arith.constant 96 : i32
      %dma_start3A_1007 = arith.constant 0 : i32
      %dma_start3A_1008 = tpu.memref_slice %arg7[%dma_start3A_1006, %dma_start3A_1007] : memref<328x64xf32, #tpu.memory_space<vmem_shared>> -> memref<128x64xf32, #tpu.memory_space<vmem_shared>>
      tpu.enqueue_dma source(%dma_start3A_1008 : memref<128x64xf32, #tpu.memory_space<vmem_shared>>) target(%arg8 : memref<128x64xf32, #tpu.memory_space<vmem>>) target_semaphore(%run_scoped3A : memref<!tpu.dma_semaphore, #tpu.memory_space<semaphore_mem>>)
      %dma_wait3A_1009 = arith.constant 96 : i32
      %dma_wait3A_1010 = arith.constant 0 : i32
      %dma_wait3A_1011 = tpu.memref_slice %arg7[%dma_wait3A_1009, %dma_wait3A_1010] : memref<328x64xf32, #tpu.memory_space<vmem_shared>> -> memref<128x64xf32, #tpu.memory_space<vmem_shared>>
      %dma_wait3A_1012 = arith.constant 96 : i32
      %dma_wait3A_1013 = arith.constant 0 : i32
      %dma_wait3A_1014 = tpu.memref_slice %arg7[%dma_wait3A_1012, %dma_wait3A_1013] : memref<328x64xf32, #tpu.memory_space<vmem_shared>> -> memref<128x64xf32, #tpu.memory_space<vmem_shared>>
      tpu.wait_dma2 semaphore(%run_scoped3A : memref<!tpu.dma_semaphore, #tpu.memory_space<semaphore_mem>>) src(%dma_wait3A_1014 : memref<128x64xf32, #tpu.memory_space<vmem_shared>>) dst(%arg8 : memref<128x64xf32, #tpu.memory_space<vmem>>)
      tpu.yield
    }) : () -> ()
    %dma_start3A_628 = arith.constant 4096 : i32
    %dma_start3A_629 = tpu.memref_slice %arg6[%dma_start3A_628] : memref<6400xi32, #tpu.memory_space<vmem>> -> memref<128xi32, #tpu.memory_space<vmem>>
    %dma_start3A_630 = arith.constant 0 : i32
    %dma_start3A_631 = arith.constant 0 : i32
    %dma_start3A_632 = tpu.memref_slice %arg3[%dma_start3A_630, %dma_start3A_631] : memref<1000000x64xf32, #tpu.memory_space<hbm>> -> memref<1000000x64xf32, #tpu.memory_space<hbm>>
    tpu.enqueue_indirect_dma source(%dma_start3A_632 : memref<1000000x64xf32, #tpu.memory_space<hbm>>) target(%arg8 : memref<128x64xf32, #tpu.memory_space<vmem>>) offsets(%dma_start3A_629 : memref<128xi32, #tpu.memory_space<vmem>>) semaphore(%arg10 : memref<!tpu.dma_semaphore, #tpu.memory_space<semaphore_mem>>) {add = true}
    %dma_wait3A_633 = arith.constant 3968 : i32
    %dma_wait3A_634 = tpu.memref_slice %arg6[%dma_wait3A_633] : memref<6400xi32, #tpu.memory_space<vmem>> -> memref<128xi32, #tpu.memory_space<vmem>>
    %dma_wait3A_635 = arith.constant 0 : i32
    %dma_wait3A_636 = arith.constant 0 : i32
    %dma_wait3A_637 = tpu.memref_slice %arg3[%dma_wait3A_635, %dma_wait3A_636] : memref<1000000x64xf32, #tpu.memory_space<hbm>> -> memref<1000000x64xf32, #tpu.memory_space<hbm>>
    tpu.wait_indirect_dma semaphore(%arg11 : memref<!tpu.dma_semaphore, #tpu.memory_space<semaphore_mem>>) src(%dma_wait3A_637 : memref<1000000x64xf32, #tpu.memory_space<hbm>>) dst(%arg9 : memref<128x64xf32, #tpu.memory_space<vmem>>)
    %add3A_638 = arith.constant 3968 : i32
    %add3A_639 = arith.addi %mul3A_2, %add3A_638 : i32
    %dma_start3A_640 = arith.constant 0 : i32
    %dma_start3A_641 = tpu.memref_slice %arg5[%add3A_639, %dma_start3A_640] : memref<204800x64xf32, #tpu.memory_space<hbm>> -> memref<128x64xf32, #tpu.memory_space<hbm>>
    %dma_start3A_642 = arith.constant 0 : i32
    %dma_start3A_643 = tpu.memref_slice %arg5[%add3A_639, %dma_start3A_642] : memref<204800x64xf32, #tpu.memory_space<hbm>> -> memref<128x64xf32, #tpu.memory_space<hbm>>
    tpu.enqueue_dma source(%arg9 : memref<128x64xf32, #tpu.memory_space<vmem>>) target(%dma_start3A_643 : memref<128x64xf32, #tpu.memory_space<hbm>>) target_semaphore(%arg13 : memref<!tpu.dma_semaphore, #tpu.memory_space<semaphore_mem>>)
    %dma_wait3A_644 = arith.constant 0 : i32
    %dma_wait3A_645 = tpu.memref_slice %arg5[%add3A_639, %dma_wait3A_644] : memref<204800x64xf32, #tpu.memory_space<hbm>> -> memref<128x64xf32, #tpu.memory_space<hbm>>
    %dma_wait3A_646 = arith.constant 0 : i32
    %dma_wait3A_647 = tpu.memref_slice %arg5[%add3A_639, %dma_wait3A_646] : memref<204800x64xf32, #tpu.memory_space<hbm>> -> memref<128x64xf32, #tpu.memory_space<hbm>>
    tpu.wait_dma2 semaphore(%arg13 : memref<!tpu.dma_semaphore, #tpu.memory_space<semaphore_mem>>) src(%arg9 : memref<128x64xf32, #tpu.memory_space<vmem>>) dst(%dma_wait3A_647 : memref<128x64xf32, #tpu.memory_space<hbm>>)
    "tpu.region"() ({
      %run_scoped3A = tpu.sem_alloc : memref<!tpu.dma_semaphore, #tpu.memory_space<semaphore_mem>>
      %dma_start3A_1003 = arith.constant 24 : i32
      %dma_start3A_1004 = arith.constant 0 : i32
      %dma_start3A_1005 = tpu.memref_slice %arg7[%dma_start3A_1003, %dma_start3A_1004] : memref<328x64xf32, #tpu.memory_space<vmem_shared>> -> memref<128x64xf32, #tpu.memory_space<vmem_shared>>
      %dma_start3A_1006 = arith.constant 24 : i32
      %dma_start3A_1007 = arith.constant 0 : i32
      %dma_start3A_1008 = tpu.memref_slice %arg7[%dma_start3A_1006, %dma_start3A_1007] : memref<328x64xf32, #tpu.memory_space<vmem_shared>> -> memref<128x64xf32, #tpu.memory_space<vmem_shared>>
      tpu.enqueue_dma source(%dma_start3A_1008 : memref<128x64xf32, #tpu.memory_space<vmem_shared>>) target(%arg9 : memref<128x64xf32, #tpu.memory_space<vmem>>) target_semaphore(%run_scoped3A : memref<!tpu.dma_semaphore, #tpu.memory_space<semaphore_mem>>)
      %dma_wait3A_1009 = arith.constant 24 : i32
      %dma_wait3A_1010 = arith.constant 0 : i32
      %dma_wait3A_1011 = tpu.memref_slice %arg7[%dma_wait3A_1009, %dma_wait3A_1010] : memref<328x64xf32, #tpu.memory_space<vmem_shared>> -> memref<128x64xf32, #tpu.memory_space<vmem_shared>>
      %dma_wait3A_1012 = arith.constant 24 : i32
      %dma_wait3A_1013 = arith.constant 0 : i32
      %dma_wait3A_1014 = tpu.memref_slice %arg7[%dma_wait3A_1012, %dma_wait3A_1013] : memref<328x64xf32, #tpu.memory_space<vmem_shared>> -> memref<128x64xf32, #tpu.memory_space<vmem_shared>>
      tpu.wait_dma2 semaphore(%run_scoped3A : memref<!tpu.dma_semaphore, #tpu.memory_space<semaphore_mem>>) src(%dma_wait3A_1014 : memref<128x64xf32, #tpu.memory_space<vmem_shared>>) dst(%arg9 : memref<128x64xf32, #tpu.memory_space<vmem>>)
      tpu.yield
    }) : () -> ()
    %dma_start3A_648 = arith.constant 4224 : i32
    %dma_start3A_649 = tpu.memref_slice %arg6[%dma_start3A_648] : memref<6400xi32, #tpu.memory_space<vmem>> -> memref<128xi32, #tpu.memory_space<vmem>>
    %dma_start3A_650 = arith.constant 0 : i32
    %dma_start3A_651 = arith.constant 0 : i32
    %dma_start3A_652 = tpu.memref_slice %arg3[%dma_start3A_650, %dma_start3A_651] : memref<1000000x64xf32, #tpu.memory_space<hbm>> -> memref<1000000x64xf32, #tpu.memory_space<hbm>>
    tpu.enqueue_indirect_dma source(%dma_start3A_652 : memref<1000000x64xf32, #tpu.memory_space<hbm>>) target(%arg9 : memref<128x64xf32, #tpu.memory_space<vmem>>) offsets(%dma_start3A_649 : memref<128xi32, #tpu.memory_space<vmem>>) semaphore(%arg11 : memref<!tpu.dma_semaphore, #tpu.memory_space<semaphore_mem>>) {add = true}
    %dma_wait3A_653 = arith.constant 4096 : i32
    %dma_wait3A_654 = tpu.memref_slice %arg6[%dma_wait3A_653] : memref<6400xi32, #tpu.memory_space<vmem>> -> memref<128xi32, #tpu.memory_space<vmem>>
    %dma_wait3A_655 = arith.constant 0 : i32
    %dma_wait3A_656 = arith.constant 0 : i32
    %dma_wait3A_657 = tpu.memref_slice %arg3[%dma_wait3A_655, %dma_wait3A_656] : memref<1000000x64xf32, #tpu.memory_space<hbm>> -> memref<1000000x64xf32, #tpu.memory_space<hbm>>
    tpu.wait_indirect_dma semaphore(%arg10 : memref<!tpu.dma_semaphore, #tpu.memory_space<semaphore_mem>>) src(%dma_wait3A_657 : memref<1000000x64xf32, #tpu.memory_space<hbm>>) dst(%arg8 : memref<128x64xf32, #tpu.memory_space<vmem>>)
    %add3A_658 = arith.constant 4096 : i32
    %add3A_659 = arith.addi %mul3A_2, %add3A_658 : i32
    %dma_start3A_660 = arith.constant 0 : i32
    %dma_start3A_661 = tpu.memref_slice %arg5[%add3A_659, %dma_start3A_660] : memref<204800x64xf32, #tpu.memory_space<hbm>> -> memref<128x64xf32, #tpu.memory_space<hbm>>
    %dma_start3A_662 = arith.constant 0 : i32
    %dma_start3A_663 = tpu.memref_slice %arg5[%add3A_659, %dma_start3A_662] : memref<204800x64xf32, #tpu.memory_space<hbm>> -> memref<128x64xf32, #tpu.memory_space<hbm>>
    tpu.enqueue_dma source(%arg8 : memref<128x64xf32, #tpu.memory_space<vmem>>) target(%dma_start3A_663 : memref<128x64xf32, #tpu.memory_space<hbm>>) target_semaphore(%arg12 : memref<!tpu.dma_semaphore, #tpu.memory_space<semaphore_mem>>)
    %dma_wait3A_664 = arith.constant 0 : i32
    %dma_wait3A_665 = tpu.memref_slice %arg5[%add3A_659, %dma_wait3A_664] : memref<204800x64xf32, #tpu.memory_space<hbm>> -> memref<128x64xf32, #tpu.memory_space<hbm>>
    %dma_wait3A_666 = arith.constant 0 : i32
    %dma_wait3A_667 = tpu.memref_slice %arg5[%add3A_659, %dma_wait3A_666] : memref<204800x64xf32, #tpu.memory_space<hbm>> -> memref<128x64xf32, #tpu.memory_space<hbm>>
    tpu.wait_dma2 semaphore(%arg12 : memref<!tpu.dma_semaphore, #tpu.memory_space<semaphore_mem>>) src(%arg8 : memref<128x64xf32, #tpu.memory_space<vmem>>) dst(%dma_wait3A_667 : memref<128x64xf32, #tpu.memory_space<hbm>>)
    "tpu.region"() ({
      %run_scoped3A = tpu.sem_alloc : memref<!tpu.dma_semaphore, #tpu.memory_space<semaphore_mem>>
      %dma_start3A_1003 = arith.constant 152 : i32
      %dma_start3A_1004 = arith.constant 0 : i32
      %dma_start3A_1005 = tpu.memref_slice %arg7[%dma_start3A_1003, %dma_start3A_1004] : memref<328x64xf32, #tpu.memory_space<vmem_shared>> -> memref<128x64xf32, #tpu.memory_space<vmem_shared>>
      %dma_start3A_1006 = arith.constant 152 : i32
      %dma_start3A_1007 = arith.constant 0 : i32
      %dma_start3A_1008 = tpu.memref_slice %arg7[%dma_start3A_1006, %dma_start3A_1007] : memref<328x64xf32, #tpu.memory_space<vmem_shared>> -> memref<128x64xf32, #tpu.memory_space<vmem_shared>>
      tpu.enqueue_dma source(%dma_start3A_1008 : memref<128x64xf32, #tpu.memory_space<vmem_shared>>) target(%arg8 : memref<128x64xf32, #tpu.memory_space<vmem>>) target_semaphore(%run_scoped3A : memref<!tpu.dma_semaphore, #tpu.memory_space<semaphore_mem>>)
      %dma_wait3A_1009 = arith.constant 152 : i32
      %dma_wait3A_1010 = arith.constant 0 : i32
      %dma_wait3A_1011 = tpu.memref_slice %arg7[%dma_wait3A_1009, %dma_wait3A_1010] : memref<328x64xf32, #tpu.memory_space<vmem_shared>> -> memref<128x64xf32, #tpu.memory_space<vmem_shared>>
      %dma_wait3A_1012 = arith.constant 152 : i32
      %dma_wait3A_1013 = arith.constant 0 : i32
      %dma_wait3A_1014 = tpu.memref_slice %arg7[%dma_wait3A_1012, %dma_wait3A_1013] : memref<328x64xf32, #tpu.memory_space<vmem_shared>> -> memref<128x64xf32, #tpu.memory_space<vmem_shared>>
      tpu.wait_dma2 semaphore(%run_scoped3A : memref<!tpu.dma_semaphore, #tpu.memory_space<semaphore_mem>>) src(%dma_wait3A_1014 : memref<128x64xf32, #tpu.memory_space<vmem_shared>>) dst(%arg8 : memref<128x64xf32, #tpu.memory_space<vmem>>)
      tpu.yield
    }) : () -> ()
    %dma_start3A_668 = arith.constant 4352 : i32
    %dma_start3A_669 = tpu.memref_slice %arg6[%dma_start3A_668] : memref<6400xi32, #tpu.memory_space<vmem>> -> memref<128xi32, #tpu.memory_space<vmem>>
    %dma_start3A_670 = arith.constant 0 : i32
    %dma_start3A_671 = arith.constant 0 : i32
    %dma_start3A_672 = tpu.memref_slice %arg3[%dma_start3A_670, %dma_start3A_671] : memref<1000000x64xf32, #tpu.memory_space<hbm>> -> memref<1000000x64xf32, #tpu.memory_space<hbm>>
    tpu.enqueue_indirect_dma source(%dma_start3A_672 : memref<1000000x64xf32, #tpu.memory_space<hbm>>) target(%arg8 : memref<128x64xf32, #tpu.memory_space<vmem>>) offsets(%dma_start3A_669 : memref<128xi32, #tpu.memory_space<vmem>>) semaphore(%arg10 : memref<!tpu.dma_semaphore, #tpu.memory_space<semaphore_mem>>) {add = true}
    %dma_wait3A_673 = arith.constant 4224 : i32
    %dma_wait3A_674 = tpu.memref_slice %arg6[%dma_wait3A_673] : memref<6400xi32, #tpu.memory_space<vmem>> -> memref<128xi32, #tpu.memory_space<vmem>>
    %dma_wait3A_675 = arith.constant 0 : i32
    %dma_wait3A_676 = arith.constant 0 : i32
    %dma_wait3A_677 = tpu.memref_slice %arg3[%dma_wait3A_675, %dma_wait3A_676] : memref<1000000x64xf32, #tpu.memory_space<hbm>> -> memref<1000000x64xf32, #tpu.memory_space<hbm>>
    tpu.wait_indirect_dma semaphore(%arg11 : memref<!tpu.dma_semaphore, #tpu.memory_space<semaphore_mem>>) src(%dma_wait3A_677 : memref<1000000x64xf32, #tpu.memory_space<hbm>>) dst(%arg9 : memref<128x64xf32, #tpu.memory_space<vmem>>)
    %add3A_678 = arith.constant 4224 : i32
    %add3A_679 = arith.addi %mul3A_2, %add3A_678 : i32
    %dma_start3A_680 = arith.constant 0 : i32
    %dma_start3A_681 = tpu.memref_slice %arg5[%add3A_679, %dma_start3A_680] : memref<204800x64xf32, #tpu.memory_space<hbm>> -> memref<128x64xf32, #tpu.memory_space<hbm>>
    %dma_start3A_682 = arith.constant 0 : i32
    %dma_start3A_683 = tpu.memref_slice %arg5[%add3A_679, %dma_start3A_682] : memref<204800x64xf32, #tpu.memory_space<hbm>> -> memref<128x64xf32, #tpu.memory_space<hbm>>
    tpu.enqueue_dma source(%arg9 : memref<128x64xf32, #tpu.memory_space<vmem>>) target(%dma_start3A_683 : memref<128x64xf32, #tpu.memory_space<hbm>>) target_semaphore(%arg13 : memref<!tpu.dma_semaphore, #tpu.memory_space<semaphore_mem>>)
    %dma_wait3A_684 = arith.constant 0 : i32
    %dma_wait3A_685 = tpu.memref_slice %arg5[%add3A_679, %dma_wait3A_684] : memref<204800x64xf32, #tpu.memory_space<hbm>> -> memref<128x64xf32, #tpu.memory_space<hbm>>
    %dma_wait3A_686 = arith.constant 0 : i32
    %dma_wait3A_687 = tpu.memref_slice %arg5[%add3A_679, %dma_wait3A_686] : memref<204800x64xf32, #tpu.memory_space<hbm>> -> memref<128x64xf32, #tpu.memory_space<hbm>>
    tpu.wait_dma2 semaphore(%arg13 : memref<!tpu.dma_semaphore, #tpu.memory_space<semaphore_mem>>) src(%arg9 : memref<128x64xf32, #tpu.memory_space<vmem>>) dst(%dma_wait3A_687 : memref<128x64xf32, #tpu.memory_space<hbm>>)
    "tpu.region"() ({
      %run_scoped3A = tpu.sem_alloc : memref<!tpu.dma_semaphore, #tpu.memory_space<semaphore_mem>>
      %dma_start3A_1003 = arith.constant 80 : i32
      %dma_start3A_1004 = arith.constant 0 : i32
      %dma_start3A_1005 = tpu.memref_slice %arg7[%dma_start3A_1003, %dma_start3A_1004] : memref<328x64xf32, #tpu.memory_space<vmem_shared>> -> memref<128x64xf32, #tpu.memory_space<vmem_shared>>
      %dma_start3A_1006 = arith.constant 80 : i32
      %dma_start3A_1007 = arith.constant 0 : i32
      %dma_start3A_1008 = tpu.memref_slice %arg7[%dma_start3A_1006, %dma_start3A_1007] : memref<328x64xf32, #tpu.memory_space<vmem_shared>> -> memref<128x64xf32, #tpu.memory_space<vmem_shared>>
      tpu.enqueue_dma source(%dma_start3A_1008 : memref<128x64xf32, #tpu.memory_space<vmem_shared>>) target(%arg9 : memref<128x64xf32, #tpu.memory_space<vmem>>) target_semaphore(%run_scoped3A : memref<!tpu.dma_semaphore, #tpu.memory_space<semaphore_mem>>)
      %dma_wait3A_1009 = arith.constant 80 : i32
      %dma_wait3A_1010 = arith.constant 0 : i32
      %dma_wait3A_1011 = tpu.memref_slice %arg7[%dma_wait3A_1009, %dma_wait3A_1010] : memref<328x64xf32, #tpu.memory_space<vmem_shared>> -> memref<128x64xf32, #tpu.memory_space<vmem_shared>>
      %dma_wait3A_1012 = arith.constant 80 : i32
      %dma_wait3A_1013 = arith.constant 0 : i32
      %dma_wait3A_1014 = tpu.memref_slice %arg7[%dma_wait3A_1012, %dma_wait3A_1013] : memref<328x64xf32, #tpu.memory_space<vmem_shared>> -> memref<128x64xf32, #tpu.memory_space<vmem_shared>>
      tpu.wait_dma2 semaphore(%run_scoped3A : memref<!tpu.dma_semaphore, #tpu.memory_space<semaphore_mem>>) src(%dma_wait3A_1014 : memref<128x64xf32, #tpu.memory_space<vmem_shared>>) dst(%arg9 : memref<128x64xf32, #tpu.memory_space<vmem>>)
      tpu.yield
    }) : () -> ()
    %dma_start3A_688 = arith.constant 4480 : i32
    %dma_start3A_689 = tpu.memref_slice %arg6[%dma_start3A_688] : memref<6400xi32, #tpu.memory_space<vmem>> -> memref<128xi32, #tpu.memory_space<vmem>>
    %dma_start3A_690 = arith.constant 0 : i32
    %dma_start3A_691 = arith.constant 0 : i32
    %dma_start3A_692 = tpu.memref_slice %arg3[%dma_start3A_690, %dma_start3A_691] : memref<1000000x64xf32, #tpu.memory_space<hbm>> -> memref<1000000x64xf32, #tpu.memory_space<hbm>>
    tpu.enqueue_indirect_dma source(%dma_start3A_692 : memref<1000000x64xf32, #tpu.memory_space<hbm>>) target(%arg9 : memref<128x64xf32, #tpu.memory_space<vmem>>) offsets(%dma_start3A_689 : memref<128xi32, #tpu.memory_space<vmem>>) semaphore(%arg11 : memref<!tpu.dma_semaphore, #tpu.memory_space<semaphore_mem>>) {add = true}
    %dma_wait3A_693 = arith.constant 4352 : i32
    %dma_wait3A_694 = tpu.memref_slice %arg6[%dma_wait3A_693] : memref<6400xi32, #tpu.memory_space<vmem>> -> memref<128xi32, #tpu.memory_space<vmem>>
    %dma_wait3A_695 = arith.constant 0 : i32
    %dma_wait3A_696 = arith.constant 0 : i32
    %dma_wait3A_697 = tpu.memref_slice %arg3[%dma_wait3A_695, %dma_wait3A_696] : memref<1000000x64xf32, #tpu.memory_space<hbm>> -> memref<1000000x64xf32, #tpu.memory_space<hbm>>
    tpu.wait_indirect_dma semaphore(%arg10 : memref<!tpu.dma_semaphore, #tpu.memory_space<semaphore_mem>>) src(%dma_wait3A_697 : memref<1000000x64xf32, #tpu.memory_space<hbm>>) dst(%arg8 : memref<128x64xf32, #tpu.memory_space<vmem>>)
    %add3A_698 = arith.constant 4352 : i32
    %add3A_699 = arith.addi %mul3A_2, %add3A_698 : i32
    %dma_start3A_700 = arith.constant 0 : i32
    %dma_start3A_701 = tpu.memref_slice %arg5[%add3A_699, %dma_start3A_700] : memref<204800x64xf32, #tpu.memory_space<hbm>> -> memref<128x64xf32, #tpu.memory_space<hbm>>
    %dma_start3A_702 = arith.constant 0 : i32
    %dma_start3A_703 = tpu.memref_slice %arg5[%add3A_699, %dma_start3A_702] : memref<204800x64xf32, #tpu.memory_space<hbm>> -> memref<128x64xf32, #tpu.memory_space<hbm>>
    tpu.enqueue_dma source(%arg8 : memref<128x64xf32, #tpu.memory_space<vmem>>) target(%dma_start3A_703 : memref<128x64xf32, #tpu.memory_space<hbm>>) target_semaphore(%arg12 : memref<!tpu.dma_semaphore, #tpu.memory_space<semaphore_mem>>)
    %dma_wait3A_704 = arith.constant 0 : i32
    %dma_wait3A_705 = tpu.memref_slice %arg5[%add3A_699, %dma_wait3A_704] : memref<204800x64xf32, #tpu.memory_space<hbm>> -> memref<128x64xf32, #tpu.memory_space<hbm>>
    %dma_wait3A_706 = arith.constant 0 : i32
    %dma_wait3A_707 = tpu.memref_slice %arg5[%add3A_699, %dma_wait3A_706] : memref<204800x64xf32, #tpu.memory_space<hbm>> -> memref<128x64xf32, #tpu.memory_space<hbm>>
    tpu.wait_dma2 semaphore(%arg12 : memref<!tpu.dma_semaphore, #tpu.memory_space<semaphore_mem>>) src(%arg8 : memref<128x64xf32, #tpu.memory_space<vmem>>) dst(%dma_wait3A_707 : memref<128x64xf32, #tpu.memory_space<hbm>>)
    "tpu.region"() ({
      %run_scoped3A = tpu.sem_alloc : memref<!tpu.dma_semaphore, #tpu.memory_space<semaphore_mem>>
      %dma_start3A_1003 = arith.constant 8 : i32
      %dma_start3A_1004 = arith.constant 0 : i32
      %dma_start3A_1005 = tpu.memref_slice %arg7[%dma_start3A_1003, %dma_start3A_1004] : memref<328x64xf32, #tpu.memory_space<vmem_shared>> -> memref<128x64xf32, #tpu.memory_space<vmem_shared>>
      %dma_start3A_1006 = arith.constant 8 : i32
      %dma_start3A_1007 = arith.constant 0 : i32
      %dma_start3A_1008 = tpu.memref_slice %arg7[%dma_start3A_1006, %dma_start3A_1007] : memref<328x64xf32, #tpu.memory_space<vmem_shared>> -> memref<128x64xf32, #tpu.memory_space<vmem_shared>>
      tpu.enqueue_dma source(%dma_start3A_1008 : memref<128x64xf32, #tpu.memory_space<vmem_shared>>) target(%arg8 : memref<128x64xf32, #tpu.memory_space<vmem>>) target_semaphore(%run_scoped3A : memref<!tpu.dma_semaphore, #tpu.memory_space<semaphore_mem>>)
      %dma_wait3A_1009 = arith.constant 8 : i32
      %dma_wait3A_1010 = arith.constant 0 : i32
      %dma_wait3A_1011 = tpu.memref_slice %arg7[%dma_wait3A_1009, %dma_wait3A_1010] : memref<328x64xf32, #tpu.memory_space<vmem_shared>> -> memref<128x64xf32, #tpu.memory_space<vmem_shared>>
      %dma_wait3A_1012 = arith.constant 8 : i32
      %dma_wait3A_1013 = arith.constant 0 : i32
      %dma_wait3A_1014 = tpu.memref_slice %arg7[%dma_wait3A_1012, %dma_wait3A_1013] : memref<328x64xf32, #tpu.memory_space<vmem_shared>> -> memref<128x64xf32, #tpu.memory_space<vmem_shared>>
      tpu.wait_dma2 semaphore(%run_scoped3A : memref<!tpu.dma_semaphore, #tpu.memory_space<semaphore_mem>>) src(%dma_wait3A_1014 : memref<128x64xf32, #tpu.memory_space<vmem_shared>>) dst(%arg8 : memref<128x64xf32, #tpu.memory_space<vmem>>)
      tpu.yield
    }) : () -> ()
    %dma_start3A_708 = arith.constant 4608 : i32
    %dma_start3A_709 = tpu.memref_slice %arg6[%dma_start3A_708] : memref<6400xi32, #tpu.memory_space<vmem>> -> memref<128xi32, #tpu.memory_space<vmem>>
    %dma_start3A_710 = arith.constant 0 : i32
    %dma_start3A_711 = arith.constant 0 : i32
    %dma_start3A_712 = tpu.memref_slice %arg3[%dma_start3A_710, %dma_start3A_711] : memref<1000000x64xf32, #tpu.memory_space<hbm>> -> memref<1000000x64xf32, #tpu.memory_space<hbm>>
    tpu.enqueue_indirect_dma source(%dma_start3A_712 : memref<1000000x64xf32, #tpu.memory_space<hbm>>) target(%arg8 : memref<128x64xf32, #tpu.memory_space<vmem>>) offsets(%dma_start3A_709 : memref<128xi32, #tpu.memory_space<vmem>>) semaphore(%arg10 : memref<!tpu.dma_semaphore, #tpu.memory_space<semaphore_mem>>) {add = true}
    %dma_wait3A_713 = arith.constant 4480 : i32
    %dma_wait3A_714 = tpu.memref_slice %arg6[%dma_wait3A_713] : memref<6400xi32, #tpu.memory_space<vmem>> -> memref<128xi32, #tpu.memory_space<vmem>>
    %dma_wait3A_715 = arith.constant 0 : i32
    %dma_wait3A_716 = arith.constant 0 : i32
    %dma_wait3A_717 = tpu.memref_slice %arg3[%dma_wait3A_715, %dma_wait3A_716] : memref<1000000x64xf32, #tpu.memory_space<hbm>> -> memref<1000000x64xf32, #tpu.memory_space<hbm>>
    tpu.wait_indirect_dma semaphore(%arg11 : memref<!tpu.dma_semaphore, #tpu.memory_space<semaphore_mem>>) src(%dma_wait3A_717 : memref<1000000x64xf32, #tpu.memory_space<hbm>>) dst(%arg9 : memref<128x64xf32, #tpu.memory_space<vmem>>)
    %add3A_718 = arith.constant 4480 : i32
    %add3A_719 = arith.addi %mul3A_2, %add3A_718 : i32
    %dma_start3A_720 = arith.constant 0 : i32
    %dma_start3A_721 = tpu.memref_slice %arg5[%add3A_719, %dma_start3A_720] : memref<204800x64xf32, #tpu.memory_space<hbm>> -> memref<128x64xf32, #tpu.memory_space<hbm>>
    %dma_start3A_722 = arith.constant 0 : i32
    %dma_start3A_723 = tpu.memref_slice %arg5[%add3A_719, %dma_start3A_722] : memref<204800x64xf32, #tpu.memory_space<hbm>> -> memref<128x64xf32, #tpu.memory_space<hbm>>
    tpu.enqueue_dma source(%arg9 : memref<128x64xf32, #tpu.memory_space<vmem>>) target(%dma_start3A_723 : memref<128x64xf32, #tpu.memory_space<hbm>>) target_semaphore(%arg13 : memref<!tpu.dma_semaphore, #tpu.memory_space<semaphore_mem>>)
    %dma_wait3A_724 = arith.constant 0 : i32
    %dma_wait3A_725 = tpu.memref_slice %arg5[%add3A_719, %dma_wait3A_724] : memref<204800x64xf32, #tpu.memory_space<hbm>> -> memref<128x64xf32, #tpu.memory_space<hbm>>
    %dma_wait3A_726 = arith.constant 0 : i32
    %dma_wait3A_727 = tpu.memref_slice %arg5[%add3A_719, %dma_wait3A_726] : memref<204800x64xf32, #tpu.memory_space<hbm>> -> memref<128x64xf32, #tpu.memory_space<hbm>>
    tpu.wait_dma2 semaphore(%arg13 : memref<!tpu.dma_semaphore, #tpu.memory_space<semaphore_mem>>) src(%arg9 : memref<128x64xf32, #tpu.memory_space<vmem>>) dst(%dma_wait3A_727 : memref<128x64xf32, #tpu.memory_space<hbm>>)
    "tpu.region"() ({
      %run_scoped3A = tpu.sem_alloc : memref<!tpu.dma_semaphore, #tpu.memory_space<semaphore_mem>>
      %dma_start3A_1003 = arith.constant 136 : i32
      %dma_start3A_1004 = arith.constant 0 : i32
      %dma_start3A_1005 = tpu.memref_slice %arg7[%dma_start3A_1003, %dma_start3A_1004] : memref<328x64xf32, #tpu.memory_space<vmem_shared>> -> memref<128x64xf32, #tpu.memory_space<vmem_shared>>
      %dma_start3A_1006 = arith.constant 136 : i32
      %dma_start3A_1007 = arith.constant 0 : i32
      %dma_start3A_1008 = tpu.memref_slice %arg7[%dma_start3A_1006, %dma_start3A_1007] : memref<328x64xf32, #tpu.memory_space<vmem_shared>> -> memref<128x64xf32, #tpu.memory_space<vmem_shared>>
      tpu.enqueue_dma source(%dma_start3A_1008 : memref<128x64xf32, #tpu.memory_space<vmem_shared>>) target(%arg9 : memref<128x64xf32, #tpu.memory_space<vmem>>) target_semaphore(%run_scoped3A : memref<!tpu.dma_semaphore, #tpu.memory_space<semaphore_mem>>)
      %dma_wait3A_1009 = arith.constant 136 : i32
      %dma_wait3A_1010 = arith.constant 0 : i32
      %dma_wait3A_1011 = tpu.memref_slice %arg7[%dma_wait3A_1009, %dma_wait3A_1010] : memref<328x64xf32, #tpu.memory_space<vmem_shared>> -> memref<128x64xf32, #tpu.memory_space<vmem_shared>>
      %dma_wait3A_1012 = arith.constant 136 : i32
      %dma_wait3A_1013 = arith.constant 0 : i32
      %dma_wait3A_1014 = tpu.memref_slice %arg7[%dma_wait3A_1012, %dma_wait3A_1013] : memref<328x64xf32, #tpu.memory_space<vmem_shared>> -> memref<128x64xf32, #tpu.memory_space<vmem_shared>>
      tpu.wait_dma2 semaphore(%run_scoped3A : memref<!tpu.dma_semaphore, #tpu.memory_space<semaphore_mem>>) src(%dma_wait3A_1014 : memref<128x64xf32, #tpu.memory_space<vmem_shared>>) dst(%arg9 : memref<128x64xf32, #tpu.memory_space<vmem>>)
      tpu.yield
    }) : () -> ()
    %dma_start3A_728 = arith.constant 4736 : i32
    %dma_start3A_729 = tpu.memref_slice %arg6[%dma_start3A_728] : memref<6400xi32, #tpu.memory_space<vmem>> -> memref<128xi32, #tpu.memory_space<vmem>>
    %dma_start3A_730 = arith.constant 0 : i32
    %dma_start3A_731 = arith.constant 0 : i32
    %dma_start3A_732 = tpu.memref_slice %arg3[%dma_start3A_730, %dma_start3A_731] : memref<1000000x64xf32, #tpu.memory_space<hbm>> -> memref<1000000x64xf32, #tpu.memory_space<hbm>>
    tpu.enqueue_indirect_dma source(%dma_start3A_732 : memref<1000000x64xf32, #tpu.memory_space<hbm>>) target(%arg9 : memref<128x64xf32, #tpu.memory_space<vmem>>) offsets(%dma_start3A_729 : memref<128xi32, #tpu.memory_space<vmem>>) semaphore(%arg11 : memref<!tpu.dma_semaphore, #tpu.memory_space<semaphore_mem>>) {add = true}
    %dma_wait3A_733 = arith.constant 4608 : i32
    %dma_wait3A_734 = tpu.memref_slice %arg6[%dma_wait3A_733] : memref<6400xi32, #tpu.memory_space<vmem>> -> memref<128xi32, #tpu.memory_space<vmem>>
    %dma_wait3A_735 = arith.constant 0 : i32
    %dma_wait3A_736 = arith.constant 0 : i32
    %dma_wait3A_737 = tpu.memref_slice %arg3[%dma_wait3A_735, %dma_wait3A_736] : memref<1000000x64xf32, #tpu.memory_space<hbm>> -> memref<1000000x64xf32, #tpu.memory_space<hbm>>
    tpu.wait_indirect_dma semaphore(%arg10 : memref<!tpu.dma_semaphore, #tpu.memory_space<semaphore_mem>>) src(%dma_wait3A_737 : memref<1000000x64xf32, #tpu.memory_space<hbm>>) dst(%arg8 : memref<128x64xf32, #tpu.memory_space<vmem>>)
    %add3A_738 = arith.constant 4608 : i32
    %add3A_739 = arith.addi %mul3A_2, %add3A_738 : i32
    %dma_start3A_740 = arith.constant 0 : i32
    %dma_start3A_741 = tpu.memref_slice %arg5[%add3A_739, %dma_start3A_740] : memref<204800x64xf32, #tpu.memory_space<hbm>> -> memref<128x64xf32, #tpu.memory_space<hbm>>
    %dma_start3A_742 = arith.constant 0 : i32
    %dma_start3A_743 = tpu.memref_slice %arg5[%add3A_739, %dma_start3A_742] : memref<204800x64xf32, #tpu.memory_space<hbm>> -> memref<128x64xf32, #tpu.memory_space<hbm>>
    tpu.enqueue_dma source(%arg8 : memref<128x64xf32, #tpu.memory_space<vmem>>) target(%dma_start3A_743 : memref<128x64xf32, #tpu.memory_space<hbm>>) target_semaphore(%arg12 : memref<!tpu.dma_semaphore, #tpu.memory_space<semaphore_mem>>)
    %dma_wait3A_744 = arith.constant 0 : i32
    %dma_wait3A_745 = tpu.memref_slice %arg5[%add3A_739, %dma_wait3A_744] : memref<204800x64xf32, #tpu.memory_space<hbm>> -> memref<128x64xf32, #tpu.memory_space<hbm>>
    %dma_wait3A_746 = arith.constant 0 : i32
    %dma_wait3A_747 = tpu.memref_slice %arg5[%add3A_739, %dma_wait3A_746] : memref<204800x64xf32, #tpu.memory_space<hbm>> -> memref<128x64xf32, #tpu.memory_space<hbm>>
    tpu.wait_dma2 semaphore(%arg12 : memref<!tpu.dma_semaphore, #tpu.memory_space<semaphore_mem>>) src(%arg8 : memref<128x64xf32, #tpu.memory_space<vmem>>) dst(%dma_wait3A_747 : memref<128x64xf32, #tpu.memory_space<hbm>>)
    "tpu.region"() ({
      %run_scoped3A = tpu.sem_alloc : memref<!tpu.dma_semaphore, #tpu.memory_space<semaphore_mem>>
      %dma_start3A_1003 = arith.constant 64 : i32
      %dma_start3A_1004 = arith.constant 0 : i32
      %dma_start3A_1005 = tpu.memref_slice %arg7[%dma_start3A_1003, %dma_start3A_1004] : memref<328x64xf32, #tpu.memory_space<vmem_shared>> -> memref<128x64xf32, #tpu.memory_space<vmem_shared>>
      %dma_start3A_1006 = arith.constant 64 : i32
      %dma_start3A_1007 = arith.constant 0 : i32
      %dma_start3A_1008 = tpu.memref_slice %arg7[%dma_start3A_1006, %dma_start3A_1007] : memref<328x64xf32, #tpu.memory_space<vmem_shared>> -> memref<128x64xf32, #tpu.memory_space<vmem_shared>>
      tpu.enqueue_dma source(%dma_start3A_1008 : memref<128x64xf32, #tpu.memory_space<vmem_shared>>) target(%arg8 : memref<128x64xf32, #tpu.memory_space<vmem>>) target_semaphore(%run_scoped3A : memref<!tpu.dma_semaphore, #tpu.memory_space<semaphore_mem>>)
      %dma_wait3A_1009 = arith.constant 64 : i32
      %dma_wait3A_1010 = arith.constant 0 : i32
      %dma_wait3A_1011 = tpu.memref_slice %arg7[%dma_wait3A_1009, %dma_wait3A_1010] : memref<328x64xf32, #tpu.memory_space<vmem_shared>> -> memref<128x64xf32, #tpu.memory_space<vmem_shared>>
      %dma_wait3A_1012 = arith.constant 64 : i32
      %dma_wait3A_1013 = arith.constant 0 : i32
      %dma_wait3A_1014 = tpu.memref_slice %arg7[%dma_wait3A_1012, %dma_wait3A_1013] : memref<328x64xf32, #tpu.memory_space<vmem_shared>> -> memref<128x64xf32, #tpu.memory_space<vmem_shared>>
      tpu.wait_dma2 semaphore(%run_scoped3A : memref<!tpu.dma_semaphore, #tpu.memory_space<semaphore_mem>>) src(%dma_wait3A_1014 : memref<128x64xf32, #tpu.memory_space<vmem_shared>>) dst(%arg8 : memref<128x64xf32, #tpu.memory_space<vmem>>)
      tpu.yield
    }) : () -> ()
    %dma_start3A_748 = arith.constant 4864 : i32
    %dma_start3A_749 = tpu.memref_slice %arg6[%dma_start3A_748] : memref<6400xi32, #tpu.memory_space<vmem>> -> memref<128xi32, #tpu.memory_space<vmem>>
    %dma_start3A_750 = arith.constant 0 : i32
    %dma_start3A_751 = arith.constant 0 : i32
    %dma_start3A_752 = tpu.memref_slice %arg3[%dma_start3A_750, %dma_start3A_751] : memref<1000000x64xf32, #tpu.memory_space<hbm>> -> memref<1000000x64xf32, #tpu.memory_space<hbm>>
    tpu.enqueue_indirect_dma source(%dma_start3A_752 : memref<1000000x64xf32, #tpu.memory_space<hbm>>) target(%arg8 : memref<128x64xf32, #tpu.memory_space<vmem>>) offsets(%dma_start3A_749 : memref<128xi32, #tpu.memory_space<vmem>>) semaphore(%arg10 : memref<!tpu.dma_semaphore, #tpu.memory_space<semaphore_mem>>) {add = true}
    %dma_wait3A_753 = arith.constant 4736 : i32
    %dma_wait3A_754 = tpu.memref_slice %arg6[%dma_wait3A_753] : memref<6400xi32, #tpu.memory_space<vmem>> -> memref<128xi32, #tpu.memory_space<vmem>>
    %dma_wait3A_755 = arith.constant 0 : i32
    %dma_wait3A_756 = arith.constant 0 : i32
    %dma_wait3A_757 = tpu.memref_slice %arg3[%dma_wait3A_755, %dma_wait3A_756] : memref<1000000x64xf32, #tpu.memory_space<hbm>> -> memref<1000000x64xf32, #tpu.memory_space<hbm>>
    tpu.wait_indirect_dma semaphore(%arg11 : memref<!tpu.dma_semaphore, #tpu.memory_space<semaphore_mem>>) src(%dma_wait3A_757 : memref<1000000x64xf32, #tpu.memory_space<hbm>>) dst(%arg9 : memref<128x64xf32, #tpu.memory_space<vmem>>)
    %add3A_758 = arith.constant 4736 : i32
    %add3A_759 = arith.addi %mul3A_2, %add3A_758 : i32
    %dma_start3A_760 = arith.constant 0 : i32
    %dma_start3A_761 = tpu.memref_slice %arg5[%add3A_759, %dma_start3A_760] : memref<204800x64xf32, #tpu.memory_space<hbm>> -> memref<128x64xf32, #tpu.memory_space<hbm>>
    %dma_start3A_762 = arith.constant 0 : i32
    %dma_start3A_763 = tpu.memref_slice %arg5[%add3A_759, %dma_start3A_762] : memref<204800x64xf32, #tpu.memory_space<hbm>> -> memref<128x64xf32, #tpu.memory_space<hbm>>
    tpu.enqueue_dma source(%arg9 : memref<128x64xf32, #tpu.memory_space<vmem>>) target(%dma_start3A_763 : memref<128x64xf32, #tpu.memory_space<hbm>>) target_semaphore(%arg13 : memref<!tpu.dma_semaphore, #tpu.memory_space<semaphore_mem>>)
    %dma_wait3A_764 = arith.constant 0 : i32
    %dma_wait3A_765 = tpu.memref_slice %arg5[%add3A_759, %dma_wait3A_764] : memref<204800x64xf32, #tpu.memory_space<hbm>> -> memref<128x64xf32, #tpu.memory_space<hbm>>
    %dma_wait3A_766 = arith.constant 0 : i32
    %dma_wait3A_767 = tpu.memref_slice %arg5[%add3A_759, %dma_wait3A_766] : memref<204800x64xf32, #tpu.memory_space<hbm>> -> memref<128x64xf32, #tpu.memory_space<hbm>>
    tpu.wait_dma2 semaphore(%arg13 : memref<!tpu.dma_semaphore, #tpu.memory_space<semaphore_mem>>) src(%arg9 : memref<128x64xf32, #tpu.memory_space<vmem>>) dst(%dma_wait3A_767 : memref<128x64xf32, #tpu.memory_space<hbm>>)
    "tpu.region"() ({
      %run_scoped3A = tpu.sem_alloc : memref<!tpu.dma_semaphore, #tpu.memory_space<semaphore_mem>>
      %dma_start3A_1003 = arith.constant 192 : i32
      %dma_start3A_1004 = arith.constant 0 : i32
      %dma_start3A_1005 = tpu.memref_slice %arg7[%dma_start3A_1003, %dma_start3A_1004] : memref<328x64xf32, #tpu.memory_space<vmem_shared>> -> memref<128x64xf32, #tpu.memory_space<vmem_shared>>
      %dma_start3A_1006 = arith.constant 192 : i32
      %dma_start3A_1007 = arith.constant 0 : i32
      %dma_start3A_1008 = tpu.memref_slice %arg7[%dma_start3A_1006, %dma_start3A_1007] : memref<328x64xf32, #tpu.memory_space<vmem_shared>> -> memref<128x64xf32, #tpu.memory_space<vmem_shared>>
      tpu.enqueue_dma source(%dma_start3A_1008 : memref<128x64xf32, #tpu.memory_space<vmem_shared>>) target(%arg9 : memref<128x64xf32, #tpu.memory_space<vmem>>) target_semaphore(%run_scoped3A : memref<!tpu.dma_semaphore, #tpu.memory_space<semaphore_mem>>)
      %dma_wait3A_1009 = arith.constant 192 : i32
      %dma_wait3A_1010 = arith.constant 0 : i32
      %dma_wait3A_1011 = tpu.memref_slice %arg7[%dma_wait3A_1009, %dma_wait3A_1010] : memref<328x64xf32, #tpu.memory_space<vmem_shared>> -> memref<128x64xf32, #tpu.memory_space<vmem_shared>>
      %dma_wait3A_1012 = arith.constant 192 : i32
      %dma_wait3A_1013 = arith.constant 0 : i32
      %dma_wait3A_1014 = tpu.memref_slice %arg7[%dma_wait3A_1012, %dma_wait3A_1013] : memref<328x64xf32, #tpu.memory_space<vmem_shared>> -> memref<128x64xf32, #tpu.memory_space<vmem_shared>>
      tpu.wait_dma2 semaphore(%run_scoped3A : memref<!tpu.dma_semaphore, #tpu.memory_space<semaphore_mem>>) src(%dma_wait3A_1014 : memref<128x64xf32, #tpu.memory_space<vmem_shared>>) dst(%arg9 : memref<128x64xf32, #tpu.memory_space<vmem>>)
      tpu.yield
    }) : () -> ()
    %dma_start3A_768 = arith.constant 4992 : i32
    %dma_start3A_769 = tpu.memref_slice %arg6[%dma_start3A_768] : memref<6400xi32, #tpu.memory_space<vmem>> -> memref<128xi32, #tpu.memory_space<vmem>>
    %dma_start3A_770 = arith.constant 0 : i32
    %dma_start3A_771 = arith.constant 0 : i32
    %dma_start3A_772 = tpu.memref_slice %arg3[%dma_start3A_770, %dma_start3A_771] : memref<1000000x64xf32, #tpu.memory_space<hbm>> -> memref<1000000x64xf32, #tpu.memory_space<hbm>>
    tpu.enqueue_indirect_dma source(%dma_start3A_772 : memref<1000000x64xf32, #tpu.memory_space<hbm>>) target(%arg9 : memref<128x64xf32, #tpu.memory_space<vmem>>) offsets(%dma_start3A_769 : memref<128xi32, #tpu.memory_space<vmem>>) semaphore(%arg11 : memref<!tpu.dma_semaphore, #tpu.memory_space<semaphore_mem>>) {add = true}
    %dma_wait3A_773 = arith.constant 4864 : i32
    %dma_wait3A_774 = tpu.memref_slice %arg6[%dma_wait3A_773] : memref<6400xi32, #tpu.memory_space<vmem>> -> memref<128xi32, #tpu.memory_space<vmem>>
    %dma_wait3A_775 = arith.constant 0 : i32
    %dma_wait3A_776 = arith.constant 0 : i32
    %dma_wait3A_777 = tpu.memref_slice %arg3[%dma_wait3A_775, %dma_wait3A_776] : memref<1000000x64xf32, #tpu.memory_space<hbm>> -> memref<1000000x64xf32, #tpu.memory_space<hbm>>
    tpu.wait_indirect_dma semaphore(%arg10 : memref<!tpu.dma_semaphore, #tpu.memory_space<semaphore_mem>>) src(%dma_wait3A_777 : memref<1000000x64xf32, #tpu.memory_space<hbm>>) dst(%arg8 : memref<128x64xf32, #tpu.memory_space<vmem>>)
    %add3A_778 = arith.constant 4864 : i32
    %add3A_779 = arith.addi %mul3A_2, %add3A_778 : i32
    %dma_start3A_780 = arith.constant 0 : i32
    %dma_start3A_781 = tpu.memref_slice %arg5[%add3A_779, %dma_start3A_780] : memref<204800x64xf32, #tpu.memory_space<hbm>> -> memref<128x64xf32, #tpu.memory_space<hbm>>
    %dma_start3A_782 = arith.constant 0 : i32
    %dma_start3A_783 = tpu.memref_slice %arg5[%add3A_779, %dma_start3A_782] : memref<204800x64xf32, #tpu.memory_space<hbm>> -> memref<128x64xf32, #tpu.memory_space<hbm>>
    tpu.enqueue_dma source(%arg8 : memref<128x64xf32, #tpu.memory_space<vmem>>) target(%dma_start3A_783 : memref<128x64xf32, #tpu.memory_space<hbm>>) target_semaphore(%arg12 : memref<!tpu.dma_semaphore, #tpu.memory_space<semaphore_mem>>)
    %dma_wait3A_784 = arith.constant 0 : i32
    %dma_wait3A_785 = tpu.memref_slice %arg5[%add3A_779, %dma_wait3A_784] : memref<204800x64xf32, #tpu.memory_space<hbm>> -> memref<128x64xf32, #tpu.memory_space<hbm>>
    %dma_wait3A_786 = arith.constant 0 : i32
    %dma_wait3A_787 = tpu.memref_slice %arg5[%add3A_779, %dma_wait3A_786] : memref<204800x64xf32, #tpu.memory_space<hbm>> -> memref<128x64xf32, #tpu.memory_space<hbm>>
    tpu.wait_dma2 semaphore(%arg12 : memref<!tpu.dma_semaphore, #tpu.memory_space<semaphore_mem>>) src(%arg8 : memref<128x64xf32, #tpu.memory_space<vmem>>) dst(%dma_wait3A_787 : memref<128x64xf32, #tpu.memory_space<hbm>>)
    "tpu.region"() ({
      %run_scoped3A = tpu.sem_alloc : memref<!tpu.dma_semaphore, #tpu.memory_space<semaphore_mem>>
      %dma_start3A_1003 = arith.constant 120 : i32
      %dma_start3A_1004 = arith.constant 0 : i32
      %dma_start3A_1005 = tpu.memref_slice %arg7[%dma_start3A_1003, %dma_start3A_1004] : memref<328x64xf32, #tpu.memory_space<vmem_shared>> -> memref<128x64xf32, #tpu.memory_space<vmem_shared>>
      %dma_start3A_1006 = arith.constant 120 : i32
      %dma_start3A_1007 = arith.constant 0 : i32
      %dma_start3A_1008 = tpu.memref_slice %arg7[%dma_start3A_1006, %dma_start3A_1007] : memref<328x64xf32, #tpu.memory_space<vmem_shared>> -> memref<128x64xf32, #tpu.memory_space<vmem_shared>>
      tpu.enqueue_dma source(%dma_start3A_1008 : memref<128x64xf32, #tpu.memory_space<vmem_shared>>) target(%arg8 : memref<128x64xf32, #tpu.memory_space<vmem>>) target_semaphore(%run_scoped3A : memref<!tpu.dma_semaphore, #tpu.memory_space<semaphore_mem>>)
      %dma_wait3A_1009 = arith.constant 120 : i32
      %dma_wait3A_1010 = arith.constant 0 : i32
      %dma_wait3A_1011 = tpu.memref_slice %arg7[%dma_wait3A_1009, %dma_wait3A_1010] : memref<328x64xf32, #tpu.memory_space<vmem_shared>> -> memref<128x64xf32, #tpu.memory_space<vmem_shared>>
      %dma_wait3A_1012 = arith.constant 120 : i32
      %dma_wait3A_1013 = arith.constant 0 : i32
      %dma_wait3A_1014 = tpu.memref_slice %arg7[%dma_wait3A_1012, %dma_wait3A_1013] : memref<328x64xf32, #tpu.memory_space<vmem_shared>> -> memref<128x64xf32, #tpu.memory_space<vmem_shared>>
      tpu.wait_dma2 semaphore(%run_scoped3A : memref<!tpu.dma_semaphore, #tpu.memory_space<semaphore_mem>>) src(%dma_wait3A_1014 : memref<128x64xf32, #tpu.memory_space<vmem_shared>>) dst(%arg8 : memref<128x64xf32, #tpu.memory_space<vmem>>)
      tpu.yield
    }) : () -> ()
    %dma_start3A_788 = arith.constant 5120 : i32
    %dma_start3A_789 = tpu.memref_slice %arg6[%dma_start3A_788] : memref<6400xi32, #tpu.memory_space<vmem>> -> memref<128xi32, #tpu.memory_space<vmem>>
    %dma_start3A_790 = arith.constant 0 : i32
    %dma_start3A_791 = arith.constant 0 : i32
    %dma_start3A_792 = tpu.memref_slice %arg3[%dma_start3A_790, %dma_start3A_791] : memref<1000000x64xf32, #tpu.memory_space<hbm>> -> memref<1000000x64xf32, #tpu.memory_space<hbm>>
    tpu.enqueue_indirect_dma source(%dma_start3A_792 : memref<1000000x64xf32, #tpu.memory_space<hbm>>) target(%arg8 : memref<128x64xf32, #tpu.memory_space<vmem>>) offsets(%dma_start3A_789 : memref<128xi32, #tpu.memory_space<vmem>>) semaphore(%arg10 : memref<!tpu.dma_semaphore, #tpu.memory_space<semaphore_mem>>) {add = true}
    %dma_wait3A_793 = arith.constant 4992 : i32
    %dma_wait3A_794 = tpu.memref_slice %arg6[%dma_wait3A_793] : memref<6400xi32, #tpu.memory_space<vmem>> -> memref<128xi32, #tpu.memory_space<vmem>>
    %dma_wait3A_795 = arith.constant 0 : i32
    %dma_wait3A_796 = arith.constant 0 : i32
    %dma_wait3A_797 = tpu.memref_slice %arg3[%dma_wait3A_795, %dma_wait3A_796] : memref<1000000x64xf32, #tpu.memory_space<hbm>> -> memref<1000000x64xf32, #tpu.memory_space<hbm>>
    tpu.wait_indirect_dma semaphore(%arg11 : memref<!tpu.dma_semaphore, #tpu.memory_space<semaphore_mem>>) src(%dma_wait3A_797 : memref<1000000x64xf32, #tpu.memory_space<hbm>>) dst(%arg9 : memref<128x64xf32, #tpu.memory_space<vmem>>)
    %add3A_798 = arith.constant 4992 : i32
    %add3A_799 = arith.addi %mul3A_2, %add3A_798 : i32
    %dma_start3A_800 = arith.constant 0 : i32
    %dma_start3A_801 = tpu.memref_slice %arg5[%add3A_799, %dma_start3A_800] : memref<204800x64xf32, #tpu.memory_space<hbm>> -> memref<128x64xf32, #tpu.memory_space<hbm>>
    %dma_start3A_802 = arith.constant 0 : i32
    %dma_start3A_803 = tpu.memref_slice %arg5[%add3A_799, %dma_start3A_802] : memref<204800x64xf32, #tpu.memory_space<hbm>> -> memref<128x64xf32, #tpu.memory_space<hbm>>
    tpu.enqueue_dma source(%arg9 : memref<128x64xf32, #tpu.memory_space<vmem>>) target(%dma_start3A_803 : memref<128x64xf32, #tpu.memory_space<hbm>>) target_semaphore(%arg13 : memref<!tpu.dma_semaphore, #tpu.memory_space<semaphore_mem>>)
    %dma_wait3A_804 = arith.constant 0 : i32
    %dma_wait3A_805 = tpu.memref_slice %arg5[%add3A_799, %dma_wait3A_804] : memref<204800x64xf32, #tpu.memory_space<hbm>> -> memref<128x64xf32, #tpu.memory_space<hbm>>
    %dma_wait3A_806 = arith.constant 0 : i32
    %dma_wait3A_807 = tpu.memref_slice %arg5[%add3A_799, %dma_wait3A_806] : memref<204800x64xf32, #tpu.memory_space<hbm>> -> memref<128x64xf32, #tpu.memory_space<hbm>>
    tpu.wait_dma2 semaphore(%arg13 : memref<!tpu.dma_semaphore, #tpu.memory_space<semaphore_mem>>) src(%arg9 : memref<128x64xf32, #tpu.memory_space<vmem>>) dst(%dma_wait3A_807 : memref<128x64xf32, #tpu.memory_space<hbm>>)
    "tpu.region"() ({
      %run_scoped3A = tpu.sem_alloc : memref<!tpu.dma_semaphore, #tpu.memory_space<semaphore_mem>>
      %dma_start3A_1003 = arith.constant 48 : i32
      %dma_start3A_1004 = arith.constant 0 : i32
      %dma_start3A_1005 = tpu.memref_slice %arg7[%dma_start3A_1003, %dma_start3A_1004] : memref<328x64xf32, #tpu.memory_space<vmem_shared>> -> memref<128x64xf32, #tpu.memory_space<vmem_shared>>
      %dma_start3A_1006 = arith.constant 48 : i32
      %dma_start3A_1007 = arith.constant 0 : i32
      %dma_start3A_1008 = tpu.memref_slice %arg7[%dma_start3A_1006, %dma_start3A_1007] : memref<328x64xf32, #tpu.memory_space<vmem_shared>> -> memref<128x64xf32, #tpu.memory_space<vmem_shared>>
      tpu.enqueue_dma source(%dma_start3A_1008 : memref<128x64xf32, #tpu.memory_space<vmem_shared>>) target(%arg9 : memref<128x64xf32, #tpu.memory_space<vmem>>) target_semaphore(%run_scoped3A : memref<!tpu.dma_semaphore, #tpu.memory_space<semaphore_mem>>)
      %dma_wait3A_1009 = arith.constant 48 : i32
      %dma_wait3A_1010 = arith.constant 0 : i32
      %dma_wait3A_1011 = tpu.memref_slice %arg7[%dma_wait3A_1009, %dma_wait3A_1010] : memref<328x64xf32, #tpu.memory_space<vmem_shared>> -> memref<128x64xf32, #tpu.memory_space<vmem_shared>>
      %dma_wait3A_1012 = arith.constant 48 : i32
      %dma_wait3A_1013 = arith.constant 0 : i32
      %dma_wait3A_1014 = tpu.memref_slice %arg7[%dma_wait3A_1012, %dma_wait3A_1013] : memref<328x64xf32, #tpu.memory_space<vmem_shared>> -> memref<128x64xf32, #tpu.memory_space<vmem_shared>>
      tpu.wait_dma2 semaphore(%run_scoped3A : memref<!tpu.dma_semaphore, #tpu.memory_space<semaphore_mem>>) src(%dma_wait3A_1014 : memref<128x64xf32, #tpu.memory_space<vmem_shared>>) dst(%arg9 : memref<128x64xf32, #tpu.memory_space<vmem>>)
      tpu.yield
    }) : () -> ()
    %dma_start3A_808 = arith.constant 5248 : i32
    %dma_start3A_809 = tpu.memref_slice %arg6[%dma_start3A_808] : memref<6400xi32, #tpu.memory_space<vmem>> -> memref<128xi32, #tpu.memory_space<vmem>>
    %dma_start3A_810 = arith.constant 0 : i32
    %dma_start3A_811 = arith.constant 0 : i32
    %dma_start3A_812 = tpu.memref_slice %arg3[%dma_start3A_810, %dma_start3A_811] : memref<1000000x64xf32, #tpu.memory_space<hbm>> -> memref<1000000x64xf32, #tpu.memory_space<hbm>>
    tpu.enqueue_indirect_dma source(%dma_start3A_812 : memref<1000000x64xf32, #tpu.memory_space<hbm>>) target(%arg9 : memref<128x64xf32, #tpu.memory_space<vmem>>) offsets(%dma_start3A_809 : memref<128xi32, #tpu.memory_space<vmem>>) semaphore(%arg11 : memref<!tpu.dma_semaphore, #tpu.memory_space<semaphore_mem>>) {add = true}
    %dma_wait3A_813 = arith.constant 5120 : i32
    %dma_wait3A_814 = tpu.memref_slice %arg6[%dma_wait3A_813] : memref<6400xi32, #tpu.memory_space<vmem>> -> memref<128xi32, #tpu.memory_space<vmem>>
    %dma_wait3A_815 = arith.constant 0 : i32
    %dma_wait3A_816 = arith.constant 0 : i32
    %dma_wait3A_817 = tpu.memref_slice %arg3[%dma_wait3A_815, %dma_wait3A_816] : memref<1000000x64xf32, #tpu.memory_space<hbm>> -> memref<1000000x64xf32, #tpu.memory_space<hbm>>
    tpu.wait_indirect_dma semaphore(%arg10 : memref<!tpu.dma_semaphore, #tpu.memory_space<semaphore_mem>>) src(%dma_wait3A_817 : memref<1000000x64xf32, #tpu.memory_space<hbm>>) dst(%arg8 : memref<128x64xf32, #tpu.memory_space<vmem>>)
    %add3A_818 = arith.constant 5120 : i32
    %add3A_819 = arith.addi %mul3A_2, %add3A_818 : i32
    %dma_start3A_820 = arith.constant 0 : i32
    %dma_start3A_821 = tpu.memref_slice %arg5[%add3A_819, %dma_start3A_820] : memref<204800x64xf32, #tpu.memory_space<hbm>> -> memref<128x64xf32, #tpu.memory_space<hbm>>
    %dma_start3A_822 = arith.constant 0 : i32
    %dma_start3A_823 = tpu.memref_slice %arg5[%add3A_819, %dma_start3A_822] : memref<204800x64xf32, #tpu.memory_space<hbm>> -> memref<128x64xf32, #tpu.memory_space<hbm>>
    tpu.enqueue_dma source(%arg8 : memref<128x64xf32, #tpu.memory_space<vmem>>) target(%dma_start3A_823 : memref<128x64xf32, #tpu.memory_space<hbm>>) target_semaphore(%arg12 : memref<!tpu.dma_semaphore, #tpu.memory_space<semaphore_mem>>)
    %dma_wait3A_824 = arith.constant 0 : i32
    %dma_wait3A_825 = tpu.memref_slice %arg5[%add3A_819, %dma_wait3A_824] : memref<204800x64xf32, #tpu.memory_space<hbm>> -> memref<128x64xf32, #tpu.memory_space<hbm>>
    %dma_wait3A_826 = arith.constant 0 : i32
    %dma_wait3A_827 = tpu.memref_slice %arg5[%add3A_819, %dma_wait3A_826] : memref<204800x64xf32, #tpu.memory_space<hbm>> -> memref<128x64xf32, #tpu.memory_space<hbm>>
    tpu.wait_dma2 semaphore(%arg12 : memref<!tpu.dma_semaphore, #tpu.memory_space<semaphore_mem>>) src(%arg8 : memref<128x64xf32, #tpu.memory_space<vmem>>) dst(%dma_wait3A_827 : memref<128x64xf32, #tpu.memory_space<hbm>>)
    "tpu.region"() ({
      %run_scoped3A = tpu.sem_alloc : memref<!tpu.dma_semaphore, #tpu.memory_space<semaphore_mem>>
      %dma_start3A_1003 = arith.constant 176 : i32
      %dma_start3A_1004 = arith.constant 0 : i32
      %dma_start3A_1005 = tpu.memref_slice %arg7[%dma_start3A_1003, %dma_start3A_1004] : memref<328x64xf32, #tpu.memory_space<vmem_shared>> -> memref<128x64xf32, #tpu.memory_space<vmem_shared>>
      %dma_start3A_1006 = arith.constant 176 : i32
      %dma_start3A_1007 = arith.constant 0 : i32
      %dma_start3A_1008 = tpu.memref_slice %arg7[%dma_start3A_1006, %dma_start3A_1007] : memref<328x64xf32, #tpu.memory_space<vmem_shared>> -> memref<128x64xf32, #tpu.memory_space<vmem_shared>>
      tpu.enqueue_dma source(%dma_start3A_1008 : memref<128x64xf32, #tpu.memory_space<vmem_shared>>) target(%arg8 : memref<128x64xf32, #tpu.memory_space<vmem>>) target_semaphore(%run_scoped3A : memref<!tpu.dma_semaphore, #tpu.memory_space<semaphore_mem>>)
      %dma_wait3A_1009 = arith.constant 176 : i32
      %dma_wait3A_1010 = arith.constant 0 : i32
      %dma_wait3A_1011 = tpu.memref_slice %arg7[%dma_wait3A_1009, %dma_wait3A_1010] : memref<328x64xf32, #tpu.memory_space<vmem_shared>> -> memref<128x64xf32, #tpu.memory_space<vmem_shared>>
      %dma_wait3A_1012 = arith.constant 176 : i32
      %dma_wait3A_1013 = arith.constant 0 : i32
      %dma_wait3A_1014 = tpu.memref_slice %arg7[%dma_wait3A_1012, %dma_wait3A_1013] : memref<328x64xf32, #tpu.memory_space<vmem_shared>> -> memref<128x64xf32, #tpu.memory_space<vmem_shared>>
      tpu.wait_dma2 semaphore(%run_scoped3A : memref<!tpu.dma_semaphore, #tpu.memory_space<semaphore_mem>>) src(%dma_wait3A_1014 : memref<128x64xf32, #tpu.memory_space<vmem_shared>>) dst(%arg8 : memref<128x64xf32, #tpu.memory_space<vmem>>)
      tpu.yield
    }) : () -> ()
    %dma_start3A_828 = arith.constant 5376 : i32
    %dma_start3A_829 = tpu.memref_slice %arg6[%dma_start3A_828] : memref<6400xi32, #tpu.memory_space<vmem>> -> memref<128xi32, #tpu.memory_space<vmem>>
    %dma_start3A_830 = arith.constant 0 : i32
    %dma_start3A_831 = arith.constant 0 : i32
    %dma_start3A_832 = tpu.memref_slice %arg3[%dma_start3A_830, %dma_start3A_831] : memref<1000000x64xf32, #tpu.memory_space<hbm>> -> memref<1000000x64xf32, #tpu.memory_space<hbm>>
    tpu.enqueue_indirect_dma source(%dma_start3A_832 : memref<1000000x64xf32, #tpu.memory_space<hbm>>) target(%arg8 : memref<128x64xf32, #tpu.memory_space<vmem>>) offsets(%dma_start3A_829 : memref<128xi32, #tpu.memory_space<vmem>>) semaphore(%arg10 : memref<!tpu.dma_semaphore, #tpu.memory_space<semaphore_mem>>) {add = true}
    %dma_wait3A_833 = arith.constant 5248 : i32
    %dma_wait3A_834 = tpu.memref_slice %arg6[%dma_wait3A_833] : memref<6400xi32, #tpu.memory_space<vmem>> -> memref<128xi32, #tpu.memory_space<vmem>>
    %dma_wait3A_835 = arith.constant 0 : i32
    %dma_wait3A_836 = arith.constant 0 : i32
    %dma_wait3A_837 = tpu.memref_slice %arg3[%dma_wait3A_835, %dma_wait3A_836] : memref<1000000x64xf32, #tpu.memory_space<hbm>> -> memref<1000000x64xf32, #tpu.memory_space<hbm>>
    tpu.wait_indirect_dma semaphore(%arg11 : memref<!tpu.dma_semaphore, #tpu.memory_space<semaphore_mem>>) src(%dma_wait3A_837 : memref<1000000x64xf32, #tpu.memory_space<hbm>>) dst(%arg9 : memref<128x64xf32, #tpu.memory_space<vmem>>)
    %add3A_838 = arith.constant 5248 : i32
    %add3A_839 = arith.addi %mul3A_2, %add3A_838 : i32
    %dma_start3A_840 = arith.constant 0 : i32
    %dma_start3A_841 = tpu.memref_slice %arg5[%add3A_839, %dma_start3A_840] : memref<204800x64xf32, #tpu.memory_space<hbm>> -> memref<128x64xf32, #tpu.memory_space<hbm>>
    %dma_start3A_842 = arith.constant 0 : i32
    %dma_start3A_843 = tpu.memref_slice %arg5[%add3A_839, %dma_start3A_842] : memref<204800x64xf32, #tpu.memory_space<hbm>> -> memref<128x64xf32, #tpu.memory_space<hbm>>
    tpu.enqueue_dma source(%arg9 : memref<128x64xf32, #tpu.memory_space<vmem>>) target(%dma_start3A_843 : memref<128x64xf32, #tpu.memory_space<hbm>>) target_semaphore(%arg13 : memref<!tpu.dma_semaphore, #tpu.memory_space<semaphore_mem>>)
    %dma_wait3A_844 = arith.constant 0 : i32
    %dma_wait3A_845 = tpu.memref_slice %arg5[%add3A_839, %dma_wait3A_844] : memref<204800x64xf32, #tpu.memory_space<hbm>> -> memref<128x64xf32, #tpu.memory_space<hbm>>
    %dma_wait3A_846 = arith.constant 0 : i32
    %dma_wait3A_847 = tpu.memref_slice %arg5[%add3A_839, %dma_wait3A_846] : memref<204800x64xf32, #tpu.memory_space<hbm>> -> memref<128x64xf32, #tpu.memory_space<hbm>>
    tpu.wait_dma2 semaphore(%arg13 : memref<!tpu.dma_semaphore, #tpu.memory_space<semaphore_mem>>) src(%arg9 : memref<128x64xf32, #tpu.memory_space<vmem>>) dst(%dma_wait3A_847 : memref<128x64xf32, #tpu.memory_space<hbm>>)
    "tpu.region"() ({
      %run_scoped3A = tpu.sem_alloc : memref<!tpu.dma_semaphore, #tpu.memory_space<semaphore_mem>>
      %dma_start3A_1003 = arith.constant 104 : i32
      %dma_start3A_1004 = arith.constant 0 : i32
      %dma_start3A_1005 = tpu.memref_slice %arg7[%dma_start3A_1003, %dma_start3A_1004] : memref<328x64xf32, #tpu.memory_space<vmem_shared>> -> memref<128x64xf32, #tpu.memory_space<vmem_shared>>
      %dma_start3A_1006 = arith.constant 104 : i32
      %dma_start3A_1007 = arith.constant 0 : i32
      %dma_start3A_1008 = tpu.memref_slice %arg7[%dma_start3A_1006, %dma_start3A_1007] : memref<328x64xf32, #tpu.memory_space<vmem_shared>> -> memref<128x64xf32, #tpu.memory_space<vmem_shared>>
      tpu.enqueue_dma source(%dma_start3A_1008 : memref<128x64xf32, #tpu.memory_space<vmem_shared>>) target(%arg9 : memref<128x64xf32, #tpu.memory_space<vmem>>) target_semaphore(%run_scoped3A : memref<!tpu.dma_semaphore, #tpu.memory_space<semaphore_mem>>)
      %dma_wait3A_1009 = arith.constant 104 : i32
      %dma_wait3A_1010 = arith.constant 0 : i32
      %dma_wait3A_1011 = tpu.memref_slice %arg7[%dma_wait3A_1009, %dma_wait3A_1010] : memref<328x64xf32, #tpu.memory_space<vmem_shared>> -> memref<128x64xf32, #tpu.memory_space<vmem_shared>>
      %dma_wait3A_1012 = arith.constant 104 : i32
      %dma_wait3A_1013 = arith.constant 0 : i32
      %dma_wait3A_1014 = tpu.memref_slice %arg7[%dma_wait3A_1012, %dma_wait3A_1013] : memref<328x64xf32, #tpu.memory_space<vmem_shared>> -> memref<128x64xf32, #tpu.memory_space<vmem_shared>>
      tpu.wait_dma2 semaphore(%run_scoped3A : memref<!tpu.dma_semaphore, #tpu.memory_space<semaphore_mem>>) src(%dma_wait3A_1014 : memref<128x64xf32, #tpu.memory_space<vmem_shared>>) dst(%arg9 : memref<128x64xf32, #tpu.memory_space<vmem>>)
      tpu.yield
    }) : () -> ()
    %dma_start3A_848 = arith.constant 5504 : i32
    %dma_start3A_849 = tpu.memref_slice %arg6[%dma_start3A_848] : memref<6400xi32, #tpu.memory_space<vmem>> -> memref<128xi32, #tpu.memory_space<vmem>>
    %dma_start3A_850 = arith.constant 0 : i32
    %dma_start3A_851 = arith.constant 0 : i32
    %dma_start3A_852 = tpu.memref_slice %arg3[%dma_start3A_850, %dma_start3A_851] : memref<1000000x64xf32, #tpu.memory_space<hbm>> -> memref<1000000x64xf32, #tpu.memory_space<hbm>>
    tpu.enqueue_indirect_dma source(%dma_start3A_852 : memref<1000000x64xf32, #tpu.memory_space<hbm>>) target(%arg9 : memref<128x64xf32, #tpu.memory_space<vmem>>) offsets(%dma_start3A_849 : memref<128xi32, #tpu.memory_space<vmem>>) semaphore(%arg11 : memref<!tpu.dma_semaphore, #tpu.memory_space<semaphore_mem>>) {add = true}
    %dma_wait3A_853 = arith.constant 5376 : i32
    %dma_wait3A_854 = tpu.memref_slice %arg6[%dma_wait3A_853] : memref<6400xi32, #tpu.memory_space<vmem>> -> memref<128xi32, #tpu.memory_space<vmem>>
    %dma_wait3A_855 = arith.constant 0 : i32
    %dma_wait3A_856 = arith.constant 0 : i32
    %dma_wait3A_857 = tpu.memref_slice %arg3[%dma_wait3A_855, %dma_wait3A_856] : memref<1000000x64xf32, #tpu.memory_space<hbm>> -> memref<1000000x64xf32, #tpu.memory_space<hbm>>
    tpu.wait_indirect_dma semaphore(%arg10 : memref<!tpu.dma_semaphore, #tpu.memory_space<semaphore_mem>>) src(%dma_wait3A_857 : memref<1000000x64xf32, #tpu.memory_space<hbm>>) dst(%arg8 : memref<128x64xf32, #tpu.memory_space<vmem>>)
    %add3A_858 = arith.constant 5376 : i32
    %add3A_859 = arith.addi %mul3A_2, %add3A_858 : i32
    %dma_start3A_860 = arith.constant 0 : i32
    %dma_start3A_861 = tpu.memref_slice %arg5[%add3A_859, %dma_start3A_860] : memref<204800x64xf32, #tpu.memory_space<hbm>> -> memref<128x64xf32, #tpu.memory_space<hbm>>
    %dma_start3A_862 = arith.constant 0 : i32
    %dma_start3A_863 = tpu.memref_slice %arg5[%add3A_859, %dma_start3A_862] : memref<204800x64xf32, #tpu.memory_space<hbm>> -> memref<128x64xf32, #tpu.memory_space<hbm>>
    tpu.enqueue_dma source(%arg8 : memref<128x64xf32, #tpu.memory_space<vmem>>) target(%dma_start3A_863 : memref<128x64xf32, #tpu.memory_space<hbm>>) target_semaphore(%arg12 : memref<!tpu.dma_semaphore, #tpu.memory_space<semaphore_mem>>)
    %dma_wait3A_864 = arith.constant 0 : i32
    %dma_wait3A_865 = tpu.memref_slice %arg5[%add3A_859, %dma_wait3A_864] : memref<204800x64xf32, #tpu.memory_space<hbm>> -> memref<128x64xf32, #tpu.memory_space<hbm>>
    %dma_wait3A_866 = arith.constant 0 : i32
    %dma_wait3A_867 = tpu.memref_slice %arg5[%add3A_859, %dma_wait3A_866] : memref<204800x64xf32, #tpu.memory_space<hbm>> -> memref<128x64xf32, #tpu.memory_space<hbm>>
    tpu.wait_dma2 semaphore(%arg12 : memref<!tpu.dma_semaphore, #tpu.memory_space<semaphore_mem>>) src(%arg8 : memref<128x64xf32, #tpu.memory_space<vmem>>) dst(%dma_wait3A_867 : memref<128x64xf32, #tpu.memory_space<hbm>>)
    "tpu.region"() ({
      %run_scoped3A = tpu.sem_alloc : memref<!tpu.dma_semaphore, #tpu.memory_space<semaphore_mem>>
      %dma_start3A_1003 = arith.constant 32 : i32
      %dma_start3A_1004 = arith.constant 0 : i32
      %dma_start3A_1005 = tpu.memref_slice %arg7[%dma_start3A_1003, %dma_start3A_1004] : memref<328x64xf32, #tpu.memory_space<vmem_shared>> -> memref<128x64xf32, #tpu.memory_space<vmem_shared>>
      %dma_start3A_1006 = arith.constant 32 : i32
      %dma_start3A_1007 = arith.constant 0 : i32
      %dma_start3A_1008 = tpu.memref_slice %arg7[%dma_start3A_1006, %dma_start3A_1007] : memref<328x64xf32, #tpu.memory_space<vmem_shared>> -> memref<128x64xf32, #tpu.memory_space<vmem_shared>>
      tpu.enqueue_dma source(%dma_start3A_1008 : memref<128x64xf32, #tpu.memory_space<vmem_shared>>) target(%arg8 : memref<128x64xf32, #tpu.memory_space<vmem>>) target_semaphore(%run_scoped3A : memref<!tpu.dma_semaphore, #tpu.memory_space<semaphore_mem>>)
      %dma_wait3A_1009 = arith.constant 32 : i32
      %dma_wait3A_1010 = arith.constant 0 : i32
      %dma_wait3A_1011 = tpu.memref_slice %arg7[%dma_wait3A_1009, %dma_wait3A_1010] : memref<328x64xf32, #tpu.memory_space<vmem_shared>> -> memref<128x64xf32, #tpu.memory_space<vmem_shared>>
      %dma_wait3A_1012 = arith.constant 32 : i32
      %dma_wait3A_1013 = arith.constant 0 : i32
      %dma_wait3A_1014 = tpu.memref_slice %arg7[%dma_wait3A_1012, %dma_wait3A_1013] : memref<328x64xf32, #tpu.memory_space<vmem_shared>> -> memref<128x64xf32, #tpu.memory_space<vmem_shared>>
      tpu.wait_dma2 semaphore(%run_scoped3A : memref<!tpu.dma_semaphore, #tpu.memory_space<semaphore_mem>>) src(%dma_wait3A_1014 : memref<128x64xf32, #tpu.memory_space<vmem_shared>>) dst(%arg8 : memref<128x64xf32, #tpu.memory_space<vmem>>)
      tpu.yield
    }) : () -> ()
    %dma_start3A_868 = arith.constant 5632 : i32
    %dma_start3A_869 = tpu.memref_slice %arg6[%dma_start3A_868] : memref<6400xi32, #tpu.memory_space<vmem>> -> memref<128xi32, #tpu.memory_space<vmem>>
    %dma_start3A_870 = arith.constant 0 : i32
    %dma_start3A_871 = arith.constant 0 : i32
    %dma_start3A_872 = tpu.memref_slice %arg3[%dma_start3A_870, %dma_start3A_871] : memref<1000000x64xf32, #tpu.memory_space<hbm>> -> memref<1000000x64xf32, #tpu.memory_space<hbm>>
    tpu.enqueue_indirect_dma source(%dma_start3A_872 : memref<1000000x64xf32, #tpu.memory_space<hbm>>) target(%arg8 : memref<128x64xf32, #tpu.memory_space<vmem>>) offsets(%dma_start3A_869 : memref<128xi32, #tpu.memory_space<vmem>>) semaphore(%arg10 : memref<!tpu.dma_semaphore, #tpu.memory_space<semaphore_mem>>) {add = true}
    %dma_wait3A_873 = arith.constant 5504 : i32
    %dma_wait3A_874 = tpu.memref_slice %arg6[%dma_wait3A_873] : memref<6400xi32, #tpu.memory_space<vmem>> -> memref<128xi32, #tpu.memory_space<vmem>>
    %dma_wait3A_875 = arith.constant 0 : i32
    %dma_wait3A_876 = arith.constant 0 : i32
    %dma_wait3A_877 = tpu.memref_slice %arg3[%dma_wait3A_875, %dma_wait3A_876] : memref<1000000x64xf32, #tpu.memory_space<hbm>> -> memref<1000000x64xf32, #tpu.memory_space<hbm>>
    tpu.wait_indirect_dma semaphore(%arg11 : memref<!tpu.dma_semaphore, #tpu.memory_space<semaphore_mem>>) src(%dma_wait3A_877 : memref<1000000x64xf32, #tpu.memory_space<hbm>>) dst(%arg9 : memref<128x64xf32, #tpu.memory_space<vmem>>)
    %add3A_878 = arith.constant 5504 : i32
    %add3A_879 = arith.addi %mul3A_2, %add3A_878 : i32
    %dma_start3A_880 = arith.constant 0 : i32
    %dma_start3A_881 = tpu.memref_slice %arg5[%add3A_879, %dma_start3A_880] : memref<204800x64xf32, #tpu.memory_space<hbm>> -> memref<128x64xf32, #tpu.memory_space<hbm>>
    %dma_start3A_882 = arith.constant 0 : i32
    %dma_start3A_883 = tpu.memref_slice %arg5[%add3A_879, %dma_start3A_882] : memref<204800x64xf32, #tpu.memory_space<hbm>> -> memref<128x64xf32, #tpu.memory_space<hbm>>
    tpu.enqueue_dma source(%arg9 : memref<128x64xf32, #tpu.memory_space<vmem>>) target(%dma_start3A_883 : memref<128x64xf32, #tpu.memory_space<hbm>>) target_semaphore(%arg13 : memref<!tpu.dma_semaphore, #tpu.memory_space<semaphore_mem>>)
    %dma_wait3A_884 = arith.constant 0 : i32
    %dma_wait3A_885 = tpu.memref_slice %arg5[%add3A_879, %dma_wait3A_884] : memref<204800x64xf32, #tpu.memory_space<hbm>> -> memref<128x64xf32, #tpu.memory_space<hbm>>
    %dma_wait3A_886 = arith.constant 0 : i32
    %dma_wait3A_887 = tpu.memref_slice %arg5[%add3A_879, %dma_wait3A_886] : memref<204800x64xf32, #tpu.memory_space<hbm>> -> memref<128x64xf32, #tpu.memory_space<hbm>>
    tpu.wait_dma2 semaphore(%arg13 : memref<!tpu.dma_semaphore, #tpu.memory_space<semaphore_mem>>) src(%arg9 : memref<128x64xf32, #tpu.memory_space<vmem>>) dst(%dma_wait3A_887 : memref<128x64xf32, #tpu.memory_space<hbm>>)
    "tpu.region"() ({
      %run_scoped3A = tpu.sem_alloc : memref<!tpu.dma_semaphore, #tpu.memory_space<semaphore_mem>>
      %dma_start3A_1003 = arith.constant 160 : i32
      %dma_start3A_1004 = arith.constant 0 : i32
      %dma_start3A_1005 = tpu.memref_slice %arg7[%dma_start3A_1003, %dma_start3A_1004] : memref<328x64xf32, #tpu.memory_space<vmem_shared>> -> memref<128x64xf32, #tpu.memory_space<vmem_shared>>
      %dma_start3A_1006 = arith.constant 160 : i32
      %dma_start3A_1007 = arith.constant 0 : i32
      %dma_start3A_1008 = tpu.memref_slice %arg7[%dma_start3A_1006, %dma_start3A_1007] : memref<328x64xf32, #tpu.memory_space<vmem_shared>> -> memref<128x64xf32, #tpu.memory_space<vmem_shared>>
      tpu.enqueue_dma source(%dma_start3A_1008 : memref<128x64xf32, #tpu.memory_space<vmem_shared>>) target(%arg9 : memref<128x64xf32, #tpu.memory_space<vmem>>) target_semaphore(%run_scoped3A : memref<!tpu.dma_semaphore, #tpu.memory_space<semaphore_mem>>)
      %dma_wait3A_1009 = arith.constant 160 : i32
      %dma_wait3A_1010 = arith.constant 0 : i32
      %dma_wait3A_1011 = tpu.memref_slice %arg7[%dma_wait3A_1009, %dma_wait3A_1010] : memref<328x64xf32, #tpu.memory_space<vmem_shared>> -> memref<128x64xf32, #tpu.memory_space<vmem_shared>>
      %dma_wait3A_1012 = arith.constant 160 : i32
      %dma_wait3A_1013 = arith.constant 0 : i32
      %dma_wait3A_1014 = tpu.memref_slice %arg7[%dma_wait3A_1012, %dma_wait3A_1013] : memref<328x64xf32, #tpu.memory_space<vmem_shared>> -> memref<128x64xf32, #tpu.memory_space<vmem_shared>>
      tpu.wait_dma2 semaphore(%run_scoped3A : memref<!tpu.dma_semaphore, #tpu.memory_space<semaphore_mem>>) src(%dma_wait3A_1014 : memref<128x64xf32, #tpu.memory_space<vmem_shared>>) dst(%arg9 : memref<128x64xf32, #tpu.memory_space<vmem>>)
      tpu.yield
    }) : () -> ()
    %dma_start3A_888 = arith.constant 5760 : i32
    %dma_start3A_889 = tpu.memref_slice %arg6[%dma_start3A_888] : memref<6400xi32, #tpu.memory_space<vmem>> -> memref<128xi32, #tpu.memory_space<vmem>>
    %dma_start3A_890 = arith.constant 0 : i32
    %dma_start3A_891 = arith.constant 0 : i32
    %dma_start3A_892 = tpu.memref_slice %arg3[%dma_start3A_890, %dma_start3A_891] : memref<1000000x64xf32, #tpu.memory_space<hbm>> -> memref<1000000x64xf32, #tpu.memory_space<hbm>>
    tpu.enqueue_indirect_dma source(%dma_start3A_892 : memref<1000000x64xf32, #tpu.memory_space<hbm>>) target(%arg9 : memref<128x64xf32, #tpu.memory_space<vmem>>) offsets(%dma_start3A_889 : memref<128xi32, #tpu.memory_space<vmem>>) semaphore(%arg11 : memref<!tpu.dma_semaphore, #tpu.memory_space<semaphore_mem>>) {add = true}
    %dma_wait3A_893 = arith.constant 5632 : i32
    %dma_wait3A_894 = tpu.memref_slice %arg6[%dma_wait3A_893] : memref<6400xi32, #tpu.memory_space<vmem>> -> memref<128xi32, #tpu.memory_space<vmem>>
    %dma_wait3A_895 = arith.constant 0 : i32
    %dma_wait3A_896 = arith.constant 0 : i32
    %dma_wait3A_897 = tpu.memref_slice %arg3[%dma_wait3A_895, %dma_wait3A_896] : memref<1000000x64xf32, #tpu.memory_space<hbm>> -> memref<1000000x64xf32, #tpu.memory_space<hbm>>
    tpu.wait_indirect_dma semaphore(%arg10 : memref<!tpu.dma_semaphore, #tpu.memory_space<semaphore_mem>>) src(%dma_wait3A_897 : memref<1000000x64xf32, #tpu.memory_space<hbm>>) dst(%arg8 : memref<128x64xf32, #tpu.memory_space<vmem>>)
    %add3A_898 = arith.constant 5632 : i32
    %add3A_899 = arith.addi %mul3A_2, %add3A_898 : i32
    %dma_start3A_900 = arith.constant 0 : i32
    %dma_start3A_901 = tpu.memref_slice %arg5[%add3A_899, %dma_start3A_900] : memref<204800x64xf32, #tpu.memory_space<hbm>> -> memref<128x64xf32, #tpu.memory_space<hbm>>
    %dma_start3A_902 = arith.constant 0 : i32
    %dma_start3A_903 = tpu.memref_slice %arg5[%add3A_899, %dma_start3A_902] : memref<204800x64xf32, #tpu.memory_space<hbm>> -> memref<128x64xf32, #tpu.memory_space<hbm>>
    tpu.enqueue_dma source(%arg8 : memref<128x64xf32, #tpu.memory_space<vmem>>) target(%dma_start3A_903 : memref<128x64xf32, #tpu.memory_space<hbm>>) target_semaphore(%arg12 : memref<!tpu.dma_semaphore, #tpu.memory_space<semaphore_mem>>)
    %dma_wait3A_904 = arith.constant 0 : i32
    %dma_wait3A_905 = tpu.memref_slice %arg5[%add3A_899, %dma_wait3A_904] : memref<204800x64xf32, #tpu.memory_space<hbm>> -> memref<128x64xf32, #tpu.memory_space<hbm>>
    %dma_wait3A_906 = arith.constant 0 : i32
    %dma_wait3A_907 = tpu.memref_slice %arg5[%add3A_899, %dma_wait3A_906] : memref<204800x64xf32, #tpu.memory_space<hbm>> -> memref<128x64xf32, #tpu.memory_space<hbm>>
    tpu.wait_dma2 semaphore(%arg12 : memref<!tpu.dma_semaphore, #tpu.memory_space<semaphore_mem>>) src(%arg8 : memref<128x64xf32, #tpu.memory_space<vmem>>) dst(%dma_wait3A_907 : memref<128x64xf32, #tpu.memory_space<hbm>>)
    "tpu.region"() ({
      %run_scoped3A = tpu.sem_alloc : memref<!tpu.dma_semaphore, #tpu.memory_space<semaphore_mem>>
      %dma_start3A_1003 = arith.constant 88 : i32
      %dma_start3A_1004 = arith.constant 0 : i32
      %dma_start3A_1005 = tpu.memref_slice %arg7[%dma_start3A_1003, %dma_start3A_1004] : memref<328x64xf32, #tpu.memory_space<vmem_shared>> -> memref<128x64xf32, #tpu.memory_space<vmem_shared>>
      %dma_start3A_1006 = arith.constant 88 : i32
      %dma_start3A_1007 = arith.constant 0 : i32
      %dma_start3A_1008 = tpu.memref_slice %arg7[%dma_start3A_1006, %dma_start3A_1007] : memref<328x64xf32, #tpu.memory_space<vmem_shared>> -> memref<128x64xf32, #tpu.memory_space<vmem_shared>>
      tpu.enqueue_dma source(%dma_start3A_1008 : memref<128x64xf32, #tpu.memory_space<vmem_shared>>) target(%arg8 : memref<128x64xf32, #tpu.memory_space<vmem>>) target_semaphore(%run_scoped3A : memref<!tpu.dma_semaphore, #tpu.memory_space<semaphore_mem>>)
      %dma_wait3A_1009 = arith.constant 88 : i32
      %dma_wait3A_1010 = arith.constant 0 : i32
      %dma_wait3A_1011 = tpu.memref_slice %arg7[%dma_wait3A_1009, %dma_wait3A_1010] : memref<328x64xf32, #tpu.memory_space<vmem_shared>> -> memref<128x64xf32, #tpu.memory_space<vmem_shared>>
      %dma_wait3A_1012 = arith.constant 88 : i32
      %dma_wait3A_1013 = arith.constant 0 : i32
      %dma_wait3A_1014 = tpu.memref_slice %arg7[%dma_wait3A_1012, %dma_wait3A_1013] : memref<328x64xf32, #tpu.memory_space<vmem_shared>> -> memref<128x64xf32, #tpu.memory_space<vmem_shared>>
      tpu.wait_dma2 semaphore(%run_scoped3A : memref<!tpu.dma_semaphore, #tpu.memory_space<semaphore_mem>>) src(%dma_wait3A_1014 : memref<128x64xf32, #tpu.memory_space<vmem_shared>>) dst(%arg8 : memref<128x64xf32, #tpu.memory_space<vmem>>)
      tpu.yield
    }) : () -> ()
    %dma_start3A_908 = arith.constant 5888 : i32
    %dma_start3A_909 = tpu.memref_slice %arg6[%dma_start3A_908] : memref<6400xi32, #tpu.memory_space<vmem>> -> memref<128xi32, #tpu.memory_space<vmem>>
    %dma_start3A_910 = arith.constant 0 : i32
    %dma_start3A_911 = arith.constant 0 : i32
    %dma_start3A_912 = tpu.memref_slice %arg3[%dma_start3A_910, %dma_start3A_911] : memref<1000000x64xf32, #tpu.memory_space<hbm>> -> memref<1000000x64xf32, #tpu.memory_space<hbm>>
    tpu.enqueue_indirect_dma source(%dma_start3A_912 : memref<1000000x64xf32, #tpu.memory_space<hbm>>) target(%arg8 : memref<128x64xf32, #tpu.memory_space<vmem>>) offsets(%dma_start3A_909 : memref<128xi32, #tpu.memory_space<vmem>>) semaphore(%arg10 : memref<!tpu.dma_semaphore, #tpu.memory_space<semaphore_mem>>) {add = true}
    %dma_wait3A_913 = arith.constant 5760 : i32
    %dma_wait3A_914 = tpu.memref_slice %arg6[%dma_wait3A_913] : memref<6400xi32, #tpu.memory_space<vmem>> -> memref<128xi32, #tpu.memory_space<vmem>>
    %dma_wait3A_915 = arith.constant 0 : i32
    %dma_wait3A_916 = arith.constant 0 : i32
    %dma_wait3A_917 = tpu.memref_slice %arg3[%dma_wait3A_915, %dma_wait3A_916] : memref<1000000x64xf32, #tpu.memory_space<hbm>> -> memref<1000000x64xf32, #tpu.memory_space<hbm>>
    tpu.wait_indirect_dma semaphore(%arg11 : memref<!tpu.dma_semaphore, #tpu.memory_space<semaphore_mem>>) src(%dma_wait3A_917 : memref<1000000x64xf32, #tpu.memory_space<hbm>>) dst(%arg9 : memref<128x64xf32, #tpu.memory_space<vmem>>)
    %add3A_918 = arith.constant 5760 : i32
    %add3A_919 = arith.addi %mul3A_2, %add3A_918 : i32
    %dma_start3A_920 = arith.constant 0 : i32
    %dma_start3A_921 = tpu.memref_slice %arg5[%add3A_919, %dma_start3A_920] : memref<204800x64xf32, #tpu.memory_space<hbm>> -> memref<128x64xf32, #tpu.memory_space<hbm>>
    %dma_start3A_922 = arith.constant 0 : i32
    %dma_start3A_923 = tpu.memref_slice %arg5[%add3A_919, %dma_start3A_922] : memref<204800x64xf32, #tpu.memory_space<hbm>> -> memref<128x64xf32, #tpu.memory_space<hbm>>
    tpu.enqueue_dma source(%arg9 : memref<128x64xf32, #tpu.memory_space<vmem>>) target(%dma_start3A_923 : memref<128x64xf32, #tpu.memory_space<hbm>>) target_semaphore(%arg13 : memref<!tpu.dma_semaphore, #tpu.memory_space<semaphore_mem>>)
    %dma_wait3A_924 = arith.constant 0 : i32
    %dma_wait3A_925 = tpu.memref_slice %arg5[%add3A_919, %dma_wait3A_924] : memref<204800x64xf32, #tpu.memory_space<hbm>> -> memref<128x64xf32, #tpu.memory_space<hbm>>
    %dma_wait3A_926 = arith.constant 0 : i32
    %dma_wait3A_927 = tpu.memref_slice %arg5[%add3A_919, %dma_wait3A_926] : memref<204800x64xf32, #tpu.memory_space<hbm>> -> memref<128x64xf32, #tpu.memory_space<hbm>>
    tpu.wait_dma2 semaphore(%arg13 : memref<!tpu.dma_semaphore, #tpu.memory_space<semaphore_mem>>) src(%arg9 : memref<128x64xf32, #tpu.memory_space<vmem>>) dst(%dma_wait3A_927 : memref<128x64xf32, #tpu.memory_space<hbm>>)
    "tpu.region"() ({
      %run_scoped3A = tpu.sem_alloc : memref<!tpu.dma_semaphore, #tpu.memory_space<semaphore_mem>>
      %dma_start3A_1003 = arith.constant 16 : i32
      %dma_start3A_1004 = arith.constant 0 : i32
      %dma_start3A_1005 = tpu.memref_slice %arg7[%dma_start3A_1003, %dma_start3A_1004] : memref<328x64xf32, #tpu.memory_space<vmem_shared>> -> memref<128x64xf32, #tpu.memory_space<vmem_shared>>
      %dma_start3A_1006 = arith.constant 16 : i32
      %dma_start3A_1007 = arith.constant 0 : i32
      %dma_start3A_1008 = tpu.memref_slice %arg7[%dma_start3A_1006, %dma_start3A_1007] : memref<328x64xf32, #tpu.memory_space<vmem_shared>> -> memref<128x64xf32, #tpu.memory_space<vmem_shared>>
      tpu.enqueue_dma source(%dma_start3A_1008 : memref<128x64xf32, #tpu.memory_space<vmem_shared>>) target(%arg9 : memref<128x64xf32, #tpu.memory_space<vmem>>) target_semaphore(%run_scoped3A : memref<!tpu.dma_semaphore, #tpu.memory_space<semaphore_mem>>)
      %dma_wait3A_1009 = arith.constant 16 : i32
      %dma_wait3A_1010 = arith.constant 0 : i32
      %dma_wait3A_1011 = tpu.memref_slice %arg7[%dma_wait3A_1009, %dma_wait3A_1010] : memref<328x64xf32, #tpu.memory_space<vmem_shared>> -> memref<128x64xf32, #tpu.memory_space<vmem_shared>>
      %dma_wait3A_1012 = arith.constant 16 : i32
      %dma_wait3A_1013 = arith.constant 0 : i32
      %dma_wait3A_1014 = tpu.memref_slice %arg7[%dma_wait3A_1012, %dma_wait3A_1013] : memref<328x64xf32, #tpu.memory_space<vmem_shared>> -> memref<128x64xf32, #tpu.memory_space<vmem_shared>>
      tpu.wait_dma2 semaphore(%run_scoped3A : memref<!tpu.dma_semaphore, #tpu.memory_space<semaphore_mem>>) src(%dma_wait3A_1014 : memref<128x64xf32, #tpu.memory_space<vmem_shared>>) dst(%arg9 : memref<128x64xf32, #tpu.memory_space<vmem>>)
      tpu.yield
    }) : () -> ()
    %dma_start3A_928 = arith.constant 6016 : i32
    %dma_start3A_929 = tpu.memref_slice %arg6[%dma_start3A_928] : memref<6400xi32, #tpu.memory_space<vmem>> -> memref<128xi32, #tpu.memory_space<vmem>>
    %dma_start3A_930 = arith.constant 0 : i32
    %dma_start3A_931 = arith.constant 0 : i32
    %dma_start3A_932 = tpu.memref_slice %arg3[%dma_start3A_930, %dma_start3A_931] : memref<1000000x64xf32, #tpu.memory_space<hbm>> -> memref<1000000x64xf32, #tpu.memory_space<hbm>>
    tpu.enqueue_indirect_dma source(%dma_start3A_932 : memref<1000000x64xf32, #tpu.memory_space<hbm>>) target(%arg9 : memref<128x64xf32, #tpu.memory_space<vmem>>) offsets(%dma_start3A_929 : memref<128xi32, #tpu.memory_space<vmem>>) semaphore(%arg11 : memref<!tpu.dma_semaphore, #tpu.memory_space<semaphore_mem>>) {add = true}
    %dma_wait3A_933 = arith.constant 5888 : i32
    %dma_wait3A_934 = tpu.memref_slice %arg6[%dma_wait3A_933] : memref<6400xi32, #tpu.memory_space<vmem>> -> memref<128xi32, #tpu.memory_space<vmem>>
    %dma_wait3A_935 = arith.constant 0 : i32
    %dma_wait3A_936 = arith.constant 0 : i32
    %dma_wait3A_937 = tpu.memref_slice %arg3[%dma_wait3A_935, %dma_wait3A_936] : memref<1000000x64xf32, #tpu.memory_space<hbm>> -> memref<1000000x64xf32, #tpu.memory_space<hbm>>
    tpu.wait_indirect_dma semaphore(%arg10 : memref<!tpu.dma_semaphore, #tpu.memory_space<semaphore_mem>>) src(%dma_wait3A_937 : memref<1000000x64xf32, #tpu.memory_space<hbm>>) dst(%arg8 : memref<128x64xf32, #tpu.memory_space<vmem>>)
    %add3A_938 = arith.constant 5888 : i32
    %add3A_939 = arith.addi %mul3A_2, %add3A_938 : i32
    %dma_start3A_940 = arith.constant 0 : i32
    %dma_start3A_941 = tpu.memref_slice %arg5[%add3A_939, %dma_start3A_940] : memref<204800x64xf32, #tpu.memory_space<hbm>> -> memref<128x64xf32, #tpu.memory_space<hbm>>
    %dma_start3A_942 = arith.constant 0 : i32
    %dma_start3A_943 = tpu.memref_slice %arg5[%add3A_939, %dma_start3A_942] : memref<204800x64xf32, #tpu.memory_space<hbm>> -> memref<128x64xf32, #tpu.memory_space<hbm>>
    tpu.enqueue_dma source(%arg8 : memref<128x64xf32, #tpu.memory_space<vmem>>) target(%dma_start3A_943 : memref<128x64xf32, #tpu.memory_space<hbm>>) target_semaphore(%arg12 : memref<!tpu.dma_semaphore, #tpu.memory_space<semaphore_mem>>)
    %dma_wait3A_944 = arith.constant 0 : i32
    %dma_wait3A_945 = tpu.memref_slice %arg5[%add3A_939, %dma_wait3A_944] : memref<204800x64xf32, #tpu.memory_space<hbm>> -> memref<128x64xf32, #tpu.memory_space<hbm>>
    %dma_wait3A_946 = arith.constant 0 : i32
    %dma_wait3A_947 = tpu.memref_slice %arg5[%add3A_939, %dma_wait3A_946] : memref<204800x64xf32, #tpu.memory_space<hbm>> -> memref<128x64xf32, #tpu.memory_space<hbm>>
    tpu.wait_dma2 semaphore(%arg12 : memref<!tpu.dma_semaphore, #tpu.memory_space<semaphore_mem>>) src(%arg8 : memref<128x64xf32, #tpu.memory_space<vmem>>) dst(%dma_wait3A_947 : memref<128x64xf32, #tpu.memory_space<hbm>>)
    "tpu.region"() ({
      %run_scoped3A = tpu.sem_alloc : memref<!tpu.dma_semaphore, #tpu.memory_space<semaphore_mem>>
      %dma_start3A_1003 = arith.constant 144 : i32
      %dma_start3A_1004 = arith.constant 0 : i32
      %dma_start3A_1005 = tpu.memref_slice %arg7[%dma_start3A_1003, %dma_start3A_1004] : memref<328x64xf32, #tpu.memory_space<vmem_shared>> -> memref<128x64xf32, #tpu.memory_space<vmem_shared>>
      %dma_start3A_1006 = arith.constant 144 : i32
      %dma_start3A_1007 = arith.constant 0 : i32
      %dma_start3A_1008 = tpu.memref_slice %arg7[%dma_start3A_1006, %dma_start3A_1007] : memref<328x64xf32, #tpu.memory_space<vmem_shared>> -> memref<128x64xf32, #tpu.memory_space<vmem_shared>>
      tpu.enqueue_dma source(%dma_start3A_1008 : memref<128x64xf32, #tpu.memory_space<vmem_shared>>) target(%arg8 : memref<128x64xf32, #tpu.memory_space<vmem>>) target_semaphore(%run_scoped3A : memref<!tpu.dma_semaphore, #tpu.memory_space<semaphore_mem>>)
      %dma_wait3A_1009 = arith.constant 144 : i32
      %dma_wait3A_1010 = arith.constant 0 : i32
      %dma_wait3A_1011 = tpu.memref_slice %arg7[%dma_wait3A_1009, %dma_wait3A_1010] : memref<328x64xf32, #tpu.memory_space<vmem_shared>> -> memref<128x64xf32, #tpu.memory_space<vmem_shared>>
      %dma_wait3A_1012 = arith.constant 144 : i32
      %dma_wait3A_1013 = arith.constant 0 : i32
      %dma_wait3A_1014 = tpu.memref_slice %arg7[%dma_wait3A_1012, %dma_wait3A_1013] : memref<328x64xf32, #tpu.memory_space<vmem_shared>> -> memref<128x64xf32, #tpu.memory_space<vmem_shared>>
      tpu.wait_dma2 semaphore(%run_scoped3A : memref<!tpu.dma_semaphore, #tpu.memory_space<semaphore_mem>>) src(%dma_wait3A_1014 : memref<128x64xf32, #tpu.memory_space<vmem_shared>>) dst(%arg8 : memref<128x64xf32, #tpu.memory_space<vmem>>)
      tpu.yield
    }) : () -> ()
    %dma_start3A_948 = arith.constant 6144 : i32
    %dma_start3A_949 = tpu.memref_slice %arg6[%dma_start3A_948] : memref<6400xi32, #tpu.memory_space<vmem>> -> memref<128xi32, #tpu.memory_space<vmem>>
    %dma_start3A_950 = arith.constant 0 : i32
    %dma_start3A_951 = arith.constant 0 : i32
    %dma_start3A_952 = tpu.memref_slice %arg3[%dma_start3A_950, %dma_start3A_951] : memref<1000000x64xf32, #tpu.memory_space<hbm>> -> memref<1000000x64xf32, #tpu.memory_space<hbm>>
    tpu.enqueue_indirect_dma source(%dma_start3A_952 : memref<1000000x64xf32, #tpu.memory_space<hbm>>) target(%arg8 : memref<128x64xf32, #tpu.memory_space<vmem>>) offsets(%dma_start3A_949 : memref<128xi32, #tpu.memory_space<vmem>>) semaphore(%arg10 : memref<!tpu.dma_semaphore, #tpu.memory_space<semaphore_mem>>) {add = true}
    %dma_wait3A_953 = arith.constant 6016 : i32
    %dma_wait3A_954 = tpu.memref_slice %arg6[%dma_wait3A_953] : memref<6400xi32, #tpu.memory_space<vmem>> -> memref<128xi32, #tpu.memory_space<vmem>>
    %dma_wait3A_955 = arith.constant 0 : i32
    %dma_wait3A_956 = arith.constant 0 : i32
    %dma_wait3A_957 = tpu.memref_slice %arg3[%dma_wait3A_955, %dma_wait3A_956] : memref<1000000x64xf32, #tpu.memory_space<hbm>> -> memref<1000000x64xf32, #tpu.memory_space<hbm>>
    tpu.wait_indirect_dma semaphore(%arg11 : memref<!tpu.dma_semaphore, #tpu.memory_space<semaphore_mem>>) src(%dma_wait3A_957 : memref<1000000x64xf32, #tpu.memory_space<hbm>>) dst(%arg9 : memref<128x64xf32, #tpu.memory_space<vmem>>)
    %add3A_958 = arith.constant 6016 : i32
    %add3A_959 = arith.addi %mul3A_2, %add3A_958 : i32
    %dma_start3A_960 = arith.constant 0 : i32
    %dma_start3A_961 = tpu.memref_slice %arg5[%add3A_959, %dma_start3A_960] : memref<204800x64xf32, #tpu.memory_space<hbm>> -> memref<128x64xf32, #tpu.memory_space<hbm>>
    %dma_start3A_962 = arith.constant 0 : i32
    %dma_start3A_963 = tpu.memref_slice %arg5[%add3A_959, %dma_start3A_962] : memref<204800x64xf32, #tpu.memory_space<hbm>> -> memref<128x64xf32, #tpu.memory_space<hbm>>
    tpu.enqueue_dma source(%arg9 : memref<128x64xf32, #tpu.memory_space<vmem>>) target(%dma_start3A_963 : memref<128x64xf32, #tpu.memory_space<hbm>>) target_semaphore(%arg13 : memref<!tpu.dma_semaphore, #tpu.memory_space<semaphore_mem>>)
    %dma_wait3A_964 = arith.constant 0 : i32
    %dma_wait3A_965 = tpu.memref_slice %arg5[%add3A_959, %dma_wait3A_964] : memref<204800x64xf32, #tpu.memory_space<hbm>> -> memref<128x64xf32, #tpu.memory_space<hbm>>
    %dma_wait3A_966 = arith.constant 0 : i32
    %dma_wait3A_967 = tpu.memref_slice %arg5[%add3A_959, %dma_wait3A_966] : memref<204800x64xf32, #tpu.memory_space<hbm>> -> memref<128x64xf32, #tpu.memory_space<hbm>>
    tpu.wait_dma2 semaphore(%arg13 : memref<!tpu.dma_semaphore, #tpu.memory_space<semaphore_mem>>) src(%arg9 : memref<128x64xf32, #tpu.memory_space<vmem>>) dst(%dma_wait3A_967 : memref<128x64xf32, #tpu.memory_space<hbm>>)
    "tpu.region"() ({
      %run_scoped3A = tpu.sem_alloc : memref<!tpu.dma_semaphore, #tpu.memory_space<semaphore_mem>>
      %dma_start3A_1003 = arith.constant 72 : i32
      %dma_start3A_1004 = arith.constant 0 : i32
      %dma_start3A_1005 = tpu.memref_slice %arg7[%dma_start3A_1003, %dma_start3A_1004] : memref<328x64xf32, #tpu.memory_space<vmem_shared>> -> memref<128x64xf32, #tpu.memory_space<vmem_shared>>
      %dma_start3A_1006 = arith.constant 72 : i32
      %dma_start3A_1007 = arith.constant 0 : i32
      %dma_start3A_1008 = tpu.memref_slice %arg7[%dma_start3A_1006, %dma_start3A_1007] : memref<328x64xf32, #tpu.memory_space<vmem_shared>> -> memref<128x64xf32, #tpu.memory_space<vmem_shared>>
      tpu.enqueue_dma source(%dma_start3A_1008 : memref<128x64xf32, #tpu.memory_space<vmem_shared>>) target(%arg9 : memref<128x64xf32, #tpu.memory_space<vmem>>) target_semaphore(%run_scoped3A : memref<!tpu.dma_semaphore, #tpu.memory_space<semaphore_mem>>)
      %dma_wait3A_1009 = arith.constant 72 : i32
      %dma_wait3A_1010 = arith.constant 0 : i32
      %dma_wait3A_1011 = tpu.memref_slice %arg7[%dma_wait3A_1009, %dma_wait3A_1010] : memref<328x64xf32, #tpu.memory_space<vmem_shared>> -> memref<128x64xf32, #tpu.memory_space<vmem_shared>>
      %dma_wait3A_1012 = arith.constant 72 : i32
      %dma_wait3A_1013 = arith.constant 0 : i32
      %dma_wait3A_1014 = tpu.memref_slice %arg7[%dma_wait3A_1012, %dma_wait3A_1013] : memref<328x64xf32, #tpu.memory_space<vmem_shared>> -> memref<128x64xf32, #tpu.memory_space<vmem_shared>>
      tpu.wait_dma2 semaphore(%run_scoped3A : memref<!tpu.dma_semaphore, #tpu.memory_space<semaphore_mem>>) src(%dma_wait3A_1014 : memref<128x64xf32, #tpu.memory_space<vmem_shared>>) dst(%arg9 : memref<128x64xf32, #tpu.memory_space<vmem>>)
      tpu.yield
    }) : () -> ()
    %dma_start3A_968 = arith.constant 6272 : i32
    %dma_start3A_969 = tpu.memref_slice %arg6[%dma_start3A_968] : memref<6400xi32, #tpu.memory_space<vmem>> -> memref<128xi32, #tpu.memory_space<vmem>>
    %dma_start3A_970 = arith.constant 0 : i32
    %dma_start3A_971 = arith.constant 0 : i32
    %dma_start3A_972 = tpu.memref_slice %arg3[%dma_start3A_970, %dma_start3A_971] : memref<1000000x64xf32, #tpu.memory_space<hbm>> -> memref<1000000x64xf32, #tpu.memory_space<hbm>>
    tpu.enqueue_indirect_dma source(%dma_start3A_972 : memref<1000000x64xf32, #tpu.memory_space<hbm>>) target(%arg9 : memref<128x64xf32, #tpu.memory_space<vmem>>) offsets(%dma_start3A_969 : memref<128xi32, #tpu.memory_space<vmem>>) semaphore(%arg11 : memref<!tpu.dma_semaphore, #tpu.memory_space<semaphore_mem>>) {add = true}
    %dma_wait3A_973 = arith.constant 6144 : i32
    %dma_wait3A_974 = tpu.memref_slice %arg6[%dma_wait3A_973] : memref<6400xi32, #tpu.memory_space<vmem>> -> memref<128xi32, #tpu.memory_space<vmem>>
    %dma_wait3A_975 = arith.constant 0 : i32
    %dma_wait3A_976 = arith.constant 0 : i32
    %dma_wait3A_977 = tpu.memref_slice %arg3[%dma_wait3A_975, %dma_wait3A_976] : memref<1000000x64xf32, #tpu.memory_space<hbm>> -> memref<1000000x64xf32, #tpu.memory_space<hbm>>
    tpu.wait_indirect_dma semaphore(%arg10 : memref<!tpu.dma_semaphore, #tpu.memory_space<semaphore_mem>>) src(%dma_wait3A_977 : memref<1000000x64xf32, #tpu.memory_space<hbm>>) dst(%arg8 : memref<128x64xf32, #tpu.memory_space<vmem>>)
    %add3A_978 = arith.constant 6144 : i32
    %add3A_979 = arith.addi %mul3A_2, %add3A_978 : i32
    %dma_start3A_980 = arith.constant 0 : i32
    %dma_start3A_981 = tpu.memref_slice %arg5[%add3A_979, %dma_start3A_980] : memref<204800x64xf32, #tpu.memory_space<hbm>> -> memref<128x64xf32, #tpu.memory_space<hbm>>
    %dma_start3A_982 = arith.constant 0 : i32
    %dma_start3A_983 = tpu.memref_slice %arg5[%add3A_979, %dma_start3A_982] : memref<204800x64xf32, #tpu.memory_space<hbm>> -> memref<128x64xf32, #tpu.memory_space<hbm>>
    tpu.enqueue_dma source(%arg8 : memref<128x64xf32, #tpu.memory_space<vmem>>) target(%dma_start3A_983 : memref<128x64xf32, #tpu.memory_space<hbm>>) target_semaphore(%arg12 : memref<!tpu.dma_semaphore, #tpu.memory_space<semaphore_mem>>)
    %dma_wait3A_984 = arith.constant 6272 : i32
    %dma_wait3A_985 = tpu.memref_slice %arg6[%dma_wait3A_984] : memref<6400xi32, #tpu.memory_space<vmem>> -> memref<128xi32, #tpu.memory_space<vmem>>
    %dma_wait3A_986 = arith.constant 0 : i32
    %dma_wait3A_987 = arith.constant 0 : i32
    %dma_wait3A_988 = tpu.memref_slice %arg3[%dma_wait3A_986, %dma_wait3A_987] : memref<1000000x64xf32, #tpu.memory_space<hbm>> -> memref<1000000x64xf32, #tpu.memory_space<hbm>>
    tpu.wait_indirect_dma semaphore(%arg11 : memref<!tpu.dma_semaphore, #tpu.memory_space<semaphore_mem>>) src(%dma_wait3A_988 : memref<1000000x64xf32, #tpu.memory_space<hbm>>) dst(%arg9 : memref<128x64xf32, #tpu.memory_space<vmem>>)
    %add3A_989 = arith.constant 6272 : i32
    %add3A_990 = arith.addi %mul3A_2, %add3A_989 : i32
    %dma_start3A_991 = arith.constant 0 : i32
    %dma_start3A_992 = tpu.memref_slice %arg5[%add3A_990, %dma_start3A_991] : memref<204800x64xf32, #tpu.memory_space<hbm>> -> memref<128x64xf32, #tpu.memory_space<hbm>>
    %dma_start3A_993 = arith.constant 0 : i32
    %dma_start3A_994 = tpu.memref_slice %arg5[%add3A_990, %dma_start3A_993] : memref<204800x64xf32, #tpu.memory_space<hbm>> -> memref<128x64xf32, #tpu.memory_space<hbm>>
    tpu.enqueue_dma source(%arg9 : memref<128x64xf32, #tpu.memory_space<vmem>>) target(%dma_start3A_994 : memref<128x64xf32, #tpu.memory_space<hbm>>) target_semaphore(%arg13 : memref<!tpu.dma_semaphore, #tpu.memory_space<semaphore_mem>>)
    %dma_wait3A_995 = arith.constant 0 : i32
    %dma_wait3A_996 = tpu.memref_slice %arg5[%add3A_979, %dma_wait3A_995] : memref<204800x64xf32, #tpu.memory_space<hbm>> -> memref<128x64xf32, #tpu.memory_space<hbm>>
    %dma_wait3A_997 = arith.constant 0 : i32
    %dma_wait3A_998 = tpu.memref_slice %arg5[%add3A_979, %dma_wait3A_997] : memref<204800x64xf32, #tpu.memory_space<hbm>> -> memref<128x64xf32, #tpu.memory_space<hbm>>
    tpu.wait_dma2 semaphore(%arg12 : memref<!tpu.dma_semaphore, #tpu.memory_space<semaphore_mem>>) src(%arg8 : memref<128x64xf32, #tpu.memory_space<vmem>>) dst(%dma_wait3A_998 : memref<128x64xf32, #tpu.memory_space<hbm>>)
    %dma_wait3A_999 = arith.constant 0 : i32
    %dma_wait3A_1000 = tpu.memref_slice %arg5[%add3A_990, %dma_wait3A_999] : memref<204800x64xf32, #tpu.memory_space<hbm>> -> memref<128x64xf32, #tpu.memory_space<hbm>>
    %dma_wait3A_1001 = arith.constant 0 : i32
    %dma_wait3A_1002 = tpu.memref_slice %arg5[%add3A_990, %dma_wait3A_1001] : memref<204800x64xf32, #tpu.memory_space<hbm>> -> memref<128x64xf32, #tpu.memory_space<hbm>>
    tpu.wait_dma2 semaphore(%arg13 : memref<!tpu.dma_semaphore, #tpu.memory_space<semaphore_mem>>) src(%arg9 : memref<128x64xf32, #tpu.memory_space<vmem>>) dst(%dma_wait3A_1002 : memref<128x64xf32, #tpu.memory_space<hbm>>)
    return
  }
}

</mosaic_0001>

<sc_bundles>
// kernel: kernel.3.cloned.1.call-start
scs
__scs_entry_jumppad:
0x0: {  	(pc) =	sbr.rel $0x88, $3  }
0x1: {  	(tag) =	ssettag $0x0;
	lr =	simm.s32 $0x1  }
0x2: {  	[smem:$0x3F9E] =	sst lr;
	_ =	strace $0xD0000000  }
0x3: {  	_ = 	snop  }
0x4: {  	_ = 	snop  }
0x5: {  	_ = 	snop  }
0x6: {  	_ = 	snop  }
0x7: {  	_ = 	snop  }
__scs_overlays_trampoline_lowered:
0x8: {  	[smem:$0x3FAD] =	sst s0  }
0x9: {  	[smem:$0x3FAE] =	sst s1  }
0xa: {  	[smem:$0x3FAF] =	sst s2  }
0xb: {  	[smem:$0x3FB0] =	sst s3  }
0xc: {  	[smem:$0x3FB1] =	sst s4  }
0xd: {  	[smem:$0x3FB2] =	sst s5  }
0xe: {  	[smem:$0x3FB3] =	sst s6  }
0xf: {  	[smem:$0x3FB4] =	sst s7  }
0x10: {  	[smem:$0x3FB5] =	sst s8  }
0x11: {  	[smem:$0x3FB6] =	sst s9;
	s0 =	simm.s32 @!p0 $0x0  }
0x12: {  	s1 =	sld [smem:$0x3F9C];
	s0 =	simm.s32 @p0 $0x1  }
0x13: {  	[smem:$0x3FB7] =	sst s0;
	s0 =	simm.s32 @!p1 $0x0  }
0x14: {  	s2 =	sld [smem:$0x3F9B];
	s0 =	simm.s32 @p1 $0x1  }
0x15: {  	[smem:$0x3FB8] =	sst s0;
	s0 =	simm.s32 @!p2 $0x0  }
0x16: {  	s3 =	sld [smem:$0x3FDB];
	s0 =	simm.s32 @p2 $0x1  }
0x17: {  	s4 =	simm.s32 $0x1BF5;
	[smem:$0x3FBA] =	sst s0  }
0x18: {  	s0 =	sld [smem:$0x3F9D];
	_ =	swait.ge [sflag:s4], $0x0  }
0x19: {  	s7 =	sld [smem:$0x3F9E]  }
0x1a: {  	s8 =	sadd.s32 $0xFFFFE003, lr  }
0x1b: {  	s9 =	sadd.s32 $0xFFFFFEF7, lr;
	s5 =	simm.s32 $0xFFFFFFFF;
	p2 =	slt.u32 s8, $0xFFFFF086  }
0x1c: {  	p1 =	slt.u32 s9, $0xF7A;
	s5 =	simm.s32 @!p2 $0x0  }
0x1d: {  	s5 =	simm.s32 @p1 $0x1;
	p0 =	seq.s32 s7, s2  }
0x1e: {  	s7 =	smul.u32 @!p0 $0xF7A, s2;
	p2 =	seq.s32 @!p0 s5, $0x0  }
0x1f: {  	s9 =	smul.u32 $0xF7A, s1;
	s8 =	simm.s32 @!p0 $0x1BF5;
	p2 =	por !p2, p0  }
0x20: {  	[sflag:s8] =	ssyncset.s32 @!p0 $0xFFFFF086;
	s6 =	sadd.s32 @!p0 s3, s7;
	s7 =	simm.s32 @!p0 $0x108  }
0x21: {  	s3 =	sadd.s32 s3, s9;
	s6 =	sadd.s32 @!p0 $0x88, s6;
	s7 =	simm.s32 @p2 $0x1082  }
0x22: {  	[simem:s7], [sflag:s8] =	dma.local @!p0 [hbm:s6], $0xF7A  }
0x23: {  	s9 =	sor.u32 $0xD0000000, s2;
	s6 =	simm.s32 $0x108;
	_ =	swait.ge @!p0 [sflag:s8], $0x0  }
0x24: {  	s3 =	sadd.s32 $0x88, s3;
	s6 =	simm.s32 @!p1 $0x1082;
	[sflag:s4] =	ssyncset.s32 $0xFFFFF086  }
0x25: {  	[simem:s6], [sflag:s4] =	dma.local [hbm:s3], $0xF7A  }
0x26: {  	[smem:$0x3F9E] =	sst s1;
	(tag) =	ssettag s2;
	_ =	strace s9  }
0x27: {  	s1 =	sld [smem:$0x3FAE]  }
0x28: {  	s2 =	sld [smem:$0x3FAF]  }
0x29: {  	s4 =	sld [smem:$0x3FB1]  }
0x2a: {  	p0 =	seq.s32 s5, $0x0;
	s5 =	sld [smem:$0x3FB2]  }
0x2b: {  	s6 =	sld [smem:$0x3FB3]  }
0x2c: {  	s7 =	sld [smem:$0x3FB4]  }
0x2d: {  	s3 =	simm.s32 $0x108;
	s8 =	sld [smem:$0x3FB5]  }
0x2e: {  	s3 =	simm.s32 @!p0 $0x1082;
	s9 =	sld [smem:$0x3FB6]  }
0x2f: {  	lr =	sadd.s32 s0, s3;
	s0 =	sld [smem:$0x3FAD]  }
0x30: {  	s3 =	sld [smem:$0x3FB0]  }
0x31: {  	[smem:$0x3FB9] =	sst s10  }
0x32: {  	s10 =	sld [smem:$0x3FB7];
	_ =	sdelay $0x3  }
0x33: {  	p0 =	seq.s32 s10, $0x1;
	s10 =	sld [smem:$0x3FB9];
	_ =	sdelay $0x3  }
0x34: {  	[smem:$0x3FB9] =	sst s10  }
0x35: {  	s10 =	sld [smem:$0x3FB8];
	_ =	sdelay $0x3  }
0x36: {  	p1 =	seq.s32 s10, $0x1;
	s10 =	sld [smem:$0x3FB9];
	_ =	sdelay $0x3  }
0x37: {  	[smem:$0x3FB9] =	sst s10  }
0x38: {  	s10 =	sld [smem:$0x3FBA]  }
0x39: {  	_ = 	snop;
	(pc) =	sbr.ind lr, $3  }
0x3a: {  	_ = 	snop  }
0x3b: {  	_ = 	snop  }
0x3c: {  	p2 =	seq.s32 s10, $0x1;
	s10 =	sld [smem:$0x3FB9]  }
0x3d: {  	_ =	shalt  }
0x3e: {  	_ =	shalt  }
0x3f: {  	_ =	shalt  }
0x40: {  	_ =	shalt  }
0x41: {  	_ =	shalt  }
0x42: {  	_ =	shalt  }
0x43: {  	_ =	shalt  }
0x44: {  	_ =	shalt  }
0x45: {  	_ =	shalt  }
0x46: {  	_ =	shalt  }
0x47: {  	_ =	shalt  }
0x48: {  	_ =	shalt  }
0x49: {  	_ =	shalt  }
0x4a: {  	_ =	shalt  }
0x4b: {  	_ =	shalt  }
0x4c: {  	_ =	shalt  }
0x4d: {  	_ =	shalt  }
0x4e: {  	_ =	shalt  }
0x4f: {  	_ =	shalt  }
0x50: {  	_ =	shalt  }
0x51: {  	_ =	shalt  }
0x52: {  	_ =	shalt  }
0x53: {  	_ =	shalt  }
0x54: {  	_ =	shalt  }
0x55: {  	_ =	shalt  }
0x56: {  	_ =	shalt  }
0x57: {  	_ =	shalt  }
0x58: {  	_ =	shalt  }
0x59: {  	_ =	shalt  }
0x5a: {  	_ =	shalt  }
0x5b: {  	_ =	shalt  }
0x5c: {  	_ =	shalt  }
0x5d: {  	_ =	shalt  }
0x5e: {  	_ =	shalt  }
0x5f: {  	_ =	shalt  }
0x60: {  	_ =	shalt  }
0x61: {  	_ =	shalt  }
0x62: {  	_ =	shalt  }
0x63: {  	_ =	shalt  }
0x64: {  	_ =	shalt  }
0x65: {  	_ =	shalt  }
0x66: {  	_ =	shalt  }
0x67: {  	_ =	shalt  }
0x68: {  	_ =	shalt  }
0x69: {  	_ =	shalt  }
0x6a: {  	_ =	shalt  }
0x6b: {  	_ =	shalt  }
0x6c: {  	_ =	shalt  }
0x6d: {  	_ =	shalt  }
0x6e: {  	_ =	shalt  }
0x6f: {  	_ =	shalt  }
0x70: {  	_ =	shalt  }
0x71: {  	_ =	shalt  }
0x72: {  	_ =	shalt  }
0x73: {  	_ =	shalt  }
0x74: {  	_ =	shalt  }
0x75: {  	_ =	shalt  }
0x76: {  	_ =	shalt  }
0x77: {  	_ =	shalt  }
0x78: {  	_ =	shalt  }
0x79: {  	_ =	shalt  }
0x7a: {  	_ =	shalt  }
0x7b: {  	_ =	shalt  }
0x7c: {  	_ =	shalt  }
0x7d: {  	_ =	shalt  }
0x7e: {  	_ =	shalt  }
0x7f: {  	_ =	shalt  }
0x80: {  	_ =	shalt  }
0x81: {  	_ =	shalt  }
0x82: {  	_ =	shalt  }
0x83: {  	_ =	shalt  }
0x84: {  	_ =	shalt  }
0x85: {  	_ =	shalt  }
0x86: {  	_ =	shalt  }
0x87: {  	_ =	shalt  }
.Lfunc_end0:
.L_simem_size_0:
called_computation.1_lowered:
.L_overlay_start_0:
0x88: {  	s2 =	sld [smem:$0x3FD9]  }
0x89: {  	s3 =	sld [smem:$0x3FFE];
	_ =	sdelay $0x1  }
0x8a: {  	s1 =	srdreg.scid  }
0x8b: {  	s0 =	sand.u32 $0x1, s1  }
0x8c: {  	s17 =	sshll.u32 s0, $0xA;
	s2 =	sadd.s32 s3, s2  }
0x8d: {  	s2 =	sadd.s32 s2, s17  }
0x8e: {  	[smem:$0x3FC5] =	sst s2  }
0x8f: {  	_ = 	snop  }
0x90: {  	s2 =	sld [smem:$0x3FD0];
	(tm) =	ssettm $0x1  }
0x91: {  	s18 =	sld [smem:$0x3FFB];
	_ =	sdelay $0x3  }
0x92: {  	_ =	strace s18  }
0x93: {  	s3 =	sld [smem:$0x3FFC];
	_ =	sdelay $0x3  }
0x94: {  	_ =	strace s3  }
0x95: {  	s3 =	sld [smem:$0x3FFD];
	_ =	sdelay $0x3  }
0x96: {  	_ =	strace s3  }
0x97: {  	_ =	strace $0x8FFFFFFF  }
0x98: {  	s19 =	sld [smem:$0x3FDB];
	_ =	sdelay $0x1  }
0x99: {  	s4 =	simm.s32 $_scs_section_size  }
0x9a: {  	s5 =	simm.s32 $_size__tile_overlayer_lowered;
	s6 =	simm.s32 $_tile_overlayer_lowered  }
0x9b: {  	s22 =	simm.s32 $0x1BFF;
	s21 =	sshll.u32 s6, $0x1;
	s3 =	sadd.s32 s4, s19  }
0x9c: {  	s7 =	simm.s32 $0x0;
	s20 =	sshll.u32 s5, $0x1;
	s5 =	sadd.s32 s21, s3  }
0x9d: {  	[timem:s7], [sflag:s22] =	dma.local [hbm:s5], s20  }
0x9e: {  	_ =	swait.ge [sflag:s22], s20  }
0x9f: {  	s4 =	ssub.s32 $0x0, s20;
	[sflag:s22] =	ssyncset.done $0x0  }
0xa0: {  	[sflag:s22] =	ssyncadd.s32 s4;
	_ =	sdelay $0x1  }
0xa1: {  	s23 =	simm.s32 $0x1B8B  }
0xa2: {  	_ =	swait.ge [sflag:s23], $0x1  }
0xa3: {  	[sflag:s23] =	ssyncset.done $0x0  }
0xa4: {  	s25 =	simm.s32 $0x1B8E;
	s24 =	sld [smem:$0x3FFE];
	[sflag:s23] =	ssyncadd.s32 $0xFFFFFFFF  }
0xa5: {  	s26 =	simm.s32 $execute0_lowered;
	[smem:$0x3FD2] =	sst s25  }
0xa6: {  	s5 =	sshll.u32 s26, $0x1;
	_ =	strace $0x80000046;
	[dreg:$0x1] =	wrdreg $0xFFFFFFFF  }
0xa7: {  	s28 =	simm.s32 $_size_execute0_lowered;
	s3 =	sadd.s32 s3, s5;
	[dreg:$0x0] =	wrdreg $0x0  }
0xa8: {  	s5 =	sshll.u32 s28, $0x1;
	[dreg:$0x2] =	wrdreg s3  }
0xa9: {  	[dreg:$0x3] =	wrdreg s5  }
0xaa: {  	[dreg:$0x4] =	wrdreg $0xC0  }
0xab: {  	_ =	task [dreg:s7], $0x5FFFF  }
0xac: {  	[dreg:$0x1] =	wrdreg $0xFFFFFFFF  }
0xad: {  	[dreg:$0x0] =	wrdreg $0x60  }
0xae: {  	[dreg:$0x2] =	wrdreg s24  }
0xaf: {  	[dreg:$0x3] =	wrdreg s2  }
0xb0: {  	[dreg:$0x4] =	wrdreg $0x19000  }
0xb1: {  	[dreg:$0x5] =	wrdreg $0x9  }
0xb2: {  	_ =	task.clear_ibuf [dreg:s7], $0x6FFFF;
	_ =	strace $0x90000046  }
0xb3: {  	s29 =	simm.s32 $0x9;
	_ =	strace $0x80000048  }
0xb4: {  	_ =	swait.ge [sflag:s29], $0x1  }
0xb5: {  	[sflag:s29] =	ssyncadd.s32 $0xFFFFFFFF  }
0xb6: {  	_ =	strace $0x90000048  }
0xb7: {  	_ =	sfence  }
0xb8: {  	s30 =	sld [smem:$0x0];
	_ =	sdelay $0x2  }
0xb9: {  	s31 =	sshll.u32 s1, $0xD;
	s1 =	sshrl.u32 s1, $0x2  }
0xba: {  	s3 =	sand.u32 $0x4000, s31;
	s1 =	sadd.s32 s1, s30  }
0xbb: {  	s0 =	sor.u32 s3, s0;
	s1 =	sshll.u32 s1, $0x11  }
0xbc: {  	s0 =	sor.u32 s1, s0  }
0xbd: {  	s0 =	sadd.s32 $0x8F2B, s0  }
0xbe: {  	[sflag:s0] =	ssyncadd.remote.s32 $0x1  }
0xbf: {  	_ =	sfence.sel $0xFFFF  }
0xc0: {  	[dreg:$0x0] =	wrdreg $0xFFFFFFFF;
	(pc) =	sbr.abs _section_cstart, $3  }
0xc1: {  	[dreg:$0x1] =	wrdreg $0xFFFFFFFF  }
0xc2: {  	_ =	task.clear_ibuf [dreg:s7], $0x2FFFF;
	_ =	strace $0x9FFFFFFF  }
0xc3: {  	(tm) =	ssettm $0x7FFFFFFF  }
tec
execute0_lowered:
.L_overlay_start_1:
0x0: {  	(tag) =	ssettag $0x1  }
0x1: {  	s0 =	srdreg.scid;
	s2 =	stileid.u32  }
0x2: {  	s0 =	sand.u32 $0x1, s0;
	s1 =	sshll.u32 s2, $0x1  }
0x3: {  	s3 =	rddreg [dreg:$0x0];
	s5 =	sor.u32 s0, s1  }
0x4: {  	s4 =	rddreg [dreg:$0x1];
	s6 =	smul.u32 $0x320, s5  }
0x5: {  	s14 =	rddreg [dreg:$0x2];
	s1 =	simm.s32 $0x0;
	s7 =	smul.u32 $0xC800, s5  }
0x6: {  	[smem:$0x7FF] =	sst s1;
	s5 =	smul.u32 $0x64000, s5  }
0x7: {  	_ =	strace $0x80000047;
	s6 =	sadd.s32 s6, s3;
	s7 =	sadd.s32 s4, s7  }
0x8: {  	s5 =	sshrl.u32 s5, $0x3;
	s6 =	sadd.s32 $0xC00, s6;
	[smem:$0x79D] =	sst s7  }
0x9: {  	s8 =	sadd.s32 $0x400, s7;
	s4 =	sadd.s32 s4, s5;
	[dreg:$0x4] =	wrdreg s6  }
0xa: {  	[dreg:$0x5] =	wrdreg s8;
	s5 =	sadd.s32 $0x800, s4  }
0xb: {  	s9 =	sadd.s32 $0xC00, s4;
	[dreg:$0x6] =	wrdreg s5  }
0xc: {  	s10 =	sadd.s32 $0x1000, s4;
	[dreg:$0x7] =	wrdreg s9  }
0xd: {  	s11 =	sadd.s32 $0x1400, s4;
	[dreg:$0x8] =	wrdreg s10  }
0xe: {  	s12 =	sadd.s32 $0x1800, s4;
	[dreg:$0x9] =	wrdreg s11  }
0xf: {  	s13 =	sadd.s32 $0x1C00, s4;
	[dreg:$0xa] =	wrdreg s12  }
0x10: {  	s15 =	sadd.s32 $0x2000, s4;
	[dreg:$0xb] =	wrdreg s13  }
0x11: {  	s16 =	sadd.s32 $0x2400, s4;
	[dreg:$0xc] =	wrdreg s15  }
0x12: {  	s17 =	sadd.s32 $0x2800, s4;
	[dreg:$0xd] =	wrdreg s16  }
0x13: {  	s18 =	sadd.s32 $0x2C00, s4;
	[dreg:$0xe] =	wrdreg s17  }
0x14: {  	s19 =	sadd.s32 $0x3000, s4;
	[dreg:$0xf] =	wrdreg s18  }
0x15: {  	s20 =	sadd.s32 $0x3400, s4;
	[dreg:$0x10] =	wrdreg s19  }
0x16: {  	s21 =	sadd.s32 $0x3800, s4;
	[dreg:$0x11] =	wrdreg s20  }
0x17: {  	s22 =	sadd.s32 $0x3C00, s4;
	[dreg:$0x12] =	wrdreg s21  }
0x18: {  	s23 =	sadd.s32 $0x4000, s4;
	[dreg:$0x13] =	wrdreg s22  }
0x19: {  	s24 =	sadd.s32 $0x4400, s4;
	[dreg:$0x14] =	wrdreg s23  }
0x1a: {  	s25 =	sadd.s32 $0x4800, s4;
	[dreg:$0x15] =	wrdreg s24  }
0x1b: {  	s26 =	sadd.s32 $0x4C00, s4;
	[dreg:$0x16] =	wrdreg s25  }
0x1c: {  	s28 =	sadd.s32 $0x5000, s4;
	[dreg:$0x17] =	wrdreg s26  }
0x1d: {  	s29 =	sadd.s32 $0x5400, s4;
	[dreg:$0x18] =	wrdreg s28  }
0x1e: {  	s30 =	sadd.s32 $0x5800, s4;
	[dreg:$0x19] =	wrdreg s29  }
0x1f: {  	s31 =	sadd.s32 $0x5C00, s4;
	[dreg:$0x1a] =	wrdreg s30  }
0x20: {  	s6 =	sadd.s32 $0x6000, s4;
	[dreg:$0x1b] =	wrdreg s31  }
0x21: {  	s7 =	sadd.s32 $0x6400, s4;
	[dreg:$0x1c] =	wrdreg s6  }
0x22: {  	s8 =	sadd.s32 $0x6800, s4;
	[dreg:$0x1d] =	wrdreg s7  }
0x23: {  	[dreg:$0x1e] =	wrdreg s8;
	s9 =	sadd.s32 $0x6C00, s4  }
0x24: {  	s10 =	sadd.s32 $0x7000, s4;
	[dreg:$0x1f] =	wrdreg s9  }
0x25: {  	s11 =	sadd.s32 $0x7400, s4;
	[smem:$0x79E] =	sst s10  }
0x26: {  	s12 =	sadd.s32 $0x7800, s4;
	[smem:$0x79F] =	sst s11  }
0x27: {  	s13 =	sadd.s32 $0x7C00, s4;
	[smem:$0x7A0] =	sst s12  }
0x28: {  	s15 =	sadd.s32 $0x8000, s4;
	[smem:$0x7A1] =	sst s13  }
0x29: {  	s16 =	sadd.s32 $0x8400, s4;
	[smem:$0x7A2] =	sst s15  }
0x2a: {  	s17 =	sadd.s32 $0x8800, s4;
	[smem:$0x7A3] =	sst s16  }
0x2b: {  	s18 =	sadd.s32 $0x8C00, s4;
	[smem:$0x7A4] =	sst s17  }
0x2c: {  	s19 =	sadd.s32 $0x9000, s4;
	[smem:$0x7A5] =	sst s18  }
0x2d: {  	s20 =	sadd.s32 $0x9400, s4;
	[smem:$0x7A6] =	sst s19  }
0x2e: {  	s21 =	sadd.s32 $0x9800, s4;
	[smem:$0x7A7] =	sst s20  }
0x2f: {  	s22 =	sadd.s32 $0x9C00, s4;
	[smem:$0x7A8] =	sst s21  }
0x30: {  	s23 =	sadd.s32 $0xA000, s4;
	[smem:$0x7A9] =	sst s22  }
0x31: {  	s24 =	sadd.s32 $0xA400, s4;
	[smem:$0x7AA] =	sst s23  }
0x32: {  	s25 =	sadd.s32 $0xA800, s4;
	[smem:$0x7AB] =	sst s24  }
0x33: {  	s26 =	sadd.s32 $0xAC00, s4;
	[smem:$0x7AC] =	sst s25  }
0x34: {  	s28 =	sadd.s32 $0xB000, s4;
	[smem:$0x7AD] =	sst s26  }
0x35: {  	s29 =	sadd.s32 $0xB400, s4;
	[smem:$0x7AE] =	sst s28  }
0x36: {  	s30 =	sadd.s32 $0xB800, s4;
	[smem:$0x7AF] =	sst s29  }
0x37: {  	s31 =	sadd.s32 $0xBC00, s4;
	[smem:$0x7B0] =	sst s30  }
0x38: {  	s7 =	sadd.s32 $0xC000, s4;
	[smem:$0x7B1] =	sst s31  }
0x39: {  	s4 =	sadd.s32 $0xC400, s4;
	[smem:$0x7B2] =	sst s7  }
0x3a: {  	p0 =	sne.s32 s2, $0x0;
	s8 =	simm.s32 $0x100;
	[smem:$0x7B3] =	sst s4  }
0x3b: {  	s6 =	sadd.s32 $0x3200, s14;
	s5 =	simm.s32 $0xC80;
	[smem:$0x7B5] =	sst s8  }
0x3c: {  	s2 =	sshrl.u32 @!p0 s6, $0x3;
	[smem:$0x7CC] =	sst s5  }
0x3d: {  	s9 =	simm.s32 $0x180;
	[smem:$0x7B4] =	sst s2  }
0x3e: {  	s10 =	simm.s32 $0x200;
	[smem:$0x7B6] =	sst s9  }
0x3f: {  	s11 =	simm.s32 $0x280;
	[smem:$0x7B7] =	sst s10  }
0x40: {  	s12 =	simm.s32 $0x300;
	[smem:$0x7B8] =	sst s11  }
0x41: {  	s13 =	simm.s32 $0x380;
	[smem:$0x7B9] =	sst s12  }
0x42: {  	s15 =	simm.s32 $0x400;
	[smem:$0x7BA] =	sst s13  }
0x43: {  	s16 =	simm.s32 $0x480;
	[smem:$0x7BB] =	sst s15  }
0x44: {  	s17 =	simm.s32 $0x500;
	[smem:$0x7BC] =	sst s16  }
0x45: {  	s18 =	simm.s32 $0x580;
	[smem:$0x7BD] =	sst s17  }
0x46: {  	s19 =	simm.s32 $0x600;
	[smem:$0x7BE] =	sst s18  }
0x47: {  	s20 =	simm.s32 $0x680;
	[smem:$0x7BF] =	sst s19  }
0x48: {  	s21 =	simm.s32 $0x700;
	[smem:$0x7C0] =	sst s20  }
0x49: {  	s22 =	simm.s32 $0x780;
	[smem:$0x7C1] =	sst s21  }
0x4a: {  	s23 =	simm.s32 $0x800;
	[smem:$0x7C2] =	sst s22  }
0x4b: {  	s24 =	simm.s32 $0x880;
	[smem:$0x7C3] =	sst s23  }
0x4c: {  	s25 =	simm.s32 $0x900;
	[smem:$0x7C4] =	sst s24  }
0x4d: {  	s26 =	simm.s32 $0x980;
	[smem:$0x7C5] =	sst s25  }
0x4e: {  	s28 =	simm.s32 $0xA00;
	[smem:$0x7C6] =	sst s26  }
0x4f: {  	s29 =	simm.s32 $0xA80;
	[smem:$0x7C7] =	sst s28  }
0x50: {  	s30 =	simm.s32 $0xB00;
	[smem:$0x7C8] =	sst s29  }
0x51: {  	s31 =	simm.s32 $0xB80;
	[smem:$0x7C9] =	sst s30  }
0x52: {  	s4 =	simm.s32 $0xC00;
	[smem:$0x7CA] =	sst s31  }
0x53: {  	s6 =	simm.s32 $0xD00;
	[smem:$0x7CB] =	sst s4  }
0x54: {  	s7 =	simm.s32 $0xD80;
	[smem:$0x7CD] =	sst s6  }
0x55: {  	s8 =	simm.s32 $0xE00;
	[smem:$0x7CF] =	sst s7  }
0x56: {  	s5 =	simm.s32 $0x1400;
	[smem:$0x7D0] =	sst s8  }
0x57: {  	s2 =	sadd.s32 $0xF43000, s3;
	s3 =	sadd.s32 $0x7000, s3;
	[smem:$0x7E6] =	sst s5  }
0x58: {  	s9 =	simm.s32 $0xE80;
	[smem:$0x7CE] =	sst s3  }
0x59: {  	s11 =	simm.s32 $0xF00;
	[smem:$0x7D1] =	sst s9  }
0x5a: {  	s13 =	sadd.s32 $0x2000, s14;
	[smem:$0x7D2] =	sst s11  }
0x5b: {  	s12 =	simm.s32 $0xF80;
	[smem:$0x7D3] =	sst s13  }
0x5c: {  	s16 =	sadd.s32 $0xE00, s14;
	[smem:$0x7D4] =	sst s12  }
0x5d: {  	s15 =	simm.s32 $0x1000;
	[smem:$0x7D5] =	sst s16  }
0x5e: {  	s18 =	sadd.s32 $0x2E00, s14;
	[smem:$0x7D6] =	sst s15  }
0x5f: {  	s17 =	simm.s32 $0x1080;
	[smem:$0x7D7] =	sst s18  }
0x60: {  	s20 =	sadd.s32 $0x1C00, s14;
	[smem:$0x7D8] =	sst s17  }
0x61: {  	s19 =	simm.s32 $0x1100;
	[smem:$0x7D9] =	sst s20  }
0x62: {  	s22 =	sadd.s32 $0xA00, s14;
	[smem:$0x7DA] =	sst s19  }
0x63: {  	s21 =	simm.s32 $0x1180;
	[smem:$0x7DB] =	sst s22  }
0x64: {  	s24 =	sadd.s32 $0x2A00, s14;
	[smem:$0x7DC] =	sst s21  }
0x65: {  	s23 =	simm.s32 $0x1200;
	[smem:$0x7DD] =	sst s24  }
0x66: {  	s26 =	sadd.s32 $0x1800, s14;
	[smem:$0x7DE] =	sst s23  }
0x67: {  	s25 =	simm.s32 $0x1280;
	[smem:$0x7DF] =	sst s26  }
0x68: {  	s29 =	sadd.s32 $0x600, s14;
	[smem:$0x7E0] =	sst s25  }
0x69: {  	s28 =	simm.s32 $0x1300;
	[smem:$0x7E1] =	sst s29  }
0x6a: {  	s31 =	sadd.s32 $0x2600, s14;
	[smem:$0x7E2] =	sst s28  }
0x6b: {  	s30 =	simm.s32 $0x1380;
	[smem:$0x7E3] =	sst s31  }
0x6c: {  	s6 =	sadd.s32 $0x1400, s14;
	[smem:$0x7E4] =	sst s30  }
0x6d: {  	s0 =	ssub.s32 $0x2, s0;
	s8 =	sadd.s32 $0x200, s14;
	[smem:$0x7E5] =	sst s6  }
0x6e: {  	s10 =	sshrl.u32 s0, $0x1;
	s7 =	simm.s32 $0x1480;
	[smem:$0x7E7] =	sst s8  }
0x6f: {  	s4 =	ssub.s32 s0, s10;
	[smem:$0x7E8] =	sst s7;
	s10 =	sadd.s32 $0x2200, s14  }
0x70: {  	s9 =	simm.s32 $0x1500;
	[smem:$0x7E9] =	sst s10  }
0x71: {  	s12 =	sadd.s32 $0x1000, s14;
	[smem:$0x7EA] =	sst s9  }
0x72: {  	s11 =	simm.s32 $0x1580;
	[smem:$0x7EB] =	sst s12  }
0x73: {  	s15 =	sadd.s32 $0x3000, s14;
	[smem:$0x7EC] =	sst s11  }
0x74: {  	s13 =	simm.s32 $0x1600;
	[smem:$0x7ED] =	sst s15  }
0x75: {  	s17 =	sadd.s32 $0x1E00, s14;
	[smem:$0x7EE] =	sst s13  }
0x76: {  	s16 =	simm.s32 $0x1680;
	[smem:$0x7EF] =	sst s17  }
0x77: {  	s19 =	sadd.s32 $0xC00, s14;
	[smem:$0x7F0] =	sst s16  }
0x78: {  	s18 =	simm.s32 $0x1700;
	[smem:$0x7F1] =	sst s19  }
0x79: {  	s21 =	sadd.s32 $0x2C00, s14;
	[smem:$0x7F2] =	sst s18  }
0x7a: {  	p1 =	por $0x0, $0x0;
	s20 =	simm.s32 $0x1780;
	[smem:$0x7F3] =	sst s21  }
0x7b: {  	s5 =	simm.s32 $0x3E20;
	s22 =	simm.s32 $0x1800;
	[smem:$0x7F4] =	sst s20  }
0x7c: {  	s23 =	simm.s32 $0x1880;
	s24 =	sadd.s32 $0x1A00, s14;
	[smem:$0x7F5] =	sst s22  }
0x7d: {  	s25 =	sadd.s32 $0x800, s14;
	s26 =	sadd.s32 $0x2800, s14;
	[smem:$0x7F6] =	sst s24  }
0x7e: {  	s28 =	sadd.s32 $0x1600, s14;
	s4 =	smax.u32 s4, $0x1;
	[smem:$0x7F7] =	sst s23  }
0x7f: {  	s29 =	sadd.s32 $0x400, s14;
	[smem:$0x7F8] =	sst s25;
	s11 =	sadd.s32 $0xFFFFFFFF, s4  }
0x80: {  	s30 =	sadd.s32 $0x2400, s14;
	[smem:$0x7F9] =	sst s26;
	p2 =	sne.s32 s11, $0x0  }
.Ltmp0:
0x81: {  	s31 =	sadd.s32 $0x1200, s14;
	[smem:$0x7FA] =	sst s28;
	(pc) =	sbr.rel @!p2 .LBB2_1-.Ltmp0, $4  }
0x82: {  	s6 =	simm.s32 $0x1E20;
	s8 =	simm.s32 $0x1;
	[smem:$0x7FB] =	sst s29  }
0x83: {  	s7 =	simm.s32 $0x2;
	s3 =	simm.s32 $0x4;
	[smem:$0x7FC] =	sst s30  }
0x84: {  	[smem:$0x7FD] =	sst s31;
	s9 =	simm.s32 $0x5;
	s10 =	simm.s32 $0x80  }
0x85: {  	s17 =	rddreg [dreg:$0x4];
	s18 =	sshrl.u32 @!p0 s14, $0x3;
	s4 =	simm.s32 $0x3  }
0x86: {  	[tilespmem:s1], [sflag:$0x5] =	stream.linear.gather [hbm4b:s17+s1], $0x1900, $0x38;
	[tilespmem:$0x5E20] =	vst v63  }
0x87: {  	_ =	swait.ge [sflag:s9], $0x1900  }
0x88: {  	s14 =	sld [smem:$0x7CE]  }
0x89: {  	s0 =	simm.s32 @!p0 $0x1C05;
	[sflag:s9] =	ssyncset.done $0x0  }
0x8a: {  	[smem:$0x79C] =	sst s11;
	s11 =	simm.s32 @!p0 $0x5;
	[sflag:s9] =	ssyncadd.s32 $0xFFFFE700  }
0x8b: {  	[spmem:s18], [sflag:s0] =	dma.local @!p0 [hbm:s14], $0x640  }
0x8c: {  	_ =	swait.ge @!p0 [sflag:s11], $0x640  }
0x8d: {  	s17 =	sld [smem:$0x7B4]  }
0x8e: {  	[sflag:s11] =	ssyncset.done @!p0 $0x0  }
0x8f: {  	[sflag:s11] =	ssyncadd.s32 @!p0 $0xFFFFF9C0  }
0x90: {  	[spmem:s17], [sflag:s0] =	dma.local @!p0 [hbm:s14], $0x400  }
0x91: {  	_ =	swait.ge @!p0 [sflag:s11], $0x400  }
0x92: {  	[sflag:s11] =	ssyncset.done @!p0 $0x0  }
0x93: {  	[sflag:s11] =	ssyncadd.s32 @!p0 $0xFFFFFC00  }
0x94: {  	[bflag:$0x0] =	sbarrier.arrive $0xFFFF  }
0x95: {  	s13 =	rddreg [dreg:$0x2]  }
0x96: {  	[tilespmem:s6], [sflag:$0x5] =	stream.linear.gather [spmem:s13], $0x2000, $0x38;
	[tilespmem:$0x5E20] =	vst v63  }
0x97: {  	_ =	swait.ge [sflag:s9], $0x2000  }
0x98: {  	[sflag:s9] =	ssyncset.done $0x0  }
0x99: {  	s21 =	sld [smem:$0x7D3];
	[sflag:s9] =	ssyncadd.s32 $0xFFFFE000  }
0x9a: {  	[tilespmem:s6], [sflag:$0x1] =	stream.indirect.gather.add.f32 [hbm:s2], $0x40, s1, s10, $0xb8;
	[tilespmem:$0x5E20] =	vst v63  }
0x9b: {  	_ = 	snop  }
0x9c: {  	[tilespmem:s5], [sflag:$0x5] =	stream.linear.gather [spmem:s21], $0x2000, $0x38;
	[tilespmem:$0x5E20] =	vst v63  }
0x9d: {  	_ =	swait.ge [sflag:s9], $0x2000  }
0x9e: {  	[sflag:s9] =	ssyncset.done $0x0  }
0x9f: {  	[sflag:s9] =	ssyncadd.s32 $0xFFFFE000  }
0xa0: {  	[tilespmem:s5], [sflag:$0x2] =	stream.indirect.gather.add.f32 [hbm:s2], $0x40, s10, s10, $0xb8;
	[tilespmem:$0x5E20] =	vst v63  }
0xa1: {  	_ =	swait.ge [sflag:s8], $0x2000  }
0xa2: {  	s15 =	sld [smem:$0x79D]  }
0xa3: {  	[sflag:s8] =	ssyncset.done $0x0  }
0xa4: {  	[sflag:s8] =	ssyncadd.s32 $0xFFFFE000  }
0xa5: {  	[hbm4b:s15+s1] =	stream.linear.scatter [tilespmem:s6], [sflag:$0x3], $0x2000, $0x38;
	[tilespmem:$0x5E20] =	vst v63  }
0xa6: {  	_ =	swait.ge [sflag:s4], $0x2000  }
0xa7: {  	s13 =	sld [smem:$0x7D5]  }
0xa8: {  	[sflag:s4] =	ssyncset.done $0x0  }
0xa9: {  	[sflag:s4] =	ssyncadd.s32 $0xFFFFE000  }
0xaa: {  	[tilespmem:s6], [sflag:$0x5] =	stream.linear.gather [spmem:s13], $0x2000, $0x38;
	[tilespmem:$0x5E20] =	vst v63  }
0xab: {  	_ =	swait.ge [sflag:s9], $0x2000  }
0xac: {  	s16 =	sld [smem:$0x7B5]  }
0xad: {  	[sflag:s9] =	ssyncset.done $0x0  }
0xae: {  	[sflag:s9] =	ssyncadd.s32 $0xFFFFE000  }
0xaf: {  	[tilespmem:s6], [sflag:$0x1] =	stream.indirect.gather.add.f32 [hbm:s2], $0x40, s16, s10, $0xb8;
	[tilespmem:$0x5E20] =	vst v63  }
0xb0: {  	_ =	swait.ge [sflag:s7], $0x2000  }
0xb1: {  	[sflag:s7] =	ssyncset.done $0x0  }
0xb2: {  	s19 =	rddreg [dreg:$0x5];
	[sflag:s7] =	ssyncadd.s32 $0xFFFFE000  }
0xb3: {  	[hbm4b:s19+s1] =	stream.linear.scatter [tilespmem:s5], [sflag:$0x4], $0x2000, $0x38;
	[tilespmem:$0x5E20] =	vst v63  }
0xb4: {  	_ =	swait.ge [sflag:s3], $0x2000  }
0xb5: {  	s12 =	sld [smem:$0x7D7]  }
0xb6: {  	[sflag:s3] =	ssyncset.done $0x0  }
0xb7: {  	[sflag:s3] =	ssyncadd.s32 $0xFFFFE000  }
0xb8: {  	[tilespmem:s5], [sflag:$0x5] =	stream.linear.gather [spmem:s12], $0x2000, $0x38;
	[tilespmem:$0x5E20] =	vst v63  }
0xb9: {  	_ =	swait.ge [sflag:s9], $0x2000  }
0xba: {  	s20 =	sld [smem:$0x7B6]  }
0xbb: {  	[sflag:s9] =	ssyncset.done $0x0  }
0xbc: {  	[sflag:s9] =	ssyncadd.s32 $0xFFFFE000  }
0xbd: {  	[tilespmem:s5], [sflag:$0x2] =	stream.indirect.gather.add.f32 [hbm:s2], $0x40, s20, s10, $0xb8;
	[tilespmem:$0x5E20] =	vst v63  }
0xbe: {  	_ =	swait.ge [sflag:s8], $0x2000  }
0xbf: {  	[sflag:s8] =	ssyncset.done $0x0  }
0xc0: {  	s22 =	rddreg [dreg:$0x6];
	[sflag:s8] =	ssyncadd.s32 $0xFFFFE000  }
0xc1: {  	[hbm4b:s22+s1] =	stream.linear.scatter [tilespmem:s6], [sflag:$0x3], $0x2000, $0x38;
	[tilespmem:$0x5E20] =	vst v63  }
0xc2: {  	_ =	swait.ge [sflag:s4], $0x2000  }
0xc3: {  	s11 =	sld [smem:$0x7D9]  }
0xc4: {  	[sflag:s4] =	ssyncset.done $0x0  }
0xc5: {  	[sflag:s4] =	ssyncadd.s32 $0xFFFFE000  }
0xc6: {  	[tilespmem:s6], [sflag:$0x5] =	stream.linear.gather [spmem:s11], $0x2000, $0x38;
	[tilespmem:$0x5E20] =	vst v63  }
0xc7: {  	_ =	swait.ge [sflag:s9], $0x2000  }
0xc8: {  	s23 =	sld [smem:$0x7B7]  }
0xc9: {  	[sflag:s9] =	ssyncset.done $0x0  }
0xca: {  	[sflag:s9] =	ssyncadd.s32 $0xFFFFE000  }
0xcb: {  	[tilespmem:s6], [sflag:$0x1] =	stream.indirect.gather.add.f32 [hbm:s2], $0x40, s23, s10, $0xb8;
	[tilespmem:$0x5E20] =	vst v63  }
0xcc: {  	_ =	swait.ge [sflag:s7], $0x2000  }
0xcd: {  	[sflag:s7] =	ssyncset.done $0x0  }
0xce: {  	s24 =	rddreg [dreg:$0x7];
	[sflag:s7] =	ssyncadd.s32 $0xFFFFE000  }
0xcf: {  	[hbm4b:s24+s1] =	stream.linear.scatter [tilespmem:s5], [sflag:$0x4], $0x2000, $0x38;
	[tilespmem:$0x5E20] =	vst v63  }
0xd0: {  	_ =	swait.ge [sflag:s3], $0x2000  }
0xd1: {  	s19 =	sld [smem:$0x7DB]  }
0xd2: {  	[sflag:s3] =	ssyncset.done $0x0  }
0xd3: {  	[sflag:s3] =	ssyncadd.s32 $0xFFFFE000  }
0xd4: {  	[tilespmem:s5], [sflag:$0x5] =	stream.linear.gather [spmem:s19], $0x2000, $0x38;
	[tilespmem:$0x5E20] =	vst v63  }
0xd5: {  	_ =	swait.ge [sflag:s9], $0x2000  }
0xd6: {  	s25 =	sld [smem:$0x7B8]  }
0xd7: {  	[sflag:s9] =	ssyncset.done $0x0  }
0xd8: {  	[sflag:s9] =	ssyncadd.s32 $0xFFFFE000  }
0xd9: {  	[tilespmem:s5], [sflag:$0x2] =	stream.indirect.gather.add.f32 [hbm:s2], $0x40, s25, s10, $0xb8;
	[tilespmem:$0x5E20] =	vst v63  }
0xda: {  	_ =	swait.ge [sflag:s8], $0x2000  }
0xdb: {  	[sflag:s8] =	ssyncset.done $0x0  }
0xdc: {  	s26 =	rddreg [dreg:$0x8];
	[sflag:s8] =	ssyncadd.s32 $0xFFFFE000  }
0xdd: {  	[hbm4b:s26+s1] =	stream.linear.scatter [tilespmem:s6], [sflag:$0x3], $0x2000, $0x38;
	[tilespmem:$0x5E20] =	vst v63  }
0xde: {  	_ =	swait.ge [sflag:s4], $0x2000  }
0xdf: {  	s30 =	sld [smem:$0x7DD]  }
0xe0: {  	[sflag:s4] =	ssyncset.done $0x0  }
0xe1: {  	[sflag:s4] =	ssyncadd.s32 $0xFFFFE000  }
0xe2: {  	[tilespmem:s6], [sflag:$0x5] =	stream.linear.gather [spmem:s30], $0x2000, $0x38;
	[tilespmem:$0x5E20] =	vst v63  }
0xe3: {  	_ =	swait.ge [sflag:s9], $0x2000  }
0xe4: {  	s28 =	sld [smem:$0x7B9]  }
0xe5: {  	[sflag:s9] =	ssyncset.done $0x0  }
0xe6: {  	[sflag:s9] =	ssyncadd.s32 $0xFFFFE000  }
0xe7: {  	[tilespmem:s6], [sflag:$0x1] =	stream.indirect.gather.add.f32 [hbm:s2], $0x40, s28, s10, $0xb8;
	[tilespmem:$0x5E20] =	vst v63  }
0xe8: {  	_ =	swait.ge [sflag:s7], $0x2000  }
0xe9: {  	[sflag:s7] =	ssyncset.done $0x0  }
0xea: {  	s29 =	rddreg [dreg:$0x9];
	[sflag:s7] =	ssyncadd.s32 $0xFFFFE000  }
0xeb: {  	[hbm4b:s29+s1] =	stream.linear.scatter [tilespmem:s5], [sflag:$0x4], $0x2000, $0x38;
	[tilespmem:$0x5E20] =	vst v63  }
0xec: {  	_ =	swait.ge [sflag:s3], $0x2000  }
0xed: {  	s0 =	sld [smem:$0x7DF]  }
0xee: {  	[sflag:s3] =	ssyncset.done $0x0  }
0xef: {  	[sflag:s3] =	ssyncadd.s32 $0xFFFFE000  }
0xf0: {  	[tilespmem:s5], [sflag:$0x5] =	stream.linear.gather [spmem:s0], $0x2000, $0x38;
	[tilespmem:$0x5E20] =	vst v63  }
0xf1: {  	_ =	swait.ge [sflag:s9], $0x2000  }
0xf2: {  	s31 =	sld [smem:$0x7BA]  }
0xf3: {  	[sflag:s9] =	ssyncset.done $0x0  }
0xf4: {  	[sflag:s9] =	ssyncadd.s32 $0xFFFFE000  }
0xf5: {  	[tilespmem:s5], [sflag:$0x2] =	stream.indirect.gather.add.f32 [hbm:s2], $0x40, s31, s10, $0xb8;
	[tilespmem:$0x5E20] =	vst v63  }
0xf6: {  	_ =	swait.ge [sflag:s8], $0x2000  }
0xf7: {  	[sflag:s8] =	ssyncset.done $0x0  }
0xf8: {  	s14 =	rddreg [dreg:$0xa];
	[sflag:s8] =	ssyncadd.s32 $0xFFFFE000  }
0xf9: {  	[hbm4b:s14+s1] =	stream.linear.scatter [tilespmem:s6], [sflag:$0x3], $0x2000, $0x38;
	[tilespmem:$0x5E20] =	vst v63  }
0xfa: {  	_ =	swait.ge [sflag:s4], $0x2000  }
0xfb: {  	s31 =	sld [smem:$0x7E1]  }
0xfc: {  	[sflag:s4] =	ssyncset.done $0x0  }
0xfd: {  	[sflag:s4] =	ssyncadd.s32 $0xFFFFE000  }
0xfe: {  	[tilespmem:s6], [sflag:$0x5] =	stream.linear.gather [spmem:s31], $0x2000, $0x38;
	[tilespmem:$0x5E20] =	vst v63  }
0xff: {  	_ =	swait.ge [sflag:s9], $0x2000  }
0x100: {  	s15 =	sld [smem:$0x7BB]  }
0x101: {  	[sflag:s9] =	ssyncset.done $0x0  }
0x102: {  	[sflag:s9] =	ssyncadd.s32 $0xFFFFE000  }
0x103: {  	[tilespmem:s6], [sflag:$0x1] =	stream.indirect.gather.add.f32 [hbm:s2], $0x40, s15, s10, $0xb8;
	[tilespmem:$0x5E20] =	vst v63  }
0x104: {  	_ =	swait.ge [sflag:s7], $0x2000  }
0x105: {  	[sflag:s7] =	ssyncset.done $0x0  }
0x106: {  	s16 =	rddreg [dreg:$0xb];
	[sflag:s7] =	ssyncadd.s32 $0xFFFFE000  }
0x107: {  	[hbm4b:s16+s1] =	stream.linear.scatter [tilespmem:s5], [sflag:$0x4], $0x2000, $0x38;
	[tilespmem:$0x5E20] =	vst v63  }
0x108: {  	_ =	swait.ge [sflag:s3], $0x2000  }
0x109: {  	s29 =	sld [smem:$0x7E3]  }
0x10a: {  	[sflag:s3] =	ssyncset.done $0x0  }
0x10b: {  	[sflag:s3] =	ssyncadd.s32 $0xFFFFE000  }
0x10c: {  	[tilespmem:s5], [sflag:$0x5] =	stream.linear.gather [spmem:s29], $0x2000, $0x38;
	[tilespmem:$0x5E20] =	vst v63  }
0x10d: {  	_ =	swait.ge [sflag:s9], $0x2000  }
0x10e: {  	s20 =	sld [smem:$0x7BC]  }
0x10f: {  	[sflag:s9] =	ssyncset.done $0x0  }
0x110: {  	[sflag:s9] =	ssyncadd.s32 $0xFFFFE000  }
0x111: {  	[tilespmem:s5], [sflag:$0x2] =	stream.indirect.gather.add.f32 [hbm:s2], $0x40, s20, s10, $0xb8;
	[tilespmem:$0x5E20] =	vst v63  }
0x112: {  	_ =	swait.ge [sflag:s8], $0x2000  }
0x113: {  	[sflag:s8] =	ssyncset.done $0x0  }
0x114: {  	s22 =	rddreg [dreg:$0xc];
	[sflag:s8] =	ssyncadd.s32 $0xFFFFE000  }
0x115: {  	[hbm4b:s22+s1] =	stream.linear.scatter [tilespmem:s6], [sflag:$0x3], $0x2000, $0x38;
	[tilespmem:$0x5E20] =	vst v63  }
0x116: {  	_ =	swait.ge [sflag:s4], $0x2000  }
0x117: {  	s28 =	sld [smem:$0x7E5]  }
0x118: {  	[sflag:s4] =	ssyncset.done $0x0  }
0x119: {  	[sflag:s4] =	ssyncadd.s32 $0xFFFFE000  }
0x11a: {  	[tilespmem:s6], [sflag:$0x5] =	stream.linear.gather [spmem:s28], $0x2000, $0x38;
	[tilespmem:$0x5E20] =	vst v63  }
0x11b: {  	_ =	swait.ge [sflag:s9], $0x2000  }
0x11c: {  	s23 =	sld [smem:$0x7BD]  }
0x11d: {  	[sflag:s9] =	ssyncset.done $0x0  }
0x11e: {  	[sflag:s9] =	ssyncadd.s32 $0xFFFFE000  }
0x11f: {  	[tilespmem:s6], [sflag:$0x1] =	stream.indirect.gather.add.f32 [hbm:s2], $0x40, s23, s10, $0xb8;
	[tilespmem:$0x5E20] =	vst v63  }
0x120: {  	_ =	swait.ge [sflag:s7], $0x2000  }
0x121: {  	[sflag:s7] =	ssyncset.done $0x0  }
0x122: {  	s24 =	rddreg [dreg:$0xd];
	[sflag:s7] =	ssyncadd.s32 $0xFFFFE000  }
0x123: {  	[hbm4b:s24+s1] =	stream.linear.scatter [tilespmem:s5], [sflag:$0x4], $0x2000, $0x38;
	[tilespmem:$0x5E20] =	vst v63  }
0x124: {  	_ =	swait.ge [sflag:s3], $0x2000  }
0x125: {  	s26 =	sld [smem:$0x7E7]  }
0x126: {  	[sflag:s3] =	ssyncset.done $0x0  }
0x127: {  	[sflag:s3] =	ssyncadd.s32 $0xFFFFE000  }
0x128: {  	[tilespmem:s5], [sflag:$0x5] =	stream.linear.gather [spmem:s26], $0x2000, $0x38;
	[tilespmem:$0x5E20] =	vst v63  }
0x129: {  	_ =	swait.ge [sflag:s9], $0x2000  }
0x12a: {  	s25 =	sld [smem:$0x7BE]  }
0x12b: {  	[sflag:s9] =	ssyncset.done $0x0  }
0x12c: {  	[sflag:s9] =	ssyncadd.s32 $0xFFFFE000  }
0x12d: {  	[tilespmem:s5], [sflag:$0x2] =	stream.indirect.gather.add.f32 [hbm:s2], $0x40, s25, s10, $0xb8;
	[tilespmem:$0x5E20] =	vst v63  }
0x12e: {  	_ =	swait.ge [sflag:s8], $0x2000  }
0x12f: {  	[sflag:s8] =	ssyncset.done $0x0  }
0x130: {  	s14 =	rddreg [dreg:$0xe];
	[sflag:s8] =	ssyncadd.s32 $0xFFFFE000  }
0x131: {  	[hbm4b:s14+s1] =	stream.linear.scatter [tilespmem:s6], [sflag:$0x3], $0x2000, $0x38;
	[tilespmem:$0x5E20] =	vst v63  }
0x132: {  	_ =	swait.ge [sflag:s4], $0x2000  }
0x133: {  	s25 =	sld [smem:$0x7E9]  }
0x134: {  	[sflag:s4] =	ssyncset.done $0x0  }
0x135: {  	[sflag:s4] =	ssyncadd.s32 $0xFFFFE000  }
0x136: {  	[tilespmem:s6], [sflag:$0x5] =	stream.linear.gather [spmem:s25], $0x2000, $0x38;
	[tilespmem:$0x5E20] =	vst v63  }
0x137: {  	_ =	swait.ge [sflag:s9], $0x2000  }
0x138: {  	s15 =	sld [smem:$0x7BF]  }
0x139: {  	[sflag:s9] =	ssyncset.done $0x0  }
0x13a: {  	[sflag:s9] =	ssyncadd.s32 $0xFFFFE000  }
0x13b: {  	[tilespmem:s6], [sflag:$0x1] =	stream.indirect.gather.add.f32 [hbm:s2], $0x40, s15, s10, $0xb8;
	[tilespmem:$0x5E20] =	vst v63  }
0x13c: {  	_ =	swait.ge [sflag:s7], $0x2000  }
0x13d: {  	[sflag:s7] =	ssyncset.done $0x0  }
0x13e: {  	s16 =	rddreg [dreg:$0xf];
	[sflag:s7] =	ssyncadd.s32 $0xFFFFE000  }
0x13f: {  	[hbm4b:s16+s1] =	stream.linear.scatter [tilespmem:s5], [sflag:$0x4], $0x2000, $0x38;
	[tilespmem:$0x5E20] =	vst v63  }
0x140: {  	_ =	swait.ge [sflag:s3], $0x2000  }
0x141: {  	s24 =	sld [smem:$0x7EB]  }
0x142: {  	[sflag:s3] =	ssyncset.done $0x0  }
0x143: {  	[sflag:s3] =	ssyncadd.s32 $0xFFFFE000  }
0x144: {  	[tilespmem:s5], [sflag:$0x5] =	stream.linear.gather [spmem:s24], $0x2000, $0x38;
	[tilespmem:$0x5E20] =	vst v63  }
0x145: {  	_ =	swait.ge [sflag:s9], $0x2000  }
0x146: {  	s20 =	sld [smem:$0x7C0]  }
0x147: {  	[sflag:s9] =	ssyncset.done $0x0  }
0x148: {  	[sflag:s9] =	ssyncadd.s32 $0xFFFFE000  }
0x149: {  	[tilespmem:s5], [sflag:$0x2] =	stream.indirect.gather.add.f32 [hbm:s2], $0x40, s20, s10, $0xb8;
	[tilespmem:$0x5E20] =	vst v63  }
0x14a: {  	_ =	swait.ge [sflag:s8], $0x2000  }
0x14b: {  	[sflag:s8] =	ssyncset.done $0x0  }
0x14c: {  	s22 =	rddreg [dreg:$0x10];
	[sflag:s8] =	ssyncadd.s32 $0xFFFFE000  }
0x14d: {  	[hbm4b:s22+s1] =	stream.linear.scatter [tilespmem:s6], [sflag:$0x3], $0x2000, $0x38;
	[tilespmem:$0x5E20] =	vst v63  }
0x14e: {  	_ =	swait.ge [sflag:s4], $0x2000  }
0x14f: {  	s22 =	sld [smem:$0x7ED]  }
0x150: {  	[sflag:s4] =	ssyncset.done $0x0  }
0x151: {  	[sflag:s4] =	ssyncadd.s32 $0xFFFFE000  }
0x152: {  	[tilespmem:s6], [sflag:$0x5] =	stream.linear.gather [spmem:s22], $0x2000, $0x38;
	[tilespmem:$0x5E20] =	vst v63  }
0x153: {  	_ =	swait.ge [sflag:s9], $0x2000  }
0x154: {  	s23 =	sld [smem:$0x7C1]  }
0x155: {  	[sflag:s9] =	ssyncset.done $0x0  }
0x156: {  	[sflag:s9] =	ssyncadd.s32 $0xFFFFE000  }
0x157: {  	[tilespmem:s6], [sflag:$0x1] =	stream.indirect.gather.add.f32 [hbm:s2], $0x40, s23, s10, $0xb8;
	[tilespmem:$0x5E20] =	vst v63  }
0x158: {  	_ =	swait.ge [sflag:s7], $0x2000  }
0x159: {  	[sflag:s7] =	ssyncset.done $0x0  }
0x15a: {  	s14 =	rddreg [dreg:$0x11];
	[sflag:s7] =	ssyncadd.s32 $0xFFFFE000  }
0x15b: {  	[hbm4b:s14+s1] =	stream.linear.scatter [tilespmem:s5], [sflag:$0x4], $0x2000, $0x38;
	[tilespmem:$0x5E20] =	vst v63  }
0x15c: {  	_ =	swait.ge [sflag:s3], $0x2000  }
0x15d: {  	s20 =	sld [smem:$0x7EF]  }
0x15e: {  	[sflag:s3] =	ssyncset.done $0x0  }
0x15f: {  	[sflag:s3] =	ssyncadd.s32 $0xFFFFE000  }
0x160: {  	[tilespmem:s5], [sflag:$0x5] =	stream.linear.gather [spmem:s20], $0x2000, $0x38;
	[tilespmem:$0x5E20] =	vst v63  }
0x161: {  	_ =	swait.ge [sflag:s9], $0x2000  }
0x162: {  	s15 =	sld [smem:$0x7C2]  }
0x163: {  	[sflag:s9] =	ssyncset.done $0x0  }
0x164: {  	[sflag:s9] =	ssyncadd.s32 $0xFFFFE000  }
0x165: {  	[tilespmem:s5], [sflag:$0x2] =	stream.indirect.gather.add.f32 [hbm:s2], $0x40, s15, s10, $0xb8;
	[tilespmem:$0x5E20] =	vst v63  }
0x166: {  	_ =	swait.ge [sflag:s8], $0x2000  }
0x167: {  	[sflag:s8] =	ssyncset.done $0x0  }
0x168: {  	s16 =	rddreg [dreg:$0x12];
	[sflag:s8] =	ssyncadd.s32 $0xFFFFE000  }
0x169: {  	[hbm4b:s16+s1] =	stream.linear.scatter [tilespmem:s6], [sflag:$0x3], $0x2000, $0x38;
	[tilespmem:$0x5E20] =	vst v63  }
0x16a: {  	_ =	swait.ge [sflag:s4], $0x2000  }
0x16b: {  	[smem:$0x79B] =	sst s18  }
0x16c: {  	s18 =	sld [smem:$0x7F1]  }
0x16d: {  	[sflag:s4] =	ssyncset.done $0x0  }
0x16e: {  	[sflag:s4] =	ssyncadd.s32 $0xFFFFE000  }
0x16f: {  	[tilespmem:s6], [sflag:$0x5] =	stream.linear.gather [spmem:s18], $0x2000, $0x38;
	[tilespmem:$0x5E20] =	vst v63  }
0x170: {  	_ =	swait.ge [sflag:s9], $0x2000  }
0x171: {  	s23 =	sld [smem:$0x7C3]  }
0x172: {  	[sflag:s9] =	ssyncset.done $0x0  }
0x173: {  	[sflag:s9] =	ssyncadd.s32 $0xFFFFE000  }
0x174: {  	[tilespmem:s6], [sflag:$0x1] =	stream.indirect.gather.add.f32 [hbm:s2], $0x40, s23, s10, $0xb8;
	[tilespmem:$0x5E20] =	vst v63  }
0x175: {  	_ =	swait.ge [sflag:s7], $0x2000  }
0x176: {  	[sflag:s7] =	ssyncset.done $0x0  }
0x177: {  	s14 =	rddreg [dreg:$0x13];
	[sflag:s7] =	ssyncadd.s32 $0xFFFFE000  }
0x178: {  	[hbm4b:s14+s1] =	stream.linear.scatter [tilespmem:s5], [sflag:$0x4], $0x2000, $0x38;
	[tilespmem:$0x5E20] =	vst v63  }
0x179: {  	_ =	swait.ge [sflag:s3], $0x2000  }
0x17a: {  	s23 =	sld [smem:$0x7F3]  }
0x17b: {  	[sflag:s3] =	ssyncset.done $0x0  }
0x17c: {  	[sflag:s3] =	ssyncadd.s32 $0xFFFFE000  }
0x17d: {  	[tilespmem:s5], [sflag:$0x5] =	stream.linear.gather [spmem:s23], $0x2000, $0x38;
	[tilespmem:$0x5E20] =	vst v63  }
0x17e: {  	_ =	swait.ge [sflag:s9], $0x2000  }
0x17f: {  	s15 =	sld [smem:$0x7C4]  }
0x180: {  	[sflag:s9] =	ssyncset.done $0x0  }
0x181: {  	[sflag:s9] =	ssyncadd.s32 $0xFFFFE000  }
0x182: {  	[tilespmem:s5], [sflag:$0x2] =	stream.indirect.gather.add.f32 [hbm:s2], $0x40, s15, s10, $0xb8;
	[tilespmem:$0x5E20] =	vst v63  }
0x183: {  	_ =	swait.ge [sflag:s8], $0x2000  }
0x184: {  	[sflag:s8] =	ssyncset.done $0x0  }
0x185: {  	s16 =	rddreg [dreg:$0x14];
	[sflag:s8] =	ssyncadd.s32 $0xFFFFE000  }
0x186: {  	[hbm4b:s16+s1] =	stream.linear.scatter [tilespmem:s6], [sflag:$0x3], $0x2000, $0x38;
	[tilespmem:$0x5E20] =	vst v63  }
0x187: {  	_ =	swait.ge [sflag:s4], $0x2000  }
0x188: {  	s15 =	sld [smem:$0x7F6]  }
0x189: {  	[sflag:s4] =	ssyncset.done $0x0  }
0x18a: {  	[sflag:s4] =	ssyncadd.s32 $0xFFFFE000  }
0x18b: {  	[tilespmem:s6], [sflag:$0x5] =	stream.linear.gather [spmem:s15], $0x2000, $0x38;
	[tilespmem:$0x5E20] =	vst v63  }
0x18c: {  	_ =	swait.ge [sflag:s9], $0x2000  }
0x18d: {  	s14 =	sld [smem:$0x7C5]  }
0x18e: {  	[sflag:s9] =	ssyncset.done $0x0  }
0x18f: {  	[sflag:s9] =	ssyncadd.s32 $0xFFFFE000  }
0x190: {  	[tilespmem:s6], [sflag:$0x1] =	stream.indirect.gather.add.f32 [hbm:s2], $0x40, s14, s10, $0xb8;
	[tilespmem:$0x5E20] =	vst v63  }
0x191: {  	_ =	swait.ge [sflag:s7], $0x2000  }
0x192: {  	[sflag:s7] =	ssyncset.done $0x0  }
0x193: {  	s16 =	rddreg [dreg:$0x15];
	[sflag:s7] =	ssyncadd.s32 $0xFFFFE000  }
0x194: {  	[hbm4b:s16+s1] =	stream.linear.scatter [tilespmem:s5], [sflag:$0x4], $0x2000, $0x38;
	[tilespmem:$0x5E20] =	vst v63  }
0x195: {  	_ =	swait.ge [sflag:s3], $0x2000  }
0x196: {  	s17 =	sld [smem:$0x7F8]  }
0x197: {  	[sflag:s3] =	ssyncset.done $0x0  }
0x198: {  	[sflag:s3] =	ssyncadd.s32 $0xFFFFE000  }
0x199: {  	[tilespmem:s5], [sflag:$0x5] =	stream.linear.gather [spmem:s17], $0x2000, $0x38;
	[tilespmem:$0x5E20] =	vst v63  }
0x19a: {  	_ =	swait.ge [sflag:s9], $0x2000  }
0x19b: {  	s14 =	sld [smem:$0x7C6]  }
0x19c: {  	[sflag:s9] =	ssyncset.done $0x0  }
0x19d: {  	[sflag:s9] =	ssyncadd.s32 $0xFFFFE000  }
0x19e: {  	[tilespmem:s5], [sflag:$0x2] =	stream.indirect.gather.add.f32 [hbm:s2], $0x40, s14, s10, $0xb8;
	[tilespmem:$0x5E20] =	vst v63  }
0x19f: {  	_ =	swait.ge [sflag:s8], $0x2000  }
0x1a0: {  	[sflag:s8] =	ssyncset.done $0x0  }
0x1a1: {  	s16 =	rddreg [dreg:$0x16];
	[sflag:s8] =	ssyncadd.s32 $0xFFFFE000  }
0x1a2: {  	[hbm4b:s16+s1] =	stream.linear.scatter [tilespmem:s6], [sflag:$0x3], $0x2000, $0x38;
	[tilespmem:$0x5E20] =	vst v63  }
0x1a3: {  	_ =	swait.ge [sflag:s4], $0x2000  }
0x1a4: {  	s17 =	sld [smem:$0x7F9]  }
0x1a5: {  	[sflag:s4] =	ssyncset.done $0x0  }
0x1a6: {  	[sflag:s4] =	ssyncadd.s32 $0xFFFFE000  }
0x1a7: {  	[tilespmem:s6], [sflag:$0x5] =	stream.linear.gather [spmem:s17], $0x2000, $0x38;
	[tilespmem:$0x5E20] =	vst v63  }
0x1a8: {  	_ =	swait.ge [sflag:s9], $0x2000  }
0x1a9: {  	s14 =	sld [smem:$0x7C7]  }
0x1aa: {  	[sflag:s9] =	ssyncset.done $0x0  }
0x1ab: {  	[sflag:s9] =	ssyncadd.s32 $0xFFFFE000  }
0x1ac: {  	[tilespmem:s6], [sflag:$0x1] =	stream.indirect.gather.add.f32 [hbm:s2], $0x40, s14, s10, $0xb8;
	[tilespmem:$0x5E20] =	vst v63  }
0x1ad: {  	_ =	swait.ge [sflag:s7], $0x2000  }
0x1ae: {  	[sflag:s7] =	ssyncset.done $0x0  }
0x1af: {  	s16 =	rddreg [dreg:$0x17];
	[sflag:s7] =	ssyncadd.s32 $0xFFFFE000  }
0x1b0: {  	[hbm4b:s16+s1] =	stream.linear.scatter [tilespmem:s5], [sflag:$0x4], $0x2000, $0x38;
	[tilespmem:$0x5E20] =	vst v63  }
0x1b1: {  	_ =	swait.ge [sflag:s3], $0x2000  }
0x1b2: {  	s17 =	sld [smem:$0x7FA]  }
0x1b3: {  	[sflag:s3] =	ssyncset.done $0x0  }
0x1b4: {  	[sflag:s3] =	ssyncadd.s32 $0xFFFFE000  }
0x1b5: {  	[tilespmem:s5], [sflag:$0x5] =	stream.linear.gather [spmem:s17], $0x2000, $0x38;
	[tilespmem:$0x5E20] =	vst v63  }
0x1b6: {  	_ =	swait.ge [sflag:s9], $0x2000  }
0x1b7: {  	s14 =	sld [smem:$0x7C8]  }
0x1b8: {  	[sflag:s9] =	ssyncset.done $0x0  }
0x1b9: {  	[sflag:s9] =	ssyncadd.s32 $0xFFFFE000  }
0x1ba: {  	[tilespmem:s5], [sflag:$0x2] =	stream.indirect.gather.add.f32 [hbm:s2], $0x40, s14, s10, $0xb8;
	[tilespmem:$0x5E20] =	vst v63  }
0x1bb: {  	_ =	swait.ge [sflag:s8], $0x2000  }
0x1bc: {  	[sflag:s8] =	ssyncset.done $0x0  }
0x1bd: {  	s16 =	rddreg [dreg:$0x18];
	[sflag:s8] =	ssyncadd.s32 $0xFFFFE000  }
0x1be: {  	[hbm4b:s16+s1] =	stream.linear.scatter [tilespmem:s6], [sflag:$0x3], $0x2000, $0x38;
	[tilespmem:$0x5E20] =	vst v63  }
0x1bf: {  	_ =	swait.ge [sflag:s4], $0x2000  }
0x1c0: {  	s17 =	sld [smem:$0x7FB]  }
0x1c1: {  	[sflag:s4] =	ssyncset.done $0x0  }
0x1c2: {  	[sflag:s4] =	ssyncadd.s32 $0xFFFFE000  }
0x1c3: {  	[tilespmem:s6], [sflag:$0x5] =	stream.linear.gather [spmem:s17], $0x2000, $0x38;
	[tilespmem:$0x5E20] =	vst v63  }
0x1c4: {  	_ =	swait.ge [sflag:s9], $0x2000  }
0x1c5: {  	s16 =	sld [smem:$0x7C9]  }
0x1c6: {  	[sflag:s9] =	ssyncset.done $0x0  }
0x1c7: {  	[sflag:s9] =	ssyncadd.s32 $0xFFFFE000  }
0x1c8: {  	[tilespmem:s6], [sflag:$0x1] =	stream.indirect.gather.add.f32 [hbm:s2], $0x40, s16, s10, $0xb8;
	[tilespmem:$0x5E20] =	vst v63  }
0x1c9: {  	_ =	swait.ge [sflag:s7], $0x2000  }
0x1ca: {  	[sflag:s7] =	ssyncset.done $0x0  }
0x1cb: {  	s14 =	rddreg [dreg:$0x19];
	[sflag:s7] =	ssyncadd.s32 $0xFFFFE000  }
0x1cc: {  	[hbm4b:s14+s1] =	stream.linear.scatter [tilespmem:s5], [sflag:$0x4], $0x2000, $0x38;
	[tilespmem:$0x5E20] =	vst v63  }
0x1cd: {  	_ =	swait.ge [sflag:s3], $0x2000  }
0x1ce: {  	s14 =	sld [smem:$0x7FC]  }
0x1cf: {  	[sflag:s3] =	ssyncset.done $0x0  }
0x1d0: {  	[sflag:s3] =	ssyncadd.s32 $0xFFFFE000  }
0x1d1: {  	[tilespmem:s5], [sflag:$0x5] =	stream.linear.gather [spmem:s14], $0x2000, $0x38;
	[tilespmem:$0x5E20] =	vst v63  }
0x1d2: {  	_ =	swait.ge [sflag:s9], $0x2000  }
0x1d3: {  	s16 =	sld [smem:$0x7CA]  }
0x1d4: {  	[sflag:s9] =	ssyncset.done $0x0  }
0x1d5: {  	[sflag:s9] =	ssyncadd.s32 $0xFFFFE000  }
0x1d6: {  	[tilespmem:s5], [sflag:$0x2] =	stream.indirect.gather.add.f32 [hbm:s2], $0x40, s16, s10, $0xb8;
	[tilespmem:$0x5E20] =	vst v63  }
0x1d7: {  	_ =	swait.ge [sflag:s8], $0x2000  }
0x1d8: {  	[sflag:s8] =	ssyncset.done $0x0  }
0x1d9: {  	s16 =	rddreg [dreg:$0x1a];
	[sflag:s8] =	ssyncadd.s32 $0xFFFFE000  }
0x1da: {  	[hbm4b:s16+s1] =	stream.linear.scatter [tilespmem:s6], [sflag:$0x3], $0x2000, $0x38;
	[tilespmem:$0x5E20] =	vst v63  }
0x1db: {  	_ =	swait.ge [sflag:s4], $0x2000  }
0x1dc: {  	s16 =	sld [smem:$0x7FD]  }
0x1dd: {  	[sflag:s4] =	ssyncset.done $0x0  }
0x1de: {  	[sflag:s4] =	ssyncadd.s32 $0xFFFFE000  }
0x1df: {  	[tilespmem:s6], [sflag:$0x5] =	stream.linear.gather [spmem:s16], $0x2000, $0x38;
	[tilespmem:$0x5E20] =	vst v63  }
0x1e0: {  	_ =	swait.ge [sflag:s9], $0x2000  }
0x1e1: {  	s17 =	sld [smem:$0x7CB]  }
0x1e2: {  	[sflag:s9] =	ssyncset.done $0x0  }
0x1e3: {  	[sflag:s9] =	ssyncadd.s32 $0xFFFFE000  }
0x1e4: {  	[tilespmem:s6], [sflag:$0x1] =	stream.indirect.gather.add.f32 [hbm:s2], $0x40, s17, s10, $0xb8;
	[tilespmem:$0x5E20] =	vst v63  }
0x1e5: {  	_ =	swait.ge [sflag:s7], $0x2000  }
0x1e6: {  	[sflag:s7] =	ssyncset.done $0x0  }
0x1e7: {  	s17 =	rddreg [dreg:$0x1b];
	[sflag:s7] =	ssyncadd.s32 $0xFFFFE000  }
0x1e8: {  	[hbm4b:s17+s1] =	stream.linear.scatter [tilespmem:s5], [sflag:$0x4], $0x2000, $0x38;
	[tilespmem:$0x5E20] =	vst v63  }
0x1e9: {  	_ =	swait.ge [sflag:s3], $0x2000  }
0x1ea: {  	[sflag:s3] =	ssyncset.done $0x0  }
0x1eb: {  	[sflag:s3] =	ssyncadd.s32 $0xFFFFE000  }
0x1ec: {  	s17 =	rddreg [dreg:$0x2]  }
0x1ed: {  	[tilespmem:s5], [sflag:$0x5] =	stream.linear.gather [spmem:s17], $0x2000, $0x38;
	[tilespmem:$0x5E20] =	vst v63  }
0x1ee: {  	_ =	swait.ge [sflag:s9], $0x2000  }
0x1ef: {  	s17 =	sld [smem:$0x7CC]  }
0x1f0: {  	[sflag:s9] =	ssyncset.done $0x0  }
0x1f1: {  	[sflag:s9] =	ssyncadd.s32 $0xFFFFE000  }
0x1f2: {  	[tilespmem:s5], [sflag:$0x2] =	stream.indirect.gather.add.f32 [hbm:s2], $0x40, s17, s10, $0xb8;
	[tilespmem:$0x5E20] =	vst v63  }
0x1f3: {  	_ =	swait.ge [sflag:s8], $0x2000  }
0x1f4: {  	[sflag:s8] =	ssyncset.done $0x0  }
0x1f5: {  	s17 =	rddreg [dreg:$0x1c];
	[sflag:s8] =	ssyncadd.s32 $0xFFFFE000  }
0x1f6: {  	[hbm4b:s17+s1] =	stream.linear.scatter [tilespmem:s6], [sflag:$0x3], $0x2000, $0x38;
	[tilespmem:$0x5E20] =	vst v63  }
0x1f7: {  	_ =	swait.ge [sflag:s4], $0x2000  }
0x1f8: {  	[sflag:s4] =	ssyncset.done $0x0  }
0x1f9: {  	[sflag:s4] =	ssyncadd.s32 $0xFFFFE000  }
0x1fa: {  	[tilespmem:s6], [sflag:$0x5] =	stream.linear.gather [spmem:s21], $0x2000, $0x38;
	[tilespmem:$0x5E20] =	vst v63  }
0x1fb: {  	_ =	swait.ge [sflag:s9], $0x2000  }
0x1fc: {  	s21 =	sld [smem:$0x7CD]  }
0x1fd: {  	[sflag:s9] =	ssyncset.done $0x0  }
0x1fe: {  	[sflag:s9] =	ssyncadd.s32 $0xFFFFE000  }
0x1ff: {  	[tilespmem:s6], [sflag:$0x1] =	stream.indirect.gather.add.f32 [hbm:s2], $0x40, s21, s10, $0xb8;
	[tilespmem:$0x5E20] =	vst v63  }
0x200: {  	_ =	swait.ge [sflag:s7], $0x2000  }
0x201: {  	[sflag:s7] =	ssyncset.done $0x0  }
0x202: {  	s21 =	rddreg [dreg:$0x1d];
	[sflag:s7] =	ssyncadd.s32 $0xFFFFE000  }
0x203: {  	[hbm4b:s21+s1] =	stream.linear.scatter [tilespmem:s5], [sflag:$0x4], $0x2000, $0x38;
	[tilespmem:$0x5E20] =	vst v63  }
0x204: {  	_ =	swait.ge [sflag:s3], $0x2000  }
0x205: {  	[sflag:s3] =	ssyncset.done $0x0  }
0x206: {  	[sflag:s3] =	ssyncadd.s32 $0xFFFFE000  }
0x207: {  	[tilespmem:s5], [sflag:$0x5] =	stream.linear.gather [spmem:s13], $0x2000, $0x38;
	[tilespmem:$0x5E20] =	vst v63  }
0x208: {  	_ =	swait.ge [sflag:s9], $0x2000  }
0x209: {  	s13 =	sld [smem:$0x7CF]  }
0x20a: {  	[sflag:s9] =	ssyncset.done $0x0  }
0x20b: {  	[sflag:s9] =	ssyncadd.s32 $0xFFFFE000  }
0x20c: {  	[tilespmem:s5], [sflag:$0x2] =	stream.indirect.gather.add.f32 [hbm:s2], $0x40, s13, s10, $0xb8;
	[tilespmem:$0x5E20] =	vst v63  }
0x20d: {  	_ =	swait.ge [sflag:s8], $0x2000  }
0x20e: {  	[sflag:s8] =	ssyncset.done $0x0  }
0x20f: {  	s21 =	rddreg [dreg:$0x1e];
	[sflag:s8] =	ssyncadd.s32 $0xFFFFE000  }
0x210: {  	[hbm4b:s21+s1] =	stream.linear.scatter [tilespmem:s6], [sflag:$0x3], $0x2000, $0x38;
	[tilespmem:$0x5E20] =	vst v63  }
0x211: {  	_ =	swait.ge [sflag:s4], $0x2000  }
0x212: {  	[sflag:s4] =	ssyncset.done $0x0  }
0x213: {  	[sflag:s4] =	ssyncadd.s32 $0xFFFFE000  }
0x214: {  	[tilespmem:s6], [sflag:$0x5] =	stream.linear.gather [spmem:s12], $0x2000, $0x38;
	[tilespmem:$0x5E20] =	vst v63  }
0x215: {  	_ =	swait.ge [sflag:s9], $0x2000  }
0x216: {  	s12 =	sld [smem:$0x7D0]  }
0x217: {  	[sflag:s9] =	ssyncset.done $0x0  }
0x218: {  	[sflag:s9] =	ssyncadd.s32 $0xFFFFE000  }
0x219: {  	[tilespmem:s6], [sflag:$0x1] =	stream.indirect.gather.add.f32 [hbm:s2], $0x40, s12, s10, $0xb8;
	[tilespmem:$0x5E20] =	vst v63  }
0x21a: {  	_ =	swait.ge [sflag:s7], $0x2000  }
0x21b: {  	[sflag:s7] =	ssyncset.done $0x0  }
0x21c: {  	s13 =	rddreg [dreg:$0x1f];
	[sflag:s7] =	ssyncadd.s32 $0xFFFFE000  }
0x21d: {  	[hbm4b:s13+s1] =	stream.linear.scatter [tilespmem:s5], [sflag:$0x4], $0x2000, $0x38;
	[tilespmem:$0x5E20] =	vst v63  }
0x21e: {  	_ =	swait.ge [sflag:s3], $0x2000  }
0x21f: {  	[sflag:s3] =	ssyncset.done $0x0  }
0x220: {  	[sflag:s3] =	ssyncadd.s32 $0xFFFFE000  }
0x221: {  	[tilespmem:s5], [sflag:$0x5] =	stream.linear.gather [spmem:s11], $0x2000, $0x38;
	[tilespmem:$0x5E20] =	vst v63  }
0x222: {  	_ =	swait.ge [sflag:s9], $0x2000  }
0x223: {  	s21 =	sld [smem:$0x7D1]  }
0x224: {  	[sflag:s9] =	ssyncset.done $0x0  }
0x225: {  	[sflag:s9] =	ssyncadd.s32 $0xFFFFE000  }
0x226: {  	[tilespmem:s5], [sflag:$0x2] =	stream.indirect.gather.add.f32 [hbm:s2], $0x40, s21, s10, $0xb8;
	[tilespmem:$0x5E20] =	vst v63  }
0x227: {  	_ =	swait.ge [sflag:s8], $0x2000  }
0x228: {  	s11 =	sld [smem:$0x79E]  }
0x229: {  	[sflag:s8] =	ssyncset.done $0x0  }
0x22a: {  	[sflag:s8] =	ssyncadd.s32 $0xFFFFE000  }
0x22b: {  	[hbm4b:s11+s1] =	stream.linear.scatter [tilespmem:s6], [sflag:$0x3], $0x2000, $0x38;
	[tilespmem:$0x5E20] =	vst v63  }
0x22c: {  	_ =	swait.ge [sflag:s4], $0x2000  }
0x22d: {  	[sflag:s4] =	ssyncset.done $0x0  }
0x22e: {  	[sflag:s4] =	ssyncadd.s32 $0xFFFFE000  }
0x22f: {  	[tilespmem:s6], [sflag:$0x5] =	stream.linear.gather [spmem:s19], $0x2000, $0x38;
	[tilespmem:$0x5E20] =	vst v63  }
0x230: {  	_ =	swait.ge [sflag:s9], $0x2000  }
0x231: {  	s12 =	sld [smem:$0x7D2]  }
0x232: {  	[sflag:s9] =	ssyncset.done $0x0  }
0x233: {  	[sflag:s9] =	ssyncadd.s32 $0xFFFFE000  }
0x234: {  	[tilespmem:s6], [sflag:$0x1] =	stream.indirect.gather.add.f32 [hbm:s2], $0x40, s12, s10, $0xb8;
	[tilespmem:$0x5E20] =	vst v63  }
0x235: {  	_ =	swait.ge [sflag:s7], $0x2000  }
0x236: {  	s13 =	sld [smem:$0x79F]  }
0x237: {  	[sflag:s7] =	ssyncset.done $0x0  }
0x238: {  	[sflag:s7] =	ssyncadd.s32 $0xFFFFE000  }
0x239: {  	[hbm4b:s13+s1] =	stream.linear.scatter [tilespmem:s5], [sflag:$0x4], $0x2000, $0x38;
	[tilespmem:$0x5E20] =	vst v63  }
0x23a: {  	_ =	swait.ge [sflag:s3], $0x2000  }
0x23b: {  	[sflag:s3] =	ssyncset.done $0x0  }
0x23c: {  	[sflag:s3] =	ssyncadd.s32 $0xFFFFE000  }
0x23d: {  	[tilespmem:s5], [sflag:$0x5] =	stream.linear.gather [spmem:s30], $0x2000, $0x38;
	[tilespmem:$0x5E20] =	vst v63  }
0x23e: {  	_ =	swait.ge [sflag:s9], $0x2000  }
0x23f: {  	s19 =	sld [smem:$0x7D4]  }
0x240: {  	[sflag:s9] =	ssyncset.done $0x0  }
0x241: {  	[sflag:s9] =	ssyncadd.s32 $0xFFFFE000  }
0x242: {  	[tilespmem:s5], [sflag:$0x2] =	stream.indirect.gather.add.f32 [hbm:s2], $0x40, s19, s10, $0xb8;
	[tilespmem:$0x5E20] =	vst v63  }
0x243: {  	_ =	swait.ge [sflag:s8], $0x2000  }
0x244: {  	s21 =	sld [smem:$0x7A0]  }
0x245: {  	[sflag:s8] =	ssyncset.done $0x0  }
0x246: {  	[sflag:s8] =	ssyncadd.s32 $0xFFFFE000  }
0x247: {  	[hbm4b:s21+s1] =	stream.linear.scatter [tilespmem:s6], [sflag:$0x3], $0x2000, $0x38;
	[tilespmem:$0x5E20] =	vst v63  }
0x248: {  	_ =	swait.ge [sflag:s4], $0x2000  }
0x249: {  	[sflag:s4] =	ssyncset.done $0x0  }
0x24a: {  	[sflag:s4] =	ssyncadd.s32 $0xFFFFE000  }
0x24b: {  	[tilespmem:s6], [sflag:$0x5] =	stream.linear.gather [spmem:s0], $0x2000, $0x38;
	[tilespmem:$0x5E20] =	vst v63  }
0x24c: {  	_ =	swait.ge [sflag:s9], $0x2000  }
0x24d: {  	s30 =	sld [smem:$0x7D6]  }
0x24e: {  	[sflag:s9] =	ssyncset.done $0x0  }
0x24f: {  	[sflag:s9] =	ssyncadd.s32 $0xFFFFE000  }
0x250: {  	[tilespmem:s6], [sflag:$0x1] =	stream.indirect.gather.add.f32 [hbm:s2], $0x40, s30, s10, $0xb8;
	[tilespmem:$0x5E20] =	vst v63  }
0x251: {  	_ =	swait.ge [sflag:s7], $0x2000  }
0x252: {  	s0 =	sld [smem:$0x7A1]  }
0x253: {  	[sflag:s7] =	ssyncset.done $0x0  }
0x254: {  	[sflag:s7] =	ssyncadd.s32 $0xFFFFE000  }
0x255: {  	[hbm4b:s0+s1] =	stream.linear.scatter [tilespmem:s5], [sflag:$0x4], $0x2000, $0x38;
	[tilespmem:$0x5E20] =	vst v63  }
0x256: {  	_ =	swait.ge [sflag:s3], $0x2000  }
0x257: {  	[sflag:s3] =	ssyncset.done $0x0  }
0x258: {  	[sflag:s3] =	ssyncadd.s32 $0xFFFFE000  }
0x259: {  	[tilespmem:s5], [sflag:$0x5] =	stream.linear.gather [spmem:s31], $0x2000, $0x38;
	[tilespmem:$0x5E20] =	vst v63  }
0x25a: {  	_ =	swait.ge [sflag:s9], $0x2000  }
0x25b: {  	s11 =	sld [smem:$0x7D8]  }
0x25c: {  	[sflag:s9] =	ssyncset.done $0x0  }
0x25d: {  	[sflag:s9] =	ssyncadd.s32 $0xFFFFE000  }
0x25e: {  	[tilespmem:s5], [sflag:$0x2] =	stream.indirect.gather.add.f32 [hbm:s2], $0x40, s11, s10, $0xb8;
	[tilespmem:$0x5E20] =	vst v63  }
0x25f: {  	_ =	swait.ge [sflag:s8], $0x2000  }
0x260: {  	s12 =	sld [smem:$0x7A2]  }
0x261: {  	[sflag:s8] =	ssyncset.done $0x0  }
0x262: {  	[sflag:s8] =	ssyncadd.s32 $0xFFFFE000  }
0x263: {  	[hbm4b:s12+s1] =	stream.linear.scatter [tilespmem:s6], [sflag:$0x3], $0x2000, $0x38;
	[tilespmem:$0x5E20] =	vst v63  }
0x264: {  	_ =	swait.ge [sflag:s4], $0x2000  }
0x265: {  	[sflag:s4] =	ssyncset.done $0x0  }
0x266: {  	[sflag:s4] =	ssyncadd.s32 $0xFFFFE000  }
0x267: {  	[tilespmem:s6], [sflag:$0x5] =	stream.linear.gather [spmem:s29], $0x2000, $0x38;
	[tilespmem:$0x5E20] =	vst v63  }
0x268: {  	_ =	swait.ge [sflag:s9], $0x2000  }
0x269: {  	s13 =	sld [smem:$0x7DA]  }
0x26a: {  	[sflag:s9] =	ssyncset.done $0x0  }
0x26b: {  	[sflag:s9] =	ssyncadd.s32 $0xFFFFE000  }
0x26c: {  	[tilespmem:s6], [sflag:$0x1] =	stream.indirect.gather.add.f32 [hbm:s2], $0x40, s13, s10, $0xb8;
	[tilespmem:$0x5E20] =	vst v63  }
0x26d: {  	_ =	swait.ge [sflag:s7], $0x2000  }
0x26e: {  	s19 =	sld [smem:$0x7A3]  }
0x26f: {  	[sflag:s7] =	ssyncset.done $0x0  }
0x270: {  	[sflag:s7] =	ssyncadd.s32 $0xFFFFE000  }
0x271: {  	[hbm4b:s19+s1] =	stream.linear.scatter [tilespmem:s5], [sflag:$0x4], $0x2000, $0x38;
	[tilespmem:$0x5E20] =	vst v63  }
0x272: {  	_ =	swait.ge [sflag:s3], $0x2000  }
0x273: {  	[sflag:s3] =	ssyncset.done $0x0  }
0x274: {  	[sflag:s3] =	ssyncadd.s32 $0xFFFFE000  }
0x275: {  	[tilespmem:s5], [sflag:$0x5] =	stream.linear.gather [spmem:s28], $0x2000, $0x38;
	[tilespmem:$0x5E20] =	vst v63  }
0x276: {  	_ =	swait.ge [sflag:s9], $0x2000  }
0x277: {  	s21 =	sld [smem:$0x7DC]  }
0x278: {  	[sflag:s9] =	ssyncset.done $0x0  }
0x279: {  	[sflag:s9] =	ssyncadd.s32 $0xFFFFE000  }
0x27a: {  	[tilespmem:s5], [sflag:$0x2] =	stream.indirect.gather.add.f32 [hbm:s2], $0x40, s21, s10, $0xb8;
	[tilespmem:$0x5E20] =	vst v63  }
0x27b: {  	_ =	swait.ge [sflag:s8], $0x2000  }
0x27c: {  	s28 =	sld [smem:$0x7A4]  }
0x27d: {  	[sflag:s8] =	ssyncset.done $0x0  }
0x27e: {  	[sflag:s8] =	ssyncadd.s32 $0xFFFFE000  }
0x27f: {  	[hbm4b:s28+s1] =	stream.linear.scatter [tilespmem:s6], [sflag:$0x3], $0x2000, $0x38;
	[tilespmem:$0x5E20] =	vst v63  }
0x280: {  	_ =	swait.ge [sflag:s4], $0x2000  }
0x281: {  	[sflag:s4] =	ssyncset.done $0x0  }
0x282: {  	[sflag:s4] =	ssyncadd.s32 $0xFFFFE000  }
0x283: {  	[tilespmem:s6], [sflag:$0x5] =	stream.linear.gather [spmem:s26], $0x2000, $0x38;
	[tilespmem:$0x5E20] =	vst v63  }
0x284: {  	_ =	swait.ge [sflag:s9], $0x2000  }
0x285: {  	s29 =	sld [smem:$0x7DE]  }
0x286: {  	[sflag:s9] =	ssyncset.done $0x0  }
0x287: {  	[sflag:s9] =	ssyncadd.s32 $0xFFFFE000  }
0x288: {  	[tilespmem:s6], [sflag:$0x1] =	stream.indirect.gather.add.f32 [hbm:s2], $0x40, s29, s10, $0xb8;
	[tilespmem:$0x5E20] =	vst v63  }
0x289: {  	_ =	swait.ge [sflag:s7], $0x2000  }
0x28a: {  	s30 =	sld [smem:$0x7A5]  }
0x28b: {  	[sflag:s7] =	ssyncset.done $0x0  }
0x28c: {  	[sflag:s7] =	ssyncadd.s32 $0xFFFFE000  }
0x28d: {  	[hbm4b:s30+s1] =	stream.linear.scatter [tilespmem:s5], [sflag:$0x4], $0x2000, $0x38;
	[tilespmem:$0x5E20] =	vst v63  }
0x28e: {  	_ =	swait.ge [sflag:s3], $0x2000  }
0x28f: {  	[sflag:s3] =	ssyncset.done $0x0  }
0x290: {  	[sflag:s3] =	ssyncadd.s32 $0xFFFFE000  }
0x291: {  	[tilespmem:s5], [sflag:$0x5] =	stream.linear.gather [spmem:s25], $0x2000, $0x38;
	[tilespmem:$0x5E20] =	vst v63  }
0x292: {  	_ =	swait.ge [sflag:s9], $0x2000  }
0x293: {  	s31 =	sld [smem:$0x7E0]  }
0x294: {  	[sflag:s9] =	ssyncset.done $0x0  }
0x295: {  	[sflag:s9] =	ssyncadd.s32 $0xFFFFE000  }
0x296: {  	[tilespmem:s5], [sflag:$0x2] =	stream.indirect.gather.add.f32 [hbm:s2], $0x40, s31, s10, $0xb8;
	[tilespmem:$0x5E20] =	vst v63  }
0x297: {  	_ =	swait.ge [sflag:s8], $0x2000  }
0x298: {  	s0 =	sld [smem:$0x7A6]  }
0x299: {  	[sflag:s8] =	ssyncset.done $0x0  }
0x29a: {  	[sflag:s8] =	ssyncadd.s32 $0xFFFFE000  }
0x29b: {  	[hbm4b:s0+s1] =	stream.linear.scatter [tilespmem:s6], [sflag:$0x3], $0x2000, $0x38;
	[tilespmem:$0x5E20] =	vst v63  }
0x29c: {  	_ =	swait.ge [sflag:s4], $0x2000  }
0x29d: {  	[sflag:s4] =	ssyncset.done $0x0  }
0x29e: {  	[sflag:s4] =	ssyncadd.s32 $0xFFFFE000  }
0x29f: {  	[tilespmem:s6], [sflag:$0x5] =	stream.linear.gather [spmem:s24], $0x2000, $0x38;
	[tilespmem:$0x5E20] =	vst v63  }
0x2a0: {  	_ =	swait.ge [sflag:s9], $0x2000  }
0x2a1: {  	s11 =	sld [smem:$0x7E2]  }
0x2a2: {  	[sflag:s9] =	ssyncset.done $0x0  }
0x2a3: {  	[sflag:s9] =	ssyncadd.s32 $0xFFFFE000  }
0x2a4: {  	[tilespmem:s6], [sflag:$0x1] =	stream.indirect.gather.add.f32 [hbm:s2], $0x40, s11, s10, $0xb8;
	[tilespmem:$0x5E20] =	vst v63  }
0x2a5: {  	_ =	swait.ge [sflag:s7], $0x2000  }
0x2a6: {  	s12 =	sld [smem:$0x7A7]  }
0x2a7: {  	[sflag:s7] =	ssyncset.done $0x0  }
0x2a8: {  	[sflag:s7] =	ssyncadd.s32 $0xFFFFE000  }
0x2a9: {  	[hbm4b:s12+s1] =	stream.linear.scatter [tilespmem:s5], [sflag:$0x4], $0x2000, $0x38;
	[tilespmem:$0x5E20] =	vst v63  }
0x2aa: {  	_ =	swait.ge [sflag:s3], $0x2000  }
0x2ab: {  	[sflag:s3] =	ssyncset.done $0x0  }
0x2ac: {  	[sflag:s3] =	ssyncadd.s32 $0xFFFFE000  }
0x2ad: {  	[tilespmem:s5], [sflag:$0x5] =	stream.linear.gather [spmem:s22], $0x2000, $0x38;
	[tilespmem:$0x5E20] =	vst v63  }
0x2ae: {  	_ =	swait.ge [sflag:s9], $0x2000  }
0x2af: {  	s13 =	sld [smem:$0x7E4]  }
0x2b0: {  	[sflag:s9] =	ssyncset.done $0x0  }
0x2b1: {  	[sflag:s9] =	ssyncadd.s32 $0xFFFFE000  }
0x2b2: {  	[tilespmem:s5], [sflag:$0x2] =	stream.indirect.gather.add.f32 [hbm:s2], $0x40, s13, s10, $0xb8;
	[tilespmem:$0x5E20] =	vst v63  }
0x2b3: {  	_ =	swait.ge [sflag:s8], $0x2000  }
0x2b4: {  	s19 =	sld [smem:$0x7A8]  }
0x2b5: {  	[sflag:s8] =	ssyncset.done $0x0  }
0x2b6: {  	[sflag:s8] =	ssyncadd.s32 $0xFFFFE000  }
0x2b7: {  	[hbm4b:s19+s1] =	stream.linear.scatter [tilespmem:s6], [sflag:$0x3], $0x2000, $0x38;
	[tilespmem:$0x5E20] =	vst v63  }
0x2b8: {  	_ =	swait.ge [sflag:s4], $0x2000  }
0x2b9: {  	[sflag:s4] =	ssyncset.done $0x0  }
0x2ba: {  	[sflag:s4] =	ssyncadd.s32 $0xFFFFE000  }
0x2bb: {  	[tilespmem:s6], [sflag:$0x5] =	stream.linear.gather [spmem:s20], $0x2000, $0x38;
	[tilespmem:$0x5E20] =	vst v63  }
0x2bc: {  	_ =	swait.ge [sflag:s9], $0x2000  }
0x2bd: {  	s21 =	sld [smem:$0x7E6]  }
0x2be: {  	[sflag:s9] =	ssyncset.done $0x0  }
0x2bf: {  	[sflag:s9] =	ssyncadd.s32 $0xFFFFE000  }
0x2c0: {  	[tilespmem:s6], [sflag:$0x1] =	stream.indirect.gather.add.f32 [hbm:s2], $0x40, s21, s10, $0xb8;
	[tilespmem:$0x5E20] =	vst v63  }
0x2c1: {  	_ =	swait.ge [sflag:s7], $0x2000  }
0x2c2: {  	s22 =	sld [smem:$0x7A9]  }
0x2c3: {  	[sflag:s7] =	ssyncset.done $0x0  }
0x2c4: {  	[sflag:s7] =	ssyncadd.s32 $0xFFFFE000  }
0x2c5: {  	[hbm4b:s22+s1] =	stream.linear.scatter [tilespmem:s5], [sflag:$0x4], $0x2000, $0x38;
	[tilespmem:$0x5E20] =	vst v63  }
0x2c6: {  	_ =	swait.ge [sflag:s3], $0x2000  }
0x2c7: {  	[sflag:s3] =	ssyncset.done $0x0  }
0x2c8: {  	[sflag:s3] =	ssyncadd.s32 $0xFFFFE000  }
0x2c9: {  	[tilespmem:s5], [sflag:$0x5] =	stream.linear.gather [spmem:s18], $0x2000, $0x38;
	[tilespmem:$0x5E20] =	vst v63  }
0x2ca: {  	_ =	swait.ge [sflag:s9], $0x2000  }
0x2cb: {  	s24 =	sld [smem:$0x7E8]  }
0x2cc: {  	[sflag:s9] =	ssyncset.done $0x0  }
0x2cd: {  	[sflag:s9] =	ssyncadd.s32 $0xFFFFE000  }
0x2ce: {  	[tilespmem:s5], [sflag:$0x2] =	stream.indirect.gather.add.f32 [hbm:s2], $0x40, s24, s10, $0xb8;
	[tilespmem:$0x5E20] =	vst v63  }
0x2cf: {  	_ =	swait.ge [sflag:s8], $0x2000  }
0x2d0: {  	s25 =	sld [smem:$0x7AA]  }
0x2d1: {  	[sflag:s8] =	ssyncset.done $0x0  }
0x2d2: {  	[sflag:s8] =	ssyncadd.s32 $0xFFFFE000  }
0x2d3: {  	[hbm4b:s25+s1] =	stream.linear.scatter [tilespmem:s6], [sflag:$0x3], $0x2000, $0x38;
	[tilespmem:$0x5E20] =	vst v63  }
0x2d4: {  	_ =	swait.ge [sflag:s4], $0x2000  }
0x2d5: {  	[sflag:s4] =	ssyncset.done $0x0  }
0x2d6: {  	[sflag:s4] =	ssyncadd.s32 $0xFFFFE000  }
0x2d7: {  	[tilespmem:s6], [sflag:$0x5] =	stream.linear.gather [spmem:s23], $0x2000, $0x38;
	[tilespmem:$0x5E20] =	vst v63  }
0x2d8: {  	_ =	swait.ge [sflag:s9], $0x2000  }
0x2d9: {  	s26 =	sld [smem:$0x7EA]  }
0x2da: {  	[sflag:s9] =	ssyncset.done $0x0  }
0x2db: {  	[sflag:s9] =	ssyncadd.s32 $0xFFFFE000  }
0x2dc: {  	[tilespmem:s6], [sflag:$0x1] =	stream.indirect.gather.add.f32 [hbm:s2], $0x40, s26, s10, $0xb8;
	[tilespmem:$0x5E20] =	vst v63  }
0x2dd: {  	_ =	swait.ge [sflag:s7], $0x2000  }
0x2de: {  	s28 =	sld [smem:$0x7AB]  }
0x2df: {  	[sflag:s7] =	ssyncset.done $0x0  }
0x2e0: {  	[sflag:s7] =	ssyncadd.s32 $0xFFFFE000  }
0x2e1: {  	[hbm4b:s28+s1] =	stream.linear.scatter [tilespmem:s5], [sflag:$0x4], $0x2000, $0x38;
	[tilespmem:$0x5E20] =	vst v63  }
0x2e2: {  	_ =	swait.ge [sflag:s3], $0x2000  }
0x2e3: {  	[sflag:s3] =	ssyncset.done $0x0  }
0x2e4: {  	[sflag:s3] =	ssyncadd.s32 $0xFFFFE000  }
0x2e5: {  	[tilespmem:s5], [sflag:$0x5] =	stream.linear.gather [spmem:s15], $0x2000, $0x38;
	[tilespmem:$0x5E20] =	vst v63  }
0x2e6: {  	_ =	swait.ge [sflag:s9], $0x2000  }
0x2e7: {  	s29 =	sld [smem:$0x7EC]  }
0x2e8: {  	[sflag:s9] =	ssyncset.done $0x0  }
0x2e9: {  	[sflag:s9] =	ssyncadd.s32 $0xFFFFE000  }
0x2ea: {  	[tilespmem:s5], [sflag:$0x2] =	stream.indirect.gather.add.f32 [hbm:s2], $0x40, s29, s10, $0xb8;
	[tilespmem:$0x5E20] =	vst v63  }
0x2eb: {  	_ =	swait.ge [sflag:s8], $0x2000  }
0x2ec: {  	s30 =	sld [smem:$0x7AC]  }
0x2ed: {  	[sflag:s8] =	ssyncset.done $0x0  }
0x2ee: {  	[sflag:s8] =	ssyncadd.s32 $0xFFFFE000  }
0x2ef: {  	[hbm4b:s30+s1] =	stream.linear.scatter [tilespmem:s6], [sflag:$0x3], $0x2000, $0x38;
	[tilespmem:$0x5E20] =	vst v63  }
0x2f0: {  	_ =	swait.ge [sflag:s4], $0x2000  }
0x2f1: {  	s31 =	sld [smem:$0x7F8]  }
0x2f2: {  	[sflag:s4] =	ssyncset.done $0x0  }
0x2f3: {  	[sflag:s4] =	ssyncadd.s32 $0xFFFFE000  }
0x2f4: {  	[tilespmem:s6], [sflag:$0x5] =	stream.linear.gather [spmem:s31], $0x2000, $0x38;
	[tilespmem:$0x5E20] =	vst v63  }
0x2f5: {  	_ =	swait.ge [sflag:s9], $0x2000  }
0x2f6: {  	s11 =	sld [smem:$0x7EE]  }
0x2f7: {  	[sflag:s9] =	ssyncset.done $0x0  }
0x2f8: {  	[sflag:s9] =	ssyncadd.s32 $0xFFFFE000  }
0x2f9: {  	[tilespmem:s6], [sflag:$0x1] =	stream.indirect.gather.add.f32 [hbm:s2], $0x40, s11, s10, $0xb8;
	[tilespmem:$0x5E20] =	vst v63  }
0x2fa: {  	_ =	swait.ge [sflag:s7], $0x2000  }
0x2fb: {  	s12 =	sld [smem:$0x7AD]  }
0x2fc: {  	[sflag:s7] =	ssyncset.done $0x0  }
0x2fd: {  	[sflag:s7] =	ssyncadd.s32 $0xFFFFE000  }
0x2fe: {  	[hbm4b:s12+s1] =	stream.linear.scatter [tilespmem:s5], [sflag:$0x4], $0x2000, $0x38;
	[tilespmem:$0x5E20] =	vst v63  }
0x2ff: {  	_ =	swait.ge [sflag:s3], $0x2000  }
0x300: {  	s13 =	sld [smem:$0x7F9]  }
0x301: {  	[sflag:s3] =	ssyncset.done $0x0  }
0x302: {  	[sflag:s3] =	ssyncadd.s32 $0xFFFFE000  }
0x303: {  	[tilespmem:s5], [sflag:$0x5] =	stream.linear.gather [spmem:s13], $0x2000, $0x38;
	[tilespmem:$0x5E20] =	vst v63  }
0x304: {  	_ =	swait.ge [sflag:s9], $0x2000  }
0x305: {  	s15 =	sld [smem:$0x7F0]  }
0x306: {  	[sflag:s9] =	ssyncset.done $0x0  }
0x307: {  	[sflag:s9] =	ssyncadd.s32 $0xFFFFE000  }
0x308: {  	[tilespmem:s5], [sflag:$0x2] =	stream.indirect.gather.add.f32 [hbm:s2], $0x40, s15, s10, $0xb8;
	[tilespmem:$0x5E20] =	vst v63  }
0x309: {  	_ =	swait.ge [sflag:s8], $0x2000  }
0x30a: {  	s18 =	sld [smem:$0x7AE]  }
0x30b: {  	[sflag:s8] =	ssyncset.done $0x0  }
0x30c: {  	[sflag:s8] =	ssyncadd.s32 $0xFFFFE000  }
0x30d: {  	[hbm4b:s18+s1] =	stream.linear.scatter [tilespmem:s6], [sflag:$0x3], $0x2000, $0x38;
	[tilespmem:$0x5E20] =	vst v63  }
0x30e: {  	_ =	swait.ge [sflag:s4], $0x2000  }
0x30f: {  	s19 =	sld [smem:$0x7FA]  }
0x310: {  	[sflag:s4] =	ssyncset.done $0x0  }
0x311: {  	[sflag:s4] =	ssyncadd.s32 $0xFFFFE000  }
0x312: {  	[tilespmem:s6], [sflag:$0x5] =	stream.linear.gather [spmem:s19], $0x2000, $0x38;
	[tilespmem:$0x5E20] =	vst v63  }
0x313: {  	_ =	swait.ge [sflag:s9], $0x2000  }
0x314: {  	s20 =	sld [smem:$0x7F2]  }
0x315: {  	[sflag:s9] =	ssyncset.done $0x0  }
0x316: {  	[sflag:s9] =	ssyncadd.s32 $0xFFFFE000  }
0x317: {  	[tilespmem:s6], [sflag:$0x1] =	stream.indirect.gather.add.f32 [hbm:s2], $0x40, s20, s10, $0xb8;
	[tilespmem:$0x5E20] =	vst v63  }
0x318: {  	_ =	swait.ge [sflag:s7], $0x2000  }
0x319: {  	s21 =	sld [smem:$0x7AF]  }
0x31a: {  	[sflag:s7] =	ssyncset.done $0x0  }
0x31b: {  	[sflag:s7] =	ssyncadd.s32 $0xFFFFE000  }
0x31c: {  	[hbm4b:s21+s1] =	stream.linear.scatter [tilespmem:s5], [sflag:$0x4], $0x2000, $0x38;
	[tilespmem:$0x5E20] =	vst v63  }
0x31d: {  	_ =	swait.ge [sflag:s3], $0x2000  }
0x31e: {  	s22 =	sld [smem:$0x7FB]  }
0x31f: {  	[sflag:s3] =	ssyncset.done $0x0  }
0x320: {  	[sflag:s3] =	ssyncadd.s32 $0xFFFFE000  }
0x321: {  	[tilespmem:s5], [sflag:$0x5] =	stream.linear.gather [spmem:s22], $0x2000, $0x38;
	[tilespmem:$0x5E20] =	vst v63  }
0x322: {  	_ =	swait.ge [sflag:s9], $0x2000  }
0x323: {  	s23 =	sld [smem:$0x7F4]  }
0x324: {  	[sflag:s9] =	ssyncset.done $0x0  }
0x325: {  	[sflag:s9] =	ssyncadd.s32 $0xFFFFE000  }
0x326: {  	[tilespmem:s5], [sflag:$0x2] =	stream.indirect.gather.add.f32 [hbm:s2], $0x40, s23, s10, $0xb8;
	[tilespmem:$0x5E20] =	vst v63  }
0x327: {  	_ =	swait.ge [sflag:s8], $0x2000  }
0x328: {  	s24 =	sld [smem:$0x7B0]  }
0x329: {  	[sflag:s8] =	ssyncset.done $0x0  }
0x32a: {  	[sflag:s8] =	ssyncadd.s32 $0xFFFFE000  }
0x32b: {  	[hbm4b:s24+s1] =	stream.linear.scatter [tilespmem:s6], [sflag:$0x3], $0x2000, $0x38;
	[tilespmem:$0x5E20] =	vst v63  }
0x32c: {  	_ =	swait.ge [sflag:s4], $0x2000  }
0x32d: {  	[sflag:s4] =	ssyncset.done $0x0  }
0x32e: {  	[sflag:s4] =	ssyncadd.s32 $0xFFFFE000  }
0x32f: {  	[tilespmem:s6], [sflag:$0x5] =	stream.linear.gather [spmem:s14], $0x2000, $0x38;
	[tilespmem:$0x5E20] =	vst v63  }
0x330: {  	_ =	swait.ge [sflag:s9], $0x2000  }
0x331: {  	s25 =	sld [smem:$0x7F5]  }
0x332: {  	[sflag:s9] =	ssyncset.done $0x0  }
0x333: {  	[sflag:s9] =	ssyncadd.s32 $0xFFFFE000  }
0x334: {  	[tilespmem:s6], [sflag:$0x1] =	stream.indirect.gather.add.f32 [hbm:s2], $0x40, s25, s10, $0xb8;
	[tilespmem:$0x5E20] =	vst v63  }
0x335: {  	_ =	swait.ge [sflag:s7], $0x2000  }
0x336: {  	s26 =	sld [smem:$0x7B1]  }
0x337: {  	[sflag:s7] =	ssyncset.done $0x0  }
0x338: {  	[sflag:s7] =	ssyncadd.s32 $0xFFFFE000  }
0x339: {  	[hbm4b:s26+s1] =	stream.linear.scatter [tilespmem:s5], [sflag:$0x4], $0x2000, $0x38;
	[tilespmem:$0x5E20] =	vst v63  }
0x33a: {  	_ =	swait.ge [sflag:s3], $0x2000  }
0x33b: {  	[sflag:s3] =	ssyncset.done $0x0  }
0x33c: {  	[sflag:s3] =	ssyncadd.s32 $0xFFFFE000  }
0x33d: {  	[tilespmem:s5], [sflag:$0x5] =	stream.linear.gather [spmem:s16], $0x2000, $0x38;
	[tilespmem:$0x5E20] =	vst v63  }
0x33e: {  	_ =	swait.ge [sflag:s9], $0x2000  }
0x33f: {  	s28 =	sld [smem:$0x7F7]  }
0x340: {  	[sflag:s9] =	ssyncset.done $0x0  }
0x341: {  	[sflag:s9] =	ssyncadd.s32 $0xFFFFE000  }
0x342: {  	[tilespmem:s5], [sflag:$0x2] =	stream.indirect.gather.add.f32 [hbm:s2], $0x40, s28, s10, $0xb8;
	[tilespmem:$0x5E20] =	vst v63  }
0x343: {  	_ =	swait.ge [sflag:s8], $0x2000  }
0x344: {  	s29 =	sld [smem:$0x7B2]  }
0x345: {  	[sflag:s8] =	ssyncset.done $0x0  }
0x346: {  	[sflag:s8] =	ssyncadd.s32 $0xFFFFE000  }
0x347: {  	[hbm4b:s29+s1] =	stream.linear.scatter [tilespmem:s6], [sflag:$0x3], $0x2000, $0x38;
	[tilespmem:$0x5E20] =	vst v63  }
0x348: {  	_ =	swait.ge [sflag:s7], $0x2000  }
0x349: {  	s30 =	sld [smem:$0x7B3]  }
0x34a: {  	[sflag:s7] =	ssyncset.done $0x0  }
0x34b: {  	[sflag:s7] =	ssyncadd.s32 $0xFFFFE000  }
0x34c: {  	[hbm4b:s30+s1] =	stream.linear.scatter [tilespmem:s5], [sflag:$0x4], $0x2000, $0x38;
	[tilespmem:$0x5E20] =	vst v63  }
0x34d: {  	_ =	swait.ge [sflag:s4], $0x2000  }
0x34e: {  	s31 =	sld [smem:$0x79C];
	_ =	sdelay $0x2  }
0x34f: {  	s16 =	sadd.s32 $0xFFFFFFFF, s31  }
0x350: {  	p2 =	sne.s32 s16, $0x0  }
.Ltmp1:
0x351: {  	_ = 	snop;
	(pc) =	sbr.rel @!p2 .LBB2_3-.Ltmp1, $4  }
0x352: {  	[sflag:s4] =	ssyncset.done $0x0  }
0x353: {  	[sflag:s4] =	ssyncadd.s32 $0xFFFFE000  }
0x354: {  	_ =	swait.ge [sflag:s3], $0x2000  }
0x355: {  	p1 =	por $0x1, $0x1;
	s17 =	rddreg [dreg:$0x4];
	[sflag:s3] =	ssyncset.done $0x0  }
.LBB2_4:
0x356: {  	[sflag:s3] =	ssyncadd.s32 $0xFFFFE000  }
0x357: {  	[tilespmem:s1], [sflag:$0x5] =	stream.linear.gather [hbm4b:s17+s1], $0x1900, $0x38;
	[tilespmem:$0x5E20] =	vst v63  }
0x358: {  	_ =	swait.ge [sflag:s9], $0x1900  }
0x359: {  	s14 =	sld [smem:$0x7CE]  }
0x35a: {  	s11 =	sld [smem:$0x79B]  }
0x35b: {  	[sflag:s9] =	ssyncset.done $0x0  }
0x35c: {  	s0 =	simm.s32 @!p0 $0x1C05;
	[sflag:s9] =	ssyncadd.s32 $0xFFFFE700  }
0x35d: {  	[spmem:s11], [sflag:s0] =	dma.local @!p0 [hbm:s14], $0x640  }
0x35e: {  	s11 =	simm.s32 @!p0 $0x5  }
0x35f: {  	_ =	swait.ge @!p0 [sflag:s11], $0x640  }
0x360: {  	s17 =	sld [smem:$0x7B4]  }
0x361: {  	[sflag:s11] =	ssyncset.done @!p0 $0x0  }
0x362: {  	[sflag:s11] =	ssyncadd.s32 @!p0 $0xFFFFF9C0  }
0x363: {  	[spmem:s17], [sflag:s0] =	dma.local @!p0 [hbm:s14], $0x400  }
0x364: {  	_ =	swait.ge @!p0 [sflag:s11], $0x400  }
0x365: {  	[sflag:s11] =	ssyncset.done @!p0 $0x0  }
0x366: {  	[sflag:s11] =	ssyncadd.s32 @!p0 $0xFFFFFC00  }
0x367: {  	[bflag:$0x0] =	sbarrier.arrive $0xFFFF  }
0x368: {  	s21 =	rddreg [dreg:$0x2]  }
0x369: {  	[tilespmem:s6], [sflag:$0x5] =	stream.linear.gather [spmem:s21], $0x2000, $0x38;
	[tilespmem:$0x5E20] =	vst v63  }
0x36a: {  	_ =	swait.ge [sflag:s9], $0x2000  }
0x36b: {  	[sflag:s9] =	ssyncset.done $0x0  }
0x36c: {  	s21 =	sld [smem:$0x7D3];
	[sflag:s9] =	ssyncadd.s32 $0xFFFFE000  }
0x36d: {  	[tilespmem:s6], [sflag:$0x1] =	stream.indirect.gather.add.f32 [hbm:s2], $0x40, s1, s10, $0xb8;
	[tilespmem:$0x5E20] =	vst v63  }
0x36e: {  	_ = 	snop  }
0x36f: {  	[tilespmem:s5], [sflag:$0x5] =	stream.linear.gather [spmem:s21], $0x2000, $0x38;
	[tilespmem:$0x5E20] =	vst v63  }
0x370: {  	_ =	swait.ge [sflag:s9], $0x2000  }
0x371: {  	[sflag:s9] =	ssyncset.done $0x0  }
0x372: {  	[sflag:s9] =	ssyncadd.s32 $0xFFFFE000  }
0x373: {  	[tilespmem:s5], [sflag:$0x2] =	stream.indirect.gather.add.f32 [hbm:s2], $0x40, s10, s10, $0xb8;
	[tilespmem:$0x5E20] =	vst v63  }
0x374: {  	_ =	swait.ge [sflag:s8], $0x2000  }
0x375: {  	s22 =	sld [smem:$0x79D]  }
0x376: {  	[sflag:s8] =	ssyncset.done $0x0  }
0x377: {  	[sflag:s8] =	ssyncadd.s32 $0xFFFFE000  }
0x378: {  	[hbm4b:s22+s1] =	stream.linear.scatter [tilespmem:s6], [sflag:$0x3], $0x2000, $0x38;
	[tilespmem:$0x5E20] =	vst v63  }
0x379: {  	_ =	swait.ge [sflag:s4], $0x2000  }
0x37a: {  	s23 =	sld [smem:$0x7D5]  }
0x37b: {  	[sflag:s4] =	ssyncset.done $0x0  }
0x37c: {  	[sflag:s4] =	ssyncadd.s32 $0xFFFFE000  }
0x37d: {  	[tilespmem:s6], [sflag:$0x5] =	stream.linear.gather [spmem:s23], $0x2000, $0x38;
	[tilespmem:$0x5E20] =	vst v63  }
0x37e: {  	_ =	swait.ge [sflag:s9], $0x2000  }
0x37f: {  	s24 =	sld [smem:$0x7B5]  }
0x380: {  	[sflag:s9] =	ssyncset.done $0x0  }
0x381: {  	[sflag:s9] =	ssyncadd.s32 $0xFFFFE000  }
0x382: {  	[tilespmem:s6], [sflag:$0x1] =	stream.indirect.gather.add.f32 [hbm:s2], $0x40, s24, s10, $0xb8;
	[tilespmem:$0x5E20] =	vst v63  }
0x383: {  	_ =	swait.ge [sflag:s7], $0x2000  }
0x384: {  	[sflag:s7] =	ssyncset.done $0x0  }
0x385: {  	s25 =	rddreg [dreg:$0x5];
	[sflag:s7] =	ssyncadd.s32 $0xFFFFE000  }
0x386: {  	[hbm4b:s25+s1] =	stream.linear.scatter [tilespmem:s5], [sflag:$0x4], $0x2000, $0x38;
	[tilespmem:$0x5E20] =	vst v63  }
0x387: {  	_ =	swait.ge [sflag:s3], $0x2000  }
0x388: {  	s26 =	sld [smem:$0x7D7]  }
0x389: {  	[sflag:s3] =	ssyncset.done $0x0  }
0x38a: {  	[sflag:s3] =	ssyncadd.s32 $0xFFFFE000  }
0x38b: {  	[tilespmem:s5], [sflag:$0x5] =	stream.linear.gather [spmem:s26], $0x2000, $0x38;
	[tilespmem:$0x5E20] =	vst v63  }
0x38c: {  	_ =	swait.ge [sflag:s9], $0x2000  }
0x38d: {  	s28 =	sld [smem:$0x7B6]  }
0x38e: {  	[sflag:s9] =	ssyncset.done $0x0  }
0x38f: {  	[sflag:s9] =	ssyncadd.s32 $0xFFFFE000  }
0x390: {  	[tilespmem:s5], [sflag:$0x2] =	stream.indirect.gather.add.f32 [hbm:s2], $0x40, s28, s10, $0xb8;
	[tilespmem:$0x5E20] =	vst v63  }
0x391: {  	_ =	swait.ge [sflag:s8], $0x2000  }
0x392: {  	[sflag:s8] =	ssyncset.done $0x0  }
0x393: {  	s29 =	rddreg [dreg:$0x6];
	[sflag:s8] =	ssyncadd.s32 $0xFFFFE000  }
0x394: {  	[hbm4b:s29+s1] =	stream.linear.scatter [tilespmem:s6], [sflag:$0x3], $0x2000, $0x38;
	[tilespmem:$0x5E20] =	vst v63  }
0x395: {  	_ =	swait.ge [sflag:s4], $0x2000  }
0x396: {  	s30 =	sld [smem:$0x7D9]  }
0x397: {  	[sflag:s4] =	ssyncset.done $0x0  }
0x398: {  	[sflag:s4] =	ssyncadd.s32 $0xFFFFE000  }
0x399: {  	[tilespmem:s6], [sflag:$0x5] =	stream.linear.gather [spmem:s30], $0x2000, $0x38;
	[tilespmem:$0x5E20] =	vst v63  }
0x39a: {  	_ =	swait.ge [sflag:s9], $0x2000  }
0x39b: {  	s31 =	sld [smem:$0x7B7]  }
0x39c: {  	[sflag:s9] =	ssyncset.done $0x0  }
0x39d: {  	[sflag:s9] =	ssyncadd.s32 $0xFFFFE000  }
0x39e: {  	[tilespmem:s6], [sflag:$0x1] =	stream.indirect.gather.add.f32 [hbm:s2], $0x40, s31, s10, $0xb8;
	[tilespmem:$0x5E20] =	vst v63  }
0x39f: {  	_ =	swait.ge [sflag:s7], $0x2000  }
0x3a0: {  	[sflag:s7] =	ssyncset.done $0x0  }
0x3a1: {  	s0 =	rddreg [dreg:$0x7];
	[sflag:s7] =	ssyncadd.s32 $0xFFFFE000  }
0x3a2: {  	[hbm4b:s0+s1] =	stream.linear.scatter [tilespmem:s5], [sflag:$0x4], $0x2000, $0x38;
	[tilespmem:$0x5E20] =	vst v63  }
0x3a3: {  	_ =	swait.ge [sflag:s3], $0x2000  }
0x3a4: {  	s11 =	sld [smem:$0x7DB]  }
0x3a5: {  	[sflag:s3] =	ssyncset.done $0x0  }
0x3a6: {  	[sflag:s3] =	ssyncadd.s32 $0xFFFFE000  }
0x3a7: {  	[tilespmem:s5], [sflag:$0x5] =	stream.linear.gather [spmem:s11], $0x2000, $0x38;
	[tilespmem:$0x5E20] =	vst v63  }
0x3a8: {  	_ =	swait.ge [sflag:s9], $0x2000  }
0x3a9: {  	s12 =	sld [smem:$0x7B8]  }
0x3aa: {  	[sflag:s9] =	ssyncset.done $0x0  }
0x3ab: {  	[sflag:s9] =	ssyncadd.s32 $0xFFFFE000  }
0x3ac: {  	[tilespmem:s5], [sflag:$0x2] =	stream.indirect.gather.add.f32 [hbm:s2], $0x40, s12, s10, $0xb8;
	[tilespmem:$0x5E20] =	vst v63  }
0x3ad: {  	_ =	swait.ge [sflag:s8], $0x2000  }
0x3ae: {  	[sflag:s8] =	ssyncset.done $0x0  }
0x3af: {  	s13 =	rddreg [dreg:$0x8];
	[sflag:s8] =	ssyncadd.s32 $0xFFFFE000  }
0x3b0: {  	[hbm4b:s13+s1] =	stream.linear.scatter [tilespmem:s6], [sflag:$0x3], $0x2000, $0x38;
	[tilespmem:$0x5E20] =	vst v63  }
0x3b1: {  	_ =	swait.ge [sflag:s4], $0x2000  }
0x3b2: {  	s30 =	sld [smem:$0x7DD]  }
0x3b3: {  	[sflag:s4] =	ssyncset.done $0x0  }
0x3b4: {  	[sflag:s4] =	ssyncadd.s32 $0xFFFFE000  }
0x3b5: {  	[tilespmem:s6], [sflag:$0x5] =	stream.linear.gather [spmem:s30], $0x2000, $0x38;
	[tilespmem:$0x5E20] =	vst v63  }
0x3b6: {  	_ =	swait.ge [sflag:s9], $0x2000  }
0x3b7: {  	s14 =	sld [smem:$0x7B9]  }
0x3b8: {  	[sflag:s9] =	ssyncset.done $0x0  }
0x3b9: {  	[sflag:s9] =	ssyncadd.s32 $0xFFFFE000  }
0x3ba: {  	[tilespmem:s6], [sflag:$0x1] =	stream.indirect.gather.add.f32 [hbm:s2], $0x40, s14, s10, $0xb8;
	[tilespmem:$0x5E20] =	vst v63  }
0x3bb: {  	_ =	swait.ge [sflag:s7], $0x2000  }
0x3bc: {  	[sflag:s7] =	ssyncset.done $0x0  }
0x3bd: {  	s15 =	rddreg [dreg:$0x9];
	[sflag:s7] =	ssyncadd.s32 $0xFFFFE000  }
0x3be: {  	[hbm4b:s15+s1] =	stream.linear.scatter [tilespmem:s5], [sflag:$0x4], $0x2000, $0x38;
	[tilespmem:$0x5E20] =	vst v63  }
0x3bf: {  	_ =	swait.ge [sflag:s3], $0x2000  }
0x3c0: {  	s0 =	sld [smem:$0x7DF]  }
0x3c1: {  	[sflag:s3] =	ssyncset.done $0x0  }
0x3c2: {  	[sflag:s3] =	ssyncadd.s32 $0xFFFFE000  }
0x3c3: {  	[tilespmem:s5], [sflag:$0x5] =	stream.linear.gather [spmem:s0], $0x2000, $0x38;
	[tilespmem:$0x5E20] =	vst v63  }
0x3c4: {  	_ =	swait.ge [sflag:s9], $0x2000  }
0x3c5: {  	s18 =	sld [smem:$0x7BA]  }
0x3c6: {  	[sflag:s9] =	ssyncset.done $0x0  }
0x3c7: {  	[sflag:s9] =	ssyncadd.s32 $0xFFFFE000  }
0x3c8: {  	[tilespmem:s5], [sflag:$0x2] =	stream.indirect.gather.add.f32 [hbm:s2], $0x40, s18, s10, $0xb8;
	[tilespmem:$0x5E20] =	vst v63  }
0x3c9: {  	_ =	swait.ge [sflag:s8], $0x2000  }
0x3ca: {  	[sflag:s8] =	ssyncset.done $0x0  }
0x3cb: {  	s19 =	rddreg [dreg:$0xa];
	[sflag:s8] =	ssyncadd.s32 $0xFFFFE000  }
0x3cc: {  	[hbm4b:s19+s1] =	stream.linear.scatter [tilespmem:s6], [sflag:$0x3], $0x2000, $0x38;
	[tilespmem:$0x5E20] =	vst v63  }
0x3cd: {  	_ =	swait.ge [sflag:s4], $0x2000  }
0x3ce: {  	s31 =	sld [smem:$0x7E1]  }
0x3cf: {  	[sflag:s4] =	ssyncset.done $0x0  }
0x3d0: {  	[sflag:s4] =	ssyncadd.s32 $0xFFFFE000  }
0x3d1: {  	[tilespmem:s6], [sflag:$0x5] =	stream.linear.gather [spmem:s31], $0x2000, $0x38;
	[tilespmem:$0x5E20] =	vst v63  }
0x3d2: {  	_ =	swait.ge [sflag:s9], $0x2000  }
0x3d3: {  	s20 =	sld [smem:$0x7BB]  }
0x3d4: {  	[sflag:s9] =	ssyncset.done $0x0  }
0x3d5: {  	[sflag:s9] =	ssyncadd.s32 $0xFFFFE000  }
0x3d6: {  	[tilespmem:s6], [sflag:$0x1] =	stream.indirect.gather.add.f32 [hbm:s2], $0x40, s20, s10, $0xb8;
	[tilespmem:$0x5E20] =	vst v63  }
0x3d7: {  	_ =	swait.ge [sflag:s7], $0x2000  }
0x3d8: {  	[sflag:s7] =	ssyncset.done $0x0  }
0x3d9: {  	s22 =	rddreg [dreg:$0xb];
	[sflag:s7] =	ssyncadd.s32 $0xFFFFE000  }
0x3da: {  	[hbm4b:s22+s1] =	stream.linear.scatter [tilespmem:s5], [sflag:$0x4], $0x2000, $0x38;
	[tilespmem:$0x5E20] =	vst v63  }
0x3db: {  	_ =	swait.ge [sflag:s3], $0x2000  }
0x3dc: {  	s29 =	sld [smem:$0x7E3]  }
0x3dd: {  	[sflag:s3] =	ssyncset.done $0x0  }
0x3de: {  	[sflag:s3] =	ssyncadd.s32 $0xFFFFE000  }
0x3df: {  	[tilespmem:s5], [sflag:$0x5] =	stream.linear.gather [spmem:s29], $0x2000, $0x38;
	[tilespmem:$0x5E20] =	vst v63  }
0x3e0: {  	_ =	swait.ge [sflag:s9], $0x2000  }
0x3e1: {  	s23 =	sld [smem:$0x7BC]  }
0x3e2: {  	[sflag:s9] =	ssyncset.done $0x0  }
0x3e3: {  	[sflag:s9] =	ssyncadd.s32 $0xFFFFE000  }
0x3e4: {  	[tilespmem:s5], [sflag:$0x2] =	stream.indirect.gather.add.f32 [hbm:s2], $0x40, s23, s10, $0xb8;
	[tilespmem:$0x5E20] =	vst v63  }
0x3e5: {  	_ =	swait.ge [sflag:s8], $0x2000  }
0x3e6: {  	[sflag:s8] =	ssyncset.done $0x0  }
0x3e7: {  	s24 =	rddreg [dreg:$0xc];
	[sflag:s8] =	ssyncadd.s32 $0xFFFFE000  }
0x3e8: {  	[hbm4b:s24+s1] =	stream.linear.scatter [tilespmem:s6], [sflag:$0x3], $0x2000, $0x38;
	[tilespmem:$0x5E20] =	vst v63  }
0x3e9: {  	_ =	swait.ge [sflag:s4], $0x2000  }
0x3ea: {  	s28 =	sld [smem:$0x7E5]  }
0x3eb: {  	[sflag:s4] =	ssyncset.done $0x0  }
0x3ec: {  	[sflag:s4] =	ssyncadd.s32 $0xFFFFE000  }
0x3ed: {  	[tilespmem:s6], [sflag:$0x5] =	stream.linear.gather [spmem:s28], $0x2000, $0x38;
	[tilespmem:$0x5E20] =	vst v63  }
0x3ee: {  	_ =	swait.ge [sflag:s9], $0x2000  }
0x3ef: {  	s25 =	sld [smem:$0x7BD]  }
0x3f0: {  	[sflag:s9] =	ssyncset.done $0x0  }
0x3f1: {  	[sflag:s9] =	ssyncadd.s32 $0xFFFFE000  }
0x3f2: {  	[tilespmem:s6], [sflag:$0x1] =	stream.indirect.gather.add.f32 [hbm:s2], $0x40, s25, s10, $0xb8;
	[tilespmem:$0x5E20] =	vst v63  }
0x3f3: {  	_ =	swait.ge [sflag:s7], $0x2000  }
0x3f4: {  	[sflag:s7] =	ssyncset.done $0x0  }
0x3f5: {  	s26 =	rddreg [dreg:$0xd];
	[sflag:s7] =	ssyncadd.s32 $0xFFFFE000  }
0x3f6: {  	[hbm4b:s26+s1] =	stream.linear.scatter [tilespmem:s5], [sflag:$0x4], $0x2000, $0x38;
	[tilespmem:$0x5E20] =	vst v63  }
0x3f7: {  	_ =	swait.ge [sflag:s3], $0x2000  }
0x3f8: {  	s26 =	sld [smem:$0x7E7]  }
0x3f9: {  	[sflag:s3] =	ssyncset.done $0x0  }
0x3fa: {  	[sflag:s3] =	ssyncadd.s32 $0xFFFFE000  }
0x3fb: {  	[tilespmem:s5], [sflag:$0x5] =	stream.linear.gather [spmem:s26], $0x2000, $0x38;
	[tilespmem:$0x5E20] =	vst v63  }
0x3fc: {  	_ =	swait.ge [sflag:s9], $0x2000  }
0x3fd: {  	s11 =	sld [smem:$0x7BE]  }
0x3fe: {  	[sflag:s9] =	ssyncset.done $0x0  }
0x3ff: {  	[sflag:s9] =	ssyncadd.s32 $0xFFFFE000  }
0x400: {  	[tilespmem:s5], [sflag:$0x2] =	stream.indirect.gather.add.f32 [hbm:s2], $0x40, s11, s10, $0xb8;
	[tilespmem:$0x5E20] =	vst v63  }
0x401: {  	_ =	swait.ge [sflag:s8], $0x2000  }
0x402: {  	[sflag:s8] =	ssyncset.done $0x0  }
0x403: {  	s12 =	rddreg [dreg:$0xe];
	[sflag:s8] =	ssyncadd.s32 $0xFFFFE000  }
0x404: {  	[hbm4b:s12+s1] =	stream.linear.scatter [tilespmem:s6], [sflag:$0x3], $0x2000, $0x38;
	[tilespmem:$0x5E20] =	vst v63  }
0x405: {  	_ =	swait.ge [sflag:s4], $0x2000  }
0x406: {  	s25 =	sld [smem:$0x7E9]  }
0x407: {  	[sflag:s4] =	ssyncset.done $0x0  }
0x408: {  	[sflag:s4] =	ssyncadd.s32 $0xFFFFE000  }
0x409: {  	[tilespmem:s6], [sflag:$0x5] =	stream.linear.gather [spmem:s25], $0x2000, $0x38;
	[tilespmem:$0x5E20] =	vst v63  }
0x40a: {  	_ =	swait.ge [sflag:s9], $0x2000  }
0x40b: {  	s13 =	sld [smem:$0x7BF]  }
0x40c: {  	[sflag:s9] =	ssyncset.done $0x0  }
0x40d: {  	[sflag:s9] =	ssyncadd.s32 $0xFFFFE000  }
0x40e: {  	[tilespmem:s6], [sflag:$0x1] =	stream.indirect.gather.add.f32 [hbm:s2], $0x40, s13, s10, $0xb8;
	[tilespmem:$0x5E20] =	vst v63  }
0x40f: {  	_ =	swait.ge [sflag:s7], $0x2000  }
0x410: {  	[sflag:s7] =	ssyncset.done $0x0  }
0x411: {  	s14 =	rddreg [dreg:$0xf];
	[sflag:s7] =	ssyncadd.s32 $0xFFFFE000  }
0x412: {  	[hbm4b:s14+s1] =	stream.linear.scatter [tilespmem:s5], [sflag:$0x4], $0x2000, $0x38;
	[tilespmem:$0x5E20] =	vst v63  }
0x413: {  	_ =	swait.ge [sflag:s3], $0x2000  }
0x414: {  	s24 =	sld [smem:$0x7EB]  }
0x415: {  	[sflag:s3] =	ssyncset.done $0x0  }
0x416: {  	[sflag:s3] =	ssyncadd.s32 $0xFFFFE000  }
0x417: {  	[tilespmem:s5], [sflag:$0x5] =	stream.linear.gather [spmem:s24], $0x2000, $0x38;
	[tilespmem:$0x5E20] =	vst v63  }
0x418: {  	_ =	swait.ge [sflag:s9], $0x2000  }
0x419: {  	s15 =	sld [smem:$0x7C0]  }
0x41a: {  	[sflag:s9] =	ssyncset.done $0x0  }
0x41b: {  	[sflag:s9] =	ssyncadd.s32 $0xFFFFE000  }
0x41c: {  	[tilespmem:s5], [sflag:$0x2] =	stream.indirect.gather.add.f32 [hbm:s2], $0x40, s15, s10, $0xb8;
	[tilespmem:$0x5E20] =	vst v63  }
0x41d: {  	_ =	swait.ge [sflag:s8], $0x2000  }
0x41e: {  	[sflag:s8] =	ssyncset.done $0x0  }
0x41f: {  	s18 =	rddreg [dreg:$0x10];
	[sflag:s8] =	ssyncadd.s32 $0xFFFFE000  }
0x420: {  	[hbm4b:s18+s1] =	stream.linear.scatter [tilespmem:s6], [sflag:$0x3], $0x2000, $0x38;
	[tilespmem:$0x5E20] =	vst v63  }
0x421: {  	_ =	swait.ge [sflag:s4], $0x2000  }
0x422: {  	s22 =	sld [smem:$0x7ED]  }
0x423: {  	[sflag:s4] =	ssyncset.done $0x0  }
0x424: {  	[sflag:s4] =	ssyncadd.s32 $0xFFFFE000  }
0x425: {  	[tilespmem:s6], [sflag:$0x5] =	stream.linear.gather [spmem:s22], $0x2000, $0x38;
	[tilespmem:$0x5E20] =	vst v63  }
0x426: {  	_ =	swait.ge [sflag:s9], $0x2000  }
0x427: {  	s19 =	sld [smem:$0x7C1]  }
0x428: {  	[sflag:s9] =	ssyncset.done $0x0  }
0x429: {  	[sflag:s9] =	ssyncadd.s32 $0xFFFFE000  }
0x42a: {  	[tilespmem:s6], [sflag:$0x1] =	stream.indirect.gather.add.f32 [hbm:s2], $0x40, s19, s10, $0xb8;
	[tilespmem:$0x5E20] =	vst v63  }
0x42b: {  	_ =	swait.ge [sflag:s7], $0x2000  }
0x42c: {  	[sflag:s7] =	ssyncset.done $0x0  }
0x42d: {  	s20 =	rddreg [dreg:$0x11];
	[sflag:s7] =	ssyncadd.s32 $0xFFFFE000  }
0x42e: {  	[hbm4b:s20+s1] =	stream.linear.scatter [tilespmem:s5], [sflag:$0x4], $0x2000, $0x38;
	[tilespmem:$0x5E20] =	vst v63  }
0x42f: {  	_ =	swait.ge [sflag:s3], $0x2000  }
0x430: {  	s20 =	sld [smem:$0x7EF]  }
0x431: {  	[sflag:s3] =	ssyncset.done $0x0  }
0x432: {  	[sflag:s3] =	ssyncadd.s32 $0xFFFFE000  }
0x433: {  	[tilespmem:s5], [sflag:$0x5] =	stream.linear.gather [spmem:s20], $0x2000, $0x38;
	[tilespmem:$0x5E20] =	vst v63  }
0x434: {  	_ =	swait.ge [sflag:s9], $0x2000  }
0x435: {  	s23 =	sld [smem:$0x7C2]  }
0x436: {  	[sflag:s9] =	ssyncset.done $0x0  }
0x437: {  	[sflag:s9] =	ssyncadd.s32 $0xFFFFE000  }
0x438: {  	[tilespmem:s5], [sflag:$0x2] =	stream.indirect.gather.add.f32 [hbm:s2], $0x40, s23, s10, $0xb8;
	[tilespmem:$0x5E20] =	vst v63  }
0x439: {  	_ =	swait.ge [sflag:s8], $0x2000  }
0x43a: {  	[sflag:s8] =	ssyncset.done $0x0  }
0x43b: {  	s11 =	rddreg [dreg:$0x12];
	[sflag:s8] =	ssyncadd.s32 $0xFFFFE000  }
0x43c: {  	[hbm4b:s11+s1] =	stream.linear.scatter [tilespmem:s6], [sflag:$0x3], $0x2000, $0x38;
	[tilespmem:$0x5E20] =	vst v63  }
0x43d: {  	_ =	swait.ge [sflag:s4], $0x2000  }
0x43e: {  	s18 =	sld [smem:$0x7F1]  }
0x43f: {  	[sflag:s4] =	ssyncset.done $0x0  }
0x440: {  	[sflag:s4] =	ssyncadd.s32 $0xFFFFE000  }
0x441: {  	[tilespmem:s6], [sflag:$0x5] =	stream.linear.gather [spmem:s18], $0x2000, $0x38;
	[tilespmem:$0x5E20] =	vst v63  }
0x442: {  	_ =	swait.ge [sflag:s9], $0x2000  }
0x443: {  	s12 =	sld [smem:$0x7C3]  }
0x444: {  	[sflag:s9] =	ssyncset.done $0x0  }
0x445: {  	[sflag:s9] =	ssyncadd.s32 $0xFFFFE000  }
0x446: {  	[tilespmem:s6], [sflag:$0x1] =	stream.indirect.gather.add.f32 [hbm:s2], $0x40, s12, s10, $0xb8;
	[tilespmem:$0x5E20] =	vst v63  }
0x447: {  	_ =	swait.ge [sflag:s7], $0x2000  }
0x448: {  	[sflag:s7] =	ssyncset.done $0x0  }
0x449: {  	s13 =	rddreg [dreg:$0x13];
	[sflag:s7] =	ssyncadd.s32 $0xFFFFE000  }
0x44a: {  	[hbm4b:s13+s1] =	stream.linear.scatter [tilespmem:s5], [sflag:$0x4], $0x2000, $0x38;
	[tilespmem:$0x5E20] =	vst v63  }
0x44b: {  	_ =	swait.ge [sflag:s3], $0x2000  }
0x44c: {  	s23 =	sld [smem:$0x7F3]  }
0x44d: {  	[sflag:s3] =	ssyncset.done $0x0  }
0x44e: {  	[sflag:s3] =	ssyncadd.s32 $0xFFFFE000  }
0x44f: {  	[tilespmem:s5], [sflag:$0x5] =	stream.linear.gather [spmem:s23], $0x2000, $0x38;
	[tilespmem:$0x5E20] =	vst v63  }
0x450: {  	_ =	swait.ge [sflag:s9], $0x2000  }
0x451: {  	s14 =	sld [smem:$0x7C4]  }
0x452: {  	[sflag:s9] =	ssyncset.done $0x0  }
0x453: {  	[sflag:s9] =	ssyncadd.s32 $0xFFFFE000  }
0x454: {  	[tilespmem:s5], [sflag:$0x2] =	stream.indirect.gather.add.f32 [hbm:s2], $0x40, s14, s10, $0xb8;
	[tilespmem:$0x5E20] =	vst v63  }
0x455: {  	_ =	swait.ge [sflag:s8], $0x2000  }
0x456: {  	[sflag:s8] =	ssyncset.done $0x0  }
0x457: {  	s15 =	rddreg [dreg:$0x14];
	[sflag:s8] =	ssyncadd.s32 $0xFFFFE000  }
0x458: {  	[hbm4b:s15+s1] =	stream.linear.scatter [tilespmem:s6], [sflag:$0x3], $0x2000, $0x38;
	[tilespmem:$0x5E20] =	vst v63  }
0x459: {  	_ =	swait.ge [sflag:s4], $0x2000  }
0x45a: {  	s15 =	sld [smem:$0x7F6]  }
0x45b: {  	[sflag:s4] =	ssyncset.done $0x0  }
0x45c: {  	[sflag:s4] =	ssyncadd.s32 $0xFFFFE000  }
0x45d: {  	[tilespmem:s6], [sflag:$0x5] =	stream.linear.gather [spmem:s15], $0x2000, $0x38;
	[tilespmem:$0x5E20] =	vst v63  }
0x45e: {  	_ =	swait.ge [sflag:s9], $0x2000  }
0x45f: {  	s19 =	sld [smem:$0x7C5]  }
0x460: {  	[sflag:s9] =	ssyncset.done $0x0  }
0x461: {  	[sflag:s9] =	ssyncadd.s32 $0xFFFFE000  }
0x462: {  	[tilespmem:s6], [sflag:$0x1] =	stream.indirect.gather.add.f32 [hbm:s2], $0x40, s19, s10, $0xb8;
	[tilespmem:$0x5E20] =	vst v63  }
0x463: {  	_ =	swait.ge [sflag:s7], $0x2000  }
0x464: {  	[sflag:s7] =	ssyncset.done $0x0  }
0x465: {  	s11 =	rddreg [dreg:$0x15];
	[sflag:s7] =	ssyncadd.s32 $0xFFFFE000  }
0x466: {  	[hbm4b:s11+s1] =	stream.linear.scatter [tilespmem:s5], [sflag:$0x4], $0x2000, $0x38;
	[tilespmem:$0x5E20] =	vst v63  }
0x467: {  	_ =	swait.ge [sflag:s3], $0x2000  }
0x468: {  	s13 =	sld [smem:$0x7F8]  }
0x469: {  	[sflag:s3] =	ssyncset.done $0x0  }
0x46a: {  	[sflag:s3] =	ssyncadd.s32 $0xFFFFE000  }
0x46b: {  	[tilespmem:s5], [sflag:$0x5] =	stream.linear.gather [spmem:s13], $0x2000, $0x38;
	[tilespmem:$0x5E20] =	vst v63  }
0x46c: {  	_ =	swait.ge [sflag:s9], $0x2000  }
0x46d: {  	s12 =	sld [smem:$0x7C6]  }
0x46e: {  	[sflag:s9] =	ssyncset.done $0x0  }
0x46f: {  	[sflag:s9] =	ssyncadd.s32 $0xFFFFE000  }
0x470: {  	[tilespmem:s5], [sflag:$0x2] =	stream.indirect.gather.add.f32 [hbm:s2], $0x40, s12, s10, $0xb8;
	[tilespmem:$0x5E20] =	vst v63  }
0x471: {  	_ =	swait.ge [sflag:s8], $0x2000  }
0x472: {  	[sflag:s8] =	ssyncset.done $0x0  }
0x473: {  	s14 =	rddreg [dreg:$0x16];
	[sflag:s8] =	ssyncadd.s32 $0xFFFFE000  }
0x474: {  	[hbm4b:s14+s1] =	stream.linear.scatter [tilespmem:s6], [sflag:$0x3], $0x2000, $0x38;
	[tilespmem:$0x5E20] =	vst v63  }
0x475: {  	_ =	swait.ge [sflag:s4], $0x2000  }
0x476: {  	s17 =	sld [smem:$0x7F9]  }
0x477: {  	[sflag:s4] =	ssyncset.done $0x0  }
0x478: {  	[sflag:s4] =	ssyncadd.s32 $0xFFFFE000  }
0x479: {  	[tilespmem:s6], [sflag:$0x5] =	stream.linear.gather [spmem:s17], $0x2000, $0x38;
	[tilespmem:$0x5E20] =	vst v63  }
0x47a: {  	_ =	swait.ge [sflag:s9], $0x2000  }
0x47b: {  	s19 =	sld [smem:$0x7C7]  }
0x47c: {  	[sflag:s9] =	ssyncset.done $0x0  }
0x47d: {  	[sflag:s9] =	ssyncadd.s32 $0xFFFFE000  }
0x47e: {  	[tilespmem:s6], [sflag:$0x1] =	stream.indirect.gather.add.f32 [hbm:s2], $0x40, s19, s10, $0xb8;
	[tilespmem:$0x5E20] =	vst v63  }
0x47f: {  	_ =	swait.ge [sflag:s7], $0x2000  }
0x480: {  	[sflag:s7] =	ssyncset.done $0x0  }
0x481: {  	s11 =	rddreg [dreg:$0x17];
	[sflag:s7] =	ssyncadd.s32 $0xFFFFE000  }
0x482: {  	[hbm4b:s11+s1] =	stream.linear.scatter [tilespmem:s5], [sflag:$0x4], $0x2000, $0x38;
	[tilespmem:$0x5E20] =	vst v63  }
0x483: {  	_ =	swait.ge [sflag:s3], $0x2000  }
0x484: {  	s19 =	sld [smem:$0x7FA]  }
0x485: {  	[sflag:s3] =	ssyncset.done $0x0  }
0x486: {  	[sflag:s3] =	ssyncadd.s32 $0xFFFFE000  }
0x487: {  	[tilespmem:s5], [sflag:$0x5] =	stream.linear.gather [spmem:s19], $0x2000, $0x38;
	[tilespmem:$0x5E20] =	vst v63  }
0x488: {  	_ =	swait.ge [sflag:s9], $0x2000  }
0x489: {  	s12 =	sld [smem:$0x7C8]  }
0x48a: {  	[sflag:s9] =	ssyncset.done $0x0  }
0x48b: {  	[sflag:s9] =	ssyncadd.s32 $0xFFFFE000  }
0x48c: {  	[tilespmem:s5], [sflag:$0x2] =	stream.indirect.gather.add.f32 [hbm:s2], $0x40, s12, s10, $0xb8;
	[tilespmem:$0x5E20] =	vst v63  }
0x48d: {  	_ =	swait.ge [sflag:s8], $0x2000  }
0x48e: {  	[sflag:s8] =	ssyncset.done $0x0  }
0x48f: {  	s14 =	rddreg [dreg:$0x18];
	[sflag:s8] =	ssyncadd.s32 $0xFFFFE000  }
0x490: {  	[hbm4b:s14+s1] =	stream.linear.scatter [tilespmem:s6], [sflag:$0x3], $0x2000, $0x38;
	[tilespmem:$0x5E20] =	vst v63  }
0x491: {  	_ =	swait.ge [sflag:s4], $0x2000  }
0x492: {  	s14 =	sld [smem:$0x7FB]  }
0x493: {  	[sflag:s4] =	ssyncset.done $0x0  }
0x494: {  	[sflag:s4] =	ssyncadd.s32 $0xFFFFE000  }
0x495: {  	[tilespmem:s6], [sflag:$0x5] =	stream.linear.gather [spmem:s14], $0x2000, $0x38;
	[tilespmem:$0x5E20] =	vst v63  }
0x496: {  	_ =	swait.ge [sflag:s9], $0x2000  }
0x497: {  	s11 =	sld [smem:$0x7C9]  }
0x498: {  	[sflag:s9] =	ssyncset.done $0x0  }
0x499: {  	[sflag:s9] =	ssyncadd.s32 $0xFFFFE000  }
0x49a: {  	[tilespmem:s6], [sflag:$0x1] =	stream.indirect.gather.add.f32 [hbm:s2], $0x40, s11, s10, $0xb8;
	[tilespmem:$0x5E20] =	vst v63  }
0x49b: {  	_ =	swait.ge [sflag:s7], $0x2000  }
0x49c: {  	[sflag:s7] =	ssyncset.done $0x0  }
0x49d: {  	s12 =	rddreg [dreg:$0x19];
	[sflag:s7] =	ssyncadd.s32 $0xFFFFE000  }
0x49e: {  	[hbm4b:s12+s1] =	stream.linear.scatter [tilespmem:s5], [sflag:$0x4], $0x2000, $0x38;
	[tilespmem:$0x5E20] =	vst v63  }
0x49f: {  	_ =	swait.ge [sflag:s3], $0x2000  }
0x4a0: {  	s12 =	sld [smem:$0x7FC]  }
0x4a1: {  	[sflag:s3] =	ssyncset.done $0x0  }
0x4a2: {  	[sflag:s3] =	ssyncadd.s32 $0xFFFFE000  }
0x4a3: {  	[tilespmem:s5], [sflag:$0x5] =	stream.linear.gather [spmem:s12], $0x2000, $0x38;
	[tilespmem:$0x5E20] =	vst v63  }
0x4a4: {  	_ =	swait.ge [sflag:s9], $0x2000  }
0x4a5: {  	s11 =	sld [smem:$0x7CA]  }
0x4a6: {  	[sflag:s9] =	ssyncset.done $0x0  }
0x4a7: {  	[sflag:s9] =	ssyncadd.s32 $0xFFFFE000  }
0x4a8: {  	[tilespmem:s5], [sflag:$0x2] =	stream.indirect.gather.add.f32 [hbm:s2], $0x40, s11, s10, $0xb8;
	[tilespmem:$0x5E20] =	vst v63  }
0x4a9: {  	_ =	swait.ge [sflag:s8], $0x2000  }
0x4aa: {  	[sflag:s8] =	ssyncset.done $0x0  }
0x4ab: {  	s11 =	rddreg [dreg:$0x1a];
	[sflag:s8] =	ssyncadd.s32 $0xFFFFE000  }
0x4ac: {  	[hbm4b:s11+s1] =	stream.linear.scatter [tilespmem:s6], [sflag:$0x3], $0x2000, $0x38;
	[tilespmem:$0x5E20] =	vst v63  }
0x4ad: {  	_ =	swait.ge [sflag:s4], $0x2000  }
0x4ae: {  	s11 =	sld [smem:$0x7FD]  }
0x4af: {  	[sflag:s4] =	ssyncset.done $0x0  }
0x4b0: {  	[sflag:s4] =	ssyncadd.s32 $0xFFFFE000  }
0x4b1: {  	[tilespmem:s6], [sflag:$0x5] =	stream.linear.gather [spmem:s11], $0x2000, $0x38;
	[tilespmem:$0x5E20] =	vst v63  }
0x4b2: {  	_ =	swait.ge [sflag:s9], $0x2000  }
0x4b3: {  	s17 =	sld [smem:$0x7CB]  }
0x4b4: {  	[sflag:s9] =	ssyncset.done $0x0  }
0x4b5: {  	[sflag:s9] =	ssyncadd.s32 $0xFFFFE000  }
0x4b6: {  	[tilespmem:s6], [sflag:$0x1] =	stream.indirect.gather.add.f32 [hbm:s2], $0x40, s17, s10, $0xb8;
	[tilespmem:$0x5E20] =	vst v63  }
0x4b7: {  	_ =	swait.ge [sflag:s7], $0x2000  }
0x4b8: {  	[sflag:s7] =	ssyncset.done $0x0  }
0x4b9: {  	s17 =	rddreg [dreg:$0x1b];
	[sflag:s7] =	ssyncadd.s32 $0xFFFFE000  }
0x4ba: {  	[hbm4b:s17+s1] =	stream.linear.scatter [tilespmem:s5], [sflag:$0x4], $0x2000, $0x38;
	[tilespmem:$0x5E20] =	vst v63  }
0x4bb: {  	_ =	swait.ge [sflag:s3], $0x2000  }
0x4bc: {  	[sflag:s3] =	ssyncset.done $0x0  }
0x4bd: {  	[sflag:s3] =	ssyncadd.s32 $0xFFFFE000  }
0x4be: {  	s17 =	rddreg [dreg:$0x2]  }
0x4bf: {  	[tilespmem:s5], [sflag:$0x5] =	stream.linear.gather [spmem:s17], $0x2000, $0x38;
	[tilespmem:$0x5E20] =	vst v63  }
0x4c0: {  	_ =	swait.ge [sflag:s9], $0x2000  }
0x4c1: {  	s17 =	sld [smem:$0x7CC]  }
0x4c2: {  	[sflag:s9] =	ssyncset.done $0x0  }
0x4c3: {  	[sflag:s9] =	ssyncadd.s32 $0xFFFFE000  }
0x4c4: {  	[tilespmem:s5], [sflag:$0x2] =	stream.indirect.gather.add.f32 [hbm:s2], $0x40, s17, s10, $0xb8;
	[tilespmem:$0x5E20] =	vst v63  }
0x4c5: {  	_ =	swait.ge [sflag:s8], $0x2000  }
0x4c6: {  	[sflag:s8] =	ssyncset.done $0x0  }
0x4c7: {  	s17 =	rddreg [dreg:$0x1c];
	[sflag:s8] =	ssyncadd.s32 $0xFFFFE000  }
0x4c8: {  	[hbm4b:s17+s1] =	stream.linear.scatter [tilespmem:s6], [sflag:$0x3], $0x2000, $0x38;
	[tilespmem:$0x5E20] =	vst v63  }
0x4c9: {  	_ =	swait.ge [sflag:s4], $0x2000  }
0x4ca: {  	[sflag:s4] =	ssyncset.done $0x0  }
0x4cb: {  	[sflag:s4] =	ssyncadd.s32 $0xFFFFE000  }
0x4cc: {  	[tilespmem:s6], [sflag:$0x5] =	stream.linear.gather [spmem:s21], $0x2000, $0x38;
	[tilespmem:$0x5E20] =	vst v63  }
0x4cd: {  	_ =	swait.ge [sflag:s9], $0x2000  }
0x4ce: {  	s21 =	sld [smem:$0x7CD]  }
0x4cf: {  	[sflag:s9] =	ssyncset.done $0x0  }
0x4d0: {  	[sflag:s9] =	ssyncadd.s32 $0xFFFFE000  }
0x4d1: {  	[tilespmem:s6], [sflag:$0x1] =	stream.indirect.gather.add.f32 [hbm:s2], $0x40, s21, s10, $0xb8;
	[tilespmem:$0x5E20] =	vst v63  }
0x4d2: {  	_ =	swait.ge [sflag:s7], $0x2000  }
0x4d3: {  	[sflag:s7] =	ssyncset.done $0x0  }
0x4d4: {  	s21 =	rddreg [dreg:$0x1d];
	[sflag:s7] =	ssyncadd.s32 $0xFFFFE000  }
0x4d5: {  	[hbm4b:s21+s1] =	stream.linear.scatter [tilespmem:s5], [sflag:$0x4], $0x2000, $0x38;
	[tilespmem:$0x5E20] =	vst v63  }
0x4d6: {  	_ =	swait.ge [sflag:s3], $0x2000  }
0x4d7: {  	s21 =	sld [smem:$0x7D5]  }
0x4d8: {  	[sflag:s3] =	ssyncset.done $0x0  }
0x4d9: {  	[sflag:s3] =	ssyncadd.s32 $0xFFFFE000  }
0x4da: {  	[tilespmem:s5], [sflag:$0x5] =	stream.linear.gather [spmem:s21], $0x2000, $0x38;
	[tilespmem:$0x5E20] =	vst v63  }
0x4db: {  	_ =	swait.ge [sflag:s9], $0x2000  }
0x4dc: {  	s21 =	sld [smem:$0x7CF]  }
0x4dd: {  	[sflag:s9] =	ssyncset.done $0x0  }
0x4de: {  	[sflag:s9] =	ssyncadd.s32 $0xFFFFE000  }
0x4df: {  	[tilespmem:s5], [sflag:$0x2] =	stream.indirect.gather.add.f32 [hbm:s2], $0x40, s21, s10, $0xb8;
	[tilespmem:$0x5E20] =	vst v63  }
0x4e0: {  	_ =	swait.ge [sflag:s8], $0x2000  }
0x4e1: {  	[sflag:s8] =	ssyncset.done $0x0  }
0x4e2: {  	s21 =	rddreg [dreg:$0x1e];
	[sflag:s8] =	ssyncadd.s32 $0xFFFFE000  }
0x4e3: {  	[hbm4b:s21+s1] =	stream.linear.scatter [tilespmem:s6], [sflag:$0x3], $0x2000, $0x38;
	[tilespmem:$0x5E20] =	vst v63  }
0x4e4: {  	_ =	swait.ge [sflag:s4], $0x2000  }
0x4e5: {  	s21 =	sld [smem:$0x7D7]  }
0x4e6: {  	[sflag:s4] =	ssyncset.done $0x0  }
0x4e7: {  	[sflag:s4] =	ssyncadd.s32 $0xFFFFE000  }
0x4e8: {  	[tilespmem:s6], [sflag:$0x5] =	stream.linear.gather [spmem:s21], $0x2000, $0x38;
	[tilespmem:$0x5E20] =	vst v63  }
0x4e9: {  	_ =	swait.ge [sflag:s9], $0x2000  }
0x4ea: {  	s21 =	sld [smem:$0x7D0]  }
0x4eb: {  	[sflag:s9] =	ssyncset.done $0x0  }
0x4ec: {  	[sflag:s9] =	ssyncadd.s32 $0xFFFFE000  }
0x4ed: {  	[tilespmem:s6], [sflag:$0x1] =	stream.indirect.gather.add.f32 [hbm:s2], $0x40, s21, s10, $0xb8;
	[tilespmem:$0x5E20] =	vst v63  }
0x4ee: {  	_ =	swait.ge [sflag:s7], $0x2000  }
0x4ef: {  	[sflag:s7] =	ssyncset.done $0x0  }
0x4f0: {  	s21 =	rddreg [dreg:$0x1f];
	[sflag:s7] =	ssyncadd.s32 $0xFFFFE000  }
0x4f1: {  	[hbm4b:s21+s1] =	stream.linear.scatter [tilespmem:s5], [sflag:$0x4], $0x2000, $0x38;
	[tilespmem:$0x5E20] =	vst v63  }
0x4f2: {  	_ =	swait.ge [sflag:s3], $0x2000  }
0x4f3: {  	s21 =	sld [smem:$0x7D9]  }
0x4f4: {  	[sflag:s3] =	ssyncset.done $0x0  }
0x4f5: {  	[sflag:s3] =	ssyncadd.s32 $0xFFFFE000  }
0x4f6: {  	[tilespmem:s5], [sflag:$0x5] =	stream.linear.gather [spmem:s21], $0x2000, $0x38;
	[tilespmem:$0x5E20] =	vst v63  }
0x4f7: {  	_ =	swait.ge [sflag:s9], $0x2000  }
0x4f8: {  	s21 =	sld [smem:$0x7D1]  }
0x4f9: {  	[sflag:s9] =	ssyncset.done $0x0  }
0x4fa: {  	[sflag:s9] =	ssyncadd.s32 $0xFFFFE000  }
0x4fb: {  	[tilespmem:s5], [sflag:$0x2] =	stream.indirect.gather.add.f32 [hbm:s2], $0x40, s21, s10, $0xb8;
	[tilespmem:$0x5E20] =	vst v63  }
0x4fc: {  	_ =	swait.ge [sflag:s8], $0x2000  }
0x4fd: {  	s21 =	sld [smem:$0x79E]  }
0x4fe: {  	[sflag:s8] =	ssyncset.done $0x0  }
0x4ff: {  	[sflag:s8] =	ssyncadd.s32 $0xFFFFE000  }
0x500: {  	[hbm4b:s21+s1] =	stream.linear.scatter [tilespmem:s6], [sflag:$0x3], $0x2000, $0x38;
	[tilespmem:$0x5E20] =	vst v63  }
0x501: {  	_ =	swait.ge [sflag:s4], $0x2000  }
0x502: {  	s21 =	sld [smem:$0x7DB]  }
0x503: {  	[sflag:s4] =	ssyncset.done $0x0  }
0x504: {  	[sflag:s4] =	ssyncadd.s32 $0xFFFFE000  }
0x505: {  	[tilespmem:s6], [sflag:$0x5] =	stream.linear.gather [spmem:s21], $0x2000, $0x38;
	[tilespmem:$0x5E20] =	vst v63  }
0x506: {  	_ =	swait.ge [sflag:s9], $0x2000  }
0x507: {  	s21 =	sld [smem:$0x7D2]  }
0x508: {  	[sflag:s9] =	ssyncset.done $0x0  }
0x509: {  	[sflag:s9] =	ssyncadd.s32 $0xFFFFE000  }
0x50a: {  	[tilespmem:s6], [sflag:$0x1] =	stream.indirect.gather.add.f32 [hbm:s2], $0x40, s21, s10, $0xb8;
	[tilespmem:$0x5E20] =	vst v63  }
0x50b: {  	_ =	swait.ge [sflag:s7], $0x2000  }
0x50c: {  	s21 =	sld [smem:$0x79F]  }
0x50d: {  	[sflag:s7] =	ssyncset.done $0x0  }
0x50e: {  	[sflag:s7] =	ssyncadd.s32 $0xFFFFE000  }
0x50f: {  	[hbm4b:s21+s1] =	stream.linear.scatter [tilespmem:s5], [sflag:$0x4], $0x2000, $0x38;
	[tilespmem:$0x5E20] =	vst v63  }
0x510: {  	_ =	swait.ge [sflag:s3], $0x2000  }
0x511: {  	[sflag:s3] =	ssyncset.done $0x0  }
0x512: {  	[sflag:s3] =	ssyncadd.s32 $0xFFFFE000  }
0x513: {  	[tilespmem:s5], [sflag:$0x5] =	stream.linear.gather [spmem:s30], $0x2000, $0x38;
	[tilespmem:$0x5E20] =	vst v63  }
0x514: {  	_ =	swait.ge [sflag:s9], $0x2000  }
0x515: {  	s21 =	sld [smem:$0x7D4]  }
0x516: {  	[sflag:s9] =	ssyncset.done $0x0  }
0x517: {  	[sflag:s9] =	ssyncadd.s32 $0xFFFFE000  }
0x518: {  	[tilespmem:s5], [sflag:$0x2] =	stream.indirect.gather.add.f32 [hbm:s2], $0x40, s21, s10, $0xb8;
	[tilespmem:$0x5E20] =	vst v63  }
0x519: {  	_ =	swait.ge [sflag:s8], $0x2000  }
0x51a: {  	s30 =	sld [smem:$0x7A0]  }
0x51b: {  	[sflag:s8] =	ssyncset.done $0x0  }
0x51c: {  	[sflag:s8] =	ssyncadd.s32 $0xFFFFE000  }
0x51d: {  	[hbm4b:s30+s1] =	stream.linear.scatter [tilespmem:s6], [sflag:$0x3], $0x2000, $0x38;
	[tilespmem:$0x5E20] =	vst v63  }
0x51e: {  	_ =	swait.ge [sflag:s4], $0x2000  }
0x51f: {  	[sflag:s4] =	ssyncset.done $0x0  }
0x520: {  	[sflag:s4] =	ssyncadd.s32 $0xFFFFE000  }
0x521: {  	[tilespmem:s6], [sflag:$0x5] =	stream.linear.gather [spmem:s0], $0x2000, $0x38;
	[tilespmem:$0x5E20] =	vst v63  }
0x522: {  	_ =	swait.ge [sflag:s9], $0x2000  }
0x523: {  	s21 =	sld [smem:$0x7D6]  }
0x524: {  	[sflag:s9] =	ssyncset.done $0x0  }
0x525: {  	[sflag:s9] =	ssyncadd.s32 $0xFFFFE000  }
0x526: {  	[tilespmem:s6], [sflag:$0x1] =	stream.indirect.gather.add.f32 [hbm:s2], $0x40, s21, s10, $0xb8;
	[tilespmem:$0x5E20] =	vst v63  }
0x527: {  	_ =	swait.ge [sflag:s7], $0x2000  }
0x528: {  	s30 =	sld [smem:$0x7A1]  }
0x529: {  	[sflag:s7] =	ssyncset.done $0x0  }
0x52a: {  	[sflag:s7] =	ssyncadd.s32 $0xFFFFE000  }
0x52b: {  	[hbm4b:s30+s1] =	stream.linear.scatter [tilespmem:s5], [sflag:$0x4], $0x2000, $0x38;
	[tilespmem:$0x5E20] =	vst v63  }
0x52c: {  	_ =	swait.ge [sflag:s3], $0x2000  }
0x52d: {  	[sflag:s3] =	ssyncset.done $0x0  }
0x52e: {  	[sflag:s3] =	ssyncadd.s32 $0xFFFFE000  }
0x52f: {  	[tilespmem:s5], [sflag:$0x5] =	stream.linear.gather [spmem:s31], $0x2000, $0x38;
	[tilespmem:$0x5E20] =	vst v63  }
0x530: {  	_ =	swait.ge [sflag:s9], $0x2000  }
0x531: {  	s0 =	sld [smem:$0x7D8]  }
0x532: {  	[sflag:s9] =	ssyncset.done $0x0  }
0x533: {  	[sflag:s9] =	ssyncadd.s32 $0xFFFFE000  }
0x534: {  	[tilespmem:s5], [sflag:$0x2] =	stream.indirect.gather.add.f32 [hbm:s2], $0x40, s0, s10, $0xb8;
	[tilespmem:$0x5E20] =	vst v63  }
0x535: {  	_ =	swait.ge [sflag:s8], $0x2000  }
0x536: {  	s21 =	sld [smem:$0x7A2]  }
0x537: {  	[sflag:s8] =	ssyncset.done $0x0  }
0x538: {  	[sflag:s8] =	ssyncadd.s32 $0xFFFFE000  }
0x539: {  	[hbm4b:s21+s1] =	stream.linear.scatter [tilespmem:s6], [sflag:$0x3], $0x2000, $0x38;
	[tilespmem:$0x5E20] =	vst v63  }
0x53a: {  	_ =	swait.ge [sflag:s4], $0x2000  }
0x53b: {  	[sflag:s4] =	ssyncset.done $0x0  }
0x53c: {  	[sflag:s4] =	ssyncadd.s32 $0xFFFFE000  }
0x53d: {  	[tilespmem:s6], [sflag:$0x5] =	stream.linear.gather [spmem:s29], $0x2000, $0x38;
	[tilespmem:$0x5E20] =	vst v63  }
0x53e: {  	_ =	swait.ge [sflag:s9], $0x2000  }
0x53f: {  	s30 =	sld [smem:$0x7DA]  }
0x540: {  	[sflag:s9] =	ssyncset.done $0x0  }
0x541: {  	[sflag:s9] =	ssyncadd.s32 $0xFFFFE000  }
0x542: {  	[tilespmem:s6], [sflag:$0x1] =	stream.indirect.gather.add.f32 [hbm:s2], $0x40, s30, s10, $0xb8;
	[tilespmem:$0x5E20] =	vst v63  }
0x543: {  	_ =	swait.ge [sflag:s7], $0x2000  }
0x544: {  	s31 =	sld [smem:$0x7A3]  }
0x545: {  	[sflag:s7] =	ssyncset.done $0x0  }
0x546: {  	[sflag:s7] =	ssyncadd.s32 $0xFFFFE000  }
0x547: {  	[hbm4b:s31+s1] =	stream.linear.scatter [tilespmem:s5], [sflag:$0x4], $0x2000, $0x38;
	[tilespmem:$0x5E20] =	vst v63  }
0x548: {  	_ =	swait.ge [sflag:s3], $0x2000  }
0x549: {  	[sflag:s3] =	ssyncset.done $0x0  }
0x54a: {  	[sflag:s3] =	ssyncadd.s32 $0xFFFFE000  }
0x54b: {  	[tilespmem:s5], [sflag:$0x5] =	stream.linear.gather [spmem:s28], $0x2000, $0x38;
	[tilespmem:$0x5E20] =	vst v63  }
0x54c: {  	_ =	swait.ge [sflag:s9], $0x2000  }
0x54d: {  	s0 =	sld [smem:$0x7DC]  }
0x54e: {  	[sflag:s9] =	ssyncset.done $0x0  }
0x54f: {  	[sflag:s9] =	ssyncadd.s32 $0xFFFFE000  }
0x550: {  	[tilespmem:s5], [sflag:$0x2] =	stream.indirect.gather.add.f32 [hbm:s2], $0x40, s0, s10, $0xb8;
	[tilespmem:$0x5E20] =	vst v63  }
0x551: {  	_ =	swait.ge [sflag:s8], $0x2000  }
0x552: {  	s21 =	sld [smem:$0x7A4]  }
0x553: {  	[sflag:s8] =	ssyncset.done $0x0  }
0x554: {  	[sflag:s8] =	ssyncadd.s32 $0xFFFFE000  }
0x555: {  	[hbm4b:s21+s1] =	stream.linear.scatter [tilespmem:s6], [sflag:$0x3], $0x2000, $0x38;
	[tilespmem:$0x5E20] =	vst v63  }
0x556: {  	_ =	swait.ge [sflag:s4], $0x2000  }
0x557: {  	[sflag:s4] =	ssyncset.done $0x0  }
0x558: {  	[sflag:s4] =	ssyncadd.s32 $0xFFFFE000  }
0x559: {  	[tilespmem:s6], [sflag:$0x5] =	stream.linear.gather [spmem:s26], $0x2000, $0x38;
	[tilespmem:$0x5E20] =	vst v63  }
0x55a: {  	_ =	swait.ge [sflag:s9], $0x2000  }
0x55b: {  	s26 =	sld [smem:$0x7DE]  }
0x55c: {  	[sflag:s9] =	ssyncset.done $0x0  }
0x55d: {  	[sflag:s9] =	ssyncadd.s32 $0xFFFFE000  }
0x55e: {  	[tilespmem:s6], [sflag:$0x1] =	stream.indirect.gather.add.f32 [hbm:s2], $0x40, s26, s10, $0xb8;
	[tilespmem:$0x5E20] =	vst v63  }
0x55f: {  	_ =	swait.ge [sflag:s7], $0x2000  }
0x560: {  	s28 =	sld [smem:$0x7A5]  }
0x561: {  	[sflag:s7] =	ssyncset.done $0x0  }
0x562: {  	[sflag:s7] =	ssyncadd.s32 $0xFFFFE000  }
0x563: {  	[hbm4b:s28+s1] =	stream.linear.scatter [tilespmem:s5], [sflag:$0x4], $0x2000, $0x38;
	[tilespmem:$0x5E20] =	vst v63  }
0x564: {  	_ =	swait.ge [sflag:s3], $0x2000  }
0x565: {  	[sflag:s3] =	ssyncset.done $0x0  }
0x566: {  	[sflag:s3] =	ssyncadd.s32 $0xFFFFE000  }
0x567: {  	[tilespmem:s5], [sflag:$0x5] =	stream.linear.gather [spmem:s25], $0x2000, $0x38;
	[tilespmem:$0x5E20] =	vst v63  }
0x568: {  	_ =	swait.ge [sflag:s9], $0x2000  }
0x569: {  	s29 =	sld [smem:$0x7E0]  }
0x56a: {  	[sflag:s9] =	ssyncset.done $0x0  }
0x56b: {  	[sflag:s9] =	ssyncadd.s32 $0xFFFFE000  }
0x56c: {  	[tilespmem:s5], [sflag:$0x2] =	stream.indirect.gather.add.f32 [hbm:s2], $0x40, s29, s10, $0xb8;
	[tilespmem:$0x5E20] =	vst v63  }
0x56d: {  	_ =	swait.ge [sflag:s8], $0x2000  }
0x56e: {  	s30 =	sld [smem:$0x7A6]  }
0x56f: {  	[sflag:s8] =	ssyncset.done $0x0  }
0x570: {  	[sflag:s8] =	ssyncadd.s32 $0xFFFFE000  }
0x571: {  	[hbm4b:s30+s1] =	stream.linear.scatter [tilespmem:s6], [sflag:$0x3], $0x2000, $0x38;
	[tilespmem:$0x5E20] =	vst v63  }
0x572: {  	_ =	swait.ge [sflag:s4], $0x2000  }
0x573: {  	[sflag:s4] =	ssyncset.done $0x0  }
0x574: {  	[sflag:s4] =	ssyncadd.s32 $0xFFFFE000  }
0x575: {  	[tilespmem:s6], [sflag:$0x5] =	stream.linear.gather [spmem:s24], $0x2000, $0x38;
	[tilespmem:$0x5E20] =	vst v63  }
0x576: {  	_ =	swait.ge [sflag:s9], $0x2000  }
0x577: {  	s31 =	sld [smem:$0x7E2]  }
0x578: {  	[sflag:s9] =	ssyncset.done $0x0  }
0x579: {  	[sflag:s9] =	ssyncadd.s32 $0xFFFFE000  }
0x57a: {  	[tilespmem:s6], [sflag:$0x1] =	stream.indirect.gather.add.f32 [hbm:s2], $0x40, s31, s10, $0xb8;
	[tilespmem:$0x5E20] =	vst v63  }
0x57b: {  	_ =	swait.ge [sflag:s7], $0x2000  }
0x57c: {  	s0 =	sld [smem:$0x7A7]  }
0x57d: {  	[sflag:s7] =	ssyncset.done $0x0  }
0x57e: {  	[sflag:s7] =	ssyncadd.s32 $0xFFFFE000  }
0x57f: {  	[hbm4b:s0+s1] =	stream.linear.scatter [tilespmem:s5], [sflag:$0x4], $0x2000, $0x38;
	[tilespmem:$0x5E20] =	vst v63  }
0x580: {  	_ =	swait.ge [sflag:s3], $0x2000  }
0x581: {  	[sflag:s3] =	ssyncset.done $0x0  }
0x582: {  	[sflag:s3] =	ssyncadd.s32 $0xFFFFE000  }
0x583: {  	[tilespmem:s5], [sflag:$0x5] =	stream.linear.gather [spmem:s22], $0x2000, $0x38;
	[tilespmem:$0x5E20] =	vst v63  }
0x584: {  	_ =	swait.ge [sflag:s9], $0x2000  }
0x585: {  	s21 =	sld [smem:$0x7E4]  }
0x586: {  	[sflag:s9] =	ssyncset.done $0x0  }
0x587: {  	[sflag:s9] =	ssyncadd.s32 $0xFFFFE000  }
0x588: {  	[tilespmem:s5], [sflag:$0x2] =	stream.indirect.gather.add.f32 [hbm:s2], $0x40, s21, s10, $0xb8;
	[tilespmem:$0x5E20] =	vst v63  }
0x589: {  	_ =	swait.ge [sflag:s8], $0x2000  }
0x58a: {  	s22 =	sld [smem:$0x7A8]  }
0x58b: {  	[sflag:s8] =	ssyncset.done $0x0  }
0x58c: {  	[sflag:s8] =	ssyncadd.s32 $0xFFFFE000  }
0x58d: {  	[hbm4b:s22+s1] =	stream.linear.scatter [tilespmem:s6], [sflag:$0x3], $0x2000, $0x38;
	[tilespmem:$0x5E20] =	vst v63  }
0x58e: {  	_ =	swait.ge [sflag:s4], $0x2000  }
0x58f: {  	[sflag:s4] =	ssyncset.done $0x0  }
0x590: {  	[sflag:s4] =	ssyncadd.s32 $0xFFFFE000  }
0x591: {  	[tilespmem:s6], [sflag:$0x5] =	stream.linear.gather [spmem:s20], $0x2000, $0x38;
	[tilespmem:$0x5E20] =	vst v63  }
0x592: {  	_ =	swait.ge [sflag:s9], $0x2000  }
0x593: {  	s24 =	sld [smem:$0x7E6]  }
0x594: {  	[sflag:s9] =	ssyncset.done $0x0  }
0x595: {  	[sflag:s9] =	ssyncadd.s32 $0xFFFFE000  }
0x596: {  	[tilespmem:s6], [sflag:$0x1] =	stream.indirect.gather.add.f32 [hbm:s2], $0x40, s24, s10, $0xb8;
	[tilespmem:$0x5E20] =	vst v63  }
0x597: {  	_ =	swait.ge [sflag:s7], $0x2000  }
0x598: {  	s25 =	sld [smem:$0x7A9]  }
0x599: {  	[sflag:s7] =	ssyncset.done $0x0  }
0x59a: {  	[sflag:s7] =	ssyncadd.s32 $0xFFFFE000  }
0x59b: {  	[hbm4b:s25+s1] =	stream.linear.scatter [tilespmem:s5], [sflag:$0x4], $0x2000, $0x38;
	[tilespmem:$0x5E20] =	vst v63  }
0x59c: {  	_ =	swait.ge [sflag:s3], $0x2000  }
0x59d: {  	[sflag:s3] =	ssyncset.done $0x0  }
0x59e: {  	[sflag:s3] =	ssyncadd.s32 $0xFFFFE000  }
0x59f: {  	[tilespmem:s5], [sflag:$0x5] =	stream.linear.gather [spmem:s18], $0x2000, $0x38;
	[tilespmem:$0x5E20] =	vst v63  }
0x5a0: {  	_ =	swait.ge [sflag:s9], $0x2000  }
0x5a1: {  	s26 =	sld [smem:$0x7E8]  }
0x5a2: {  	[sflag:s9] =	ssyncset.done $0x0  }
0x5a3: {  	[sflag:s9] =	ssyncadd.s32 $0xFFFFE000  }
0x5a4: {  	[tilespmem:s5], [sflag:$0x2] =	stream.indirect.gather.add.f32 [hbm:s2], $0x40, s26, s10, $0xb8;
	[tilespmem:$0x5E20] =	vst v63  }
0x5a5: {  	_ =	swait.ge [sflag:s8], $0x2000  }
0x5a6: {  	s28 =	sld [smem:$0x7AA]  }
0x5a7: {  	[sflag:s8] =	ssyncset.done $0x0  }
0x5a8: {  	[sflag:s8] =	ssyncadd.s32 $0xFFFFE000  }
0x5a9: {  	[hbm4b:s28+s1] =	stream.linear.scatter [tilespmem:s6], [sflag:$0x3], $0x2000, $0x38;
	[tilespmem:$0x5E20] =	vst v63  }
0x5aa: {  	_ =	swait.ge [sflag:s4], $0x2000  }
0x5ab: {  	[sflag:s4] =	ssyncset.done $0x0  }
0x5ac: {  	[sflag:s4] =	ssyncadd.s32 $0xFFFFE000  }
0x5ad: {  	[tilespmem:s6], [sflag:$0x5] =	stream.linear.gather [spmem:s23], $0x2000, $0x38;
	[tilespmem:$0x5E20] =	vst v63  }
0x5ae: {  	_ =	swait.ge [sflag:s9], $0x2000  }
0x5af: {  	s29 =	sld [smem:$0x7EA]  }
0x5b0: {  	[sflag:s9] =	ssyncset.done $0x0  }
0x5b1: {  	[sflag:s9] =	ssyncadd.s32 $0xFFFFE000  }
0x5b2: {  	[tilespmem:s6], [sflag:$0x1] =	stream.indirect.gather.add.f32 [hbm:s2], $0x40, s29, s10, $0xb8;
	[tilespmem:$0x5E20] =	vst v63  }
0x5b3: {  	_ =	swait.ge [sflag:s7], $0x2000  }
0x5b4: {  	s30 =	sld [smem:$0x7AB]  }
0x5b5: {  	[sflag:s7] =	ssyncset.done $0x0  }
0x5b6: {  	[sflag:s7] =	ssyncadd.s32 $0xFFFFE000  }
0x5b7: {  	[hbm4b:s30+s1] =	stream.linear.scatter [tilespmem:s5], [sflag:$0x4], $0x2000, $0x38;
	[tilespmem:$0x5E20] =	vst v63  }
0x5b8: {  	_ =	swait.ge [sflag:s3], $0x2000  }
0x5b9: {  	[sflag:s3] =	ssyncset.done $0x0  }
0x5ba: {  	[sflag:s3] =	ssyncadd.s32 $0xFFFFE000  }
0x5bb: {  	[tilespmem:s5], [sflag:$0x5] =	stream.linear.gather [spmem:s15], $0x2000, $0x38;
	[tilespmem:$0x5E20] =	vst v63  }
0x5bc: {  	_ =	swait.ge [sflag:s9], $0x2000  }
0x5bd: {  	s31 =	sld [smem:$0x7EC]  }
0x5be: {  	[sflag:s9] =	ssyncset.done $0x0  }
0x5bf: {  	[sflag:s9] =	ssyncadd.s32 $0xFFFFE000  }
0x5c0: {  	[tilespmem:s5], [sflag:$0x2] =	stream.indirect.gather.add.f32 [hbm:s2], $0x40, s31, s10, $0xb8;
	[tilespmem:$0x5E20] =	vst v63  }
0x5c1: {  	_ =	swait.ge [sflag:s8], $0x2000  }
0x5c2: {  	s0 =	sld [smem:$0x7AC]  }
0x5c3: {  	[sflag:s8] =	ssyncset.done $0x0  }
0x5c4: {  	[sflag:s8] =	ssyncadd.s32 $0xFFFFE000  }
0x5c5: {  	[hbm4b:s0+s1] =	stream.linear.scatter [tilespmem:s6], [sflag:$0x3], $0x2000, $0x38;
	[tilespmem:$0x5E20] =	vst v63  }
0x5c6: {  	_ =	swait.ge [sflag:s4], $0x2000  }
0x5c7: {  	[sflag:s4] =	ssyncset.done $0x0  }
0x5c8: {  	[sflag:s4] =	ssyncadd.s32 $0xFFFFE000  }
0x5c9: {  	[tilespmem:s6], [sflag:$0x5] =	stream.linear.gather [spmem:s13], $0x2000, $0x38;
	[tilespmem:$0x5E20] =	vst v63  }
0x5ca: {  	_ =	swait.ge [sflag:s9], $0x2000  }
0x5cb: {  	s13 =	sld [smem:$0x7EE]  }
0x5cc: {  	[sflag:s9] =	ssyncset.done $0x0  }
0x5cd: {  	[sflag:s9] =	ssyncadd.s32 $0xFFFFE000  }
0x5ce: {  	[tilespmem:s6], [sflag:$0x1] =	stream.indirect.gather.add.f32 [hbm:s2], $0x40, s13, s10, $0xb8;
	[tilespmem:$0x5E20] =	vst v63  }
0x5cf: {  	_ =	swait.ge [sflag:s7], $0x2000  }
0x5d0: {  	s15 =	sld [smem:$0x7AD]  }
0x5d1: {  	[sflag:s7] =	ssyncset.done $0x0  }
0x5d2: {  	[sflag:s7] =	ssyncadd.s32 $0xFFFFE000  }
0x5d3: {  	[hbm4b:s15+s1] =	stream.linear.scatter [tilespmem:s5], [sflag:$0x4], $0x2000, $0x38;
	[tilespmem:$0x5E20] =	vst v63  }
0x5d4: {  	_ =	swait.ge [sflag:s3], $0x2000  }
0x5d5: {  	s18 =	sld [smem:$0x7F9]  }
0x5d6: {  	[sflag:s3] =	ssyncset.done $0x0  }
0x5d7: {  	[sflag:s3] =	ssyncadd.s32 $0xFFFFE000  }
0x5d8: {  	[tilespmem:s5], [sflag:$0x5] =	stream.linear.gather [spmem:s18], $0x2000, $0x38;
	[tilespmem:$0x5E20] =	vst v63  }
0x5d9: {  	_ =	swait.ge [sflag:s9], $0x2000  }
0x5da: {  	s20 =	sld [smem:$0x7F0]  }
0x5db: {  	[sflag:s9] =	ssyncset.done $0x0  }
0x5dc: {  	[sflag:s9] =	ssyncadd.s32 $0xFFFFE000  }
0x5dd: {  	[tilespmem:s5], [sflag:$0x2] =	stream.indirect.gather.add.f32 [hbm:s2], $0x40, s20, s10, $0xb8;
	[tilespmem:$0x5E20] =	vst v63  }
0x5de: {  	_ =	swait.ge [sflag:s8], $0x2000  }
0x5df: {  	s21 =	sld [smem:$0x7AE]  }
0x5e0: {  	[sflag:s8] =	ssyncset.done $0x0  }
0x5e1: {  	[sflag:s8] =	ssyncadd.s32 $0xFFFFE000  }
0x5e2: {  	[hbm4b:s21+s1] =	stream.linear.scatter [tilespmem:s6], [sflag:$0x3], $0x2000, $0x38;
	[tilespmem:$0x5E20] =	vst v63  }
0x5e3: {  	_ =	swait.ge [sflag:s4], $0x2000  }
0x5e4: {  	[sflag:s4] =	ssyncset.done $0x0  }
0x5e5: {  	[sflag:s4] =	ssyncadd.s32 $0xFFFFE000  }
0x5e6: {  	[tilespmem:s6], [sflag:$0x5] =	stream.linear.gather [spmem:s19], $0x2000, $0x38;
	[tilespmem:$0x5E20] =	vst v63  }
0x5e7: {  	_ =	swait.ge [sflag:s9], $0x2000  }
0x5e8: {  	s22 =	sld [smem:$0x7F2]  }
0x5e9: {  	[sflag:s9] =	ssyncset.done $0x0  }
0x5ea: {  	[sflag:s9] =	ssyncadd.s32 $0xFFFFE000  }
0x5eb: {  	[tilespmem:s6], [sflag:$0x1] =	stream.indirect.gather.add.f32 [hbm:s2], $0x40, s22, s10, $0xb8;
	[tilespmem:$0x5E20] =	vst v63  }
0x5ec: {  	_ =	swait.ge [sflag:s7], $0x2000  }
0x5ed: {  	s23 =	sld [smem:$0x7AF]  }
0x5ee: {  	[sflag:s7] =	ssyncset.done $0x0  }
0x5ef: {  	[sflag:s7] =	ssyncadd.s32 $0xFFFFE000  }
0x5f0: {  	[hbm4b:s23+s1] =	stream.linear.scatter [tilespmem:s5], [sflag:$0x4], $0x2000, $0x38;
	[tilespmem:$0x5E20] =	vst v63  }
0x5f1: {  	_ =	swait.ge [sflag:s3], $0x2000  }
0x5f2: {  	[sflag:s3] =	ssyncset.done $0x0  }
0x5f3: {  	[sflag:s3] =	ssyncadd.s32 $0xFFFFE000  }
0x5f4: {  	[tilespmem:s5], [sflag:$0x5] =	stream.linear.gather [spmem:s14], $0x2000, $0x38;
	[tilespmem:$0x5E20] =	vst v63  }
0x5f5: {  	_ =	swait.ge [sflag:s9], $0x2000  }
0x5f6: {  	s24 =	sld [smem:$0x7F4]  }
0x5f7: {  	[sflag:s9] =	ssyncset.done $0x0  }
0x5f8: {  	[sflag:s9] =	ssyncadd.s32 $0xFFFFE000  }
0x5f9: {  	[tilespmem:s5], [sflag:$0x2] =	stream.indirect.gather.add.f32 [hbm:s2], $0x40, s24, s10, $0xb8;
	[tilespmem:$0x5E20] =	vst v63  }
0x5fa: {  	_ =	swait.ge [sflag:s8], $0x2000  }
0x5fb: {  	s25 =	sld [smem:$0x7B0]  }
0x5fc: {  	[sflag:s8] =	ssyncset.done $0x0  }
0x5fd: {  	[sflag:s8] =	ssyncadd.s32 $0xFFFFE000  }
0x5fe: {  	[hbm4b:s25+s1] =	stream.linear.scatter [tilespmem:s6], [sflag:$0x3], $0x2000, $0x38;
	[tilespmem:$0x5E20] =	vst v63  }
0x5ff: {  	_ =	swait.ge [sflag:s4], $0x2000  }
0x600: {  	[sflag:s4] =	ssyncset.done $0x0  }
0x601: {  	[sflag:s4] =	ssyncadd.s32 $0xFFFFE000  }
0x602: {  	[tilespmem:s6], [sflag:$0x5] =	stream.linear.gather [spmem:s12], $0x2000, $0x38;
	[tilespmem:$0x5E20] =	vst v63  }
0x603: {  	_ =	swait.ge [sflag:s9], $0x2000  }
0x604: {  	s26 =	sld [smem:$0x7F5]  }
0x605: {  	[sflag:s9] =	ssyncset.done $0x0  }
0x606: {  	[sflag:s9] =	ssyncadd.s32 $0xFFFFE000  }
0x607: {  	[tilespmem:s6], [sflag:$0x1] =	stream.indirect.gather.add.f32 [hbm:s2], $0x40, s26, s10, $0xb8;
	[tilespmem:$0x5E20] =	vst v63  }
0x608: {  	_ =	swait.ge [sflag:s7], $0x2000  }
0x609: {  	s28 =	sld [smem:$0x7B1]  }
0x60a: {  	[sflag:s7] =	ssyncset.done $0x0  }
0x60b: {  	[sflag:s7] =	ssyncadd.s32 $0xFFFFE000  }
0x60c: {  	[hbm4b:s28+s1] =	stream.linear.scatter [tilespmem:s5], [sflag:$0x4], $0x2000, $0x38;
	[tilespmem:$0x5E20] =	vst v63  }
0x60d: {  	_ =	swait.ge [sflag:s3], $0x2000  }
0x60e: {  	[sflag:s3] =	ssyncset.done $0x0  }
0x60f: {  	[sflag:s3] =	ssyncadd.s32 $0xFFFFE000  }
0x610: {  	[tilespmem:s5], [sflag:$0x5] =	stream.linear.gather [spmem:s11], $0x2000, $0x38;
	[tilespmem:$0x5E20] =	vst v63  }
0x611: {  	_ =	swait.ge [sflag:s9], $0x2000  }
0x612: {  	s29 =	sld [smem:$0x7F7]  }
0x613: {  	[sflag:s9] =	ssyncset.done $0x0  }
0x614: {  	[sflag:s9] =	ssyncadd.s32 $0xFFFFE000  }
0x615: {  	[tilespmem:s5], [sflag:$0x2] =	stream.indirect.gather.add.f32 [hbm:s2], $0x40, s29, s10, $0xb8;
	[tilespmem:$0x5E20] =	vst v63  }
0x616: {  	_ =	swait.ge [sflag:s8], $0x2000  }
0x617: {  	s30 =	sld [smem:$0x7B2]  }
0x618: {  	[sflag:s8] =	ssyncset.done $0x0  }
0x619: {  	[sflag:s8] =	ssyncadd.s32 $0xFFFFE000  }
0x61a: {  	[hbm4b:s30+s1] =	stream.linear.scatter [tilespmem:s6], [sflag:$0x3], $0x2000, $0x38;
	[tilespmem:$0x5E20] =	vst v63  }
0x61b: {  	_ =	swait.ge [sflag:s7], $0x2000  }
0x61c: {  	s31 =	sld [smem:$0x7B3]  }
0x61d: {  	s16 =	sadd.s32 $0xFFFFFFFF, s16;
	[sflag:s7] =	ssyncset.done $0x0  }
0x61e: {  	p2 =	sne.s32 s16, $0x0;
	[sflag:s7] =	ssyncadd.s32 $0xFFFFE000  }
0x61f: {  	[hbm4b:s31+s1] =	stream.linear.scatter [tilespmem:s5], [sflag:$0x4], $0x2000, $0x38;
	[tilespmem:$0x5E20] =	vst v63  }
.Ltmp2:
0x620: {  	_ =	swait.ge [sflag:s4], $0x2000;
	(pc) =	sbr.rel @p2 .LBB2_4-.Ltmp2, $4  }
0x621: {  	[sflag:s4] =	ssyncset.done $0x0  }
0x622: {  	[sflag:s4] =	ssyncadd.s32 $0xFFFFE000  }
0x623: {  	_ =	swait.ge [sflag:s3], $0x2000  }
0x624: {  	s17 =	rddreg [dreg:$0x4];
	[sflag:s3] =	ssyncset.done $0x0  }
0x625: {  	s16 =	sld [smem:$0x7CE]  }
0x626: {  	s21 =	sld [smem:$0x7E1]  }
0x627: {  	s13 =	sld [smem:$0x7E3]  }
0x628: {  	s12 =	sld [smem:$0x7E5]  }
0x629: {  	s20 =	sld [smem:$0x7E9]  }
0x62a: {  	s0 =	sld [smem:$0x7EB]  }
0x62b: {  	s19 =	sld [smem:$0x7ED]  }
0x62c: {  	s22 =	sld [smem:$0x7F9]  }
0x62d: {  	s18 =	sld [smem:$0x79B]  }
.LBB2_6:
0x62e: {  	[sflag:s3] =	ssyncadd.s32 @p1 $0xFFFFE000  }
0x62f: {  	[tilespmem:s1], [sflag:$0x5] =	stream.linear.gather [hbm4b:s17+s1], $0x1900, $0x38;
	[tilespmem:$0x5E20] =	vst v63  }
0x630: {  	_ =	swait.ge [sflag:s9], $0x1900  }
0x631: {  	[sflag:s9] =	ssyncset.done $0x0  }
0x632: {  	s15 =	simm.s32 @!p0 $0x1C05;
	[sflag:s9] =	ssyncadd.s32 $0xFFFFE700  }
0x633: {  	[spmem:s18], [sflag:s15] =	dma.local @!p0 [hbm:s16], $0x640  }
0x634: {  	s14 =	smov.u32 s16;
	s16 =	simm.s32 @!p0 $0x5  }
0x635: {  	_ =	swait.ge @!p0 [sflag:s16], $0x640  }
0x636: {  	s17 =	sld [smem:$0x7B4]  }
0x637: {  	[sflag:s16] =	ssyncset.done @!p0 $0x0  }
0x638: {  	[sflag:s16] =	ssyncadd.s32 @!p0 $0xFFFFF9C0  }
0x639: {  	[spmem:s17], [sflag:s15] =	dma.local @!p0 [hbm:s14], $0x400  }
0x63a: {  	_ =	swait.ge @!p0 [sflag:s16], $0x400  }
0x63b: {  	[sflag:s16] =	ssyncset.done @!p0 $0x0  }
0x63c: {  	[sflag:s16] =	ssyncadd.s32 @!p0 $0xFFFFFC00  }
0x63d: {  	[bflag:$0x0] =	sbarrier.arrive $0xFFFF  }
0x63e: {  	s18 =	rddreg [dreg:$0x2]  }
0x63f: {  	[tilespmem:s6], [sflag:$0x5] =	stream.linear.gather [spmem:s18], $0x2000, $0x38;
	[tilespmem:$0x5E20] =	vst v63  }
0x640: {  	_ =	swait.ge [sflag:s9], $0x2000  }
0x641: {  	[sflag:s9] =	ssyncset.done $0x0  }
0x642: {  	s15 =	sld [smem:$0x7D3];
	[sflag:s9] =	ssyncadd.s32 $0xFFFFE000  }
0x643: {  	[tilespmem:s6], [sflag:$0x1] =	stream.indirect.gather.add.f32 [hbm:s2], $0x40, s1, s10, $0xb8;
	[tilespmem:$0x5E20] =	vst v63  }
0x644: {  	_ = 	snop  }
0x645: {  	[tilespmem:s5], [sflag:$0x5] =	stream.linear.gather [spmem:s15], $0x2000, $0x38;
	[tilespmem:$0x5E20] =	vst v63  }
0x646: {  	_ =	swait.ge [sflag:s9], $0x2000  }
0x647: {  	[sflag:s9] =	ssyncset.done $0x0  }
0x648: {  	[sflag:s9] =	ssyncadd.s32 $0xFFFFE000  }
0x649: {  	[tilespmem:s5], [sflag:$0x2] =	stream.indirect.gather.add.f32 [hbm:s2], $0x40, s10, s10, $0xb8;
	[tilespmem:$0x5E20] =	vst v63  }
0x64a: {  	_ =	swait.ge [sflag:s8], $0x2000  }
0x64b: {  	s24 =	sld [smem:$0x79D]  }
0x64c: {  	[sflag:s8] =	ssyncset.done $0x0  }
0x64d: {  	[sflag:s8] =	ssyncadd.s32 $0xFFFFE000  }
0x64e: {  	[hbm4b:s24+s1] =	stream.linear.scatter [tilespmem:s6], [sflag:$0x3], $0x2000, $0x38;
	[tilespmem:$0x5E20] =	vst v63  }
0x64f: {  	_ =	swait.ge [sflag:s4], $0x2000  }
0x650: {  	s25 =	sld [smem:$0x7D5]  }
0x651: {  	[sflag:s4] =	ssyncset.done $0x0  }
0x652: {  	[sflag:s4] =	ssyncadd.s32 $0xFFFFE000  }
0x653: {  	[tilespmem:s6], [sflag:$0x5] =	stream.linear.gather [spmem:s25], $0x2000, $0x38;
	[tilespmem:$0x5E20] =	vst v63  }
0x654: {  	_ =	swait.ge [sflag:s9], $0x2000  }
0x655: {  	s26 =	sld [smem:$0x7B5]  }
0x656: {  	[sflag:s9] =	ssyncset.done $0x0  }
0x657: {  	[sflag:s9] =	ssyncadd.s32 $0xFFFFE000  }
0x658: {  	[tilespmem:s6], [sflag:$0x1] =	stream.indirect.gather.add.f32 [hbm:s2], $0x40, s26, s10, $0xb8;
	[tilespmem:$0x5E20] =	vst v63  }
0x659: {  	_ =	swait.ge [sflag:s7], $0x2000  }
0x65a: {  	[sflag:s7] =	ssyncset.done $0x0  }
0x65b: {  	s28 =	rddreg [dreg:$0x5];
	[sflag:s7] =	ssyncadd.s32 $0xFFFFE000  }
0x65c: {  	[hbm4b:s28+s1] =	stream.linear.scatter [tilespmem:s5], [sflag:$0x4], $0x2000, $0x38;
	[tilespmem:$0x5E20] =	vst v63  }
0x65d: {  	_ =	swait.ge [sflag:s3], $0x2000  }
0x65e: {  	s29 =	sld [smem:$0x7D7]  }
0x65f: {  	[sflag:s3] =	ssyncset.done $0x0  }
0x660: {  	[sflag:s3] =	ssyncadd.s32 $0xFFFFE000  }
0x661: {  	[tilespmem:s5], [sflag:$0x5] =	stream.linear.gather [spmem:s29], $0x2000, $0x38;
	[tilespmem:$0x5E20] =	vst v63  }
0x662: {  	_ =	swait.ge [sflag:s9], $0x2000  }
0x663: {  	s30 =	sld [smem:$0x7B6]  }
0x664: {  	[sflag:s9] =	ssyncset.done $0x0  }
0x665: {  	[sflag:s9] =	ssyncadd.s32 $0xFFFFE000  }
0x666: {  	[tilespmem:s5], [sflag:$0x2] =	stream.indirect.gather.add.f32 [hbm:s2], $0x40, s30, s10, $0xb8;
	[tilespmem:$0x5E20] =	vst v63  }
0x667: {  	_ =	swait.ge [sflag:s8], $0x2000  }
0x668: {  	[sflag:s8] =	ssyncset.done $0x0  }
0x669: {  	s31 =	rddreg [dreg:$0x6];
	[sflag:s8] =	ssyncadd.s32 $0xFFFFE000  }
0x66a: {  	[hbm4b:s31+s1] =	stream.linear.scatter [tilespmem:s6], [sflag:$0x3], $0x2000, $0x38;
	[tilespmem:$0x5E20] =	vst v63  }
0x66b: {  	_ =	swait.ge [sflag:s4], $0x2000  }
0x66c: {  	s11 =	sld [smem:$0x7D9]  }
0x66d: {  	[sflag:s4] =	ssyncset.done $0x0  }
0x66e: {  	[sflag:s4] =	ssyncadd.s32 $0xFFFFE000  }
0x66f: {  	[tilespmem:s6], [sflag:$0x5] =	stream.linear.gather [spmem:s11], $0x2000, $0x38;
	[tilespmem:$0x5E20] =	vst v63  }
0x670: {  	_ =	swait.ge [sflag:s9], $0x2000  }
0x671: {  	s16 =	sld [smem:$0x7B7]  }
0x672: {  	[sflag:s9] =	ssyncset.done $0x0  }
0x673: {  	[sflag:s9] =	ssyncadd.s32 $0xFFFFE000  }
0x674: {  	[tilespmem:s6], [sflag:$0x1] =	stream.indirect.gather.add.f32 [hbm:s2], $0x40, s16, s10, $0xb8;
	[tilespmem:$0x5E20] =	vst v63  }
0x675: {  	_ =	swait.ge [sflag:s7], $0x2000  }
0x676: {  	[sflag:s7] =	ssyncset.done $0x0  }
0x677: {  	s17 =	rddreg [dreg:$0x7];
	[sflag:s7] =	ssyncadd.s32 $0xFFFFE000  }
0x678: {  	[hbm4b:s17+s1] =	stream.linear.scatter [tilespmem:s5], [sflag:$0x4], $0x2000, $0x38;
	[tilespmem:$0x5E20] =	vst v63  }
0x679: {  	_ =	swait.ge [sflag:s3], $0x2000  }
0x67a: {  	s23 =	sld [smem:$0x7DB]  }
0x67b: {  	[sflag:s3] =	ssyncset.done $0x0  }
0x67c: {  	[sflag:s3] =	ssyncadd.s32 $0xFFFFE000  }
0x67d: {  	[tilespmem:s5], [sflag:$0x5] =	stream.linear.gather [spmem:s23], $0x2000, $0x38;
	[tilespmem:$0x5E20] =	vst v63  }
0x67e: {  	_ =	swait.ge [sflag:s9], $0x2000  }
0x67f: {  	s24 =	sld [smem:$0x7B8]  }
0x680: {  	[sflag:s9] =	ssyncset.done $0x0  }
0x681: {  	[sflag:s9] =	ssyncadd.s32 $0xFFFFE000  }
0x682: {  	[tilespmem:s5], [sflag:$0x2] =	stream.indirect.gather.add.f32 [hbm:s2], $0x40, s24, s10, $0xb8;
	[tilespmem:$0x5E20] =	vst v63  }
0x683: {  	_ =	swait.ge [sflag:s8], $0x2000  }
0x684: {  	[sflag:s8] =	ssyncset.done $0x0  }
0x685: {  	s25 =	rddreg [dreg:$0x8];
	[sflag:s8] =	ssyncadd.s32 $0xFFFFE000  }
0x686: {  	[hbm4b:s25+s1] =	stream.linear.scatter [tilespmem:s6], [sflag:$0x3], $0x2000, $0x38;
	[tilespmem:$0x5E20] =	vst v63  }
0x687: {  	_ =	swait.ge [sflag:s4], $0x2000  }
0x688: {  	s26 =	sld [smem:$0x7DD]  }
0x689: {  	[sflag:s4] =	ssyncset.done $0x0  }
0x68a: {  	[sflag:s4] =	ssyncadd.s32 $0xFFFFE000  }
0x68b: {  	[tilespmem:s6], [sflag:$0x5] =	stream.linear.gather [spmem:s26], $0x2000, $0x38;
	[tilespmem:$0x5E20] =	vst v63  }
0x68c: {  	_ =	swait.ge [sflag:s9], $0x2000  }
0x68d: {  	s28 =	sld [smem:$0x7B9]  }
0x68e: {  	[sflag:s9] =	ssyncset.done $0x0  }
0x68f: {  	[sflag:s9] =	ssyncadd.s32 $0xFFFFE000  }
0x690: {  	[tilespmem:s6], [sflag:$0x1] =	stream.indirect.gather.add.f32 [hbm:s2], $0x40, s28, s10, $0xb8;
	[tilespmem:$0x5E20] =	vst v63  }
0x691: {  	_ =	swait.ge [sflag:s7], $0x2000  }
0x692: {  	[sflag:s7] =	ssyncset.done $0x0  }
0x693: {  	s29 =	rddreg [dreg:$0x9];
	[sflag:s7] =	ssyncadd.s32 $0xFFFFE000  }
0x694: {  	[hbm4b:s29+s1] =	stream.linear.scatter [tilespmem:s5], [sflag:$0x4], $0x2000, $0x38;
	[tilespmem:$0x5E20] =	vst v63  }
0x695: {  	_ =	swait.ge [sflag:s3], $0x2000  }
0x696: {  	s30 =	sld [smem:$0x7DF]  }
0x697: {  	[sflag:s3] =	ssyncset.done $0x0  }
0x698: {  	[sflag:s3] =	ssyncadd.s32 $0xFFFFE000  }
0x699: {  	[tilespmem:s5], [sflag:$0x5] =	stream.linear.gather [spmem:s30], $0x2000, $0x38;
	[tilespmem:$0x5E20] =	vst v63  }
0x69a: {  	_ =	swait.ge [sflag:s9], $0x2000  }
0x69b: {  	s31 =	sld [smem:$0x7BA]  }
0x69c: {  	[sflag:s9] =	ssyncset.done $0x0  }
0x69d: {  	[sflag:s9] =	ssyncadd.s32 $0xFFFFE000  }
0x69e: {  	[tilespmem:s5], [sflag:$0x2] =	stream.indirect.gather.add.f32 [hbm:s2], $0x40, s31, s10, $0xb8;
	[tilespmem:$0x5E20] =	vst v63  }
0x69f: {  	_ =	swait.ge [sflag:s8], $0x2000  }
0x6a0: {  	[sflag:s8] =	ssyncset.done $0x0  }
0x6a1: {  	s11 =	rddreg [dreg:$0xa];
	[sflag:s8] =	ssyncadd.s32 $0xFFFFE000  }
0x6a2: {  	[hbm4b:s11+s1] =	stream.linear.scatter [tilespmem:s6], [sflag:$0x3], $0x2000, $0x38;
	[tilespmem:$0x5E20] =	vst v63  }
0x6a3: {  	_ =	swait.ge [sflag:s4], $0x2000  }
0x6a4: {  	[sflag:s4] =	ssyncset.done $0x0  }
0x6a5: {  	[sflag:s4] =	ssyncadd.s32 $0xFFFFE000  }
0x6a6: {  	[tilespmem:s6], [sflag:$0x5] =	stream.linear.gather [spmem:s21], $0x2000, $0x38;
	[tilespmem:$0x5E20] =	vst v63  }
0x6a7: {  	_ =	swait.ge [sflag:s9], $0x2000  }
0x6a8: {  	s16 =	sld [smem:$0x7BB]  }
0x6a9: {  	[sflag:s9] =	ssyncset.done $0x0  }
0x6aa: {  	[sflag:s9] =	ssyncadd.s32 $0xFFFFE000  }
0x6ab: {  	[tilespmem:s6], [sflag:$0x1] =	stream.indirect.gather.add.f32 [hbm:s2], $0x40, s16, s10, $0xb8;
	[tilespmem:$0x5E20] =	vst v63  }
0x6ac: {  	_ =	swait.ge [sflag:s7], $0x2000  }
0x6ad: {  	[sflag:s7] =	ssyncset.done $0x0  }
0x6ae: {  	s17 =	rddreg [dreg:$0xb];
	[sflag:s7] =	ssyncadd.s32 $0xFFFFE000  }
0x6af: {  	[hbm4b:s17+s1] =	stream.linear.scatter [tilespmem:s5], [sflag:$0x4], $0x2000, $0x38;
	[tilespmem:$0x5E20] =	vst v63  }
0x6b0: {  	_ =	swait.ge [sflag:s3], $0x2000  }
0x6b1: {  	[sflag:s3] =	ssyncset.done $0x0  }
0x6b2: {  	[sflag:s3] =	ssyncadd.s32 $0xFFFFE000  }
0x6b3: {  	[tilespmem:s5], [sflag:$0x5] =	stream.linear.gather [spmem:s13], $0x2000, $0x38;
	[tilespmem:$0x5E20] =	vst v63  }
0x6b4: {  	_ =	swait.ge [sflag:s9], $0x2000  }
0x6b5: {  	s21 =	sld [smem:$0x7BC]  }
0x6b6: {  	[sflag:s9] =	ssyncset.done $0x0  }
0x6b7: {  	[sflag:s9] =	ssyncadd.s32 $0xFFFFE000  }
0x6b8: {  	[tilespmem:s5], [sflag:$0x2] =	stream.indirect.gather.add.f32 [hbm:s2], $0x40, s21, s10, $0xb8;
	[tilespmem:$0x5E20] =	vst v63  }
0x6b9: {  	_ =	swait.ge [sflag:s8], $0x2000  }
0x6ba: {  	[sflag:s8] =	ssyncset.done $0x0  }
0x6bb: {  	s23 =	rddreg [dreg:$0xc];
	[sflag:s8] =	ssyncadd.s32 $0xFFFFE000  }
0x6bc: {  	[hbm4b:s23+s1] =	stream.linear.scatter [tilespmem:s6], [sflag:$0x3], $0x2000, $0x38;
	[tilespmem:$0x5E20] =	vst v63  }
0x6bd: {  	_ =	swait.ge [sflag:s4], $0x2000  }
0x6be: {  	[sflag:s4] =	ssyncset.done $0x0  }
0x6bf: {  	[sflag:s4] =	ssyncadd.s32 $0xFFFFE000  }
0x6c0: {  	[tilespmem:s6], [sflag:$0x5] =	stream.linear.gather [spmem:s12], $0x2000, $0x38;
	[tilespmem:$0x5E20] =	vst v63  }
0x6c1: {  	_ =	swait.ge [sflag:s9], $0x2000  }
0x6c2: {  	s24 =	sld [smem:$0x7BD]  }
0x6c3: {  	[sflag:s9] =	ssyncset.done $0x0  }
0x6c4: {  	[sflag:s9] =	ssyncadd.s32 $0xFFFFE000  }
0x6c5: {  	[tilespmem:s6], [sflag:$0x1] =	stream.indirect.gather.add.f32 [hbm:s2], $0x40, s24, s10, $0xb8;
	[tilespmem:$0x5E20] =	vst v63  }
0x6c6: {  	_ =	swait.ge [sflag:s7], $0x2000  }
0x6c7: {  	[sflag:s7] =	ssyncset.done $0x0  }
0x6c8: {  	s25 =	rddreg [dreg:$0xd];
	[sflag:s7] =	ssyncadd.s32 $0xFFFFE000  }
0x6c9: {  	[hbm4b:s25+s1] =	stream.linear.scatter [tilespmem:s5], [sflag:$0x4], $0x2000, $0x38;
	[tilespmem:$0x5E20] =	vst v63  }
0x6ca: {  	_ =	swait.ge [sflag:s3], $0x2000  }
0x6cb: {  	s26 =	sld [smem:$0x7E7]  }
0x6cc: {  	[sflag:s3] =	ssyncset.done $0x0  }
0x6cd: {  	[sflag:s3] =	ssyncadd.s32 $0xFFFFE000  }
0x6ce: {  	[tilespmem:s5], [sflag:$0x5] =	stream.linear.gather [spmem:s26], $0x2000, $0x38;
	[tilespmem:$0x5E20] =	vst v63  }
0x6cf: {  	_ =	swait.ge [sflag:s9], $0x2000  }
0x6d0: {  	s28 =	sld [smem:$0x7BE]  }
0x6d1: {  	[sflag:s9] =	ssyncset.done $0x0  }
0x6d2: {  	[sflag:s9] =	ssyncadd.s32 $0xFFFFE000  }
0x6d3: {  	[tilespmem:s5], [sflag:$0x2] =	stream.indirect.gather.add.f32 [hbm:s2], $0x40, s28, s10, $0xb8;
	[tilespmem:$0x5E20] =	vst v63  }
0x6d4: {  	_ =	swait.ge [sflag:s8], $0x2000  }
0x6d5: {  	[sflag:s8] =	ssyncset.done $0x0  }
0x6d6: {  	s29 =	rddreg [dreg:$0xe];
	[sflag:s8] =	ssyncadd.s32 $0xFFFFE000  }
0x6d7: {  	[hbm4b:s29+s1] =	stream.linear.scatter [tilespmem:s6], [sflag:$0x3], $0x2000, $0x38;
	[tilespmem:$0x5E20] =	vst v63  }
0x6d8: {  	_ =	swait.ge [sflag:s4], $0x2000  }
0x6d9: {  	[sflag:s4] =	ssyncset.done $0x0  }
0x6da: {  	[sflag:s4] =	ssyncadd.s32 $0xFFFFE000  }
0x6db: {  	[tilespmem:s6], [sflag:$0x5] =	stream.linear.gather [spmem:s20], $0x2000, $0x38;
	[tilespmem:$0x5E20] =	vst v63  }
0x6dc: {  	_ =	swait.ge [sflag:s9], $0x2000  }
0x6dd: {  	s30 =	sld [smem:$0x7BF]  }
0x6de: {  	[sflag:s9] =	ssyncset.done $0x0  }
0x6df: {  	[sflag:s9] =	ssyncadd.s32 $0xFFFFE000  }
0x6e0: {  	[tilespmem:s6], [sflag:$0x1] =	stream.indirect.gather.add.f32 [hbm:s2], $0x40, s30, s10, $0xb8;
	[tilespmem:$0x5E20] =	vst v63  }
0x6e1: {  	_ =	swait.ge [sflag:s7], $0x2000  }
0x6e2: {  	[sflag:s7] =	ssyncset.done $0x0  }
0x6e3: {  	s31 =	rddreg [dreg:$0xf];
	[sflag:s7] =	ssyncadd.s32 $0xFFFFE000  }
0x6e4: {  	[hbm4b:s31+s1] =	stream.linear.scatter [tilespmem:s5], [sflag:$0x4], $0x2000, $0x38;
	[tilespmem:$0x5E20] =	vst v63  }
0x6e5: {  	_ =	swait.ge [sflag:s3], $0x2000  }
0x6e6: {  	[sflag:s3] =	ssyncset.done $0x0  }
0x6e7: {  	[sflag:s3] =	ssyncadd.s32 $0xFFFFE000  }
0x6e8: {  	[tilespmem:s5], [sflag:$0x5] =	stream.linear.gather [spmem:s0], $0x2000, $0x38;
	[tilespmem:$0x5E20] =	vst v63  }
0x6e9: {  	_ =	swait.ge [sflag:s9], $0x2000  }
0x6ea: {  	s31 =	smov.u32 s0;
	s0 =	sld [smem:$0x7C0]  }
0x6eb: {  	[sflag:s9] =	ssyncset.done $0x0  }
0x6ec: {  	[sflag:s9] =	ssyncadd.s32 $0xFFFFE000  }
0x6ed: {  	[tilespmem:s5], [sflag:$0x2] =	stream.indirect.gather.add.f32 [hbm:s2], $0x40, s0, s10, $0xb8;
	[tilespmem:$0x5E20] =	vst v63  }
0x6ee: {  	_ =	swait.ge [sflag:s8], $0x2000  }
0x6ef: {  	[sflag:s8] =	ssyncset.done $0x0  }
0x6f0: {  	s11 =	rddreg [dreg:$0x10];
	[sflag:s8] =	ssyncadd.s32 $0xFFFFE000  }
0x6f1: {  	[hbm4b:s11+s1] =	stream.linear.scatter [tilespmem:s6], [sflag:$0x3], $0x2000, $0x38;
	[tilespmem:$0x5E20] =	vst v63  }
0x6f2: {  	_ =	swait.ge [sflag:s4], $0x2000  }
0x6f3: {  	[sflag:s4] =	ssyncset.done $0x0  }
0x6f4: {  	[sflag:s4] =	ssyncadd.s32 $0xFFFFE000  }
0x6f5: {  	[tilespmem:s6], [sflag:$0x5] =	stream.linear.gather [spmem:s19], $0x2000, $0x38;
	[tilespmem:$0x5E20] =	vst v63  }
0x6f6: {  	_ =	swait.ge [sflag:s9], $0x2000  }
0x6f7: {  	s21 =	smov.u32 s12;
	s12 =	sld [smem:$0x7C1]  }
0x6f8: {  	[sflag:s9] =	ssyncset.done $0x0  }
0x6f9: {  	[sflag:s9] =	ssyncadd.s32 $0xFFFFE000  }
0x6fa: {  	[tilespmem:s6], [sflag:$0x1] =	stream.indirect.gather.add.f32 [hbm:s2], $0x40, s12, s10, $0xb8;
	[tilespmem:$0x5E20] =	vst v63  }
0x6fb: {  	_ =	swait.ge [sflag:s7], $0x2000  }
0x6fc: {  	[sflag:s7] =	ssyncset.done $0x0  }
0x6fd: {  	s13 =	rddreg [dreg:$0x11];
	[sflag:s7] =	ssyncadd.s32 $0xFFFFE000  }
0x6fe: {  	[hbm4b:s13+s1] =	stream.linear.scatter [tilespmem:s5], [sflag:$0x4], $0x2000, $0x38;
	[tilespmem:$0x5E20] =	vst v63  }
0x6ff: {  	_ =	swait.ge [sflag:s3], $0x2000  }
0x700: {  	s29 =	sld [smem:$0x7EF]  }
0x701: {  	[sflag:s3] =	ssyncset.done $0x0  }
0x702: {  	[sflag:s3] =	ssyncadd.s32 $0xFFFFE000  }
0x703: {  	[tilespmem:s5], [sflag:$0x5] =	stream.linear.gather [spmem:s29], $0x2000, $0x38;
	[tilespmem:$0x5E20] =	vst v63  }
0x704: {  	_ =	swait.ge [sflag:s9], $0x2000  }
0x705: {  	s16 =	sld [smem:$0x7C2]  }
0x706: {  	[sflag:s9] =	ssyncset.done $0x0  }
0x707: {  	[sflag:s9] =	ssyncadd.s32 $0xFFFFE000  }
0x708: {  	[tilespmem:s5], [sflag:$0x2] =	stream.indirect.gather.add.f32 [hbm:s2], $0x40, s16, s10, $0xb8;
	[tilespmem:$0x5E20] =	vst v63  }
0x709: {  	_ =	swait.ge [sflag:s8], $0x2000  }
0x70a: {  	[sflag:s8] =	ssyncset.done $0x0  }
0x70b: {  	s17 =	rddreg [dreg:$0x12];
	[sflag:s8] =	ssyncadd.s32 $0xFFFFE000  }
0x70c: {  	[hbm4b:s17+s1] =	stream.linear.scatter [tilespmem:s6], [sflag:$0x3], $0x2000, $0x38;
	[tilespmem:$0x5E20] =	vst v63  }
0x70d: {  	_ =	swait.ge [sflag:s4], $0x2000  }
0x70e: {  	s28 =	sld [smem:$0x7F1]  }
0x70f: {  	[sflag:s4] =	ssyncset.done $0x0  }
0x710: {  	[sflag:s4] =	ssyncadd.s32 $0xFFFFE000  }
0x711: {  	[tilespmem:s6], [sflag:$0x5] =	stream.linear.gather [spmem:s28], $0x2000, $0x38;
	[tilespmem:$0x5E20] =	vst v63  }
0x712: {  	_ =	swait.ge [sflag:s9], $0x2000  }
0x713: {  	s30 =	smov.u32 s19;
	s19 =	sld [smem:$0x7C3]  }
0x714: {  	[sflag:s9] =	ssyncset.done $0x0  }
0x715: {  	[sflag:s9] =	ssyncadd.s32 $0xFFFFE000  }
0x716: {  	[tilespmem:s6], [sflag:$0x1] =	stream.indirect.gather.add.f32 [hbm:s2], $0x40, s19, s10, $0xb8;
	[tilespmem:$0x5E20] =	vst v63  }
0x717: {  	_ =	swait.ge [sflag:s7], $0x2000  }
0x718: {  	[sflag:s7] =	ssyncset.done $0x0  }
0x719: {  	s23 =	rddreg [dreg:$0x13];
	[sflag:s7] =	ssyncadd.s32 $0xFFFFE000  }
0x71a: {  	[hbm4b:s23+s1] =	stream.linear.scatter [tilespmem:s5], [sflag:$0x4], $0x2000, $0x38;
	[tilespmem:$0x5E20] =	vst v63  }
0x71b: {  	_ =	swait.ge [sflag:s3], $0x2000  }
0x71c: {  	s26 =	sld [smem:$0x7F3]  }
0x71d: {  	[sflag:s3] =	ssyncset.done $0x0  }
0x71e: {  	[sflag:s3] =	ssyncadd.s32 $0xFFFFE000  }
0x71f: {  	[tilespmem:s5], [sflag:$0x5] =	stream.linear.gather [spmem:s26], $0x2000, $0x38;
	[tilespmem:$0x5E20] =	vst v63  }
0x720: {  	_ =	swait.ge [sflag:s9], $0x2000  }
0x721: {  	s24 =	sld [smem:$0x7C4]  }
0x722: {  	[sflag:s9] =	ssyncset.done $0x0  }
0x723: {  	[sflag:s9] =	ssyncadd.s32 $0xFFFFE000  }
0x724: {  	[tilespmem:s5], [sflag:$0x2] =	stream.indirect.gather.add.f32 [hbm:s2], $0x40, s24, s10, $0xb8;
	[tilespmem:$0x5E20] =	vst v63  }
0x725: {  	_ =	swait.ge [sflag:s8], $0x2000  }
0x726: {  	[sflag:s8] =	ssyncset.done $0x0  }
0x727: {  	s25 =	rddreg [dreg:$0x14];
	[sflag:s8] =	ssyncadd.s32 $0xFFFFE000  }
0x728: {  	[hbm4b:s25+s1] =	stream.linear.scatter [tilespmem:s6], [sflag:$0x3], $0x2000, $0x38;
	[tilespmem:$0x5E20] =	vst v63  }
0x729: {  	_ =	swait.ge [sflag:s4], $0x2000  }
0x72a: {  	s25 =	sld [smem:$0x7F6]  }
0x72b: {  	[sflag:s4] =	ssyncset.done $0x0  }
0x72c: {  	[sflag:s4] =	ssyncadd.s32 $0xFFFFE000  }
0x72d: {  	[tilespmem:s6], [sflag:$0x5] =	stream.linear.gather [spmem:s25], $0x2000, $0x38;
	[tilespmem:$0x5E20] =	vst v63  }
0x72e: {  	_ =	swait.ge [sflag:s9], $0x2000  }
0x72f: {  	s0 =	sld [smem:$0x7C5]  }
0x730: {  	[sflag:s9] =	ssyncset.done $0x0  }
0x731: {  	[sflag:s9] =	ssyncadd.s32 $0xFFFFE000  }
0x732: {  	[tilespmem:s6], [sflag:$0x1] =	stream.indirect.gather.add.f32 [hbm:s2], $0x40, s0, s10, $0xb8;
	[tilespmem:$0x5E20] =	vst v63  }
0x733: {  	_ =	swait.ge [sflag:s7], $0x2000  }
0x734: {  	[sflag:s7] =	ssyncset.done $0x0  }
0x735: {  	s11 =	rddreg [dreg:$0x15];
	[sflag:s7] =	ssyncadd.s32 $0xFFFFE000  }
0x736: {  	[hbm4b:s11+s1] =	stream.linear.scatter [tilespmem:s5], [sflag:$0x4], $0x2000, $0x38;
	[tilespmem:$0x5E20] =	vst v63  }
0x737: {  	_ =	swait.ge [sflag:s3], $0x2000  }
0x738: {  	s24 =	sld [smem:$0x7F8]  }
0x739: {  	[sflag:s3] =	ssyncset.done $0x0  }
0x73a: {  	[sflag:s3] =	ssyncadd.s32 $0xFFFFE000  }
0x73b: {  	[tilespmem:s5], [sflag:$0x5] =	stream.linear.gather [spmem:s24], $0x2000, $0x38;
	[tilespmem:$0x5E20] =	vst v63  }
0x73c: {  	_ =	swait.ge [sflag:s9], $0x2000  }
0x73d: {  	s12 =	sld [smem:$0x7C6]  }
0x73e: {  	[sflag:s9] =	ssyncset.done $0x0  }
0x73f: {  	[sflag:s9] =	ssyncadd.s32 $0xFFFFE000  }
0x740: {  	[tilespmem:s5], [sflag:$0x2] =	stream.indirect.gather.add.f32 [hbm:s2], $0x40, s12, s10, $0xb8;
	[tilespmem:$0x5E20] =	vst v63  }
0x741: {  	_ =	swait.ge [sflag:s8], $0x2000  }
0x742: {  	[sflag:s8] =	ssyncset.done $0x0  }
0x743: {  	s13 =	rddreg [dreg:$0x16];
	[sflag:s8] =	ssyncadd.s32 $0xFFFFE000  }
0x744: {  	[hbm4b:s13+s1] =	stream.linear.scatter [tilespmem:s6], [sflag:$0x3], $0x2000, $0x38;
	[tilespmem:$0x5E20] =	vst v63  }
0x745: {  	_ =	swait.ge [sflag:s4], $0x2000  }
0x746: {  	[sflag:s4] =	ssyncset.done $0x0  }
0x747: {  	[sflag:s4] =	ssyncadd.s32 $0xFFFFE000  }
0x748: {  	[tilespmem:s6], [sflag:$0x5] =	stream.linear.gather [spmem:s22], $0x2000, $0x38;
	[tilespmem:$0x5E20] =	vst v63  }
0x749: {  	_ =	swait.ge [sflag:s9], $0x2000  }
0x74a: {  	s16 =	sld [smem:$0x7C7]  }
0x74b: {  	[sflag:s9] =	ssyncset.done $0x0  }
0x74c: {  	[sflag:s9] =	ssyncadd.s32 $0xFFFFE000  }
0x74d: {  	[tilespmem:s6], [sflag:$0x1] =	stream.indirect.gather.add.f32 [hbm:s2], $0x40, s16, s10, $0xb8;
	[tilespmem:$0x5E20] =	vst v63  }
0x74e: {  	_ =	swait.ge [sflag:s7], $0x2000  }
0x74f: {  	[sflag:s7] =	ssyncset.done $0x0  }
0x750: {  	s17 =	rddreg [dreg:$0x17];
	[sflag:s7] =	ssyncadd.s32 $0xFFFFE000  }
0x751: {  	[hbm4b:s17+s1] =	stream.linear.scatter [tilespmem:s5], [sflag:$0x4], $0x2000, $0x38;
	[tilespmem:$0x5E20] =	vst v63  }
0x752: {  	_ =	swait.ge [sflag:s3], $0x2000  }
0x753: {  	s23 =	smov.u32 s22;
	s22 =	sld [smem:$0x7FA]  }
0x754: {  	[sflag:s3] =	ssyncset.done $0x0  }
0x755: {  	[sflag:s3] =	ssyncadd.s32 $0xFFFFE000  }
0x756: {  	[tilespmem:s5], [sflag:$0x5] =	stream.linear.gather [spmem:s22], $0x2000, $0x38;
	[tilespmem:$0x5E20] =	vst v63  }
0x757: {  	_ =	swait.ge [sflag:s9], $0x2000  }
0x758: {  	s19 =	sld [smem:$0x7C8]  }
0x759: {  	[sflag:s9] =	ssyncset.done $0x0  }
0x75a: {  	[sflag:s9] =	ssyncadd.s32 $0xFFFFE000  }
0x75b: {  	[tilespmem:s5], [sflag:$0x2] =	stream.indirect.gather.add.f32 [hbm:s2], $0x40, s19, s10, $0xb8;
	[tilespmem:$0x5E20] =	vst v63  }
0x75c: {  	_ =	swait.ge [sflag:s8], $0x2000  }
0x75d: {  	[sflag:s8] =	ssyncset.done $0x0  }
0x75e: {  	s0 =	rddreg [dreg:$0x18];
	[sflag:s8] =	ssyncadd.s32 $0xFFFFE000  }
0x75f: {  	[hbm4b:s0+s1] =	stream.linear.scatter [tilespmem:s6], [sflag:$0x3], $0x2000, $0x38;
	[tilespmem:$0x5E20] =	vst v63  }
0x760: {  	_ =	swait.ge [sflag:s4], $0x2000  }
0x761: {  	s17 =	sld [smem:$0x7FB]  }
0x762: {  	[sflag:s4] =	ssyncset.done $0x0  }
0x763: {  	[sflag:s4] =	ssyncadd.s32 $0xFFFFE000  }
0x764: {  	[tilespmem:s6], [sflag:$0x5] =	stream.linear.gather [spmem:s17], $0x2000, $0x38;
	[tilespmem:$0x5E20] =	vst v63  }
0x765: {  	_ =	swait.ge [sflag:s9], $0x2000  }
0x766: {  	s11 =	sld [smem:$0x7C9]  }
0x767: {  	[sflag:s9] =	ssyncset.done $0x0  }
0x768: {  	[sflag:s9] =	ssyncadd.s32 $0xFFFFE000  }
0x769: {  	[tilespmem:s6], [sflag:$0x1] =	stream.indirect.gather.add.f32 [hbm:s2], $0x40, s11, s10, $0xb8;
	[tilespmem:$0x5E20] =	vst v63  }
0x76a: {  	_ =	swait.ge [sflag:s7], $0x2000  }
0x76b: {  	[sflag:s7] =	ssyncset.done $0x0  }
0x76c: {  	s12 =	rddreg [dreg:$0x19];
	[sflag:s7] =	ssyncadd.s32 $0xFFFFE000  }
0x76d: {  	[hbm4b:s12+s1] =	stream.linear.scatter [tilespmem:s5], [sflag:$0x4], $0x2000, $0x38;
	[tilespmem:$0x5E20] =	vst v63  }
0x76e: {  	_ =	swait.ge [sflag:s3], $0x2000  }
0x76f: {  	s16 =	sld [smem:$0x7FC]  }
0x770: {  	[sflag:s3] =	ssyncset.done $0x0  }
0x771: {  	[sflag:s3] =	ssyncadd.s32 $0xFFFFE000  }
0x772: {  	[tilespmem:s5], [sflag:$0x5] =	stream.linear.gather [spmem:s16], $0x2000, $0x38;
	[tilespmem:$0x5E20] =	vst v63  }
0x773: {  	_ =	swait.ge [sflag:s9], $0x2000  }
0x774: {  	s13 =	sld [smem:$0x7CA]  }
0x775: {  	[sflag:s9] =	ssyncset.done $0x0  }
0x776: {  	[sflag:s9] =	ssyncadd.s32 $0xFFFFE000  }
0x777: {  	[tilespmem:s5], [sflag:$0x2] =	stream.indirect.gather.add.f32 [hbm:s2], $0x40, s13, s10, $0xb8;
	[tilespmem:$0x5E20] =	vst v63  }
0x778: {  	_ =	swait.ge [sflag:s8], $0x2000  }
0x779: {  	[sflag:s8] =	ssyncset.done $0x0  }
0x77a: {  	s19 =	rddreg [dreg:$0x1a];
	[sflag:s8] =	ssyncadd.s32 $0xFFFFE000  }
0x77b: {  	[hbm4b:s19+s1] =	stream.linear.scatter [tilespmem:s6], [sflag:$0x3], $0x2000, $0x38;
	[tilespmem:$0x5E20] =	vst v63  }
0x77c: {  	_ =	swait.ge [sflag:s4], $0x2000  }
0x77d: {  	s19 =	sld [smem:$0x7FD]  }
0x77e: {  	[sflag:s4] =	ssyncset.done $0x0  }
0x77f: {  	[sflag:s4] =	ssyncadd.s32 $0xFFFFE000  }
0x780: {  	[tilespmem:s6], [sflag:$0x5] =	stream.linear.gather [spmem:s19], $0x2000, $0x38;
	[tilespmem:$0x5E20] =	vst v63  }
0x781: {  	_ =	swait.ge [sflag:s9], $0x2000  }
0x782: {  	s0 =	sld [smem:$0x7CB]  }
0x783: {  	[sflag:s9] =	ssyncset.done $0x0  }
0x784: {  	[sflag:s9] =	ssyncadd.s32 $0xFFFFE000  }
0x785: {  	[tilespmem:s6], [sflag:$0x1] =	stream.indirect.gather.add.f32 [hbm:s2], $0x40, s0, s10, $0xb8;
	[tilespmem:$0x5E20] =	vst v63  }
0x786: {  	_ =	swait.ge [sflag:s7], $0x2000  }
0x787: {  	[sflag:s7] =	ssyncset.done $0x0  }
0x788: {  	s11 =	rddreg [dreg:$0x1b];
	[sflag:s7] =	ssyncadd.s32 $0xFFFFE000  }
0x789: {  	[hbm4b:s11+s1] =	stream.linear.scatter [tilespmem:s5], [sflag:$0x4], $0x2000, $0x38;
	[tilespmem:$0x5E20] =	vst v63  }
0x78a: {  	_ =	swait.ge [sflag:s3], $0x2000  }
0x78b: {  	[sflag:s3] =	ssyncset.done $0x0  }
0x78c: {  	[sflag:s3] =	ssyncadd.s32 $0xFFFFE000  }
0x78d: {  	[tilespmem:s5], [sflag:$0x5] =	stream.linear.gather [spmem:s18], $0x2000, $0x38;
	[tilespmem:$0x5E20] =	vst v63  }
0x78e: {  	_ =	swait.ge [sflag:s9], $0x2000  }
0x78f: {  	s12 =	sld [smem:$0x7CC]  }
0x790: {  	[sflag:s9] =	ssyncset.done $0x0  }
0x791: {  	[sflag:s9] =	ssyncadd.s32 $0xFFFFE000  }
0x792: {  	[tilespmem:s5], [sflag:$0x2] =	stream.indirect.gather.add.f32 [hbm:s2], $0x40, s12, s10, $0xb8;
	[tilespmem:$0x5E20] =	vst v63  }
0x793: {  	_ =	swait.ge [sflag:s8], $0x2000  }
0x794: {  	[sflag:s8] =	ssyncset.done $0x0  }
0x795: {  	s13 =	rddreg [dreg:$0x1c];
	[sflag:s8] =	ssyncadd.s32 $0xFFFFE000  }
0x796: {  	[hbm4b:s13+s1] =	stream.linear.scatter [tilespmem:s6], [sflag:$0x3], $0x2000, $0x38;
	[tilespmem:$0x5E20] =	vst v63  }
0x797: {  	_ =	swait.ge [sflag:s4], $0x2000  }
0x798: {  	[sflag:s4] =	ssyncset.done $0x0  }
0x799: {  	[sflag:s4] =	ssyncadd.s32 $0xFFFFE000  }
0x79a: {  	[tilespmem:s6], [sflag:$0x5] =	stream.linear.gather [spmem:s15], $0x2000, $0x38;
	[tilespmem:$0x5E20] =	vst v63  }
0x79b: {  	_ =	swait.ge [sflag:s9], $0x2000  }
0x79c: {  	s14 =	sld [smem:$0x7CD]  }
0x79d: {  	[sflag:s9] =	ssyncset.done $0x0  }
0x79e: {  	[sflag:s9] =	ssyncadd.s32 $0xFFFFE000  }
0x79f: {  	[tilespmem:s6], [sflag:$0x1] =	stream.indirect.gather.add.f32 [hbm:s2], $0x40, s14, s10, $0xb8;
	[tilespmem:$0x5E20] =	vst v63  }
0x7a0: {  	_ =	swait.ge [sflag:s7], $0x2000  }
0x7a1: {  	[sflag:s7] =	ssyncset.done $0x0  }
0x7a2: {  	s15 =	rddreg [dreg:$0x1d];
	[sflag:s7] =	ssyncadd.s32 $0xFFFFE000  }
0x7a3: {  	[hbm4b:s15+s1] =	stream.linear.scatter [tilespmem:s5], [sflag:$0x4], $0x2000, $0x38;
	[tilespmem:$0x5E20] =	vst v63  }
0x7a4: {  	_ =	swait.ge [sflag:s3], $0x2000  }
0x7a5: {  	s18 =	sld [smem:$0x7D5]  }
0x7a6: {  	[sflag:s3] =	ssyncset.done $0x0  }
0x7a7: {  	[sflag:s3] =	ssyncadd.s32 $0xFFFFE000  }
0x7a8: {  	[tilespmem:s5], [sflag:$0x5] =	stream.linear.gather [spmem:s18], $0x2000, $0x38;
	[tilespmem:$0x5E20] =	vst v63  }
0x7a9: {  	_ =	swait.ge [sflag:s9], $0x2000  }
0x7aa: {  	s0 =	sld [smem:$0x7CF]  }
0x7ab: {  	[sflag:s9] =	ssyncset.done $0x0  }
0x7ac: {  	[sflag:s9] =	ssyncadd.s32 $0xFFFFE000  }
0x7ad: {  	[tilespmem:s5], [sflag:$0x2] =	stream.indirect.gather.add.f32 [hbm:s2], $0x40, s0, s10, $0xb8;
	[tilespmem:$0x5E20] =	vst v63  }
0x7ae: {  	_ =	swait.ge [sflag:s8], $0x2000  }
0x7af: {  	[sflag:s8] =	ssyncset.done $0x0  }
0x7b0: {  	s11 =	rddreg [dreg:$0x1e];
	[sflag:s8] =	ssyncadd.s32 $0xFFFFE000  }
0x7b1: {  	[hbm4b:s11+s1] =	stream.linear.scatter [tilespmem:s6], [sflag:$0x3], $0x2000, $0x38;
	[tilespmem:$0x5E20] =	vst v63  }
0x7b2: {  	_ =	swait.ge [sflag:s4], $0x2000  }
0x7b3: {  	s13 =	sld [smem:$0x7D7]  }
0x7b4: {  	[sflag:s4] =	ssyncset.done $0x0  }
0x7b5: {  	[sflag:s4] =	ssyncadd.s32 $0xFFFFE000  }
0x7b6: {  	[tilespmem:s6], [sflag:$0x5] =	stream.linear.gather [spmem:s13], $0x2000, $0x38;
	[tilespmem:$0x5E20] =	vst v63  }
0x7b7: {  	_ =	swait.ge [sflag:s9], $0x2000  }
0x7b8: {  	s11 =	sld [smem:$0x7D0]  }
0x7b9: {  	[sflag:s9] =	ssyncset.done $0x0  }
0x7ba: {  	[sflag:s9] =	ssyncadd.s32 $0xFFFFE000  }
0x7bb: {  	[tilespmem:s6], [sflag:$0x1] =	stream.indirect.gather.add.f32 [hbm:s2], $0x40, s11, s10, $0xb8;
	[tilespmem:$0x5E20] =	vst v63  }
0x7bc: {  	_ =	swait.ge [sflag:s7], $0x2000  }
0x7bd: {  	[sflag:s7] =	ssyncset.done $0x0  }
0x7be: {  	s14 =	rddreg [dreg:$0x1f];
	[sflag:s7] =	ssyncadd.s32 $0xFFFFE000  }
0x7bf: {  	[hbm4b:s14+s1] =	stream.linear.scatter [tilespmem:s5], [sflag:$0x4], $0x2000, $0x38;
	[tilespmem:$0x5E20] =	vst v63  }
0x7c0: {  	_ =	swait.ge [sflag:s3], $0x2000  }
0x7c1: {  	s15 =	sld [smem:$0x7D9]  }
0x7c2: {  	[sflag:s3] =	ssyncset.done $0x0  }
0x7c3: {  	[sflag:s3] =	ssyncadd.s32 $0xFFFFE000  }
0x7c4: {  	[tilespmem:s5], [sflag:$0x5] =	stream.linear.gather [spmem:s15], $0x2000, $0x38;
	[tilespmem:$0x5E20] =	vst v63  }
0x7c5: {  	_ =	swait.ge [sflag:s9], $0x2000  }
0x7c6: {  	s18 =	sld [smem:$0x7D1]  }
0x7c7: {  	[sflag:s9] =	ssyncset.done $0x0  }
0x7c8: {  	[sflag:s9] =	ssyncadd.s32 $0xFFFFE000  }
0x7c9: {  	[tilespmem:s5], [sflag:$0x2] =	stream.indirect.gather.add.f32 [hbm:s2], $0x40, s18, s10, $0xb8;
	[tilespmem:$0x5E20] =	vst v63  }
0x7ca: {  	_ =	swait.ge [sflag:s8], $0x2000  }
0x7cb: {  	s0 =	sld [smem:$0x79E]  }
0x7cc: {  	[sflag:s8] =	ssyncset.done $0x0  }
0x7cd: {  	[sflag:s8] =	ssyncadd.s32 $0xFFFFE000  }
0x7ce: {  	[hbm4b:s0+s1] =	stream.linear.scatter [tilespmem:s6], [sflag:$0x3], $0x2000, $0x38;
	[tilespmem:$0x5E20] =	vst v63  }
0x7cf: {  	_ =	swait.ge [sflag:s4], $0x2000  }
0x7d0: {  	s11 =	sld [smem:$0x7DB]  }
0x7d1: {  	[sflag:s4] =	ssyncset.done $0x0  }
0x7d2: {  	[sflag:s4] =	ssyncadd.s32 $0xFFFFE000  }
0x7d3: {  	[tilespmem:s6], [sflag:$0x5] =	stream.linear.gather [spmem:s11], $0x2000, $0x38;
	[tilespmem:$0x5E20] =	vst v63  }
0x7d4: {  	_ =	swait.ge [sflag:s9], $0x2000  }
0x7d5: {  	s12 =	sld [smem:$0x7D2]  }
0x7d6: {  	[sflag:s9] =	ssyncset.done $0x0  }
0x7d7: {  	[sflag:s9] =	ssyncadd.s32 $0xFFFFE000  }
0x7d8: {  	[tilespmem:s6], [sflag:$0x1] =	stream.indirect.gather.add.f32 [hbm:s2], $0x40, s12, s10, $0xb8;
	[tilespmem:$0x5E20] =	vst v63  }
0x7d9: {  	_ =	swait.ge [sflag:s7], $0x2000  }
0x7da: {  	s13 =	sld [smem:$0x79F]  }
0x7db: {  	[sflag:s7] =	ssyncset.done $0x0  }
0x7dc: {  	[sflag:s7] =	ssyncadd.s32 $0xFFFFE000  }
0x7dd: {  	[hbm4b:s13+s1] =	stream.linear.scatter [tilespmem:s5], [sflag:$0x4], $0x2000, $0x38;
	[tilespmem:$0x5E20] =	vst v63  }
0x7de: {  	_ =	swait.ge [sflag:s3], $0x2000  }
0x7df: {  	s14 =	sld [smem:$0x7DD]  }
0x7e0: {  	[sflag:s3] =	ssyncset.done $0x0  }
0x7e1: {  	[sflag:s3] =	ssyncadd.s32 $0xFFFFE000  }
0x7e2: {  	[tilespmem:s5], [sflag:$0x5] =	stream.linear.gather [spmem:s14], $0x2000, $0x38;
	[tilespmem:$0x5E20] =	vst v63  }
0x7e3: {  	_ =	swait.ge [sflag:s9], $0x2000  }
0x7e4: {  	s15 =	sld [smem:$0x7D4]  }
0x7e5: {  	[sflag:s9] =	ssyncset.done $0x0  }
0x7e6: {  	[sflag:s9] =	ssyncadd.s32 $0xFFFFE000  }
0x7e7: {  	[tilespmem:s5], [sflag:$0x2] =	stream.indirect.gather.add.f32 [hbm:s2], $0x40, s15, s10, $0xb8;
	[tilespmem:$0x5E20] =	vst v63  }
0x7e8: {  	_ =	swait.ge [sflag:s8], $0x2000  }
0x7e9: {  	s18 =	sld [smem:$0x7A0]  }
0x7ea: {  	[sflag:s8] =	ssyncset.done $0x0  }
0x7eb: {  	[sflag:s8] =	ssyncadd.s32 $0xFFFFE000  }
0x7ec: {  	[hbm4b:s18+s1] =	stream.linear.scatter [tilespmem:s6], [sflag:$0x3], $0x2000, $0x38;
	[tilespmem:$0x5E20] =	vst v63  }
0x7ed: {  	_ =	swait.ge [sflag:s4], $0x2000  }
0x7ee: {  	s11 =	sld [smem:$0x7DF]  }
0x7ef: {  	[sflag:s4] =	ssyncset.done $0x0  }
0x7f0: {  	[sflag:s4] =	ssyncadd.s32 $0xFFFFE000  }
0x7f1: {  	[tilespmem:s6], [sflag:$0x5] =	stream.linear.gather [spmem:s11], $0x2000, $0x38;
	[tilespmem:$0x5E20] =	vst v63  }
0x7f2: {  	_ =	swait.ge [sflag:s9], $0x2000  }
0x7f3: {  	s12 =	sld [smem:$0x7D6]  }
0x7f4: {  	[sflag:s9] =	ssyncset.done $0x0  }
0x7f5: {  	[sflag:s9] =	ssyncadd.s32 $0xFFFFE000  }
0x7f6: {  	[tilespmem:s6], [sflag:$0x1] =	stream.indirect.gather.add.f32 [hbm:s2], $0x40, s12, s10, $0xb8;
	[tilespmem:$0x5E20] =	vst v63  }
0x7f7: {  	_ =	swait.ge [sflag:s7], $0x2000  }
0x7f8: {  	s13 =	sld [smem:$0x7A1]  }
0x7f9: {  	[sflag:s7] =	ssyncset.done $0x0  }
0x7fa: {  	[sflag:s7] =	ssyncadd.s32 $0xFFFFE000  }
0x7fb: {  	[hbm4b:s13+s1] =	stream.linear.scatter [tilespmem:s5], [sflag:$0x4], $0x2000, $0x38;
	[tilespmem:$0x5E20] =	vst v63  }
0x7fc: {  	_ =	swait.ge [sflag:s3], $0x2000  }
0x7fd: {  	s14 =	sld [smem:$0x7E1]  }
0x7fe: {  	[sflag:s3] =	ssyncset.done $0x0  }
0x7ff: {  	[sflag:s3] =	ssyncadd.s32 $0xFFFFE000  }
0x800: {  	[tilespmem:s5], [sflag:$0x5] =	stream.linear.gather [spmem:s14], $0x2000, $0x38;
	[tilespmem:$0x5E20] =	vst v63  }
0x801: {  	_ =	swait.ge [sflag:s9], $0x2000  }
0x802: {  	s15 =	sld [smem:$0x7D8]  }
0x803: {  	[sflag:s9] =	ssyncset.done $0x0  }
0x804: {  	[sflag:s9] =	ssyncadd.s32 $0xFFFFE000  }
0x805: {  	[tilespmem:s5], [sflag:$0x2] =	stream.indirect.gather.add.f32 [hbm:s2], $0x40, s15, s10, $0xb8;
	[tilespmem:$0x5E20] =	vst v63  }
0x806: {  	_ =	swait.ge [sflag:s8], $0x2000  }
0x807: {  	s18 =	sld [smem:$0x7A2]  }
0x808: {  	[sflag:s8] =	ssyncset.done $0x0  }
0x809: {  	[sflag:s8] =	ssyncadd.s32 $0xFFFFE000  }
0x80a: {  	[hbm4b:s18+s1] =	stream.linear.scatter [tilespmem:s6], [sflag:$0x3], $0x2000, $0x38;
	[tilespmem:$0x5E20] =	vst v63  }
0x80b: {  	_ =	swait.ge [sflag:s4], $0x2000  }
0x80c: {  	s11 =	sld [smem:$0x7E3]  }
0x80d: {  	[sflag:s4] =	ssyncset.done $0x0  }
0x80e: {  	[sflag:s4] =	ssyncadd.s32 $0xFFFFE000  }
0x80f: {  	[tilespmem:s6], [sflag:$0x5] =	stream.linear.gather [spmem:s11], $0x2000, $0x38;
	[tilespmem:$0x5E20] =	vst v63  }
0x810: {  	_ =	swait.ge [sflag:s9], $0x2000  }
0x811: {  	s12 =	sld [smem:$0x7DA]  }
0x812: {  	[sflag:s9] =	ssyncset.done $0x0  }
0x813: {  	[sflag:s9] =	ssyncadd.s32 $0xFFFFE000  }
0x814: {  	[tilespmem:s6], [sflag:$0x1] =	stream.indirect.gather.add.f32 [hbm:s2], $0x40, s12, s10, $0xb8;
	[tilespmem:$0x5E20] =	vst v63  }
0x815: {  	_ =	swait.ge [sflag:s7], $0x2000  }
0x816: {  	s13 =	sld [smem:$0x7A3]  }
0x817: {  	[sflag:s7] =	ssyncset.done $0x0  }
0x818: {  	[sflag:s7] =	ssyncadd.s32 $0xFFFFE000  }
0x819: {  	[hbm4b:s13+s1] =	stream.linear.scatter [tilespmem:s5], [sflag:$0x4], $0x2000, $0x38;
	[tilespmem:$0x5E20] =	vst v63  }
0x81a: {  	_ =	swait.ge [sflag:s3], $0x2000  }
0x81b: {  	[sflag:s3] =	ssyncset.done $0x0  }
0x81c: {  	[sflag:s3] =	ssyncadd.s32 $0xFFFFE000  }
0x81d: {  	[tilespmem:s5], [sflag:$0x5] =	stream.linear.gather [spmem:s21], $0x2000, $0x38;
	[tilespmem:$0x5E20] =	vst v63  }
0x81e: {  	_ =	swait.ge [sflag:s9], $0x2000  }
0x81f: {  	s14 =	sld [smem:$0x7DC]  }
0x820: {  	[sflag:s9] =	ssyncset.done $0x0  }
0x821: {  	[sflag:s9] =	ssyncadd.s32 $0xFFFFE000  }
0x822: {  	[tilespmem:s5], [sflag:$0x2] =	stream.indirect.gather.add.f32 [hbm:s2], $0x40, s14, s10, $0xb8;
	[tilespmem:$0x5E20] =	vst v63  }
0x823: {  	_ =	swait.ge [sflag:s8], $0x2000  }
0x824: {  	s15 =	sld [smem:$0x7A4]  }
0x825: {  	[sflag:s8] =	ssyncset.done $0x0  }
0x826: {  	[sflag:s8] =	ssyncadd.s32 $0xFFFFE000  }
0x827: {  	[hbm4b:s15+s1] =	stream.linear.scatter [tilespmem:s6], [sflag:$0x3], $0x2000, $0x38;
	[tilespmem:$0x5E20] =	vst v63  }
0x828: {  	_ =	swait.ge [sflag:s4], $0x2000  }
0x829: {  	s18 =	sld [smem:$0x7E7]  }
0x82a: {  	[sflag:s4] =	ssyncset.done $0x0  }
0x82b: {  	[sflag:s4] =	ssyncadd.s32 $0xFFFFE000  }
0x82c: {  	[tilespmem:s6], [sflag:$0x5] =	stream.linear.gather [spmem:s18], $0x2000, $0x38;
	[tilespmem:$0x5E20] =	vst v63  }
0x82d: {  	_ =	swait.ge [sflag:s9], $0x2000  }
0x82e: {  	s21 =	sld [smem:$0x7DE]  }
0x82f: {  	[sflag:s9] =	ssyncset.done $0x0  }
0x830: {  	[sflag:s9] =	ssyncadd.s32 $0xFFFFE000  }
0x831: {  	[tilespmem:s6], [sflag:$0x1] =	stream.indirect.gather.add.f32 [hbm:s2], $0x40, s21, s10, $0xb8;
	[tilespmem:$0x5E20] =	vst v63  }
0x832: {  	_ =	swait.ge [sflag:s7], $0x2000  }
0x833: {  	s11 =	sld [smem:$0x7A5]  }
0x834: {  	[sflag:s7] =	ssyncset.done $0x0  }
0x835: {  	[sflag:s7] =	ssyncadd.s32 $0xFFFFE000  }
0x836: {  	[hbm4b:s11+s1] =	stream.linear.scatter [tilespmem:s5], [sflag:$0x4], $0x2000, $0x38;
	[tilespmem:$0x5E20] =	vst v63  }
0x837: {  	_ =	swait.ge [sflag:s3], $0x2000  }
0x838: {  	[sflag:s3] =	ssyncset.done $0x0  }
0x839: {  	[sflag:s3] =	ssyncadd.s32 $0xFFFFE000  }
0x83a: {  	[tilespmem:s5], [sflag:$0x5] =	stream.linear.gather [spmem:s20], $0x2000, $0x38;
	[tilespmem:$0x5E20] =	vst v63  }
0x83b: {  	_ =	swait.ge [sflag:s9], $0x2000  }
0x83c: {  	s12 =	sld [smem:$0x7E0]  }
0x83d: {  	[sflag:s9] =	ssyncset.done $0x0  }
0x83e: {  	[sflag:s9] =	ssyncadd.s32 $0xFFFFE000  }
0x83f: {  	[tilespmem:s5], [sflag:$0x2] =	stream.indirect.gather.add.f32 [hbm:s2], $0x40, s12, s10, $0xb8;
	[tilespmem:$0x5E20] =	vst v63  }
0x840: {  	_ =	swait.ge [sflag:s8], $0x2000  }
0x841: {  	s13 =	sld [smem:$0x7A6]  }
0x842: {  	[sflag:s8] =	ssyncset.done $0x0  }
0x843: {  	[sflag:s8] =	ssyncadd.s32 $0xFFFFE000  }
0x844: {  	[hbm4b:s13+s1] =	stream.linear.scatter [tilespmem:s6], [sflag:$0x3], $0x2000, $0x38;
	[tilespmem:$0x5E20] =	vst v63  }
0x845: {  	_ =	swait.ge [sflag:s4], $0x2000  }
0x846: {  	[sflag:s4] =	ssyncset.done $0x0  }
0x847: {  	[sflag:s4] =	ssyncadd.s32 $0xFFFFE000  }
0x848: {  	[tilespmem:s6], [sflag:$0x5] =	stream.linear.gather [spmem:s31], $0x2000, $0x38;
	[tilespmem:$0x5E20] =	vst v63  }
0x849: {  	_ =	swait.ge [sflag:s9], $0x2000  }
0x84a: {  	s14 =	sld [smem:$0x7E2]  }
0x84b: {  	[sflag:s9] =	ssyncset.done $0x0  }
0x84c: {  	[sflag:s9] =	ssyncadd.s32 $0xFFFFE000  }
0x84d: {  	[tilespmem:s6], [sflag:$0x1] =	stream.indirect.gather.add.f32 [hbm:s2], $0x40, s14, s10, $0xb8;
	[tilespmem:$0x5E20] =	vst v63  }
0x84e: {  	_ =	swait.ge [sflag:s7], $0x2000  }
0x84f: {  	s15 =	sld [smem:$0x7A7]  }
0x850: {  	[sflag:s7] =	ssyncset.done $0x0  }
0x851: {  	[sflag:s7] =	ssyncadd.s32 $0xFFFFE000  }
0x852: {  	[hbm4b:s15+s1] =	stream.linear.scatter [tilespmem:s5], [sflag:$0x4], $0x2000, $0x38;
	[tilespmem:$0x5E20] =	vst v63  }
0x853: {  	_ =	swait.ge [sflag:s3], $0x2000  }
0x854: {  	[sflag:s3] =	ssyncset.done $0x0  }
0x855: {  	[sflag:s3] =	ssyncadd.s32 $0xFFFFE000  }
0x856: {  	[tilespmem:s5], [sflag:$0x5] =	stream.linear.gather [spmem:s30], $0x2000, $0x38;
	[tilespmem:$0x5E20] =	vst v63  }
0x857: {  	_ =	swait.ge [sflag:s9], $0x2000  }
0x858: {  	s18 =	sld [smem:$0x7E4]  }
0x859: {  	[sflag:s9] =	ssyncset.done $0x0  }
0x85a: {  	[sflag:s9] =	ssyncadd.s32 $0xFFFFE000  }
0x85b: {  	[tilespmem:s5], [sflag:$0x2] =	stream.indirect.gather.add.f32 [hbm:s2], $0x40, s18, s10, $0xb8;
	[tilespmem:$0x5E20] =	vst v63  }
0x85c: {  	_ =	swait.ge [sflag:s8], $0x2000  }
0x85d: {  	s20 =	sld [smem:$0x7A8]  }
0x85e: {  	[sflag:s8] =	ssyncset.done $0x0  }
0x85f: {  	[sflag:s8] =	ssyncadd.s32 $0xFFFFE000  }
0x860: {  	[hbm4b:s20+s1] =	stream.linear.scatter [tilespmem:s6], [sflag:$0x3], $0x2000, $0x38;
	[tilespmem:$0x5E20] =	vst v63  }
0x861: {  	_ =	swait.ge [sflag:s4], $0x2000  }
0x862: {  	[sflag:s4] =	ssyncset.done $0x0  }
0x863: {  	[sflag:s4] =	ssyncadd.s32 $0xFFFFE000  }
0x864: {  	[tilespmem:s6], [sflag:$0x5] =	stream.linear.gather [spmem:s29], $0x2000, $0x38;
	[tilespmem:$0x5E20] =	vst v63  }
0x865: {  	_ =	swait.ge [sflag:s9], $0x2000  }
0x866: {  	s21 =	sld [smem:$0x7E6]  }
0x867: {  	[sflag:s9] =	ssyncset.done $0x0  }
0x868: {  	[sflag:s9] =	ssyncadd.s32 $0xFFFFE000  }
0x869: {  	[tilespmem:s6], [sflag:$0x1] =	stream.indirect.gather.add.f32 [hbm:s2], $0x40, s21, s10, $0xb8;
	[tilespmem:$0x5E20] =	vst v63  }
0x86a: {  	_ =	swait.ge [sflag:s7], $0x2000  }
0x86b: {  	s29 =	sld [smem:$0x7A9]  }
0x86c: {  	[sflag:s7] =	ssyncset.done $0x0  }
0x86d: {  	[sflag:s7] =	ssyncadd.s32 $0xFFFFE000  }
0x86e: {  	[hbm4b:s29+s1] =	stream.linear.scatter [tilespmem:s5], [sflag:$0x4], $0x2000, $0x38;
	[tilespmem:$0x5E20] =	vst v63  }
0x86f: {  	_ =	swait.ge [sflag:s3], $0x2000  }
0x870: {  	[sflag:s3] =	ssyncset.done $0x0  }
0x871: {  	[sflag:s3] =	ssyncadd.s32 $0xFFFFE000  }
0x872: {  	[tilespmem:s5], [sflag:$0x5] =	stream.linear.gather [spmem:s28], $0x2000, $0x38;
	[tilespmem:$0x5E20] =	vst v63  }
0x873: {  	_ =	swait.ge [sflag:s9], $0x2000  }
0x874: {  	s30 =	sld [smem:$0x7E8]  }
0x875: {  	[sflag:s9] =	ssyncset.done $0x0  }
0x876: {  	[sflag:s9] =	ssyncadd.s32 $0xFFFFE000  }
0x877: {  	[tilespmem:s5], [sflag:$0x2] =	stream.indirect.gather.add.f32 [hbm:s2], $0x40, s30, s10, $0xb8;
	[tilespmem:$0x5E20] =	vst v63  }
0x878: {  	_ =	swait.ge [sflag:s8], $0x2000  }
0x879: {  	s31 =	sld [smem:$0x7AA]  }
0x87a: {  	[sflag:s8] =	ssyncset.done $0x0  }
0x87b: {  	[sflag:s8] =	ssyncadd.s32 $0xFFFFE000  }
0x87c: {  	[hbm4b:s31+s1] =	stream.linear.scatter [tilespmem:s6], [sflag:$0x3], $0x2000, $0x38;
	[tilespmem:$0x5E20] =	vst v63  }
0x87d: {  	_ =	swait.ge [sflag:s4], $0x2000  }
0x87e: {  	[sflag:s4] =	ssyncset.done $0x0  }
0x87f: {  	[sflag:s4] =	ssyncadd.s32 $0xFFFFE000  }
0x880: {  	[tilespmem:s6], [sflag:$0x5] =	stream.linear.gather [spmem:s26], $0x2000, $0x38;
	[tilespmem:$0x5E20] =	vst v63  }
0x881: {  	_ =	swait.ge [sflag:s9], $0x2000  }
0x882: {  	s11 =	sld [smem:$0x7EA]  }
0x883: {  	[sflag:s9] =	ssyncset.done $0x0  }
0x884: {  	[sflag:s9] =	ssyncadd.s32 $0xFFFFE000  }
0x885: {  	[tilespmem:s6], [sflag:$0x1] =	stream.indirect.gather.add.f32 [hbm:s2], $0x40, s11, s10, $0xb8;
	[tilespmem:$0x5E20] =	vst v63  }
0x886: {  	_ =	swait.ge [sflag:s7], $0x2000  }
0x887: {  	s12 =	sld [smem:$0x7AB]  }
0x888: {  	[sflag:s7] =	ssyncset.done $0x0  }
0x889: {  	[sflag:s7] =	ssyncadd.s32 $0xFFFFE000  }
0x88a: {  	[hbm4b:s12+s1] =	stream.linear.scatter [tilespmem:s5], [sflag:$0x4], $0x2000, $0x38;
	[tilespmem:$0x5E20] =	vst v63  }
0x88b: {  	_ =	swait.ge [sflag:s3], $0x2000  }
0x88c: {  	[sflag:s3] =	ssyncset.done $0x0  }
0x88d: {  	[sflag:s3] =	ssyncadd.s32 $0xFFFFE000  }
0x88e: {  	[tilespmem:s5], [sflag:$0x5] =	stream.linear.gather [spmem:s25], $0x2000, $0x38;
	[tilespmem:$0x5E20] =	vst v63  }
0x88f: {  	_ =	swait.ge [sflag:s9], $0x2000  }
0x890: {  	s13 =	sld [smem:$0x7EC]  }
0x891: {  	[sflag:s9] =	ssyncset.done $0x0  }
0x892: {  	[sflag:s9] =	ssyncadd.s32 $0xFFFFE000  }
0x893: {  	[tilespmem:s5], [sflag:$0x2] =	stream.indirect.gather.add.f32 [hbm:s2], $0x40, s13, s10, $0xb8;
	[tilespmem:$0x5E20] =	vst v63  }
0x894: {  	_ =	swait.ge [sflag:s8], $0x2000  }
0x895: {  	s14 =	sld [smem:$0x7AC]  }
0x896: {  	[sflag:s8] =	ssyncset.done $0x0  }
0x897: {  	[sflag:s8] =	ssyncadd.s32 $0xFFFFE000  }
0x898: {  	[hbm4b:s14+s1] =	stream.linear.scatter [tilespmem:s6], [sflag:$0x3], $0x2000, $0x38;
	[tilespmem:$0x5E20] =	vst v63  }
0x899: {  	_ =	swait.ge [sflag:s4], $0x2000  }
0x89a: {  	[sflag:s4] =	ssyncset.done $0x0  }
0x89b: {  	[sflag:s4] =	ssyncadd.s32 $0xFFFFE000  }
0x89c: {  	[tilespmem:s6], [sflag:$0x5] =	stream.linear.gather [spmem:s24], $0x2000, $0x38;
	[tilespmem:$0x5E20] =	vst v63  }
0x89d: {  	_ =	swait.ge [sflag:s9], $0x2000  }
0x89e: {  	s15 =	sld [smem:$0x7EE]  }
0x89f: {  	[sflag:s9] =	ssyncset.done $0x0  }
0x8a0: {  	[sflag:s9] =	ssyncadd.s32 $0xFFFFE000  }
0x8a1: {  	[tilespmem:s6], [sflag:$0x1] =	stream.indirect.gather.add.f32 [hbm:s2], $0x40, s15, s10, $0xb8;
	[tilespmem:$0x5E20] =	vst v63  }
0x8a2: {  	_ =	swait.ge [sflag:s7], $0x2000  }
0x8a3: {  	s18 =	sld [smem:$0x7AD]  }
0x8a4: {  	[sflag:s7] =	ssyncset.done $0x0  }
0x8a5: {  	[sflag:s7] =	ssyncadd.s32 $0xFFFFE000  }
0x8a6: {  	[hbm4b:s18+s1] =	stream.linear.scatter [tilespmem:s5], [sflag:$0x4], $0x2000, $0x38;
	[tilespmem:$0x5E20] =	vst v63  }
0x8a7: {  	_ =	swait.ge [sflag:s3], $0x2000  }
0x8a8: {  	[sflag:s3] =	ssyncset.done $0x0  }
0x8a9: {  	[sflag:s3] =	ssyncadd.s32 $0xFFFFE000  }
0x8aa: {  	[tilespmem:s5], [sflag:$0x5] =	stream.linear.gather [spmem:s23], $0x2000, $0x38;
	[tilespmem:$0x5E20] =	vst v63  }
0x8ab: {  	_ =	swait.ge [sflag:s9], $0x2000  }
0x8ac: {  	s20 =	sld [smem:$0x7F0]  }
0x8ad: {  	[sflag:s9] =	ssyncset.done $0x0  }
0x8ae: {  	[sflag:s9] =	ssyncadd.s32 $0xFFFFE000  }
0x8af: {  	[tilespmem:s5], [sflag:$0x2] =	stream.indirect.gather.add.f32 [hbm:s2], $0x40, s20, s10, $0xb8;
	[tilespmem:$0x5E20] =	vst v63  }
0x8b0: {  	_ =	swait.ge [sflag:s8], $0x2000  }
0x8b1: {  	s21 =	sld [smem:$0x7AE]  }
0x8b2: {  	[sflag:s8] =	ssyncset.done $0x0  }
0x8b3: {  	[sflag:s8] =	ssyncadd.s32 $0xFFFFE000  }
0x8b4: {  	[hbm4b:s21+s1] =	stream.linear.scatter [tilespmem:s6], [sflag:$0x3], $0x2000, $0x38;
	[tilespmem:$0x5E20] =	vst v63  }
0x8b5: {  	_ =	swait.ge [sflag:s4], $0x2000  }
0x8b6: {  	[sflag:s4] =	ssyncset.done $0x0  }
0x8b7: {  	[sflag:s4] =	ssyncadd.s32 $0xFFFFE000  }
0x8b8: {  	[tilespmem:s6], [sflag:$0x5] =	stream.linear.gather [spmem:s22], $0x2000, $0x38;
	[tilespmem:$0x5E20] =	vst v63  }
0x8b9: {  	_ =	swait.ge [sflag:s9], $0x2000  }
0x8ba: {  	s22 =	sld [smem:$0x7F2]  }
0x8bb: {  	[sflag:s9] =	ssyncset.done $0x0  }
0x8bc: {  	[sflag:s9] =	ssyncadd.s32 $0xFFFFE000  }
0x8bd: {  	[tilespmem:s6], [sflag:$0x1] =	stream.indirect.gather.add.f32 [hbm:s2], $0x40, s22, s10, $0xb8;
	[tilespmem:$0x5E20] =	vst v63  }
0x8be: {  	_ =	swait.ge [sflag:s7], $0x2000  }
0x8bf: {  	s23 =	sld [smem:$0x7AF]  }
0x8c0: {  	[sflag:s7] =	ssyncset.done $0x0  }
0x8c1: {  	[sflag:s7] =	ssyncadd.s32 $0xFFFFE000  }
0x8c2: {  	[hbm4b:s23+s1] =	stream.linear.scatter [tilespmem:s5], [sflag:$0x4], $0x2000, $0x38;
	[tilespmem:$0x5E20] =	vst v63  }
0x8c3: {  	_ =	swait.ge [sflag:s3], $0x2000  }
0x8c4: {  	[sflag:s3] =	ssyncset.done $0x0  }
0x8c5: {  	[sflag:s3] =	ssyncadd.s32 $0xFFFFE000  }
0x8c6: {  	[tilespmem:s5], [sflag:$0x5] =	stream.linear.gather [spmem:s17], $0x2000, $0x38;
	[tilespmem:$0x5E20] =	vst v63  }
0x8c7: {  	_ =	swait.ge [sflag:s9], $0x2000  }
0x8c8: {  	s24 =	sld [smem:$0x7F4]  }
0x8c9: {  	[sflag:s9] =	ssyncset.done $0x0  }
0x8ca: {  	[sflag:s9] =	ssyncadd.s32 $0xFFFFE000  }
0x8cb: {  	[tilespmem:s5], [sflag:$0x2] =	stream.indirect.gather.add.f32 [hbm:s2], $0x40, s24, s10, $0xb8;
	[tilespmem:$0x5E20] =	vst v63  }
0x8cc: {  	_ =	swait.ge [sflag:s8], $0x2000  }
0x8cd: {  	s25 =	sld [smem:$0x7B0]  }
0x8ce: {  	[sflag:s8] =	ssyncset.done $0x0  }
0x8cf: {  	[sflag:s8] =	ssyncadd.s32 $0xFFFFE000  }
0x8d0: {  	[hbm4b:s25+s1] =	stream.linear.scatter [tilespmem:s6], [sflag:$0x3], $0x2000, $0x38;
	[tilespmem:$0x5E20] =	vst v63  }
0x8d1: {  	_ =	swait.ge [sflag:s4], $0x2000  }
0x8d2: {  	[sflag:s4] =	ssyncset.done $0x0  }
0x8d3: {  	[sflag:s4] =	ssyncadd.s32 $0xFFFFE000  }
0x8d4: {  	[tilespmem:s6], [sflag:$0x5] =	stream.linear.gather [spmem:s16], $0x2000, $0x38;
	[tilespmem:$0x5E20] =	vst v63  }
0x8d5: {  	_ =	swait.ge [sflag:s9], $0x2000  }
0x8d6: {  	s26 =	sld [smem:$0x7F5]  }
0x8d7: {  	[sflag:s9] =	ssyncset.done $0x0  }
0x8d8: {  	[sflag:s9] =	ssyncadd.s32 $0xFFFFE000  }
0x8d9: {  	[tilespmem:s6], [sflag:$0x1] =	stream.indirect.gather.add.f32 [hbm:s2], $0x40, s26, s10, $0xb8;
	[tilespmem:$0x5E20] =	vst v63  }
0x8da: {  	_ =	swait.ge [sflag:s7], $0x2000  }
0x8db: {  	s28 =	sld [smem:$0x7B1]  }
0x8dc: {  	[sflag:s7] =	ssyncset.done $0x0  }
0x8dd: {  	[sflag:s7] =	ssyncadd.s32 $0xFFFFE000  }
0x8de: {  	[hbm4b:s28+s1] =	stream.linear.scatter [tilespmem:s5], [sflag:$0x4], $0x2000, $0x38;
	[tilespmem:$0x5E20] =	vst v63  }
0x8df: {  	_ =	swait.ge [sflag:s3], $0x2000  }
0x8e0: {  	[sflag:s3] =	ssyncset.done $0x0  }
0x8e1: {  	[sflag:s3] =	ssyncadd.s32 $0xFFFFE000  }
0x8e2: {  	[tilespmem:s5], [sflag:$0x5] =	stream.linear.gather [spmem:s19], $0x2000, $0x38;
	[tilespmem:$0x5E20] =	vst v63  }
0x8e3: {  	_ =	swait.ge [sflag:s9], $0x2000  }
0x8e4: {  	s29 =	sld [smem:$0x7F7]  }
0x8e5: {  	[sflag:s9] =	ssyncset.done $0x0  }
0x8e6: {  	[sflag:s9] =	ssyncadd.s32 $0xFFFFE000  }
0x8e7: {  	[tilespmem:s5], [sflag:$0x2] =	stream.indirect.gather.add.f32 [hbm:s2], $0x40, s29, s10, $0xb8;
	[tilespmem:$0x5E20] =	vst v63  }
0x8e8: {  	_ =	swait.ge [sflag:s8], $0x2000  }
0x8e9: {  	s30 =	sld [smem:$0x7B2]  }
0x8ea: {  	[sflag:s8] =	ssyncset.done $0x0  }
0x8eb: {  	[sflag:s8] =	ssyncadd.s32 $0xFFFFE000  }
0x8ec: {  	[hbm4b:s30+s1] =	stream.linear.scatter [tilespmem:s6], [sflag:$0x3], $0x2000, $0x38;
	[tilespmem:$0x5E20] =	vst v63  }
0x8ed: {  	_ =	swait.ge [sflag:s7], $0x2000  }
0x8ee: {  	s31 =	sld [smem:$0x7B3]  }
0x8ef: {  	[sflag:s7] =	ssyncset.done $0x0  }
0x8f0: {  	[sflag:s7] =	ssyncadd.s32 $0xFFFFE000  }
0x8f1: {  	[hbm4b:s31+s1] =	stream.linear.scatter [tilespmem:s5], [sflag:$0x4], $0x2000, $0x38;
	[tilespmem:$0x5E20] =	vst v63  }
0x8f2: {  	_ =	swait.ge [sflag:s4], $0x2000  }
0x8f3: {  	[sflag:s4] =	ssyncset.done $0x0  }
0x8f4: {  	[sflag:s4] =	ssyncadd.s32 $0xFFFFE000  }
0x8f5: {  	_ =	swait.ge [sflag:s3], $0x2000  }
0x8f6: {  	[sflag:s3] =	ssyncset.done $0x0  }
0x8f7: {  	[sflag:s3] =	ssyncadd.s32 $0xFFFFE000  }
0x8f8: {  	_ =	sfence.sel $0x180000  }
0x8f9: {  	[bflag:$0x0] =	sbarrier.arrive $0xFFFF  }
0x8fa: {  	_ =	strace $0x90000047  }
0x8fb: {  	[bflag:$0x2] =	sbarrier.arrive $0xFFFF  }
0x8fc: {  	s0 =	rddreg [dreg:$0x3]  }
0x8fd: {  	s0 =	sadd.s32 @!p0 $0x100000, s0  }
0x8fe: {  	[sflag:s0] =	ssyncadd.tile.s32 @!p0 $0x1;
	_ =	shalt  }
.LBB2_1:
0x8ff: {  	s16 =	sld [smem:$0x7CE]  }
0x900: {  	s21 =	sld [smem:$0x7E1]  }
0x901: {  	s13 =	sld [smem:$0x7E3]  }
.Ltmp3:
0x902: {  	s12 =	sld [smem:$0x7E5];
	(pc) =	sbr.rel .LBB2_6-.Ltmp3, $4  }
0x903: {  	s20 =	sld [smem:$0x7E9]  }
0x904: {  	s0 =	sld [smem:$0x7EB]  }
0x905: {  	s19 =	sld [smem:$0x7ED]  }
0x906: {  	s22 =	sld [smem:$0x7F9]  }
.LBB2_3:
0x907: {  	s16 =	sld [smem:$0x7CE]  }
0x908: {  	s21 =	sld [smem:$0x7E1]  }
0x909: {  	s13 =	sld [smem:$0x7E3]  }
0x90a: {  	s12 =	sld [smem:$0x7E5]  }
.Ltmp4:
0x90b: {  	s20 =	sld [smem:$0x7E9];
	(pc) =	sbr.rel .LBB2_6-.Ltmp4, $4  }
0x90c: {  	s0 =	sld [smem:$0x7EB]  }
0x90d: {  	s19 =	sld [smem:$0x7ED]  }
0x90e: {  	s22 =	sld [smem:$0x7F9]  }
0x90f: {  	s18 =	sld [smem:$0x79B]  }
.Lfunc_end2:
_tile_overlayer_lowered:
.L_overlay_start_2:
0x910: {  	(tag) =	ssettag $0x2  }
0x911: {  	s0 =	rddreg [dreg:$0x0];
	s2 =	stileid.u32  }
0x912: {  	s1 =	rddreg [dreg:$0x1];
	p0 =	sne.s32 s2, $0x0  }
0x913: {  	s3 =	rddreg [dreg:$0x2];
	[bflag:$0x3] =	sbarrier.arrive $0xFFFF;
	s2 =	simm.s32 @!p0 $0x1C05  }
0x914: {  	[timem:s3], [sflag:s2] =	dma.local @!p0 [hbm:s0], s1  }
0x915: {  	s0 =	simm.s32 @!p0 $0x5  }
0x916: {  	_ =	swait.ge @!p0 [sflag:s0], s1  }
0x917: {  	s1 =	ssub.s32 @!p0 $0x0, s1;
	[sflag:s0] =	ssyncset.done @!p0 $0x0  }
0x918: {  	[sflag:s0] =	ssyncadd.s32 @!p0 s1  }
0x919: {  	[bflag:$0x3] =	sbarrier.arrive $0xFFFF  }
0x91a: {  	_ =	shalt  }

// kernel: sparse-core-data-format-call.cloned.1.call-start
scs
called_computation_lowered:
.L_overlay_start_0:
0x0: {  	s2 =	sld [smem:$0x3FD9]  }
0x1: {  	s3 =	sld [smem:$0x3FFE];
	_ =	sdelay $0x1  }
0x2: {  	s1 =	srdreg.scid  }
0x3: {  	s0 =	sand.u32 $0x1, s1  }
0x4: {  	s18 =	sshll.u32 s0, $0xA;
	s2 =	sadd.s32 s3, s2  }
0x5: {  	s2 =	sadd.s32 s2, s18  }
0x6: {  	[smem:$0x3FC5] =	sst s2  }
0x7: {  	_ = 	snop  }
0x8: {  	s2 =	sld [smem:$0x3FD0];
	(tm) =	ssettm $0x1  }
0x9: {  	s19 =	sld [smem:$0x3FFB];
	_ =	sdelay $0x3  }
0xa: {  	_ =	strace s19  }
0xb: {  	s3 =	sld [smem:$0x3FFC];
	_ =	sdelay $0x3  }
0xc: {  	_ =	strace s3  }
0xd: {  	s3 =	sld [smem:$0x3FFD];
	_ =	sdelay $0x3  }
0xe: {  	_ =	strace s3  }
0xf: {  	_ =	strace $0x8FFFFFFF  }
0x10: {  	s20 =	sld [smem:$0x3FDB];
	_ =	sdelay $0x1  }
0x11: {  	s4 =	simm.s32 $_scs_section_size  }
0x12: {  	s5 =	simm.s32 $_size__tile_overlayer_lowered;
	s6 =	simm.s32 $_tile_overlayer_lowered  }
0x13: {  	s23 =	simm.s32 $0x1BFF;
	s22 =	sshll.u32 s6, $0x1;
	s3 =	sadd.s32 s4, s20  }
0x14: {  	s7 =	simm.s32 $0x0;
	s21 =	sshll.u32 s5, $0x1;
	s5 =	sadd.s32 s22, s3  }
0x15: {  	[timem:s7], [sflag:s23] =	dma.local [hbm:s5], s21  }
0x16: {  	_ =	swait.ge [sflag:s23], s21  }
0x17: {  	s4 =	ssub.s32 $0x0, s21;
	[sflag:s23] =	ssyncset.done $0x0  }
0x18: {  	[sflag:s23] =	ssyncadd.s32 s4;
	_ =	sdelay $0x1  }
0x19: {  	s24 =	simm.s32 $0x1B8B  }
0x1a: {  	_ =	swait.ge [sflag:s24], $0x1  }
0x1b: {  	[sflag:s24] =	ssyncset.done $0x0  }
0x1c: {  	s26 =	simm.s32 $0x1B8E;
	s25 =	sld [smem:$0x3FFE];
	[sflag:s24] =	ssyncadd.s32 $0xFFFFFFFF  }
0x1d: {  	s27 =	simm.s32 $execute0_lowered;
	[smem:$0x3FD2] =	sst s26  }
0x1e: {  	s5 =	sshll.u32 s27, $0x1;
	_ =	strace $0x80000049;
	[dreg:$0x1] =	wrdreg $0xFFFFFFFF  }
0x1f: {  	s28 =	simm.s32 $_size_execute0_lowered;
	s3 =	sadd.s32 s3, s5;
	[dreg:$0x0] =	wrdreg $0x0  }
0x20: {  	s5 =	sshll.u32 s28, $0x1;
	[dreg:$0x2] =	wrdreg s3  }
0x21: {  	[dreg:$0x3] =	wrdreg s5  }
0x22: {  	[dreg:$0x4] =	wrdreg $0xC0  }
0x23: {  	_ =	task [dreg:s7], $0x5FFFF  }
0x24: {  	[dreg:$0x1] =	wrdreg $0xFFFFFFFF  }
0x25: {  	[dreg:$0x0] =	wrdreg $0x60  }
0x26: {  	[dreg:$0x2] =	wrdreg s25  }
0x27: {  	[dreg:$0x3] =	wrdreg s2  }
0x28: {  	[dreg:$0x4] =	wrdreg $0x9  }
0x29: {  	_ =	task.clear_ibuf [dreg:s7], $0x5FFFF;
	_ =	strace $0x90000049  }
0x2a: {  	s29 =	simm.s32 $0x9;
	_ =	strace $0x8000004B  }
0x2b: {  	_ =	swait.ge [sflag:s29], $0x1  }
0x2c: {  	[sflag:s29] =	ssyncadd.s32 $0xFFFFFFFF  }
0x2d: {  	_ =	strace $0x9000004B  }
0x2e: {  	_ =	sfence  }
0x2f: {  	s30 =	sld [smem:$0x0];
	_ =	sdelay $0x2  }
0x30: {  	s31 =	sshll.u32 s1, $0xD;
	s1 =	sshrl.u32 s1, $0x2  }
0x31: {  	s3 =	sand.u32 $0x4000, s31;
	s1 =	sadd.s32 s1, s30  }
0x32: {  	s0 =	sor.u32 s3, s0;
	s1 =	sshll.u32 s1, $0x11  }
0x33: {  	s0 =	sor.u32 s1, s0  }
0x34: {  	s0 =	sadd.s32 $0x8F2B, s0  }
0x35: {  	[sflag:s0] =	ssyncadd.remote.s32 $0x1  }
0x36: {  	_ =	sfence.sel $0xFFFF  }
0x37: {  	[dreg:$0x0] =	wrdreg $0xFFFFFFFF;
	(pc) =	sbr.abs _section_cstart, $3  }
0x38: {  	[dreg:$0x1] =	wrdreg $0xFFFFFFFF  }
0x39: {  	_ =	task.clear_ibuf [dreg:s7], $0x2FFFF;
	_ =	strace $0x9FFFFFFF  }
0x3a: {  	(tm) =	ssettm $0x7FFFFFFF  }
0x3b: {  	_ =	shalt  }
tec
execute0_lowered:
.L_overlay_start_1:
0x0: {  	(tag) =	ssettag $0x1  }
0x1: {  	s0 =	stileid.u32;
	s6 =	rddreg [dreg:$0x0]  }
0x2: {  	s2 =	rddreg [dreg:$0x1];
	s5 =	srdreg.scid  }
0x3: {  	s31 =	simm.s32 $0x2;
	s13 =	simm.s32 $0x0;
	s1 =	sshll.u32 s0, $0x7  }
0x4: {  	s14 =	simm.s32 $0x0;
	s12 =	simm.s32 $0x0;
	s3 =	sand.u32 $0x380, s1  }
0x5: {  	s5 =	sshll.u32 s5, $0x4;
	s6 =	sadd.s32 $0xC00, s6;
	s4 =	ssub.s32 $0x400, s3  }
0x6: {  	s1 =	rddreg [dreg:$0x2];
	_ =	strace $0x8000004A;
	s7 =	sand.u32 $0x380, s4  }
0x7: {  	s5 =	sand.u32 $0x10, s5;
	p0 =	sne.s32 s7, $0x0;
	s7 =	simm.s32 $0x1  }
.Ltmp0:
0x8: {  	s8 =	sshrl.u32 s4, $0xA;
	s7 =	simm.s32 @!p0 $0x0;
	(pc) =	sbr.rel .LBB1_1-.Ltmp0, $4  }
0x9: {  	s9 =	sor.u32 s0, s5;
	s4 =	simm.s32 $0x1;
	s30 =	sadd.s32 s7, s8  }
0xa: {  	s11 =	smov.u32 s3;
	[sflag:s4] =	ssyncpa.u1 $0x0;
	s5 =	smul.u32 $0x32, s30  }
0xb: {  	[sflag:s31] =	ssyncpa.u1 $0x0;
	p0 =	por $0x0, $0x0;
	s7 =	sshrl.u32 s9, $0x3  }
0xc: {  	s9 =	simm.s32 $0x2000;
	s10 =	smov.u32 s7;
	s8 =	sor.u32 $0x1, s5  }
.LBB1_4:
0xd: {  	s17 =	sand.u32 $0x1F80, s14;
	s13 =	sshll.u32 s13, $0xD  }
0xe: {  	[tilespmem:s16+$0x810 ss:$0x81] =	vst.msk $0xffff, v2;
	s18 =	sshrl.u32 s14, $0x3;
	s31 =	sand.u32 $0x7, s14;
	s17 =	sadd.s32 s2, s17  }
0xf: {  	[tilespmem:s16+$0x1020 ss:$0x81] =	vst.msk $0xffff, v0;
	s18 =	sand.u32 $0xF, s18;
	s14 =	sshll.u32 s31, $0x12;
	s13 =	sadd.s32 s13, s17  }
0x10: {  	[tilespmem:s16+$0x0 ss:$0x81] =	vst.msk $0xffff, v1;
	s14 =	sor.u32 $0x400, s14;
	s13 =	sadd.s32 s18, s13  }
0x11: {  	[hbm4b:s13+s14] =	stream.strided.scatter [tilespmem:s15], [sflag:$0x2], $0x2000, s9, s14, $0x20;
	[tilespmem:$0x8080] =	vst v63  }
.LBB1_5:
0x12: {  	s15 =	sadd.s32 $0x4, s10  }
0x13: {  	s13 =	sadd.s32 $0x400, s11;
	s17 =	smov.u32 s11;
	p2 =	sgt.s32 s15, $0xC7  }
0x14: {  	s17 =	smov.u32 @p2 s13  }
0x15: {  	s15 =	smov.u32 @p2 s7;
	p2 =	sgt.s32 s17, $0x3FF  }
0x16: {  	s17 =	smov.u32 @p2 s3;
	p2 =	sne.s32 s12, s8  }
.Ltmp1:
0x17: {  	p1 =	slt.u32 s12, $0x2;
	(pc) =	sbr.rel @!p2 .LBB1_6-.Ltmp1, $4  }
0x18: {  	s16 =	simm.s32 @!p1 $0x2  }
0x19: {  	s14 =	smov.u32 s11;
	p0 =	por !p0, !p0;
	_ =	swait.ge @!p1 [sflag:s16], $0x2000  }
0x1a: {  	s13 =	smov.u32 s10;
	[sflag:s16] =	ssyncset.done @!p1 $0x0;
	s10 =	smov.u32 s15  }
0x1b: {  	s12 =	sadd.s32 $0x1, s12;
	[sflag:s16] =	ssyncadd.s32 @!p1 $0xFFFFE000;
	s11 =	smov.u32 s17  }
.LBB1_1:
0x1c: {  	p1 =	sge.u32 s12, s5  }
0x1d: {  	s15 =	sand.u32 @!p1 $0x1FFFFFF, s10  }
0x1e: {  	s16 =	smulhi.u32 @!p1 $0x147AE15, s15;
	_ =	sdelay $0x1  }
0x1f: {  	s16 =	smul.u32 @!p1 $0xC8, s16  }
0x20: {  	s17 =	sxor.u32 @!p1 $0xFFFFFFFF, s12;
	s18 =	smul.u32 @!p1 $0xC80, s11  }
0x21: {  	s31 =	sadd.s32 $0xFFFFFFFF, s12;
	s17 =	sshll.u32 @!p1 s17, $0xD;
	s15 =	ssub.s32 @!p1 s15, s16  }
0x22: {  	s16 =	sand.u32 @!p1 $0x2000, s17;
	s17 =	sadd.s32 @!p1 s6, s18;
	s15 =	sshll.u32 @!p1 s15, $0x4  }
0x23: {  	s18 =	simm.s32 @!p1 $0x6400;
	s15 =	sadd.s32 @!p1 s15, s17;
	s17 =	simm.s32 @!p1 $0x40  }
0x24: {  	[tilespmem:s16], [sflag:$0x1] =	stream.strided.gather @!p1 [hbm4b:s15+s17], $0x2000, s18, s17, $0x38;
	[tilespmem:$0x8080] =	vst v63  }
0x25: {  	p1 =	sge.u32 s31, s5  }
.Ltmp2:
0x26: {  	_ = 	snop;
	(pc) =	sbr.rel @p1 .LBB1_5-.Ltmp2, $1  }
0x27: {  	_ =	sdelay $0x3  }
0x28: {  	s15 =	simm.s32 $0x1  }
0x29: {  	_ =	swait.ge [sflag:s4], $0x2000;
	s15 =	simm.s32 @!p0 $0x0  }
0x2a: {  	[sflag:s4] =	ssyncset.done $0x0;
	s16 =	sshll.u32 s15, $0xD  }
0x2b: {  	[sflag:s4] =	ssyncadd.s32 $0xFFFFE000;
	s19 =	sor.u32 $0x20, s16  }
0x2c: {  	s15 =	smul.u32 $0x8100, s15;
	v3 =	vld [tilespmem:s19+$0x10]  }
0x2d: {  	s30 =	sand.u32 $0x1, s12;
	v2 =	vld [tilespmem:s19+$0xFFFFFFF0]  }
0x2e: {  	s16 =	smul.u32 $0x8100, s30;
	s15 =	sshrl.u32 s15, $0x2;
	v0 =	vld [tilespmem:s19+$0x0]  }
0x2f: {  	v1 =	vld [tilespmem:s19+$0xFFFFFFE0];
	s17 =	sor.u32 $0x4000, s15  }
0x30: {  	s31 =	sshrl.u32 s16, $0x2;
	s16 =	sadd.s32 $0x0, s17  }
0x31: {  	s18 =	simm.s32 $0x4;
	s19 =	sadd.s32 $0x40, s19;
	s15 =	sor.u32 $0x4000, s31;
	[tilespmem:s16+$0x1830 ss:$0x81] =	vst.msk $0xffff, v3  }
.LBB1_3:
0x32: {  	v3 =	vld [tilespmem:s19+$0x10];
	p1 =	sne.s32 s18, $0x1FC;
	[tilespmem:s16+$0x810 ss:$0x81] =	vst.msk $0xffff, v2;
	s20 =	smov.u32 s18;
	s18 =	sadd.s32 $0x4, s18  }
.Ltmp3:
0x33: {  	v2 =	vld [tilespmem:s19+$0xFFFFFFF0];
	[tilespmem:s16+$0x1020 ss:$0x81] =	vst.msk $0xffff, v0;
	(pc) =	sbr.rel @p1 .LBB1_3-.Ltmp3, $4  }
0x34: {  	v0 =	vld [tilespmem:s19+$0x0];
	[tilespmem:s16+$0x0 ss:$0x81] =	vst.msk $0xffff, v1  }
0x35: {  	s16 =	sshra.s32 s20, $0x2;
	v1 =	vld [tilespmem:s19+$0xFFFFFFE0]  }
0x36: {  	s16 =	sadd.s32 s16, s17  }
0x37: {  	s19 =	sadd.s32 $0x40, s19;
	[tilespmem:s16+$0x1830 ss:$0x81] =	vst.msk $0xffff, v3  }
.Ltmp4:
0x38: {  	_ = 	snop;
	(pc) =	sbr.rel .LBB1_4-.Ltmp4, $1  }
0x39: {  	_ =	sdelay $0x3  }
.LBB1_6:
0x3a: {  	_ =	sfence.sel $0x180000  }
0x3b: {  	s2 =	simm.s32 $0x1;
	[bflag:$0x0] =	sbarrier.arrive $0xFFFF  }
0x3c: {  	s31 =	simm.s32 $0x2;
	[sflag:s2] =	ssyncpa.u1 $0x1  }
0x3d: {  	[sflag:s31] =	ssyncpa.u1 $0x1  }
0x3e: {  	p0 =	sne.s32 s0, $0x0;
	_ =	strace $0x9000004A  }
0x3f: {  	s0 =	sadd.s32 @!p0 $0x100000, s1;
	[bflag:$0x2] =	sbarrier.arrive $0xFFFF  }
0x40: {  	[sflag:s0] =	ssyncadd.tile.s32 @!p0 $0x1;
	_ =	shalt  }
.Lfunc_end1:
_tile_overlayer_lowered:
.L_overlay_start_2:
0x41: {  	(tag) =	ssettag $0x2  }
0x42: {  	s0 =	rddreg [dreg:$0x0];
	s2 =	stileid.u32  }
0x43: {  	s1 =	rddreg [dreg:$0x1];
	p0 =	sne.s32 s2, $0x0  }
0x44: {  	s3 =	rddreg [dreg:$0x2];
	[bflag:$0x3] =	sbarrier.arrive $0xFFFF;
	s2 =	simm.s32 @!p0 $0x1C01  }
0x45: {  	[timem:s3], [sflag:s2] =	dma.local @!p0 [hbm:s0], s1  }
0x46: {  	s0 =	simm.s32 @!p0 $0x1  }
0x47: {  	_ =	swait.ge @!p0 [sflag:s0], s1  }
0x48: {  	s1 =	ssub.s32 @!p0 $0x0, s1;
	[sflag:s0] =	ssyncset.done @!p0 $0x0  }
0x49: {  	[sflag:s0] =	ssyncadd.s32 @!p0 s1  }
0x4a: {  	[bflag:$0x3] =	sbarrier.arrive $0xFFFF  }
0x4b: {  	_ =	shalt  }

</sc_bundles>
